<compile_context>
chip_gen: v7x
topology: tpu7x:2x2x1
jax: 0.10.2.dev20260603
libtpu: 0.0.44.dev20260713+nightly
codegen_flags: <defaults>
</compile_context>

<pallas_src>
import functools

import jax
import jax.numpy as jnp
from jax import lax
from jax.experimental import pallas as pl
from jax.experimental.pallas import tpu as pltpu
from jax.experimental.pallas import tpu_sc as plsc

N_NODES = 10000
N_EDGES = 320000
D_EDGE = 16
D_FEAT = 128
D_GLOBAL = 128

NUM_CORES = 2
NUM_SUBCORES = 16
NW = NUM_CORES * NUM_SUBCORES
G = 128
NGROUPS = N_EDGES // G
GPW = NGROUPS // NW
EXTRA = NGROUPS - GPW * NW
KG = 13
MEGA = GPW // KG
CHUNK = KG * G
EPW = GPW * G
STRIPE = 624
TAIL = N_NODES - NUM_SUBCORES * STRIPE


def _sc_segment_sum(dst, ea3):
  mesh = plsc.VectorSubcoreMesh(core_axis_name="c", subcore_axis_name="s")

  @functools.partial(
      pl.kernel,
      out_type=(
          jax.ShapeDtypeStruct((NUM_CORES, N_NODES, D_EDGE), jnp.float32),
          jax.ShapeDtypeStruct((NUM_CORES, N_NODES, D_EDGE), jnp.float32),
      ),
      mesh=mesh,
      compiler_params=pltpu.CompilerParams(use_tc_tiling_on_sc=False, needs_layout_passes=False),
      scratch_types=[
          pltpu.VMEM((EPW + EXTRA * G,), jnp.int32),
          pltpu.VMEM((KG, D_EDGE, G + 1), jnp.float32),
          pltpu.VMEM((KG, D_EDGE, G + 1), jnp.float32),
          pltpu.VMEM((CHUNK, D_EDGE), jnp.float32),
          pltpu.VMEM((G, D_EDGE), jnp.float32),
          pltpu.VMEM_SHARED((N_NODES, D_EDGE), jnp.float32),
          pltpu.VMEM_SHARED((N_NODES, D_EDGE), jnp.float32),
          pltpu.SemaphoreType.DMA,
          pltpu.SemaphoreType.DMA,
          pltpu.SemaphoreType.DMA,
      ],
  )
  def k(dst_hbm, ea_hbm, sums_hbm, counts_hbm, idx_v, fb_a, fb_b, rows_v,
        ones_v, sum_s, cnt_s, sem_i, sem_a, sem_b):
    c = lax.axis_index("c")
    s = lax.axis_index("s")
    w = c * NUM_SUBCORES + s
    g0 = w * GPW

    idx_dma = pltpu.async_copy(dst_hbm.at[1, pl.ds(w * EPW, EPW)],
                               idx_v.at[pl.ds(0, EPW)], sem_i)

    @pl.when(w < EXTRA)
    def _():
      pltpu.async_copy(dst_hbm.at[1, pl.ds(NW * EPW + w * G, G)],
                       idx_v.at[pl.ds(EPW, G)], sem_i)

    @pl.loop(0, STRIPE)
    def _(i):
      rows_v[i, :] = jnp.zeros((16,), jnp.float32)

    @pl.loop(0, G)
    def _(i):
      ones_v[i, :] = jnp.ones((16,), jnp.float32)

    base_row = s * STRIPE
    pltpu.sync_copy(rows_v.at[pl.ds(0, STRIPE)],
                    sum_s.at[pl.ds(base_row, STRIPE)])
    pltpu.sync_copy(rows_v.at[pl.ds(0, STRIPE)],
                    cnt_s.at[pl.ds(base_row, STRIPE)])

    @pl.when(s == 0)
    def _():
      pltpu.sync_copy(rows_v.at[pl.ds(0, TAIL)],
                      sum_s.at[pl.ds(NUM_SUBCORES * STRIPE, TAIL)])
      pltpu.sync_copy(rows_v.at[pl.ds(0, TAIL)],
                      cnt_s.at[pl.ds(NUM_SUBCORES * STRIPE, TAIL)])

    idx_dma.wait()

    @pl.when(w < EXTRA)
    def _():
      pltpu.make_async_copy(dst_hbm.at[1, pl.ds(NW * EPW + w * G, G)],
                            idx_v.at[pl.ds(EPW, G)], sem_i).wait()

    plsc.subcore_barrier()

    iota16 = lax.iota(jnp.int32, 16)

    def transpose_and_scatter(fbuf, ngroups, idx_base):

      zeros16 = iota16 * 0

      @pl.loop(0, ngroups)
      def _(g):
        g_vec = zeros16 + g

        @plsc.parallel_loop(0, G // 16, unroll=4)
        def _(l16):
          l_vec = zeros16 + l16 * 16
          e_base = g * G + l16 * 16
          for dl in range(16):
            vals = plsc.load_gather(fbuf, [g_vec, iota16, l_vec + dl])
            rows_v[e_base + dl, :] = vals

        idx = idx_v.at[pl.ds(idx_base + g * G, G)]
        pltpu.sync_copy(rows_v.at[pl.ds(g * G, G)], sum_s.at[idx], add=True)
        pltpu.sync_copy(ones_v, cnt_s.at[idx], add=True)

    bufs = (fb_a, fb_b)
    sems = (sem_a, sem_b)
    chunk_dmas = [None] * (MEGA + 1)

    def start(m):
      if m < MEGA:
        src = ea_hbm.at[pl.ds(g0 + m * KG, KG)]
        dst_buf = bufs[m % 2].at[:, :, pl.ds(0, G)]
      else:
        src = ea_hbm.at[pl.ds(NW * GPW + w, 1)]
        dst_buf = bufs[m % 2].at[pl.ds(0, 1), :, pl.ds(0, G)]
      chunk_dmas[m] = pltpu.async_copy(src, dst_buf, sems[m % 2])

    start(0)
    for m in range(MEGA):
      if m + 1 < MEGA:
        start(m + 1)
      elif EXTRA:
        @pl.when(w < EXTRA)
        def _(m=m):
          start(m + 1)
      chunk_dmas[m].wait()
      transpose_and_scatter(bufs[m % 2], KG, m * CHUNK)

    if EXTRA:
      @pl.when(w < EXTRA)
      def _():
        pltpu.make_async_copy(ea_hbm.at[pl.ds(NW * GPW + w, 1)],
                              bufs[MEGA % 2].at[pl.ds(0, 1), :, pl.ds(0, G)],
                              sems[MEGA % 2]).wait()
        transpose_and_scatter(bufs[MEGA % 2], 1, EPW)

    plsc.subcore_barrier()

    pltpu.sync_copy(sum_s.at[pl.ds(base_row, STRIPE)],
                    sums_hbm.at[c, pl.ds(base_row, STRIPE)])
    pltpu.sync_copy(cnt_s.at[pl.ds(base_row, STRIPE)],
                    counts_hbm.at[c, pl.ds(base_row, STRIPE)])

    @pl.when(s == 0)
    def _():
      pltpu.sync_copy(sum_s.at[pl.ds(NUM_SUBCORES * STRIPE, TAIL)],
                      sums_hbm.at[c, pl.ds(NUM_SUBCORES * STRIPE, TAIL)])
      pltpu.sync_copy(cnt_s.at[pl.ds(NUM_SUBCORES * STRIPE, TAIL)],
                      counts_hbm.at[c, pl.ds(NUM_SUBCORES * STRIPE, TAIL)])

  return k(dst, ea3)


def _tc_finish_body(x_ref, u_ref, s_ref, c_ref, o_ref):
  total = s_ref[0] + s_ref[1]
  cnt = c_ref[0] + c_ref[1]
  agg_t = (total / jnp.maximum(cnt, 1.0)).T
  x_t = x_ref[...].T
  u_b = jnp.broadcast_to(u_ref[...], (D_GLOBAL, N_NODES))
  o_ref[...] = jnp.concatenate([agg_t, x_t, u_b], axis=0)


def _tc_finish(x, u2d, sums, counts):
  out_t = pl.pallas_call(
      _tc_finish_body,
      out_shape=jax.ShapeDtypeStruct(
          (D_EDGE + D_FEAT + D_GLOBAL, N_NODES), jnp.float32),
  )(x, u2d, sums, counts)
  return out_t.T


@jax.jit
def kernel(x, edge_attr, u, edge_index):
  dst = edge_index.astype(jnp.int32)
  ea3 = edge_attr.T.reshape(D_EDGE, NGROUPS, G).transpose(1, 0, 2)
  sums, counts = _sc_segment_sum(dst, ea3)
  return _tc_finish(x, u.reshape(D_GLOBAL, 1), sums, counts)

# --- scband reference (transcript-rebuilt; emitter-appended) ---
"""Pipeline reference for scband-node-block-3255585211008 (READ-ONLY COPY).

The authoritative reference and input builder live on the scoring server;
editing this copy changes nothing except your own understanding.
"""

import jax, jax.numpy as jnp
import numpy as np

N_NODES = 10000
N_EDGES = 320000
D_FEAT = 128
D_EDGE = 16
D_GLOBAL = 128


def setup_inputs(seed: int = 0) -> dict:
    key = jax.random.key(seed)
    k1, k2, k3, k4 = jax.random.split(key, 4)
    x = jax.random.normal(k1, (N_NODES, D_FEAT), dtype=jnp.float32)
    edge_attr = jax.random.normal(k2, (N_EDGES, D_EDGE), dtype=jnp.float32)
    u = jax.random.normal(k3, (D_GLOBAL,), dtype=jnp.float32)
    edge_index = jax.random.randint(k4, (2, N_EDGES), 0, N_NODES, dtype=jnp.int64)
    return {"x": x, "edge_attr": edge_attr, "u": u, "edge_index": edge_index}


def reference(x, edge_attr, u, edge_index):
    # NodeBlock with independent=False, updater=None, MeanAggregator default.
    # For every node: mean over incoming-edge data, concat [agg, node_data, global].
    n_nodes = x.shape[0]
    dst = edge_index[1]
    # scatter-add of edge features into destination nodes (incoming edges)
    seg_sum = jax.ops.segment_sum(edge_attr, dst, num_segments=n_nodes)
    counts = jax.ops.segment_sum(
        jnp.ones((edge_attr.shape[0], 1), dtype=edge_attr.dtype), dst,
        num_segments=n_nodes)
    aggregated = seg_sum / jnp.maximum(counts, 1.0)  # mean aggregation
    u_b = jnp.broadcast_to(u[None, :], (n_nodes, u.shape[0]))
    # updater is None -> output is the concatenated features per node
    out = jnp.concatenate([aggregated, x, u_b], axis=1)
    return out

if __name__ == "__main__":
    import jax
    _d = setup_inputs()
    print(jax.jit(kernel)(*tuple(_d.values())))

</pallas_src>

<mosaic_0001>
#map = affine_map<(d0, d1) -> (0, 0)>
#map1 = affine_map<(d0, d1) -> (0, 0, 0)>
module attributes {stable_mosaic.version = 14 : i64} {
  func.func @k(%arg0: i32, %arg1: i32, %arg2: memref<2x320000xi32, #tpu.memory_space<hbm>>, %arg3: memref<2500x16x128xf32, #tpu.memory_space<hbm>>, %arg4: memref<2x10000x16xf32, #tpu.memory_space<hbm>>, %arg5: memref<2x10000x16xf32, #tpu.memory_space<hbm>>, %arg6: memref<10496xi32, #tpu.memory_space<vmem>>, %arg7: memref<13x16x129xf32, #tpu.memory_space<vmem>>, %arg8: memref<13x16x129xf32, #tpu.memory_space<vmem>>, %arg9: memref<1664x16xf32, #tpu.memory_space<vmem>>, %arg10: memref<128x16xf32, #tpu.memory_space<vmem>>, %arg11: memref<10000x16xf32, #tpu.memory_space<vmem_shared>>, %arg12: memref<10000x16xf32, #tpu.memory_space<vmem_shared>>, %arg13: memref<!tpu.dma_semaphore, #tpu.memory_space<semaphore_mem>>, %arg14: memref<!tpu.dma_semaphore, #tpu.memory_space<semaphore_mem>>, %arg15: memref<!tpu.dma_semaphore, #tpu.memory_space<semaphore_mem>>) attributes {dimension_semantics = [#tpu.dimension_semantics<core_parallel>, #tpu.dimension_semantics<subcore_parallel>], iteration_bounds = array<i64: 2, 16>, scalar_prefetch = 0 : i64, scratch_operands = 10 : i64, tpu.core_type = #tpu.core_type<sc_vector_subcore>, window_params = [{transform_indices = #map}, {transform_indices = #map1}, {transform_indices = #map1}, {transform_indices = #map1}]} {
    %mul3A = arith.constant 16 : i32
    %mul3A_0 = arith.muli %arg0, %mul3A : i32
    %add3A = arith.addi %mul3A_0, %arg1 : i32
    %mul3A_1 = arith.constant 78 : i32
    %mul3A_2 = arith.muli %add3A, %mul3A_1 : i32
    %mul3A_3 = arith.constant 9984 : i32
    %mul3A_4 = arith.muli %add3A, %mul3A_3 : i32
    %dma_start3A = arith.constant 1 : i32
    %dma_start3A_5 = arith.constant 0 : i32
    %dma_start3A_6 = tpu.memref_slice %arg6[%dma_start3A_5] : memref<10496xi32, #tpu.memory_space<vmem>> -> memref<9984xi32, #tpu.memory_space<vmem>>
    %dma_start3A_7 = tpu.memref_slice %arg2[%dma_start3A, %mul3A_4] : memref<2x320000xi32, #tpu.memory_space<hbm>> -> memref<1x9984xi32, #tpu.memory_space<hbm>>
    %dma_start3A_8 = tpu.memref_squeeze %dma_start3A_7 : memref<1x9984xi32, #tpu.memory_space<hbm>> -> memref<9984xi32, #tpu.memory_space<hbm>>
    %dma_start3A_9 = arith.constant 0 : i32
    %dma_start3A_10 = tpu.memref_slice %arg6[%dma_start3A_9] : memref<10496xi32, #tpu.memory_space<vmem>> -> memref<9984xi32, #tpu.memory_space<vmem>>
    %dma_start3A_11 = tpu.memref_slice %arg2[%dma_start3A, %mul3A_4] : memref<2x320000xi32, #tpu.memory_space<hbm>> -> memref<1x9984xi32, #tpu.memory_space<hbm>>
    %dma_start3A_12 = tpu.memref_squeeze %dma_start3A_11 : memref<1x9984xi32, #tpu.memory_space<hbm>> -> memref<9984xi32, #tpu.memory_space<hbm>>
    tpu.enqueue_dma source(%dma_start3A_12 : memref<9984xi32, #tpu.memory_space<hbm>>) target(%dma_start3A_10 : memref<9984xi32, #tpu.memory_space<vmem>>) target_semaphore(%arg13 : memref<!tpu.dma_semaphore, #tpu.memory_space<semaphore_mem>>)
    %lt3A = arith.constant 4 : i32
    %lt3A_13 = arith.cmpi slt, %add3A, %lt3A : i32
    %convert_element_type3A = arith.extui %lt3A_13 : i1 to i32
    %cond3A = arith.constant 0 : i32
    %cond3A_14 = arith.cmpi ne, %convert_element_type3A, %cond3A : i32
    scf.if %cond3A_14 {
      %mul3A_287 = arith.constant 128 : i32
      %mul3A_288 = arith.muli %add3A, %mul3A_287 : i32
      %add3A_289 = arith.constant 319488 : i32
      %add3A_290 = arith.addi %add3A_289, %mul3A_288 : i32
      %dma_start3A_291 = arith.constant 1 : i32
      %dma_start3A_292 = arith.constant 9984 : i32
      %dma_start3A_293 = tpu.memref_slice %arg6[%dma_start3A_292] : memref<10496xi32, #tpu.memory_space<vmem>> -> memref<128xi32, #tpu.memory_space<vmem>>
      %dma_start3A_294 = tpu.memref_slice %arg2[%dma_start3A_291, %add3A_290] : memref<2x320000xi32, #tpu.memory_space<hbm>> -> memref<1x128xi32, #tpu.memory_space<hbm>>
      %dma_start3A_295 = tpu.memref_squeeze %dma_start3A_294 : memref<1x128xi32, #tpu.memory_space<hbm>> -> memref<128xi32, #tpu.memory_space<hbm>>
      %dma_start3A_296 = arith.constant 9984 : i32
      %dma_start3A_297 = tpu.memref_slice %arg6[%dma_start3A_296] : memref<10496xi32, #tpu.memory_space<vmem>> -> memref<128xi32, #tpu.memory_space<vmem>>
      %dma_start3A_298 = tpu.memref_slice %arg2[%dma_start3A_291, %add3A_290] : memref<2x320000xi32, #tpu.memory_space<hbm>> -> memref<1x128xi32, #tpu.memory_space<hbm>>
      %dma_start3A_299 = tpu.memref_squeeze %dma_start3A_298 : memref<1x128xi32, #tpu.memory_space<hbm>> -> memref<128xi32, #tpu.memory_space<hbm>>
      tpu.enqueue_dma source(%dma_start3A_299 : memref<128xi32, #tpu.memory_space<hbm>>) target(%dma_start3A_297 : memref<128xi32, #tpu.memory_space<vmem>>) target_semaphore(%arg13 : memref<!tpu.dma_semaphore, #tpu.memory_space<semaphore_mem>>)
    } else {
    }
    %scan3A = arith.constant 0 : i32
    %scan3A_15 = arith.constant 624 : i32
    %scan3A_16 = arith.addi %scan3A, %scan3A_15 : i32
    %scan3A_17 = arith.constant 1 : i32
    scf.for %scan3A_287 = %scan3A to %scan3A_16 step %scan3A_17  : i32 {
      %mul3A_288 = arith.constant 1 : i32
      %mul3A_289 = arith.muli %scan3A_287, %mul3A_288 : i32
      %add3A_290 = arith.constant 0 : i32
      %add3A_291 = arith.addi %add3A_290, %mul3A_289 : i32
      %broadcast_in_dim3A = arith.constant 0.000000e+00 : f32
      %broadcast_in_dim3A_292 = vector.broadcast %broadcast_in_dim3A : f32 to vector<16xf32>
      %swap3A = arith.index_cast %add3A_291 : i32 to index
      %swap3A_293 = arith.constant 0 : index
      %swap3A_294 = tpu.vector_load %arg9[%swap3A, %swap3A_293] {strides = array<i32>} : memref<1664x16xf32, #tpu.memory_space<vmem>>, vector<16xf32>,
      tpu.vector_store %arg9[%swap3A, %swap3A_293], %broadcast_in_dim3A_292 {strides = array<i32>} : memref<1664x16xf32, #tpu.memory_space<vmem>>, vector<16xf32>,
    }
    %scan3A_18 = arith.constant 624 : i32
    %scan3A_19 = arith.constant 0 : i32
    %scan3A_20 = arith.constant 128 : i32
    %scan3A_21 = arith.addi %scan3A_19, %scan3A_20 : i32
    %scan3A_22 = arith.constant 1 : i32
    scf.for %scan3A_287 = %scan3A_19 to %scan3A_21 step %scan3A_22  : i32 {
      %mul3A_288 = arith.constant 1 : i32
      %mul3A_289 = arith.muli %scan3A_287, %mul3A_288 : i32
      %add3A_290 = arith.constant 0 : i32
      %add3A_291 = arith.addi %add3A_290, %mul3A_289 : i32
      %broadcast_in_dim3A = arith.constant 1.000000e+00 : f32
      %broadcast_in_dim3A_292 = vector.broadcast %broadcast_in_dim3A : f32 to vector<16xf32>
      %swap3A = arith.index_cast %add3A_291 : i32 to index
      %swap3A_293 = arith.constant 0 : index
      %swap3A_294 = tpu.vector_load %arg10[%swap3A, %swap3A_293] {strides = array<i32>} : memref<128x16xf32, #tpu.memory_space<vmem>>, vector<16xf32>,
      tpu.vector_store %arg10[%swap3A, %swap3A_293], %broadcast_in_dim3A_292 {strides = array<i32>} : memref<128x16xf32, #tpu.memory_space<vmem>>, vector<16xf32>,
    }
    %scan3A_23 = arith.constant 128 : i32
    %mul3A_24 = arith.constant 624 : i32
    %mul3A_25 = arith.muli %arg1, %mul3A_24 : i32
    "tpu.region"() ({
      %run_scoped3A = tpu.sem_alloc : memref<!tpu.dma_semaphore, #tpu.memory_space<semaphore_mem>>
      %dma_start3A_287 = arith.constant 0 : i32
      %dma_start3A_288 = arith.constant 0 : i32
      %dma_start3A_289 = tpu.memref_slice %arg9[%dma_start3A_287, %dma_start3A_288] : memref<1664x16xf32, #tpu.memory_space<vmem>> -> memref<624x16xf32, #tpu.memory_space<vmem>>
      %dma_start3A_290 = arith.constant 0 : i32
      %dma_start3A_291 = tpu.memref_slice %arg11[%mul3A_25, %dma_start3A_290] : memref<10000x16xf32, #tpu.memory_space<vmem_shared>> -> memref<624x16xf32, #tpu.memory_space<vmem_shared>>
      %dma_start3A_292 = arith.constant 0 : i32
      %dma_start3A_293 = tpu.memref_slice %arg11[%mul3A_25, %dma_start3A_292] : memref<10000x16xf32, #tpu.memory_space<vmem_shared>> -> memref<624x16xf32, #tpu.memory_space<vmem_shared>>
      %dma_start3A_294 = arith.constant 0 : i32
      %dma_start3A_295 = arith.constant 0 : i32
      %dma_start3A_296 = tpu.memref_slice %arg9[%dma_start3A_294, %dma_start3A_295] : memref<1664x16xf32, #tpu.memory_space<vmem>> -> memref<624x16xf32, #tpu.memory_space<vmem>>
      tpu.enqueue_dma source(%dma_start3A_296 : memref<624x16xf32, #tpu.memory_space<vmem>>) target(%dma_start3A_293 : memref<624x16xf32, #tpu.memory_space<vmem_shared>>) target_semaphore(%run_scoped3A : memref<!tpu.dma_semaphore, #tpu.memory_space<semaphore_mem>>)
      %dma_wait3A_297 = arith.constant 0 : i32
      %dma_wait3A_298 = arith.constant 0 : i32
      %dma_wait3A_299 = tpu.memref_slice %arg9[%dma_wait3A_297, %dma_wait3A_298] : memref<1664x16xf32, #tpu.memory_space<vmem>> -> memref<624x16xf32, #tpu.memory_space<vmem>>
      %dma_wait3A_300 = arith.constant 0 : i32
      %dma_wait3A_301 = tpu.memref_slice %arg11[%mul3A_25, %dma_wait3A_300] : memref<10000x16xf32, #tpu.memory_space<vmem_shared>> -> memref<624x16xf32, #tpu.memory_space<vmem_shared>>
      %dma_wait3A_302 = arith.constant 0 : i32
      %dma_wait3A_303 = tpu.memref_slice %arg11[%mul3A_25, %dma_wait3A_302] : memref<10000x16xf32, #tpu.memory_space<vmem_shared>> -> memref<624x16xf32, #tpu.memory_space<vmem_shared>>
      %dma_wait3A_304 = arith.constant 0 : i32
      %dma_wait3A_305 = arith.constant 0 : i32
      %dma_wait3A_306 = tpu.memref_slice %arg9[%dma_wait3A_304, %dma_wait3A_305] : memref<1664x16xf32, #tpu.memory_space<vmem>> -> memref<624x16xf32, #tpu.memory_space<vmem>>
      tpu.wait_dma2 semaphore(%run_scoped3A : memref<!tpu.dma_semaphore, #tpu.memory_space<semaphore_mem>>) src(%dma_wait3A_306 : memref<624x16xf32, #tpu.memory_space<vmem>>) dst(%dma_wait3A_303 : memref<624x16xf32, #tpu.memory_space<vmem_shared>>)
      tpu.yield
    }) : () -> ()
    "tpu.region"() ({
      %run_scoped3A = tpu.sem_alloc : memref<!tpu.dma_semaphore, #tpu.memory_space<semaphore_mem>>
      %dma_start3A_287 = arith.constant 0 : i32
      %dma_start3A_288 = arith.constant 0 : i32
      %dma_start3A_289 = tpu.memref_slice %arg9[%dma_start3A_287, %dma_start3A_288] : memref<1664x16xf32, #tpu.memory_space<vmem>> -> memref<624x16xf32, #tpu.memory_space<vmem>>
      %dma_start3A_290 = arith.constant 0 : i32
      %dma_start3A_291 = tpu.memref_slice %arg12[%mul3A_25, %dma_start3A_290] : memref<10000x16xf32, #tpu.memory_space<vmem_shared>> -> memref<624x16xf32, #tpu.memory_space<vmem_shared>>
      %dma_start3A_292 = arith.constant 0 : i32
      %dma_start3A_293 = tpu.memref_slice %arg12[%mul3A_25, %dma_start3A_292] : memref<10000x16xf32, #tpu.memory_space<vmem_shared>> -> memref<624x16xf32, #tpu.memory_space<vmem_shared>>
      %dma_start3A_294 = arith.constant 0 : i32
      %dma_start3A_295 = arith.constant 0 : i32
      %dma_start3A_296 = tpu.memref_slice %arg9[%dma_start3A_294, %dma_start3A_295] : memref<1664x16xf32, #tpu.memory_space<vmem>> -> memref<624x16xf32, #tpu.memory_space<vmem>>
      tpu.enqueue_dma source(%dma_start3A_296 : memref<624x16xf32, #tpu.memory_space<vmem>>) target(%dma_start3A_293 : memref<624x16xf32, #tpu.memory_space<vmem_shared>>) target_semaphore(%run_scoped3A : memref<!tpu.dma_semaphore, #tpu.memory_space<semaphore_mem>>)
      %dma_wait3A_297 = arith.constant 0 : i32
      %dma_wait3A_298 = arith.constant 0 : i32
      %dma_wait3A_299 = tpu.memref_slice %arg9[%dma_wait3A_297, %dma_wait3A_298] : memref<1664x16xf32, #tpu.memory_space<vmem>> -> memref<624x16xf32, #tpu.memory_space<vmem>>
      %dma_wait3A_300 = arith.constant 0 : i32
      %dma_wait3A_301 = tpu.memref_slice %arg12[%mul3A_25, %dma_wait3A_300] : memref<10000x16xf32, #tpu.memory_space<vmem_shared>> -> memref<624x16xf32, #tpu.memory_space<vmem_shared>>
      %dma_wait3A_302 = arith.constant 0 : i32
      %dma_wait3A_303 = tpu.memref_slice %arg12[%mul3A_25, %dma_wait3A_302] : memref<10000x16xf32, #tpu.memory_space<vmem_shared>> -> memref<624x16xf32, #tpu.memory_space<vmem_shared>>
      %dma_wait3A_304 = arith.constant 0 : i32
      %dma_wait3A_305 = arith.constant 0 : i32
      %dma_wait3A_306 = tpu.memref_slice %arg9[%dma_wait3A_304, %dma_wait3A_305] : memref<1664x16xf32, #tpu.memory_space<vmem>> -> memref<624x16xf32, #tpu.memory_space<vmem>>
      tpu.wait_dma2 semaphore(%run_scoped3A : memref<!tpu.dma_semaphore, #tpu.memory_space<semaphore_mem>>) src(%dma_wait3A_306 : memref<624x16xf32, #tpu.memory_space<vmem>>) dst(%dma_wait3A_303 : memref<624x16xf32, #tpu.memory_space<vmem_shared>>)
      tpu.yield
    }) : () -> ()
    %eq3A = arith.constant 0 : i32
    %eq3A_26 = arith.cmpi eq, %arg1, %eq3A : i32
    %convert_element_type3A_27 = arith.extui %eq3A_26 : i1 to i32
    %cond3A_28 = arith.constant 0 : i32
    %cond3A_29 = arith.cmpi ne, %convert_element_type3A_27, %cond3A_28 : i32
    scf.if %cond3A_29 {
      "tpu.region"() ({
        %run_scoped3A = tpu.sem_alloc : memref<!tpu.dma_semaphore, #tpu.memory_space<semaphore_mem>>
        %dma_start3A_287 = arith.constant 0 : i32
        %dma_start3A_288 = arith.constant 0 : i32
        %dma_start3A_289 = tpu.memref_slice %arg9[%dma_start3A_287, %dma_start3A_288] : memref<1664x16xf32, #tpu.memory_space<vmem>> -> memref<16x16xf32, #tpu.memory_space<vmem>>
        %dma_start3A_290 = arith.constant 9984 : i32
        %dma_start3A_291 = arith.constant 0 : i32
        %dma_start3A_292 = tpu.memref_slice %arg11[%dma_start3A_290, %dma_start3A_291] : memref<10000x16xf32, #tpu.memory_space<vmem_shared>> -> memref<16x16xf32, #tpu.memory_space<vmem_shared>>
        %dma_start3A_293 = arith.constant 9984 : i32
        %dma_start3A_294 = arith.constant 0 : i32
        %dma_start3A_295 = tpu.memref_slice %arg11[%dma_start3A_293, %dma_start3A_294] : memref<10000x16xf32, #tpu.memory_space<vmem_shared>> -> memref<16x16xf32, #tpu.memory_space<vmem_shared>>
        %dma_start3A_296 = arith.constant 0 : i32
        %dma_start3A_297 = arith.constant 0 : i32
        %dma_start3A_298 = tpu.memref_slice %arg9[%dma_start3A_296, %dma_start3A_297] : memref<1664x16xf32, #tpu.memory_space<vmem>> -> memref<16x16xf32, #tpu.memory_space<vmem>>
        tpu.enqueue_dma source(%dma_start3A_298 : memref<16x16xf32, #tpu.memory_space<vmem>>) target(%dma_start3A_295 : memref<16x16xf32, #tpu.memory_space<vmem_shared>>) target_semaphore(%run_scoped3A : memref<!tpu.dma_semaphore, #tpu.memory_space<semaphore_mem>>)
        %dma_wait3A_299 = arith.constant 0 : i32
        %dma_wait3A_300 = arith.constant 0 : i32
        %dma_wait3A_301 = tpu.memref_slice %arg9[%dma_wait3A_299, %dma_wait3A_300] : memref<1664x16xf32, #tpu.memory_space<vmem>> -> memref<16x16xf32, #tpu.memory_space<vmem>>
        %dma_wait3A_302 = arith.constant 9984 : i32
        %dma_wait3A_303 = arith.constant 0 : i32
        %dma_wait3A_304 = tpu.memref_slice %arg11[%dma_wait3A_302, %dma_wait3A_303] : memref<10000x16xf32, #tpu.memory_space<vmem_shared>> -> memref<16x16xf32, #tpu.memory_space<vmem_shared>>
        %dma_wait3A_305 = arith.constant 9984 : i32
        %dma_wait3A_306 = arith.constant 0 : i32
        %dma_wait3A_307 = tpu.memref_slice %arg11[%dma_wait3A_305, %dma_wait3A_306] : memref<10000x16xf32, #tpu.memory_space<vmem_shared>> -> memref<16x16xf32, #tpu.memory_space<vmem_shared>>
        %dma_wait3A_308 = arith.constant 0 : i32
        %dma_wait3A_309 = arith.constant 0 : i32
        %dma_wait3A_310 = tpu.memref_slice %arg9[%dma_wait3A_308, %dma_wait3A_309] : memref<1664x16xf32, #tpu.memory_space<vmem>> -> memref<16x16xf32, #tpu.memory_space<vmem>>
        tpu.wait_dma2 semaphore(%run_scoped3A : memref<!tpu.dma_semaphore, #tpu.memory_space<semaphore_mem>>) src(%dma_wait3A_310 : memref<16x16xf32, #tpu.memory_space<vmem>>) dst(%dma_wait3A_307 : memref<16x16xf32, #tpu.memory_space<vmem_shared>>)
        tpu.yield
      }) : () -> ()
      "tpu.region"() ({
        %run_scoped3A = tpu.sem_alloc : memref<!tpu.dma_semaphore, #tpu.memory_space<semaphore_mem>>
        %dma_start3A_287 = arith.constant 0 : i32
        %dma_start3A_288 = arith.constant 0 : i32
        %dma_start3A_289 = tpu.memref_slice %arg9[%dma_start3A_287, %dma_start3A_288] : memref<1664x16xf32, #tpu.memory_space<vmem>> -> memref<16x16xf32, #tpu.memory_space<vmem>>
        %dma_start3A_290 = arith.constant 9984 : i32
        %dma_start3A_291 = arith.constant 0 : i32
        %dma_start3A_292 = tpu.memref_slice %arg12[%dma_start3A_290, %dma_start3A_291] : memref<10000x16xf32, #tpu.memory_space<vmem_shared>> -> memref<16x16xf32, #tpu.memory_space<vmem_shared>>
        %dma_start3A_293 = arith.constant 9984 : i32
        %dma_start3A_294 = arith.constant 0 : i32
        %dma_start3A_295 = tpu.memref_slice %arg12[%dma_start3A_293, %dma_start3A_294] : memref<10000x16xf32, #tpu.memory_space<vmem_shared>> -> memref<16x16xf32, #tpu.memory_space<vmem_shared>>
        %dma_start3A_296 = arith.constant 0 : i32
        %dma_start3A_297 = arith.constant 0 : i32
        %dma_start3A_298 = tpu.memref_slice %arg9[%dma_start3A_296, %dma_start3A_297] : memref<1664x16xf32, #tpu.memory_space<vmem>> -> memref<16x16xf32, #tpu.memory_space<vmem>>
        tpu.enqueue_dma source(%dma_start3A_298 : memref<16x16xf32, #tpu.memory_space<vmem>>) target(%dma_start3A_295 : memref<16x16xf32, #tpu.memory_space<vmem_shared>>) target_semaphore(%run_scoped3A : memref<!tpu.dma_semaphore, #tpu.memory_space<semaphore_mem>>)
        %dma_wait3A_299 = arith.constant 0 : i32
        %dma_wait3A_300 = arith.constant 0 : i32
        %dma_wait3A_301 = tpu.memref_slice %arg9[%dma_wait3A_299, %dma_wait3A_300] : memref<1664x16xf32, #tpu.memory_space<vmem>> -> memref<16x16xf32, #tpu.memory_space<vmem>>
        %dma_wait3A_302 = arith.constant 9984 : i32
        %dma_wait3A_303 = arith.constant 0 : i32
        %dma_wait3A_304 = tpu.memref_slice %arg12[%dma_wait3A_302, %dma_wait3A_303] : memref<10000x16xf32, #tpu.memory_space<vmem_shared>> -> memref<16x16xf32, #tpu.memory_space<vmem_shared>>
        %dma_wait3A_305 = arith.constant 9984 : i32
        %dma_wait3A_306 = arith.constant 0 : i32
        %dma_wait3A_307 = tpu.memref_slice %arg12[%dma_wait3A_305, %dma_wait3A_306] : memref<10000x16xf32, #tpu.memory_space<vmem_shared>> -> memref<16x16xf32, #tpu.memory_space<vmem_shared>>
        %dma_wait3A_308 = arith.constant 0 : i32
        %dma_wait3A_309 = arith.constant 0 : i32
        %dma_wait3A_310 = tpu.memref_slice %arg9[%dma_wait3A_308, %dma_wait3A_309] : memref<1664x16xf32, #tpu.memory_space<vmem>> -> memref<16x16xf32, #tpu.memory_space<vmem>>
        tpu.wait_dma2 semaphore(%run_scoped3A : memref<!tpu.dma_semaphore, #tpu.memory_space<semaphore_mem>>) src(%dma_wait3A_310 : memref<16x16xf32, #tpu.memory_space<vmem>>) dst(%dma_wait3A_307 : memref<16x16xf32, #tpu.memory_space<vmem_shared>>)
        tpu.yield
      }) : () -> ()
    } else {
    }
    %dma_wait3A = arith.constant 1 : i32
    %dma_wait3A_30 = arith.constant 0 : i32
    %dma_wait3A_31 = tpu.memref_slice %arg6[%dma_wait3A_30] : memref<10496xi32, #tpu.memory_space<vmem>> -> memref<9984xi32, #tpu.memory_space<vmem>>
    %dma_wait3A_32 = tpu.memref_slice %arg2[%dma_wait3A, %mul3A_4] : memref<2x320000xi32, #tpu.memory_space<hbm>> -> memref<1x9984xi32, #tpu.memory_space<hbm>>
    %dma_wait3A_33 = tpu.memref_squeeze %dma_wait3A_32 : memref<1x9984xi32, #tpu.memory_space<hbm>> -> memref<9984xi32, #tpu.memory_space<hbm>>
    %dma_wait3A_34 = arith.constant 0 : i32
    %dma_wait3A_35 = tpu.memref_slice %arg6[%dma_wait3A_34] : memref<10496xi32, #tpu.memory_space<vmem>> -> memref<9984xi32, #tpu.memory_space<vmem>>
    %dma_wait3A_36 = tpu.memref_slice %arg2[%dma_wait3A, %mul3A_4] : memref<2x320000xi32, #tpu.memory_space<hbm>> -> memref<1x9984xi32, #tpu.memory_space<hbm>>
    %dma_wait3A_37 = tpu.memref_squeeze %dma_wait3A_36 : memref<1x9984xi32, #tpu.memory_space<hbm>> -> memref<9984xi32, #tpu.memory_space<hbm>>
    tpu.wait_dma2 semaphore(%arg13 : memref<!tpu.dma_semaphore, #tpu.memory_space<semaphore_mem>>) src(%dma_wait3A_37 : memref<9984xi32, #tpu.memory_space<hbm>>) dst(%dma_wait3A_35 : memref<9984xi32, #tpu.memory_space<vmem>>)
    %lt3A_38 = arith.constant 4 : i32
    %lt3A_39 = arith.cmpi slt, %add3A, %lt3A_38 : i32
    %convert_element_type3A_40 = arith.extui %lt3A_39 : i1 to i32
    %cond3A_41 = arith.constant 0 : i32
    %cond3A_42 = arith.cmpi ne, %convert_element_type3A_40, %cond3A_41 : i32
    scf.if %cond3A_42 {
      %mul3A_287 = arith.constant 128 : i32
      %mul3A_288 = arith.muli %add3A, %mul3A_287 : i32
      %add3A_289 = arith.constant 319488 : i32
      %add3A_290 = arith.addi %add3A_289, %mul3A_288 : i32
      %dma_wait3A_291 = arith.constant 1 : i32
      %dma_wait3A_292 = arith.constant 9984 : i32
      %dma_wait3A_293 = tpu.memref_slice %arg6[%dma_wait3A_292] : memref<10496xi32, #tpu.memory_space<vmem>> -> memref<128xi32, #tpu.memory_space<vmem>>
      %dma_wait3A_294 = tpu.memref_slice %arg2[%dma_wait3A_291, %add3A_290] : memref<2x320000xi32, #tpu.memory_space<hbm>> -> memref<1x128xi32, #tpu.memory_space<hbm>>
      %dma_wait3A_295 = tpu.memref_squeeze %dma_wait3A_294 : memref<1x128xi32, #tpu.memory_space<hbm>> -> memref<128xi32, #tpu.memory_space<hbm>>
      %dma_wait3A_296 = arith.constant 9984 : i32
      %dma_wait3A_297 = tpu.memref_slice %arg6[%dma_wait3A_296] : memref<10496xi32, #tpu.memory_space<vmem>> -> memref<128xi32, #tpu.memory_space<vmem>>
      %dma_wait3A_298 = tpu.memref_slice %arg2[%dma_wait3A_291, %add3A_290] : memref<2x320000xi32, #tpu.memory_space<hbm>> -> memref<1x128xi32, #tpu.memory_space<hbm>>
      %dma_wait3A_299 = tpu.memref_squeeze %dma_wait3A_298 : memref<1x128xi32, #tpu.memory_space<hbm>> -> memref<128xi32, #tpu.memory_space<hbm>>
      tpu.wait_dma2 semaphore(%arg13 : memref<!tpu.dma_semaphore, #tpu.memory_space<semaphore_mem>>) src(%dma_wait3A_299 : memref<128xi32, #tpu.memory_space<hbm>>) dst(%dma_wait3A_297 : memref<128xi32, #tpu.memory_space<vmem>>)
    } else {
    }
    %barrier3A = arith.constant 0 : index
    tpu.barrier barrier_id(%barrier3A)
    %iota3A = tpu.iota {dimensions = array<i32: 0>} : vector<16xi32>
    %add3A_43 = arith.constant 0 : i32
    %add3A_44 = arith.addi %mul3A_2, %add3A_43 : i32
    %dma_start3A_45 = arith.constant 0 : i32
    %dma_start3A_46 = arith.constant 0 : i32
    %dma_start3A_47 = arith.constant 0 : i32
    %dma_start3A_48 = tpu.memref_slice %arg7[%dma_start3A_45, %dma_start3A_46, %dma_start3A_47] : memref<13x16x129xf32, #tpu.memory_space<vmem>> -> memref<13x16x128xf32, #tpu.memory_space<vmem>>
    %dma_start3A_49 = arith.constant 0 : i32
    %dma_start3A_50 = arith.constant 0 : i32
    %dma_start3A_51 = tpu.memref_slice %arg3[%add3A_44, %dma_start3A_49, %dma_start3A_50] : memref<2500x16x128xf32, #tpu.memory_space<hbm>> -> memref<13x16x128xf32, #tpu.memory_space<hbm>>
    %dma_start3A_52 = arith.constant 0 : i32
    %dma_start3A_53 = arith.constant 0 : i32
    %dma_start3A_54 = arith.constant 0 : i32
    %dma_start3A_55 = tpu.memref_slice %arg7[%dma_start3A_52, %dma_start3A_53, %dma_start3A_54] : memref<13x16x129xf32, #tpu.memory_space<vmem>> -> memref<13x16x128xf32, #tpu.memory_space<vmem>>
    %dma_start3A_56 = arith.constant 0 : i32
    %dma_start3A_57 = arith.constant 0 : i32
    %dma_start3A_58 = tpu.memref_slice %arg3[%add3A_44, %dma_start3A_56, %dma_start3A_57] : memref<2500x16x128xf32, #tpu.memory_space<hbm>> -> memref<13x16x128xf32, #tpu.memory_space<hbm>>
    tpu.enqueue_dma source(%dma_start3A_58 : memref<13x16x128xf32, #tpu.memory_space<hbm>>) target(%dma_start3A_55 : memref<13x16x128xf32, #tpu.memory_space<vmem>>) target_semaphore(%arg14 : memref<!tpu.dma_semaphore, #tpu.memory_space<semaphore_mem>>)
    %add3A_59 = arith.constant 13 : i32
    %add3A_60 = arith.addi %mul3A_2, %add3A_59 : i32
    %dma_start3A_61 = arith.constant 0 : i32
    %dma_start3A_62 = arith.constant 0 : i32
    %dma_start3A_63 = arith.constant 0 : i32
    %dma_start3A_64 = tpu.memref_slice %arg8[%dma_start3A_61, %dma_start3A_62, %dma_start3A_63] : memref<13x16x129xf32, #tpu.memory_space<vmem>> -> memref<13x16x128xf32, #tpu.memory_space<vmem>>
    %dma_start3A_65 = arith.constant 0 : i32
    %dma_start3A_66 = arith.constant 0 : i32
    %dma_start3A_67 = tpu.memref_slice %arg3[%add3A_60, %dma_start3A_65, %dma_start3A_66] : memref<2500x16x128xf32, #tpu.memory_space<hbm>> -> memref<13x16x128xf32, #tpu.memory_space<hbm>>
    %dma_start3A_68 = arith.constant 0 : i32
    %dma_start3A_69 = arith.constant 0 : i32
    %dma_start3A_70 = arith.constant 0 : i32
    %dma_start3A_71 = tpu.memref_slice %arg8[%dma_start3A_68, %dma_start3A_69, %dma_start3A_70] : memref<13x16x129xf32, #tpu.memory_space<vmem>> -> memref<13x16x128xf32, #tpu.memory_space<vmem>>
    %dma_start3A_72 = arith.constant 0 : i32
    %dma_start3A_73 = arith.constant 0 : i32
    %dma_start3A_74 = tpu.memref_slice %arg3[%add3A_60, %dma_start3A_72, %dma_start3A_73] : memref<2500x16x128xf32, #tpu.memory_space<hbm>> -> memref<13x16x128xf32, #tpu.memory_space<hbm>>
    tpu.enqueue_dma source(%dma_start3A_74 : memref<13x16x128xf32, #tpu.memory_space<hbm>>) target(%dma_start3A_71 : memref<13x16x128xf32, #tpu.memory_space<vmem>>) target_semaphore(%arg15 : memref<!tpu.dma_semaphore, #tpu.memory_space<semaphore_mem>>)
    %dma_wait3A_75 = arith.constant 0 : i32
    %dma_wait3A_76 = arith.constant 0 : i32
    %dma_wait3A_77 = arith.constant 0 : i32
    %dma_wait3A_78 = tpu.memref_slice %arg7[%dma_wait3A_75, %dma_wait3A_76, %dma_wait3A_77] : memref<13x16x129xf32, #tpu.memory_space<vmem>> -> memref<13x16x128xf32, #tpu.memory_space<vmem>>
    %dma_wait3A_79 = arith.constant 0 : i32
    %dma_wait3A_80 = arith.constant 0 : i32
    %dma_wait3A_81 = tpu.memref_slice %arg3[%add3A_44, %dma_wait3A_79, %dma_wait3A_80] : memref<2500x16x128xf32, #tpu.memory_space<hbm>> -> memref<13x16x128xf32, #tpu.memory_space<hbm>>
    %dma_wait3A_82 = arith.constant 0 : i32
    %dma_wait3A_83 = arith.constant 0 : i32
    %dma_wait3A_84 = arith.constant 0 : i32
    %dma_wait3A_85 = tpu.memref_slice %arg7[%dma_wait3A_82, %dma_wait3A_83, %dma_wait3A_84] : memref<13x16x129xf32, #tpu.memory_space<vmem>> -> memref<13x16x128xf32, #tpu.memory_space<vmem>>
    %dma_wait3A_86 = arith.constant 0 : i32
    %dma_wait3A_87 = arith.constant 0 : i32
    %dma_wait3A_88 = tpu.memref_slice %arg3[%add3A_44, %dma_wait3A_86, %dma_wait3A_87] : memref<2500x16x128xf32, #tpu.memory_space<hbm>> -> memref<13x16x128xf32, #tpu.memory_space<hbm>>
    tpu.wait_dma2 semaphore(%arg14 : memref<!tpu.dma_semaphore, #tpu.memory_space<semaphore_mem>>) src(%dma_wait3A_88 : memref<13x16x128xf32, #tpu.memory_space<hbm>>) dst(%dma_wait3A_85 : memref<13x16x128xf32, #tpu.memory_space<vmem>>)
    %mul3A_89 = arith.constant 0 : i32
    %mul3A_90 = vector.broadcast %mul3A_89 : i32 to vector<16xi32>
    %mul3A_91 = arith.muli %iota3A, %mul3A_90 : vector<16xi32>
    %scan3A_92 = arith.constant 0 : i32
    %scan3A_93 = arith.constant 13 : i32
    %scan3A_94 = arith.addi %scan3A_92, %scan3A_93 : i32
    %scan3A_95 = arith.constant 1 : i32
    scf.for %scan3A_287 = %scan3A_92 to %scan3A_94 step %scan3A_95  : i32 {
      %mul3A_288 = arith.constant 1 : i32
      %mul3A_289 = arith.muli %scan3A_287, %mul3A_288 : i32
      %add3A_290 = arith.constant 0 : i32
      %add3A_291 = arith.addi %add3A_290, %mul3A_289 : i32
      %add3A_292 = vector.broadcast %add3A_291 : i32 to vector<16xi32>
      %add3A_293 = arith.addi %mul3A_91, %add3A_292 : vector<16xi32>
      %parallel_loop3A = arith.constant 0 : i32
      %parallel_loop3A_294 = arith.constant 8 : i32
      %parallel_loop3A_295 = arith.constant 1 : i32
      scf.for %parallel_loop3A_302 = %parallel_loop3A to %parallel_loop3A_294 step %parallel_loop3A_295  : i32 {
        %parallel_loop3A_303 = arith.constant 16 : i32
        %parallel_loop3A_304 = arith.muli %parallel_loop3A_302, %parallel_loop3A_303 : i32
        %parallel_loop3A_305 = vector.broadcast %parallel_loop3A_304 : i32 to vector<16xi32>
        %parallel_loop3A_306 = arith.addi %mul3A_91, %parallel_loop3A_305 : vector<16xi32>
        %parallel_loop3A_307 = arith.constant 128 : i32
        %parallel_loop3A_308 = arith.muli %add3A_291, %parallel_loop3A_307 : i32
        %parallel_loop3A_309 = arith.constant 16 : i32
        %parallel_loop3A_310 = arith.muli %parallel_loop3A_302, %parallel_loop3A_309 : i32
        %parallel_loop3A_311 = arith.addi %parallel_loop3A_308, %parallel_loop3A_310 : i32
        %parallel_loop3A_312 = arith.constant 0 : i32
        %parallel_loop3A_313 = vector.broadcast %parallel_loop3A_312 : i32 to vector<16xi32>
        %parallel_loop3A_314 = arith.addi %parallel_loop3A_306, %parallel_loop3A_313 : vector<16xi32>
        %parallel_loop3A_315 = tpu.vector_load_idx %arg7[%add3A_293, %iota3A, %parallel_loop3A_314] : memref<13x16x129xf32, #tpu.memory_space<vmem>>[vector<16xi32>, vector<16xi32>, vector<16xi32>], vector<16xf32>,
        %parallel_loop3A_316 = arith.constant 0 : i32
        %parallel_loop3A_317 = arith.addi %parallel_loop3A_311, %parallel_loop3A_316 : i32
        %parallel_loop3A_318 = arith.index_cast %parallel_loop3A_317 : i32 to index
        %parallel_loop3A_319 = arith.constant 0 : index
        %parallel_loop3A_320 = tpu.vector_load %arg9[%parallel_loop3A_318, %parallel_loop3A_319] {strides = array<i32>} : memref<1664x16xf32, #tpu.memory_space<vmem>>, vector<16xf32>,
        tpu.vector_store %arg9[%parallel_loop3A_318, %parallel_loop3A_319], %parallel_loop3A_315 {strides = array<i32>} : memref<1664x16xf32, #tpu.memory_space<vmem>>, vector<16xf32>,
        %parallel_loop3A_321 = arith.constant 1 : i32
        %parallel_loop3A_322 = vector.broadcast %parallel_loop3A_321 : i32 to vector<16xi32>
        %parallel_loop3A_323 = arith.addi %parallel_loop3A_306, %parallel_loop3A_322 : vector<16xi32>
        %parallel_loop3A_324 = tpu.vector_load_idx %arg7[%add3A_293, %iota3A, %parallel_loop3A_323] : memref<13x16x129xf32, #tpu.memory_space<vmem>>[vector<16xi32>, vector<16xi32>, vector<16xi32>], vector<16xf32>,
        %parallel_loop3A_325 = arith.constant 1 : i32
        %parallel_loop3A_326 = arith.addi %parallel_loop3A_311, %parallel_loop3A_325 : i32
        %parallel_loop3A_327 = arith.index_cast %parallel_loop3A_326 : i32 to index
        %parallel_loop3A_328 = arith.constant 0 : index
        %parallel_loop3A_329 = tpu.vector_load %arg9[%parallel_loop3A_327, %parallel_loop3A_328] {strides = array<i32>} : memref<1664x16xf32, #tpu.memory_space<vmem>>, vector<16xf32>,
        tpu.vector_store %arg9[%parallel_loop3A_327, %parallel_loop3A_328], %parallel_loop3A_324 {strides = array<i32>} : memref<1664x16xf32, #tpu.memory_space<vmem>>, vector<16xf32>,
        %parallel_loop3A_330 = arith.constant 2 : i32
        %parallel_loop3A_331 = vector.broadcast %parallel_loop3A_330 : i32 to vector<16xi32>
        %parallel_loop3A_332 = arith.addi %parallel_loop3A_306, %parallel_loop3A_331 : vector<16xi32>
        %parallel_loop3A_333 = tpu.vector_load_idx %arg7[%add3A_293, %iota3A, %parallel_loop3A_332] : memref<13x16x129xf32, #tpu.memory_space<vmem>>[vector<16xi32>, vector<16xi32>, vector<16xi32>], vector<16xf32>,
        %parallel_loop3A_334 = arith.constant 2 : i32
        %parallel_loop3A_335 = arith.addi %parallel_loop3A_311, %parallel_loop3A_334 : i32
        %parallel_loop3A_336 = arith.index_cast %parallel_loop3A_335 : i32 to index
        %parallel_loop3A_337 = arith.constant 0 : index
        %parallel_loop3A_338 = tpu.vector_load %arg9[%parallel_loop3A_336, %parallel_loop3A_337] {strides = array<i32>} : memref<1664x16xf32, #tpu.memory_space<vmem>>, vector<16xf32>,
        tpu.vector_store %arg9[%parallel_loop3A_336, %parallel_loop3A_337], %parallel_loop3A_333 {strides = array<i32>} : memref<1664x16xf32, #tpu.memory_space<vmem>>, vector<16xf32>,
        %parallel_loop3A_339 = arith.constant 3 : i32
        %parallel_loop3A_340 = vector.broadcast %parallel_loop3A_339 : i32 to vector<16xi32>
        %parallel_loop3A_341 = arith.addi %parallel_loop3A_306, %parallel_loop3A_340 : vector<16xi32>
        %parallel_loop3A_342 = tpu.vector_load_idx %arg7[%add3A_293, %iota3A, %parallel_loop3A_341] : memref<13x16x129xf32, #tpu.memory_space<vmem>>[vector<16xi32>, vector<16xi32>, vector<16xi32>], vector<16xf32>,
        %parallel_loop3A_343 = arith.constant 3 : i32
        %parallel_loop3A_344 = arith.addi %parallel_loop3A_311, %parallel_loop3A_343 : i32
        %parallel_loop3A_345 = arith.index_cast %parallel_loop3A_344 : i32 to index
        %parallel_loop3A_346 = arith.constant 0 : index
        %parallel_loop3A_347 = tpu.vector_load %arg9[%parallel_loop3A_345, %parallel_loop3A_346] {strides = array<i32>} : memref<1664x16xf32, #tpu.memory_space<vmem>>, vector<16xf32>,
        tpu.vector_store %arg9[%parallel_loop3A_345, %parallel_loop3A_346], %parallel_loop3A_342 {strides = array<i32>} : memref<1664x16xf32, #tpu.memory_space<vmem>>, vector<16xf32>,
        %parallel_loop3A_348 = arith.constant 4 : i32
        %parallel_loop3A_349 = vector.broadcast %parallel_loop3A_348 : i32 to vector<16xi32>
        %parallel_loop3A_350 = arith.addi %parallel_loop3A_306, %parallel_loop3A_349 : vector<16xi32>
        %parallel_loop3A_351 = tpu.vector_load_idx %arg7[%add3A_293, %iota3A, %parallel_loop3A_350] : memref<13x16x129xf32, #tpu.memory_space<vmem>>[vector<16xi32>, vector<16xi32>, vector<16xi32>], vector<16xf32>,
        %parallel_loop3A_352 = arith.constant 4 : i32
        %parallel_loop3A_353 = arith.addi %parallel_loop3A_311, %parallel_loop3A_352 : i32
        %parallel_loop3A_354 = arith.index_cast %parallel_loop3A_353 : i32 to index
        %parallel_loop3A_355 = arith.constant 0 : index
        %parallel_loop3A_356 = tpu.vector_load %arg9[%parallel_loop3A_354, %parallel_loop3A_355] {strides = array<i32>} : memref<1664x16xf32, #tpu.memory_space<vmem>>, vector<16xf32>,
        tpu.vector_store %arg9[%parallel_loop3A_354, %parallel_loop3A_355], %parallel_loop3A_351 {strides = array<i32>} : memref<1664x16xf32, #tpu.memory_space<vmem>>, vector<16xf32>,
        %parallel_loop3A_357 = arith.constant 5 : i32
        %parallel_loop3A_358 = vector.broadcast %parallel_loop3A_357 : i32 to vector<16xi32>
        %parallel_loop3A_359 = arith.addi %parallel_loop3A_306, %parallel_loop3A_358 : vector<16xi32>
        %parallel_loop3A_360 = tpu.vector_load_idx %arg7[%add3A_293, %iota3A, %parallel_loop3A_359] : memref<13x16x129xf32, #tpu.memory_space<vmem>>[vector<16xi32>, vector<16xi32>, vector<16xi32>], vector<16xf32>,
        %parallel_loop3A_361 = arith.constant 5 : i32
        %parallel_loop3A_362 = arith.addi %parallel_loop3A_311, %parallel_loop3A_361 : i32
        %parallel_loop3A_363 = arith.index_cast %parallel_loop3A_362 : i32 to index
        %parallel_loop3A_364 = arith.constant 0 : index
        %parallel_loop3A_365 = tpu.vector_load %arg9[%parallel_loop3A_363, %parallel_loop3A_364] {strides = array<i32>} : memref<1664x16xf32, #tpu.memory_space<vmem>>, vector<16xf32>,
        tpu.vector_store %arg9[%parallel_loop3A_363, %parallel_loop3A_364], %parallel_loop3A_360 {strides = array<i32>} : memref<1664x16xf32, #tpu.memory_space<vmem>>, vector<16xf32>,
        %parallel_loop3A_366 = arith.constant 6 : i32
        %parallel_loop3A_367 = vector.broadcast %parallel_loop3A_366 : i32 to vector<16xi32>
        %parallel_loop3A_368 = arith.addi %parallel_loop3A_306, %parallel_loop3A_367 : vector<16xi32>
        %parallel_loop3A_369 = tpu.vector_load_idx %arg7[%add3A_293, %iota3A, %parallel_loop3A_368] : memref<13x16x129xf32, #tpu.memory_space<vmem>>[vector<16xi32>, vector<16xi32>, vector<16xi32>], vector<16xf32>,
        %parallel_loop3A_370 = arith.constant 6 : i32
        %parallel_loop3A_371 = arith.addi %parallel_loop3A_311, %parallel_loop3A_370 : i32
        %parallel_loop3A_372 = arith.index_cast %parallel_loop3A_371 : i32 to index
        %parallel_loop3A_373 = arith.constant 0 : index
        %parallel_loop3A_374 = tpu.vector_load %arg9[%parallel_loop3A_372, %parallel_loop3A_373] {strides = array<i32>} : memref<1664x16xf32, #tpu.memory_space<vmem>>, vector<16xf32>,
        tpu.vector_store %arg9[%parallel_loop3A_372, %parallel_loop3A_373], %parallel_loop3A_369 {strides = array<i32>} : memref<1664x16xf32, #tpu.memory_space<vmem>>, vector<16xf32>,
        %parallel_loop3A_375 = arith.constant 7 : i32
        %parallel_loop3A_376 = vector.broadcast %parallel_loop3A_375 : i32 to vector<16xi32>
        %parallel_loop3A_377 = arith.addi %parallel_loop3A_306, %parallel_loop3A_376 : vector<16xi32>
        %parallel_loop3A_378 = tpu.vector_load_idx %arg7[%add3A_293, %iota3A, %parallel_loop3A_377] : memref<13x16x129xf32, #tpu.memory_space<vmem>>[vector<16xi32>, vector<16xi32>, vector<16xi32>], vector<16xf32>,
        %parallel_loop3A_379 = arith.constant 7 : i32
        %parallel_loop3A_380 = arith.addi %parallel_loop3A_311, %parallel_loop3A_379 : i32
        %parallel_loop3A_381 = arith.index_cast %parallel_loop3A_380 : i32 to index
        %parallel_loop3A_382 = arith.constant 0 : index
        %parallel_loop3A_383 = tpu.vector_load %arg9[%parallel_loop3A_381, %parallel_loop3A_382] {strides = array<i32>} : memref<1664x16xf32, #tpu.memory_space<vmem>>, vector<16xf32>,
        tpu.vector_store %arg9[%parallel_loop3A_381, %parallel_loop3A_382], %parallel_loop3A_378 {strides = array<i32>} : memref<1664x16xf32, #tpu.memory_space<vmem>>, vector<16xf32>,
        %parallel_loop3A_384 = arith.constant 8 : i32
        %parallel_loop3A_385 = vector.broadcast %parallel_loop3A_384 : i32 to vector<16xi32>
        %parallel_loop3A_386 = arith.addi %parallel_loop3A_306, %parallel_loop3A_385 : vector<16xi32>
        %parallel_loop3A_387 = tpu.vector_load_idx %arg7[%add3A_293, %iota3A, %parallel_loop3A_386] : memref<13x16x129xf32, #tpu.memory_space<vmem>>[vector<16xi32>, vector<16xi32>, vector<16xi32>], vector<16xf32>,
        %parallel_loop3A_388 = arith.constant 8 : i32
        %parallel_loop3A_389 = arith.addi %parallel_loop3A_311, %parallel_loop3A_388 : i32
        %parallel_loop3A_390 = arith.index_cast %parallel_loop3A_389 : i32 to index
        %parallel_loop3A_391 = arith.constant 0 : index
        %parallel_loop3A_392 = tpu.vector_load %arg9[%parallel_loop3A_390, %parallel_loop3A_391] {strides = array<i32>} : memref<1664x16xf32, #tpu.memory_space<vmem>>, vector<16xf32>,
        tpu.vector_store %arg9[%parallel_loop3A_390, %parallel_loop3A_391], %parallel_loop3A_387 {strides = array<i32>} : memref<1664x16xf32, #tpu.memory_space<vmem>>, vector<16xf32>,
        %parallel_loop3A_393 = arith.constant 9 : i32
        %parallel_loop3A_394 = vector.broadcast %parallel_loop3A_393 : i32 to vector<16xi32>
        %parallel_loop3A_395 = arith.addi %parallel_loop3A_306, %parallel_loop3A_394 : vector<16xi32>
        %parallel_loop3A_396 = tpu.vector_load_idx %arg7[%add3A_293, %iota3A, %parallel_loop3A_395] : memref<13x16x129xf32, #tpu.memory_space<vmem>>[vector<16xi32>, vector<16xi32>, vector<16xi32>], vector<16xf32>,
        %parallel_loop3A_397 = arith.constant 9 : i32
        %parallel_loop3A_398 = arith.addi %parallel_loop3A_311, %parallel_loop3A_397 : i32
        %parallel_loop3A_399 = arith.index_cast %parallel_loop3A_398 : i32 to index
        %parallel_loop3A_400 = arith.constant 0 : index
        %parallel_loop3A_401 = tpu.vector_load %arg9[%parallel_loop3A_399, %parallel_loop3A_400] {strides = array<i32>} : memref<1664x16xf32, #tpu.memory_space<vmem>>, vector<16xf32>,
        tpu.vector_store %arg9[%parallel_loop3A_399, %parallel_loop3A_400], %parallel_loop3A_396 {strides = array<i32>} : memref<1664x16xf32, #tpu.memory_space<vmem>>, vector<16xf32>,
        %parallel_loop3A_402 = arith.constant 10 : i32
        %parallel_loop3A_403 = vector.broadcast %parallel_loop3A_402 : i32 to vector<16xi32>
        %parallel_loop3A_404 = arith.addi %parallel_loop3A_306, %parallel_loop3A_403 : vector<16xi32>
        %parallel_loop3A_405 = tpu.vector_load_idx %arg7[%add3A_293, %iota3A, %parallel_loop3A_404] : memref<13x16x129xf32, #tpu.memory_space<vmem>>[vector<16xi32>, vector<16xi32>, vector<16xi32>], vector<16xf32>,
        %parallel_loop3A_406 = arith.constant 10 : i32
        %parallel_loop3A_407 = arith.addi %parallel_loop3A_311, %parallel_loop3A_406 : i32
        %parallel_loop3A_408 = arith.index_cast %parallel_loop3A_407 : i32 to index
        %parallel_loop3A_409 = arith.constant 0 : index
        %parallel_loop3A_410 = tpu.vector_load %arg9[%parallel_loop3A_408, %parallel_loop3A_409] {strides = array<i32>} : memref<1664x16xf32, #tpu.memory_space<vmem>>, vector<16xf32>,
        tpu.vector_store %arg9[%parallel_loop3A_408, %parallel_loop3A_409], %parallel_loop3A_405 {strides = array<i32>} : memref<1664x16xf32, #tpu.memory_space<vmem>>, vector<16xf32>,
        %parallel_loop3A_411 = arith.constant 11 : i32
        %parallel_loop3A_412 = vector.broadcast %parallel_loop3A_411 : i32 to vector<16xi32>
        %parallel_loop3A_413 = arith.addi %parallel_loop3A_306, %parallel_loop3A_412 : vector<16xi32>
        %parallel_loop3A_414 = tpu.vector_load_idx %arg7[%add3A_293, %iota3A, %parallel_loop3A_413] : memref<13x16x129xf32, #tpu.memory_space<vmem>>[vector<16xi32>, vector<16xi32>, vector<16xi32>], vector<16xf32>,
        %parallel_loop3A_415 = arith.constant 11 : i32
        %parallel_loop3A_416 = arith.addi %parallel_loop3A_311, %parallel_loop3A_415 : i32
        %parallel_loop3A_417 = arith.index_cast %parallel_loop3A_416 : i32 to index
        %parallel_loop3A_418 = arith.constant 0 : index
        %parallel_loop3A_419 = tpu.vector_load %arg9[%parallel_loop3A_417, %parallel_loop3A_418] {strides = array<i32>} : memref<1664x16xf32, #tpu.memory_space<vmem>>, vector<16xf32>,
        tpu.vector_store %arg9[%parallel_loop3A_417, %parallel_loop3A_418], %parallel_loop3A_414 {strides = array<i32>} : memref<1664x16xf32, #tpu.memory_space<vmem>>, vector<16xf32>,
        %parallel_loop3A_420 = arith.constant 12 : i32
        %parallel_loop3A_421 = vector.broadcast %parallel_loop3A_420 : i32 to vector<16xi32>
        %parallel_loop3A_422 = arith.addi %parallel_loop3A_306, %parallel_loop3A_421 : vector<16xi32>
        %parallel_loop3A_423 = tpu.vector_load_idx %arg7[%add3A_293, %iota3A, %parallel_loop3A_422] : memref<13x16x129xf32, #tpu.memory_space<vmem>>[vector<16xi32>, vector<16xi32>, vector<16xi32>], vector<16xf32>,
        %parallel_loop3A_424 = arith.constant 12 : i32
        %parallel_loop3A_425 = arith.addi %parallel_loop3A_311, %parallel_loop3A_424 : i32
        %parallel_loop3A_426 = arith.index_cast %parallel_loop3A_425 : i32 to index
        %parallel_loop3A_427 = arith.constant 0 : index
        %parallel_loop3A_428 = tpu.vector_load %arg9[%parallel_loop3A_426, %parallel_loop3A_427] {strides = array<i32>} : memref<1664x16xf32, #tpu.memory_space<vmem>>, vector<16xf32>,
        tpu.vector_store %arg9[%parallel_loop3A_426, %parallel_loop3A_427], %parallel_loop3A_423 {strides = array<i32>} : memref<1664x16xf32, #tpu.memory_space<vmem>>, vector<16xf32>,
        %parallel_loop3A_429 = arith.constant 13 : i32
        %parallel_loop3A_430 = vector.broadcast %parallel_loop3A_429 : i32 to vector<16xi32>
        %parallel_loop3A_431 = arith.addi %parallel_loop3A_306, %parallel_loop3A_430 : vector<16xi32>
        %parallel_loop3A_432 = tpu.vector_load_idx %arg7[%add3A_293, %iota3A, %parallel_loop3A_431] : memref<13x16x129xf32, #tpu.memory_space<vmem>>[vector<16xi32>, vector<16xi32>, vector<16xi32>], vector<16xf32>,
        %parallel_loop3A_433 = arith.constant 13 : i32
        %parallel_loop3A_434 = arith.addi %parallel_loop3A_311, %parallel_loop3A_433 : i32
        %parallel_loop3A_435 = arith.index_cast %parallel_loop3A_434 : i32 to index
        %parallel_loop3A_436 = arith.constant 0 : index
        %parallel_loop3A_437 = tpu.vector_load %arg9[%parallel_loop3A_435, %parallel_loop3A_436] {strides = array<i32>} : memref<1664x16xf32, #tpu.memory_space<vmem>>, vector<16xf32>,
        tpu.vector_store %arg9[%parallel_loop3A_435, %parallel_loop3A_436], %parallel_loop3A_432 {strides = array<i32>} : memref<1664x16xf32, #tpu.memory_space<vmem>>, vector<16xf32>,
        %parallel_loop3A_438 = arith.constant 14 : i32
        %parallel_loop3A_439 = vector.broadcast %parallel_loop3A_438 : i32 to vector<16xi32>
        %parallel_loop3A_440 = arith.addi %parallel_loop3A_306, %parallel_loop3A_439 : vector<16xi32>
        %parallel_loop3A_441 = tpu.vector_load_idx %arg7[%add3A_293, %iota3A, %parallel_loop3A_440] : memref<13x16x129xf32, #tpu.memory_space<vmem>>[vector<16xi32>, vector<16xi32>, vector<16xi32>], vector<16xf32>,
        %parallel_loop3A_442 = arith.constant 14 : i32
        %parallel_loop3A_443 = arith.addi %parallel_loop3A_311, %parallel_loop3A_442 : i32
        %parallel_loop3A_444 = arith.index_cast %parallel_loop3A_443 : i32 to index
        %parallel_loop3A_445 = arith.constant 0 : index
        %parallel_loop3A_446 = tpu.vector_load %arg9[%parallel_loop3A_444, %parallel_loop3A_445] {strides = array<i32>} : memref<1664x16xf32, #tpu.memory_space<vmem>>, vector<16xf32>,
        tpu.vector_store %arg9[%parallel_loop3A_444, %parallel_loop3A_445], %parallel_loop3A_441 {strides = array<i32>} : memref<1664x16xf32, #tpu.memory_space<vmem>>, vector<16xf32>,
        %parallel_loop3A_447 = arith.constant 15 : i32
        %parallel_loop3A_448 = vector.broadcast %parallel_loop3A_447 : i32 to vector<16xi32>
        %parallel_loop3A_449 = arith.addi %parallel_loop3A_306, %parallel_loop3A_448 : vector<16xi32>
        %parallel_loop3A_450 = tpu.vector_load_idx %arg7[%add3A_293, %iota3A, %parallel_loop3A_449] : memref<13x16x129xf32, #tpu.memory_space<vmem>>[vector<16xi32>, vector<16xi32>, vector<16xi32>], vector<16xf32>,
        %parallel_loop3A_451 = arith.constant 15 : i32
        %parallel_loop3A_452 = arith.addi %parallel_loop3A_311, %parallel_loop3A_451 : i32
        %parallel_loop3A_453 = arith.index_cast %parallel_loop3A_452 : i32 to index
        %parallel_loop3A_454 = arith.constant 0 : index
        %parallel_loop3A_455 = tpu.vector_load %arg9[%parallel_loop3A_453, %parallel_loop3A_454] {strides = array<i32>} : memref<1664x16xf32, #tpu.memory_space<vmem>>, vector<16xf32>,
        tpu.vector_store %arg9[%parallel_loop3A_453, %parallel_loop3A_454], %parallel_loop3A_450 {strides = array<i32>} : memref<1664x16xf32, #tpu.memory_space<vmem>>, vector<16xf32>,
      } {sc.loop_unroll_factor = 4 : i64, sc.parallel_access}
      %mul3A_296 = arith.constant 128 : i32
      %mul3A_297 = arith.muli %add3A_291, %mul3A_296 : i32
      %add3A_298 = arith.constant 0 : i32
      %add3A_299 = arith.addi %add3A_298, %mul3A_297 : i32
      %mul3A_300 = arith.constant 128 : i32
      %mul3A_301 = arith.muli %add3A_291, %mul3A_300 : i32
      "tpu.region"() ({
        %run_scoped3A = tpu.sem_alloc : memref<!tpu.dma_semaphore, #tpu.memory_space<semaphore_mem>>
        %dma_start3A_302 = arith.constant 0 : i32
        %dma_start3A_303 = tpu.memref_slice %arg9[%mul3A_301, %dma_start3A_302] : memref<1664x16xf32, #tpu.memory_space<vmem>> -> memref<128x16xf32, #tpu.memory_space<vmem>>
        %dma_start3A_304 = tpu.memref_slice %arg6[%add3A_299] : memref<10496xi32, #tpu.memory_space<vmem>> -> memref<128xi32, #tpu.memory_space<vmem>>
        %dma_start3A_305 = arith.constant 0 : i32
        %dma_start3A_306 = arith.constant 0 : i32
        %dma_start3A_307 = tpu.memref_slice %arg11[%dma_start3A_305, %dma_start3A_306] : memref<10000x16xf32, #tpu.memory_space<vmem_shared>> -> memref<10000x16xf32, #tpu.memory_space<vmem_shared>>
        tpu.enqueue_indirect_dma source(%dma_start3A_303 : memref<128x16xf32, #tpu.memory_space<vmem>>) target(%dma_start3A_307 : memref<10000x16xf32, #tpu.memory_space<vmem_shared>>) offsets(%dma_start3A_304 : memref<128xi32, #tpu.memory_space<vmem>>) semaphore(%run_scoped3A : memref<!tpu.dma_semaphore, #tpu.memory_space<semaphore_mem>>) {add = true}
        %dma_wait3A_308 = arith.constant 0 : i32
        %dma_wait3A_309 = tpu.memref_slice %arg9[%mul3A_301, %dma_wait3A_308] : memref<1664x16xf32, #tpu.memory_space<vmem>> -> memref<128x16xf32, #tpu.memory_space<vmem>>
        %dma_wait3A_310 = tpu.memref_slice %arg6[%add3A_299] : memref<10496xi32, #tpu.memory_space<vmem>> -> memref<128xi32, #tpu.memory_space<vmem>>
        %dma_wait3A_311 = arith.constant 0 : i32
        %dma_wait3A_312 = arith.constant 0 : i32
        %dma_wait3A_313 = tpu.memref_slice %arg11[%dma_wait3A_311, %dma_wait3A_312] : memref<10000x16xf32, #tpu.memory_space<vmem_shared>> -> memref<10000x16xf32, #tpu.memory_space<vmem_shared>>
        tpu.wait_indirect_dma semaphore(%run_scoped3A : memref<!tpu.dma_semaphore, #tpu.memory_space<semaphore_mem>>) src(%dma_wait3A_309 : memref<128x16xf32, #tpu.memory_space<vmem>>) dst(%dma_wait3A_313 : memref<10000x16xf32, #tpu.memory_space<vmem_shared>>)
        tpu.yield
      }) : () -> ()
      "tpu.region"() ({
        %run_scoped3A = tpu.sem_alloc : memref<!tpu.dma_semaphore, #tpu.memory_space<semaphore_mem>>
        %dma_start3A_302 = tpu.memref_slice %arg6[%add3A_299] : memref<10496xi32, #tpu.memory_space<vmem>> -> memref<128xi32, #tpu.memory_space<vmem>>
        %dma_start3A_303 = arith.constant 0 : i32
        %dma_start3A_304 = arith.constant 0 : i32
        %dma_start3A_305 = tpu.memref_slice %arg12[%dma_start3A_303, %dma_start3A_304] : memref<10000x16xf32, #tpu.memory_space<vmem_shared>> -> memref<10000x16xf32, #tpu.memory_space<vmem_shared>>
        tpu.enqueue_indirect_dma source(%arg10 : memref<128x16xf32, #tpu.memory_space<vmem>>) target(%dma_start3A_305 : memref<10000x16xf32, #tpu.memory_space<vmem_shared>>) offsets(%dma_start3A_302 : memref<128xi32, #tpu.memory_space<vmem>>) semaphore(%run_scoped3A : memref<!tpu.dma_semaphore, #tpu.memory_space<semaphore_mem>>) {add = true}
        %dma_wait3A_306 = tpu.memref_slice %arg6[%add3A_299] : memref<10496xi32, #tpu.memory_space<vmem>> -> memref<128xi32, #tpu.memory_space<vmem>>
        %dma_wait3A_307 = arith.constant 0 : i32
        %dma_wait3A_308 = arith.constant 0 : i32
        %dma_wait3A_309 = tpu.memref_slice %arg12[%dma_wait3A_307, %dma_wait3A_308] : memref<10000x16xf32, #tpu.memory_space<vmem_shared>> -> memref<10000x16xf32, #tpu.memory_space<vmem_shared>>
        tpu.wait_indirect_dma semaphore(%run_scoped3A : memref<!tpu.dma_semaphore, #tpu.memory_space<semaphore_mem>>) src(%arg10 : memref<128x16xf32, #tpu.memory_space<vmem>>) dst(%dma_wait3A_309 : memref<10000x16xf32, #tpu.memory_space<vmem_shared>>)
        tpu.yield
      }) : () -> ()
    }
    %scan3A_96 = arith.constant 13 : i32
    %add3A_97 = arith.constant 26 : i32
    %add3A_98 = arith.addi %mul3A_2, %add3A_97 : i32
    %dma_start3A_99 = arith.constant 0 : i32
    %dma_start3A_100 = arith.constant 0 : i32
    %dma_start3A_101 = arith.constant 0 : i32
    %dma_start3A_102 = tpu.memref_slice %arg7[%dma_start3A_99, %dma_start3A_100, %dma_start3A_101] : memref<13x16x129xf32, #tpu.memory_space<vmem>> -> memref<13x16x128xf32, #tpu.memory_space<vmem>>
    %dma_start3A_103 = arith.constant 0 : i32
    %dma_start3A_104 = arith.constant 0 : i32
    %dma_start3A_105 = tpu.memref_slice %arg3[%add3A_98, %dma_start3A_103, %dma_start3A_104] : memref<2500x16x128xf32, #tpu.memory_space<hbm>> -> memref<13x16x128xf32, #tpu.memory_space<hbm>>
    %dma_start3A_106 = arith.constant 0 : i32
    %dma_start3A_107 = arith.constant 0 : i32
    %dma_start3A_108 = arith.constant 0 : i32
    %dma_start3A_109 = tpu.memref_slice %arg7[%dma_start3A_106, %dma_start3A_107, %dma_start3A_108] : memref<13x16x129xf32, #tpu.memory_space<vmem>> -> memref<13x16x128xf32, #tpu.memory_space<vmem>>
    %dma_start3A_110 = arith.constant 0 : i32
    %dma_start3A_111 = arith.constant 0 : i32
    %dma_start3A_112 = tpu.memref_slice %arg3[%add3A_98, %dma_start3A_110, %dma_start3A_111] : memref<2500x16x128xf32, #tpu.memory_space<hbm>> -> memref<13x16x128xf32, #tpu.memory_space<hbm>>
    tpu.enqueue_dma source(%dma_start3A_112 : memref<13x16x128xf32, #tpu.memory_space<hbm>>) target(%dma_start3A_109 : memref<13x16x128xf32, #tpu.memory_space<vmem>>) target_semaphore(%arg14 : memref<!tpu.dma_semaphore, #tpu.memory_space<semaphore_mem>>)
    %dma_wait3A_113 = arith.constant 0 : i32
    %dma_wait3A_114 = arith.constant 0 : i32
    %dma_wait3A_115 = arith.constant 0 : i32
    %dma_wait3A_116 = tpu.memref_slice %arg8[%dma_wait3A_113, %dma_wait3A_114, %dma_wait3A_115] : memref<13x16x129xf32, #tpu.memory_space<vmem>> -> memref<13x16x128xf32, #tpu.memory_space<vmem>>
    %dma_wait3A_117 = arith.constant 0 : i32
    %dma_wait3A_118 = arith.constant 0 : i32
    %dma_wait3A_119 = tpu.memref_slice %arg3[%add3A_60, %dma_wait3A_117, %dma_wait3A_118] : memref<2500x16x128xf32, #tpu.memory_space<hbm>> -> memref<13x16x128xf32, #tpu.memory_space<hbm>>
    %dma_wait3A_120 = arith.constant 0 : i32
    %dma_wait3A_121 = arith.constant 0 : i32
    %dma_wait3A_122 = arith.constant 0 : i32
    %dma_wait3A_123 = tpu.memref_slice %arg8[%dma_wait3A_120, %dma_wait3A_121, %dma_wait3A_122] : memref<13x16x129xf32, #tpu.memory_space<vmem>> -> memref<13x16x128xf32, #tpu.memory_space<vmem>>
    %dma_wait3A_124 = arith.constant 0 : i32
    %dma_wait3A_125 = arith.constant 0 : i32
    %dma_wait3A_126 = tpu.memref_slice %arg3[%add3A_60, %dma_wait3A_124, %dma_wait3A_125] : memref<2500x16x128xf32, #tpu.memory_space<hbm>> -> memref<13x16x128xf32, #tpu.memory_space<hbm>>
    tpu.wait_dma2 semaphore(%arg15 : memref<!tpu.dma_semaphore, #tpu.memory_space<semaphore_mem>>) src(%dma_wait3A_126 : memref<13x16x128xf32, #tpu.memory_space<hbm>>) dst(%dma_wait3A_123 : memref<13x16x128xf32, #tpu.memory_space<vmem>>)
    %mul3A_127 = arith.constant 0 : i32
    %mul3A_128 = vector.broadcast %mul3A_127 : i32 to vector<16xi32>
    %mul3A_129 = arith.muli %iota3A, %mul3A_128 : vector<16xi32>
    %scan3A_130 = arith.constant 0 : i32
    %scan3A_131 = arith.constant 13 : i32
    %scan3A_132 = arith.addi %scan3A_130, %scan3A_131 : i32
    %scan3A_133 = arith.constant 1 : i32
    scf.for %scan3A_287 = %scan3A_130 to %scan3A_132 step %scan3A_133  : i32 {
      %mul3A_288 = arith.constant 1 : i32
      %mul3A_289 = arith.muli %scan3A_287, %mul3A_288 : i32
      %add3A_290 = arith.constant 0 : i32
      %add3A_291 = arith.addi %add3A_290, %mul3A_289 : i32
      %add3A_292 = vector.broadcast %add3A_291 : i32 to vector<16xi32>
      %add3A_293 = arith.addi %mul3A_129, %add3A_292 : vector<16xi32>
      %parallel_loop3A = arith.constant 0 : i32
      %parallel_loop3A_294 = arith.constant 8 : i32
      %parallel_loop3A_295 = arith.constant 1 : i32
      scf.for %parallel_loop3A_302 = %parallel_loop3A to %parallel_loop3A_294 step %parallel_loop3A_295  : i32 {
        %parallel_loop3A_303 = arith.constant 16 : i32
        %parallel_loop3A_304 = arith.muli %parallel_loop3A_302, %parallel_loop3A_303 : i32
        %parallel_loop3A_305 = vector.broadcast %parallel_loop3A_304 : i32 to vector<16xi32>
        %parallel_loop3A_306 = arith.addi %mul3A_129, %parallel_loop3A_305 : vector<16xi32>
        %parallel_loop3A_307 = arith.constant 128 : i32
        %parallel_loop3A_308 = arith.muli %add3A_291, %parallel_loop3A_307 : i32
        %parallel_loop3A_309 = arith.constant 16 : i32
        %parallel_loop3A_310 = arith.muli %parallel_loop3A_302, %parallel_loop3A_309 : i32
        %parallel_loop3A_311 = arith.addi %parallel_loop3A_308, %parallel_loop3A_310 : i32
        %parallel_loop3A_312 = arith.constant 0 : i32
        %parallel_loop3A_313 = vector.broadcast %parallel_loop3A_312 : i32 to vector<16xi32>
        %parallel_loop3A_314 = arith.addi %parallel_loop3A_306, %parallel_loop3A_313 : vector<16xi32>
        %parallel_loop3A_315 = tpu.vector_load_idx %arg8[%add3A_293, %iota3A, %parallel_loop3A_314] : memref<13x16x129xf32, #tpu.memory_space<vmem>>[vector<16xi32>, vector<16xi32>, vector<16xi32>], vector<16xf32>,
        %parallel_loop3A_316 = arith.constant 0 : i32
        %parallel_loop3A_317 = arith.addi %parallel_loop3A_311, %parallel_loop3A_316 : i32
        %parallel_loop3A_318 = arith.index_cast %parallel_loop3A_317 : i32 to index
        %parallel_loop3A_319 = arith.constant 0 : index
        %parallel_loop3A_320 = tpu.vector_load %arg9[%parallel_loop3A_318, %parallel_loop3A_319] {strides = array<i32>} : memref<1664x16xf32, #tpu.memory_space<vmem>>, vector<16xf32>,
        tpu.vector_store %arg9[%parallel_loop3A_318, %parallel_loop3A_319], %parallel_loop3A_315 {strides = array<i32>} : memref<1664x16xf32, #tpu.memory_space<vmem>>, vector<16xf32>,
        %parallel_loop3A_321 = arith.constant 1 : i32
        %parallel_loop3A_322 = vector.broadcast %parallel_loop3A_321 : i32 to vector<16xi32>
        %parallel_loop3A_323 = arith.addi %parallel_loop3A_306, %parallel_loop3A_322 : vector<16xi32>
        %parallel_loop3A_324 = tpu.vector_load_idx %arg8[%add3A_293, %iota3A, %parallel_loop3A_323] : memref<13x16x129xf32, #tpu.memory_space<vmem>>[vector<16xi32>, vector<16xi32>, vector<16xi32>], vector<16xf32>,
        %parallel_loop3A_325 = arith.constant 1 : i32
        %parallel_loop3A_326 = arith.addi %parallel_loop3A_311, %parallel_loop3A_325 : i32
        %parallel_loop3A_327 = arith.index_cast %parallel_loop3A_326 : i32 to index
        %parallel_loop3A_328 = arith.constant 0 : index
        %parallel_loop3A_329 = tpu.vector_load %arg9[%parallel_loop3A_327, %parallel_loop3A_328] {strides = array<i32>} : memref<1664x16xf32, #tpu.memory_space<vmem>>, vector<16xf32>,
        tpu.vector_store %arg9[%parallel_loop3A_327, %parallel_loop3A_328], %parallel_loop3A_324 {strides = array<i32>} : memref<1664x16xf32, #tpu.memory_space<vmem>>, vector<16xf32>,
        %parallel_loop3A_330 = arith.constant 2 : i32
        %parallel_loop3A_331 = vector.broadcast %parallel_loop3A_330 : i32 to vector<16xi32>
        %parallel_loop3A_332 = arith.addi %parallel_loop3A_306, %parallel_loop3A_331 : vector<16xi32>
        %parallel_loop3A_333 = tpu.vector_load_idx %arg8[%add3A_293, %iota3A, %parallel_loop3A_332] : memref<13x16x129xf32, #tpu.memory_space<vmem>>[vector<16xi32>, vector<16xi32>, vector<16xi32>], vector<16xf32>,
        %parallel_loop3A_334 = arith.constant 2 : i32
        %parallel_loop3A_335 = arith.addi %parallel_loop3A_311, %parallel_loop3A_334 : i32
        %parallel_loop3A_336 = arith.index_cast %parallel_loop3A_335 : i32 to index
        %parallel_loop3A_337 = arith.constant 0 : index
        %parallel_loop3A_338 = tpu.vector_load %arg9[%parallel_loop3A_336, %parallel_loop3A_337] {strides = array<i32>} : memref<1664x16xf32, #tpu.memory_space<vmem>>, vector<16xf32>,
        tpu.vector_store %arg9[%parallel_loop3A_336, %parallel_loop3A_337], %parallel_loop3A_333 {strides = array<i32>} : memref<1664x16xf32, #tpu.memory_space<vmem>>, vector<16xf32>,
        %parallel_loop3A_339 = arith.constant 3 : i32
        %parallel_loop3A_340 = vector.broadcast %parallel_loop3A_339 : i32 to vector<16xi32>
        %parallel_loop3A_341 = arith.addi %parallel_loop3A_306, %parallel_loop3A_340 : vector<16xi32>
        %parallel_loop3A_342 = tpu.vector_load_idx %arg8[%add3A_293, %iota3A, %parallel_loop3A_341] : memref<13x16x129xf32, #tpu.memory_space<vmem>>[vector<16xi32>, vector<16xi32>, vector<16xi32>], vector<16xf32>,
        %parallel_loop3A_343 = arith.constant 3 : i32
        %parallel_loop3A_344 = arith.addi %parallel_loop3A_311, %parallel_loop3A_343 : i32
        %parallel_loop3A_345 = arith.index_cast %parallel_loop3A_344 : i32 to index
        %parallel_loop3A_346 = arith.constant 0 : index
        %parallel_loop3A_347 = tpu.vector_load %arg9[%parallel_loop3A_345, %parallel_loop3A_346] {strides = array<i32>} : memref<1664x16xf32, #tpu.memory_space<vmem>>, vector<16xf32>,
        tpu.vector_store %arg9[%parallel_loop3A_345, %parallel_loop3A_346], %parallel_loop3A_342 {strides = array<i32>} : memref<1664x16xf32, #tpu.memory_space<vmem>>, vector<16xf32>,
        %parallel_loop3A_348 = arith.constant 4 : i32
        %parallel_loop3A_349 = vector.broadcast %parallel_loop3A_348 : i32 to vector<16xi32>
        %parallel_loop3A_350 = arith.addi %parallel_loop3A_306, %parallel_loop3A_349 : vector<16xi32>
        %parallel_loop3A_351 = tpu.vector_load_idx %arg8[%add3A_293, %iota3A, %parallel_loop3A_350] : memref<13x16x129xf32, #tpu.memory_space<vmem>>[vector<16xi32>, vector<16xi32>, vector<16xi32>], vector<16xf32>,
        %parallel_loop3A_352 = arith.constant 4 : i32
        %parallel_loop3A_353 = arith.addi %parallel_loop3A_311, %parallel_loop3A_352 : i32
        %parallel_loop3A_354 = arith.index_cast %parallel_loop3A_353 : i32 to index
        %parallel_loop3A_355 = arith.constant 0 : index
        %parallel_loop3A_356 = tpu.vector_load %arg9[%parallel_loop3A_354, %parallel_loop3A_355] {strides = array<i32>} : memref<1664x16xf32, #tpu.memory_space<vmem>>, vector<16xf32>,
        tpu.vector_store %arg9[%parallel_loop3A_354, %parallel_loop3A_355], %parallel_loop3A_351 {strides = array<i32>} : memref<1664x16xf32, #tpu.memory_space<vmem>>, vector<16xf32>,
        %parallel_loop3A_357 = arith.constant 5 : i32
        %parallel_loop3A_358 = vector.broadcast %parallel_loop3A_357 : i32 to vector<16xi32>
        %parallel_loop3A_359 = arith.addi %parallel_loop3A_306, %parallel_loop3A_358 : vector<16xi32>
        %parallel_loop3A_360 = tpu.vector_load_idx %arg8[%add3A_293, %iota3A, %parallel_loop3A_359] : memref<13x16x129xf32, #tpu.memory_space<vmem>>[vector<16xi32>, vector<16xi32>, vector<16xi32>], vector<16xf32>,
        %parallel_loop3A_361 = arith.constant 5 : i32
        %parallel_loop3A_362 = arith.addi %parallel_loop3A_311, %parallel_loop3A_361 : i32
        %parallel_loop3A_363 = arith.index_cast %parallel_loop3A_362 : i32 to index
        %parallel_loop3A_364 = arith.constant 0 : index
        %parallel_loop3A_365 = tpu.vector_load %arg9[%parallel_loop3A_363, %parallel_loop3A_364] {strides = array<i32>} : memref<1664x16xf32, #tpu.memory_space<vmem>>, vector<16xf32>,
        tpu.vector_store %arg9[%parallel_loop3A_363, %parallel_loop3A_364], %parallel_loop3A_360 {strides = array<i32>} : memref<1664x16xf32, #tpu.memory_space<vmem>>, vector<16xf32>,
        %parallel_loop3A_366 = arith.constant 6 : i32
        %parallel_loop3A_367 = vector.broadcast %parallel_loop3A_366 : i32 to vector<16xi32>
        %parallel_loop3A_368 = arith.addi %parallel_loop3A_306, %parallel_loop3A_367 : vector<16xi32>
        %parallel_loop3A_369 = tpu.vector_load_idx %arg8[%add3A_293, %iota3A, %parallel_loop3A_368] : memref<13x16x129xf32, #tpu.memory_space<vmem>>[vector<16xi32>, vector<16xi32>, vector<16xi32>], vector<16xf32>,
        %parallel_loop3A_370 = arith.constant 6 : i32
        %parallel_loop3A_371 = arith.addi %parallel_loop3A_311, %parallel_loop3A_370 : i32
        %parallel_loop3A_372 = arith.index_cast %parallel_loop3A_371 : i32 to index
        %parallel_loop3A_373 = arith.constant 0 : index
        %parallel_loop3A_374 = tpu.vector_load %arg9[%parallel_loop3A_372, %parallel_loop3A_373] {strides = array<i32>} : memref<1664x16xf32, #tpu.memory_space<vmem>>, vector<16xf32>,
        tpu.vector_store %arg9[%parallel_loop3A_372, %parallel_loop3A_373], %parallel_loop3A_369 {strides = array<i32>} : memref<1664x16xf32, #tpu.memory_space<vmem>>, vector<16xf32>,
        %parallel_loop3A_375 = arith.constant 7 : i32
        %parallel_loop3A_376 = vector.broadcast %parallel_loop3A_375 : i32 to vector<16xi32>
        %parallel_loop3A_377 = arith.addi %parallel_loop3A_306, %parallel_loop3A_376 : vector<16xi32>
        %parallel_loop3A_378 = tpu.vector_load_idx %arg8[%add3A_293, %iota3A, %parallel_loop3A_377] : memref<13x16x129xf32, #tpu.memory_space<vmem>>[vector<16xi32>, vector<16xi32>, vector<16xi32>], vector<16xf32>,
        %parallel_loop3A_379 = arith.constant 7 : i32
        %parallel_loop3A_380 = arith.addi %parallel_loop3A_311, %parallel_loop3A_379 : i32
        %parallel_loop3A_381 = arith.index_cast %parallel_loop3A_380 : i32 to index
        %parallel_loop3A_382 = arith.constant 0 : index
        %parallel_loop3A_383 = tpu.vector_load %arg9[%parallel_loop3A_381, %parallel_loop3A_382] {strides = array<i32>} : memref<1664x16xf32, #tpu.memory_space<vmem>>, vector<16xf32>,
        tpu.vector_store %arg9[%parallel_loop3A_381, %parallel_loop3A_382], %parallel_loop3A_378 {strides = array<i32>} : memref<1664x16xf32, #tpu.memory_space<vmem>>, vector<16xf32>,
        %parallel_loop3A_384 = arith.constant 8 : i32
        %parallel_loop3A_385 = vector.broadcast %parallel_loop3A_384 : i32 to vector<16xi32>
        %parallel_loop3A_386 = arith.addi %parallel_loop3A_306, %parallel_loop3A_385 : vector<16xi32>
        %parallel_loop3A_387 = tpu.vector_load_idx %arg8[%add3A_293, %iota3A, %parallel_loop3A_386] : memref<13x16x129xf32, #tpu.memory_space<vmem>>[vector<16xi32>, vector<16xi32>, vector<16xi32>], vector<16xf32>,
        %parallel_loop3A_388 = arith.constant 8 : i32
        %parallel_loop3A_389 = arith.addi %parallel_loop3A_311, %parallel_loop3A_388 : i32
        %parallel_loop3A_390 = arith.index_cast %parallel_loop3A_389 : i32 to index
        %parallel_loop3A_391 = arith.constant 0 : index
        %parallel_loop3A_392 = tpu.vector_load %arg9[%parallel_loop3A_390, %parallel_loop3A_391] {strides = array<i32>} : memref<1664x16xf32, #tpu.memory_space<vmem>>, vector<16xf32>,
        tpu.vector_store %arg9[%parallel_loop3A_390, %parallel_loop3A_391], %parallel_loop3A_387 {strides = array<i32>} : memref<1664x16xf32, #tpu.memory_space<vmem>>, vector<16xf32>,
        %parallel_loop3A_393 = arith.constant 9 : i32
        %parallel_loop3A_394 = vector.broadcast %parallel_loop3A_393 : i32 to vector<16xi32>
        %parallel_loop3A_395 = arith.addi %parallel_loop3A_306, %parallel_loop3A_394 : vector<16xi32>
        %parallel_loop3A_396 = tpu.vector_load_idx %arg8[%add3A_293, %iota3A, %parallel_loop3A_395] : memref<13x16x129xf32, #tpu.memory_space<vmem>>[vector<16xi32>, vector<16xi32>, vector<16xi32>], vector<16xf32>,
        %parallel_loop3A_397 = arith.constant 9 : i32
        %parallel_loop3A_398 = arith.addi %parallel_loop3A_311, %parallel_loop3A_397 : i32
        %parallel_loop3A_399 = arith.index_cast %parallel_loop3A_398 : i32 to index
        %parallel_loop3A_400 = arith.constant 0 : index
        %parallel_loop3A_401 = tpu.vector_load %arg9[%parallel_loop3A_399, %parallel_loop3A_400] {strides = array<i32>} : memref<1664x16xf32, #tpu.memory_space<vmem>>, vector<16xf32>,
        tpu.vector_store %arg9[%parallel_loop3A_399, %parallel_loop3A_400], %parallel_loop3A_396 {strides = array<i32>} : memref<1664x16xf32, #tpu.memory_space<vmem>>, vector<16xf32>,
        %parallel_loop3A_402 = arith.constant 10 : i32
        %parallel_loop3A_403 = vector.broadcast %parallel_loop3A_402 : i32 to vector<16xi32>
        %parallel_loop3A_404 = arith.addi %parallel_loop3A_306, %parallel_loop3A_403 : vector<16xi32>
        %parallel_loop3A_405 = tpu.vector_load_idx %arg8[%add3A_293, %iota3A, %parallel_loop3A_404] : memref<13x16x129xf32, #tpu.memory_space<vmem>>[vector<16xi32>, vector<16xi32>, vector<16xi32>], vector<16xf32>,
        %parallel_loop3A_406 = arith.constant 10 : i32
        %parallel_loop3A_407 = arith.addi %parallel_loop3A_311, %parallel_loop3A_406 : i32
        %parallel_loop3A_408 = arith.index_cast %parallel_loop3A_407 : i32 to index
        %parallel_loop3A_409 = arith.constant 0 : index
        %parallel_loop3A_410 = tpu.vector_load %arg9[%parallel_loop3A_408, %parallel_loop3A_409] {strides = array<i32>} : memref<1664x16xf32, #tpu.memory_space<vmem>>, vector<16xf32>,
        tpu.vector_store %arg9[%parallel_loop3A_408, %parallel_loop3A_409], %parallel_loop3A_405 {strides = array<i32>} : memref<1664x16xf32, #tpu.memory_space<vmem>>, vector<16xf32>,
        %parallel_loop3A_411 = arith.constant 11 : i32
        %parallel_loop3A_412 = vector.broadcast %parallel_loop3A_411 : i32 to vector<16xi32>
        %parallel_loop3A_413 = arith.addi %parallel_loop3A_306, %parallel_loop3A_412 : vector<16xi32>
        %parallel_loop3A_414 = tpu.vector_load_idx %arg8[%add3A_293, %iota3A, %parallel_loop3A_413] : memref<13x16x129xf32, #tpu.memory_space<vmem>>[vector<16xi32>, vector<16xi32>, vector<16xi32>], vector<16xf32>,
        %parallel_loop3A_415 = arith.constant 11 : i32
        %parallel_loop3A_416 = arith.addi %parallel_loop3A_311, %parallel_loop3A_415 : i32
        %parallel_loop3A_417 = arith.index_cast %parallel_loop3A_416 : i32 to index
        %parallel_loop3A_418 = arith.constant 0 : index
        %parallel_loop3A_419 = tpu.vector_load %arg9[%parallel_loop3A_417, %parallel_loop3A_418] {strides = array<i32>} : memref<1664x16xf32, #tpu.memory_space<vmem>>, vector<16xf32>,
        tpu.vector_store %arg9[%parallel_loop3A_417, %parallel_loop3A_418], %parallel_loop3A_414 {strides = array<i32>} : memref<1664x16xf32, #tpu.memory_space<vmem>>, vector<16xf32>,
        %parallel_loop3A_420 = arith.constant 12 : i32
        %parallel_loop3A_421 = vector.broadcast %parallel_loop3A_420 : i32 to vector<16xi32>
        %parallel_loop3A_422 = arith.addi %parallel_loop3A_306, %parallel_loop3A_421 : vector<16xi32>
        %parallel_loop3A_423 = tpu.vector_load_idx %arg8[%add3A_293, %iota3A, %parallel_loop3A_422] : memref<13x16x129xf32, #tpu.memory_space<vmem>>[vector<16xi32>, vector<16xi32>, vector<16xi32>], vector<16xf32>,
        %parallel_loop3A_424 = arith.constant 12 : i32
        %parallel_loop3A_425 = arith.addi %parallel_loop3A_311, %parallel_loop3A_424 : i32
        %parallel_loop3A_426 = arith.index_cast %parallel_loop3A_425 : i32 to index
        %parallel_loop3A_427 = arith.constant 0 : index
        %parallel_loop3A_428 = tpu.vector_load %arg9[%parallel_loop3A_426, %parallel_loop3A_427] {strides = array<i32>} : memref<1664x16xf32, #tpu.memory_space<vmem>>, vector<16xf32>,
        tpu.vector_store %arg9[%parallel_loop3A_426, %parallel_loop3A_427], %parallel_loop3A_423 {strides = array<i32>} : memref<1664x16xf32, #tpu.memory_space<vmem>>, vector<16xf32>,
        %parallel_loop3A_429 = arith.constant 13 : i32
        %parallel_loop3A_430 = vector.broadcast %parallel_loop3A_429 : i32 to vector<16xi32>
        %parallel_loop3A_431 = arith.addi %parallel_loop3A_306, %parallel_loop3A_430 : vector<16xi32>
        %parallel_loop3A_432 = tpu.vector_load_idx %arg8[%add3A_293, %iota3A, %parallel_loop3A_431] : memref<13x16x129xf32, #tpu.memory_space<vmem>>[vector<16xi32>, vector<16xi32>, vector<16xi32>], vector<16xf32>,
        %parallel_loop3A_433 = arith.constant 13 : i32
        %parallel_loop3A_434 = arith.addi %parallel_loop3A_311, %parallel_loop3A_433 : i32
        %parallel_loop3A_435 = arith.index_cast %parallel_loop3A_434 : i32 to index
        %parallel_loop3A_436 = arith.constant 0 : index
        %parallel_loop3A_437 = tpu.vector_load %arg9[%parallel_loop3A_435, %parallel_loop3A_436] {strides = array<i32>} : memref<1664x16xf32, #tpu.memory_space<vmem>>, vector<16xf32>,
        tpu.vector_store %arg9[%parallel_loop3A_435, %parallel_loop3A_436], %parallel_loop3A_432 {strides = array<i32>} : memref<1664x16xf32, #tpu.memory_space<vmem>>, vector<16xf32>,
        %parallel_loop3A_438 = arith.constant 14 : i32
        %parallel_loop3A_439 = vector.broadcast %parallel_loop3A_438 : i32 to vector<16xi32>
        %parallel_loop3A_440 = arith.addi %parallel_loop3A_306, %parallel_loop3A_439 : vector<16xi32>
        %parallel_loop3A_441 = tpu.vector_load_idx %arg8[%add3A_293, %iota3A, %parallel_loop3A_440] : memref<13x16x129xf32, #tpu.memory_space<vmem>>[vector<16xi32>, vector<16xi32>, vector<16xi32>], vector<16xf32>,
        %parallel_loop3A_442 = arith.constant 14 : i32
        %parallel_loop3A_443 = arith.addi %parallel_loop3A_311, %parallel_loop3A_442 : i32
        %parallel_loop3A_444 = arith.index_cast %parallel_loop3A_443 : i32 to index
        %parallel_loop3A_445 = arith.constant 0 : index
        %parallel_loop3A_446 = tpu.vector_load %arg9[%parallel_loop3A_444, %parallel_loop3A_445] {strides = array<i32>} : memref<1664x16xf32, #tpu.memory_space<vmem>>, vector<16xf32>,
        tpu.vector_store %arg9[%parallel_loop3A_444, %parallel_loop3A_445], %parallel_loop3A_441 {strides = array<i32>} : memref<1664x16xf32, #tpu.memory_space<vmem>>, vector<16xf32>,
        %parallel_loop3A_447 = arith.constant 15 : i32
        %parallel_loop3A_448 = vector.broadcast %parallel_loop3A_447 : i32 to vector<16xi32>
        %parallel_loop3A_449 = arith.addi %parallel_loop3A_306, %parallel_loop3A_448 : vector<16xi32>
        %parallel_loop3A_450 = tpu.vector_load_idx %arg8[%add3A_293, %iota3A, %parallel_loop3A_449] : memref<13x16x129xf32, #tpu.memory_space<vmem>>[vector<16xi32>, vector<16xi32>, vector<16xi32>], vector<16xf32>,
        %parallel_loop3A_451 = arith.constant 15 : i32
        %parallel_loop3A_452 = arith.addi %parallel_loop3A_311, %parallel_loop3A_451 : i32
        %parallel_loop3A_453 = arith.index_cast %parallel_loop3A_452 : i32 to index
        %parallel_loop3A_454 = arith.constant 0 : index
        %parallel_loop3A_455 = tpu.vector_load %arg9[%parallel_loop3A_453, %parallel_loop3A_454] {strides = array<i32>} : memref<1664x16xf32, #tpu.memory_space<vmem>>, vector<16xf32>,
        tpu.vector_store %arg9[%parallel_loop3A_453, %parallel_loop3A_454], %parallel_loop3A_450 {strides = array<i32>} : memref<1664x16xf32, #tpu.memory_space<vmem>>, vector<16xf32>,
      } {sc.loop_unroll_factor = 4 : i64, sc.parallel_access}
      %mul3A_296 = arith.constant 128 : i32
      %mul3A_297 = arith.muli %add3A_291, %mul3A_296 : i32
      %add3A_298 = arith.constant 1664 : i32
      %add3A_299 = arith.addi %add3A_298, %mul3A_297 : i32
      %mul3A_300 = arith.constant 128 : i32
      %mul3A_301 = arith.muli %add3A_291, %mul3A_300 : i32
      "tpu.region"() ({
        %run_scoped3A = tpu.sem_alloc : memref<!tpu.dma_semaphore, #tpu.memory_space<semaphore_mem>>
        %dma_start3A_302 = arith.constant 0 : i32
        %dma_start3A_303 = tpu.memref_slice %arg9[%mul3A_301, %dma_start3A_302] : memref<1664x16xf32, #tpu.memory_space<vmem>> -> memref<128x16xf32, #tpu.memory_space<vmem>>
        %dma_start3A_304 = tpu.memref_slice %arg6[%add3A_299] : memref<10496xi32, #tpu.memory_space<vmem>> -> memref<128xi32, #tpu.memory_space<vmem>>
        %dma_start3A_305 = arith.constant 0 : i32
        %dma_start3A_306 = arith.constant 0 : i32
        %dma_start3A_307 = tpu.memref_slice %arg11[%dma_start3A_305, %dma_start3A_306] : memref<10000x16xf32, #tpu.memory_space<vmem_shared>> -> memref<10000x16xf32, #tpu.memory_space<vmem_shared>>
        tpu.enqueue_indirect_dma source(%dma_start3A_303 : memref<128x16xf32, #tpu.memory_space<vmem>>) target(%dma_start3A_307 : memref<10000x16xf32, #tpu.memory_space<vmem_shared>>) offsets(%dma_start3A_304 : memref<128xi32, #tpu.memory_space<vmem>>) semaphore(%run_scoped3A : memref<!tpu.dma_semaphore, #tpu.memory_space<semaphore_mem>>) {add = true}
        %dma_wait3A_308 = arith.constant 0 : i32
        %dma_wait3A_309 = tpu.memref_slice %arg9[%mul3A_301, %dma_wait3A_308] : memref<1664x16xf32, #tpu.memory_space<vmem>> -> memref<128x16xf32, #tpu.memory_space<vmem>>
        %dma_wait3A_310 = tpu.memref_slice %arg6[%add3A_299] : memref<10496xi32, #tpu.memory_space<vmem>> -> memref<128xi32, #tpu.memory_space<vmem>>
        %dma_wait3A_311 = arith.constant 0 : i32
        %dma_wait3A_312 = arith.constant 0 : i32
        %dma_wait3A_313 = tpu.memref_slice %arg11[%dma_wait3A_311, %dma_wait3A_312] : memref<10000x16xf32, #tpu.memory_space<vmem_shared>> -> memref<10000x16xf32, #tpu.memory_space<vmem_shared>>
        tpu.wait_indirect_dma semaphore(%run_scoped3A : memref<!tpu.dma_semaphore, #tpu.memory_space<semaphore_mem>>) src(%dma_wait3A_309 : memref<128x16xf32, #tpu.memory_space<vmem>>) dst(%dma_wait3A_313 : memref<10000x16xf32, #tpu.memory_space<vmem_shared>>)
        tpu.yield
      }) : () -> ()
      "tpu.region"() ({
        %run_scoped3A = tpu.sem_alloc : memref<!tpu.dma_semaphore, #tpu.memory_space<semaphore_mem>>
        %dma_start3A_302 = tpu.memref_slice %arg6[%add3A_299] : memref<10496xi32, #tpu.memory_space<vmem>> -> memref<128xi32, #tpu.memory_space<vmem>>
        %dma_start3A_303 = arith.constant 0 : i32
        %dma_start3A_304 = arith.constant 0 : i32
        %dma_start3A_305 = tpu.memref_slice %arg12[%dma_start3A_303, %dma_start3A_304] : memref<10000x16xf32, #tpu.memory_space<vmem_shared>> -> memref<10000x16xf32, #tpu.memory_space<vmem_shared>>
        tpu.enqueue_indirect_dma source(%arg10 : memref<128x16xf32, #tpu.memory_space<vmem>>) target(%dma_start3A_305 : memref<10000x16xf32, #tpu.memory_space<vmem_shared>>) offsets(%dma_start3A_302 : memref<128xi32, #tpu.memory_space<vmem>>) semaphore(%run_scoped3A : memref<!tpu.dma_semaphore, #tpu.memory_space<semaphore_mem>>) {add = true}
        %dma_wait3A_306 = tpu.memref_slice %arg6[%add3A_299] : memref<10496xi32, #tpu.memory_space<vmem>> -> memref<128xi32, #tpu.memory_space<vmem>>
        %dma_wait3A_307 = arith.constant 0 : i32
        %dma_wait3A_308 = arith.constant 0 : i32
        %dma_wait3A_309 = tpu.memref_slice %arg12[%dma_wait3A_307, %dma_wait3A_308] : memref<10000x16xf32, #tpu.memory_space<vmem_shared>> -> memref<10000x16xf32, #tpu.memory_space<vmem_shared>>
        tpu.wait_indirect_dma semaphore(%run_scoped3A : memref<!tpu.dma_semaphore, #tpu.memory_space<semaphore_mem>>) src(%arg10 : memref<128x16xf32, #tpu.memory_space<vmem>>) dst(%dma_wait3A_309 : memref<10000x16xf32, #tpu.memory_space<vmem_shared>>)
        tpu.yield
      }) : () -> ()
    }
    %scan3A_134 = arith.constant 13 : i32
    %add3A_135 = arith.constant 39 : i32
    %add3A_136 = arith.addi %mul3A_2, %add3A_135 : i32
    %dma_start3A_137 = arith.constant 0 : i32
    %dma_start3A_138 = arith.constant 0 : i32
    %dma_start3A_139 = arith.constant 0 : i32
    %dma_start3A_140 = tpu.memref_slice %arg8[%dma_start3A_137, %dma_start3A_138, %dma_start3A_139] : memref<13x16x129xf32, #tpu.memory_space<vmem>> -> memref<13x16x128xf32, #tpu.memory_space<vmem>>
    %dma_start3A_141 = arith.constant 0 : i32
    %dma_start3A_142 = arith.constant 0 : i32
    %dma_start3A_143 = tpu.memref_slice %arg3[%add3A_136, %dma_start3A_141, %dma_start3A_142] : memref<2500x16x128xf32, #tpu.memory_space<hbm>> -> memref<13x16x128xf32, #tpu.memory_space<hbm>>
    %dma_start3A_144 = arith.constant 0 : i32
    %dma_start3A_145 = arith.constant 0 : i32
    %dma_start3A_146 = arith.constant 0 : i32
    %dma_start3A_147 = tpu.memref_slice %arg8[%dma_start3A_144, %dma_start3A_145, %dma_start3A_146] : memref<13x16x129xf32, #tpu.memory_space<vmem>> -> memref<13x16x128xf32, #tpu.memory_space<vmem>>
    %dma_start3A_148 = arith.constant 0 : i32
    %dma_start3A_149 = arith.constant 0 : i32
    %dma_start3A_150 = tpu.memref_slice %arg3[%add3A_136, %dma_start3A_148, %dma_start3A_149] : memref<2500x16x128xf32, #tpu.memory_space<hbm>> -> memref<13x16x128xf32, #tpu.memory_space<hbm>>
    tpu.enqueue_dma source(%dma_start3A_150 : memref<13x16x128xf32, #tpu.memory_space<hbm>>) target(%dma_start3A_147 : memref<13x16x128xf32, #tpu.memory_space<vmem>>) target_semaphore(%arg15 : memref<!tpu.dma_semaphore, #tpu.memory_space<semaphore_mem>>)
    %dma_wait3A_151 = arith.constant 0 : i32
    %dma_wait3A_152 = arith.constant 0 : i32
    %dma_wait3A_153 = arith.constant 0 : i32
    %dma_wait3A_154 = tpu.memref_slice %arg7[%dma_wait3A_151, %dma_wait3A_152, %dma_wait3A_153] : memref<13x16x129xf32, #tpu.memory_space<vmem>> -> memref<13x16x128xf32, #tpu.memory_space<vmem>>
    %dma_wait3A_155 = arith.constant 0 : i32
    %dma_wait3A_156 = arith.constant 0 : i32
    %dma_wait3A_157 = tpu.memref_slice %arg3[%add3A_98, %dma_wait3A_155, %dma_wait3A_156] : memref<2500x16x128xf32, #tpu.memory_space<hbm>> -> memref<13x16x128xf32, #tpu.memory_space<hbm>>
    %dma_wait3A_158 = arith.constant 0 : i32
    %dma_wait3A_159 = arith.constant 0 : i32
    %dma_wait3A_160 = arith.constant 0 : i32
    %dma_wait3A_161 = tpu.memref_slice %arg7[%dma_wait3A_158, %dma_wait3A_159, %dma_wait3A_160] : memref<13x16x129xf32, #tpu.memory_space<vmem>> -> memref<13x16x128xf32, #tpu.memory_space<vmem>>
    %dma_wait3A_162 = arith.constant 0 : i32
    %dma_wait3A_163 = arith.constant 0 : i32
    %dma_wait3A_164 = tpu.memref_slice %arg3[%add3A_98, %dma_wait3A_162, %dma_wait3A_163] : memref<2500x16x128xf32, #tpu.memory_space<hbm>> -> memref<13x16x128xf32, #tpu.memory_space<hbm>>
    tpu.wait_dma2 semaphore(%arg14 : memref<!tpu.dma_semaphore, #tpu.memory_space<semaphore_mem>>) src(%dma_wait3A_164 : memref<13x16x128xf32, #tpu.memory_space<hbm>>) dst(%dma_wait3A_161 : memref<13x16x128xf32, #tpu.memory_space<vmem>>)
    %mul3A_165 = arith.constant 0 : i32
    %mul3A_166 = vector.broadcast %mul3A_165 : i32 to vector<16xi32>
    %mul3A_167 = arith.muli %iota3A, %mul3A_166 : vector<16xi32>
    %scan3A_168 = arith.constant 0 : i32
    %scan3A_169 = arith.constant 13 : i32
    %scan3A_170 = arith.addi %scan3A_168, %scan3A_169 : i32
    %scan3A_171 = arith.constant 1 : i32
    scf.for %scan3A_287 = %scan3A_168 to %scan3A_170 step %scan3A_171  : i32 {
      %mul3A_288 = arith.constant 1 : i32
      %mul3A_289 = arith.muli %scan3A_287, %mul3A_288 : i32
      %add3A_290 = arith.constant 0 : i32
      %add3A_291 = arith.addi %add3A_290, %mul3A_289 : i32
      %add3A_292 = vector.broadcast %add3A_291 : i32 to vector<16xi32>
      %add3A_293 = arith.addi %mul3A_167, %add3A_292 : vector<16xi32>
      %parallel_loop3A = arith.constant 0 : i32
      %parallel_loop3A_294 = arith.constant 8 : i32
      %parallel_loop3A_295 = arith.constant 1 : i32
      scf.for %parallel_loop3A_302 = %parallel_loop3A to %parallel_loop3A_294 step %parallel_loop3A_295  : i32 {
        %parallel_loop3A_303 = arith.constant 16 : i32
        %parallel_loop3A_304 = arith.muli %parallel_loop3A_302, %parallel_loop3A_303 : i32
        %parallel_loop3A_305 = vector.broadcast %parallel_loop3A_304 : i32 to vector<16xi32>
        %parallel_loop3A_306 = arith.addi %mul3A_167, %parallel_loop3A_305 : vector<16xi32>
        %parallel_loop3A_307 = arith.constant 128 : i32
        %parallel_loop3A_308 = arith.muli %add3A_291, %parallel_loop3A_307 : i32
        %parallel_loop3A_309 = arith.constant 16 : i32
        %parallel_loop3A_310 = arith.muli %parallel_loop3A_302, %parallel_loop3A_309 : i32
        %parallel_loop3A_311 = arith.addi %parallel_loop3A_308, %parallel_loop3A_310 : i32
        %parallel_loop3A_312 = arith.constant 0 : i32
        %parallel_loop3A_313 = vector.broadcast %parallel_loop3A_312 : i32 to vector<16xi32>
        %parallel_loop3A_314 = arith.addi %parallel_loop3A_306, %parallel_loop3A_313 : vector<16xi32>
        %parallel_loop3A_315 = tpu.vector_load_idx %arg7[%add3A_293, %iota3A, %parallel_loop3A_314] : memref<13x16x129xf32, #tpu.memory_space<vmem>>[vector<16xi32>, vector<16xi32>, vector<16xi32>], vector<16xf32>,
        %parallel_loop3A_316 = arith.constant 0 : i32
        %parallel_loop3A_317 = arith.addi %parallel_loop3A_311, %parallel_loop3A_316 : i32
        %parallel_loop3A_318 = arith.index_cast %parallel_loop3A_317 : i32 to index
        %parallel_loop3A_319 = arith.constant 0 : index
        %parallel_loop3A_320 = tpu.vector_load %arg9[%parallel_loop3A_318, %parallel_loop3A_319] {strides = array<i32>} : memref<1664x16xf32, #tpu.memory_space<vmem>>, vector<16xf32>,
        tpu.vector_store %arg9[%parallel_loop3A_318, %parallel_loop3A_319], %parallel_loop3A_315 {strides = array<i32>} : memref<1664x16xf32, #tpu.memory_space<vmem>>, vector<16xf32>,
        %parallel_loop3A_321 = arith.constant 1 : i32
        %parallel_loop3A_322 = vector.broadcast %parallel_loop3A_321 : i32 to vector<16xi32>
        %parallel_loop3A_323 = arith.addi %parallel_loop3A_306, %parallel_loop3A_322 : vector<16xi32>
        %parallel_loop3A_324 = tpu.vector_load_idx %arg7[%add3A_293, %iota3A, %parallel_loop3A_323] : memref<13x16x129xf32, #tpu.memory_space<vmem>>[vector<16xi32>, vector<16xi32>, vector<16xi32>], vector<16xf32>,
        %parallel_loop3A_325 = arith.constant 1 : i32
        %parallel_loop3A_326 = arith.addi %parallel_loop3A_311, %parallel_loop3A_325 : i32
        %parallel_loop3A_327 = arith.index_cast %parallel_loop3A_326 : i32 to index
        %parallel_loop3A_328 = arith.constant 0 : index
        %parallel_loop3A_329 = tpu.vector_load %arg9[%parallel_loop3A_327, %parallel_loop3A_328] {strides = array<i32>} : memref<1664x16xf32, #tpu.memory_space<vmem>>, vector<16xf32>,
        tpu.vector_store %arg9[%parallel_loop3A_327, %parallel_loop3A_328], %parallel_loop3A_324 {strides = array<i32>} : memref<1664x16xf32, #tpu.memory_space<vmem>>, vector<16xf32>,
        %parallel_loop3A_330 = arith.constant 2 : i32
        %parallel_loop3A_331 = vector.broadcast %parallel_loop3A_330 : i32 to vector<16xi32>
        %parallel_loop3A_332 = arith.addi %parallel_loop3A_306, %parallel_loop3A_331 : vector<16xi32>
        %parallel_loop3A_333 = tpu.vector_load_idx %arg7[%add3A_293, %iota3A, %parallel_loop3A_332] : memref<13x16x129xf32, #tpu.memory_space<vmem>>[vector<16xi32>, vector<16xi32>, vector<16xi32>], vector<16xf32>,
        %parallel_loop3A_334 = arith.constant 2 : i32
        %parallel_loop3A_335 = arith.addi %parallel_loop3A_311, %parallel_loop3A_334 : i32
        %parallel_loop3A_336 = arith.index_cast %parallel_loop3A_335 : i32 to index
        %parallel_loop3A_337 = arith.constant 0 : index
        %parallel_loop3A_338 = tpu.vector_load %arg9[%parallel_loop3A_336, %parallel_loop3A_337] {strides = array<i32>} : memref<1664x16xf32, #tpu.memory_space<vmem>>, vector<16xf32>,
        tpu.vector_store %arg9[%parallel_loop3A_336, %parallel_loop3A_337], %parallel_loop3A_333 {strides = array<i32>} : memref<1664x16xf32, #tpu.memory_space<vmem>>, vector<16xf32>,
        %parallel_loop3A_339 = arith.constant 3 : i32
        %parallel_loop3A_340 = vector.broadcast %parallel_loop3A_339 : i32 to vector<16xi32>
        %parallel_loop3A_341 = arith.addi %parallel_loop3A_306, %parallel_loop3A_340 : vector<16xi32>
        %parallel_loop3A_342 = tpu.vector_load_idx %arg7[%add3A_293, %iota3A, %parallel_loop3A_341] : memref<13x16x129xf32, #tpu.memory_space<vmem>>[vector<16xi32>, vector<16xi32>, vector<16xi32>], vector<16xf32>,
        %parallel_loop3A_343 = arith.constant 3 : i32
        %parallel_loop3A_344 = arith.addi %parallel_loop3A_311, %parallel_loop3A_343 : i32
        %parallel_loop3A_345 = arith.index_cast %parallel_loop3A_344 : i32 to index
        %parallel_loop3A_346 = arith.constant 0 : index
        %parallel_loop3A_347 = tpu.vector_load %arg9[%parallel_loop3A_345, %parallel_loop3A_346] {strides = array<i32>} : memref<1664x16xf32, #tpu.memory_space<vmem>>, vector<16xf32>,
        tpu.vector_store %arg9[%parallel_loop3A_345, %parallel_loop3A_346], %parallel_loop3A_342 {strides = array<i32>} : memref<1664x16xf32, #tpu.memory_space<vmem>>, vector<16xf32>,
        %parallel_loop3A_348 = arith.constant 4 : i32
        %parallel_loop3A_349 = vector.broadcast %parallel_loop3A_348 : i32 to vector<16xi32>
        %parallel_loop3A_350 = arith.addi %parallel_loop3A_306, %parallel_loop3A_349 : vector<16xi32>
        %parallel_loop3A_351 = tpu.vector_load_idx %arg7[%add3A_293, %iota3A, %parallel_loop3A_350] : memref<13x16x129xf32, #tpu.memory_space<vmem>>[vector<16xi32>, vector<16xi32>, vector<16xi32>], vector<16xf32>,
        %parallel_loop3A_352 = arith.constant 4 : i32
        %parallel_loop3A_353 = arith.addi %parallel_loop3A_311, %parallel_loop3A_352 : i32
        %parallel_loop3A_354 = arith.index_cast %parallel_loop3A_353 : i32 to index
        %parallel_loop3A_355 = arith.constant 0 : index
        %parallel_loop3A_356 = tpu.vector_load %arg9[%parallel_loop3A_354, %parallel_loop3A_355] {strides = array<i32>} : memref<1664x16xf32, #tpu.memory_space<vmem>>, vector<16xf32>,
        tpu.vector_store %arg9[%parallel_loop3A_354, %parallel_loop3A_355], %parallel_loop3A_351 {strides = array<i32>} : memref<1664x16xf32, #tpu.memory_space<vmem>>, vector<16xf32>,
        %parallel_loop3A_357 = arith.constant 5 : i32
        %parallel_loop3A_358 = vector.broadcast %parallel_loop3A_357 : i32 to vector<16xi32>
        %parallel_loop3A_359 = arith.addi %parallel_loop3A_306, %parallel_loop3A_358 : vector<16xi32>
        %parallel_loop3A_360 = tpu.vector_load_idx %arg7[%add3A_293, %iota3A, %parallel_loop3A_359] : memref<13x16x129xf32, #tpu.memory_space<vmem>>[vector<16xi32>, vector<16xi32>, vector<16xi32>], vector<16xf32>,
        %parallel_loop3A_361 = arith.constant 5 : i32
        %parallel_loop3A_362 = arith.addi %parallel_loop3A_311, %parallel_loop3A_361 : i32
        %parallel_loop3A_363 = arith.index_cast %parallel_loop3A_362 : i32 to index
        %parallel_loop3A_364 = arith.constant 0 : index
        %parallel_loop3A_365 = tpu.vector_load %arg9[%parallel_loop3A_363, %parallel_loop3A_364] {strides = array<i32>} : memref<1664x16xf32, #tpu.memory_space<vmem>>, vector<16xf32>,
        tpu.vector_store %arg9[%parallel_loop3A_363, %parallel_loop3A_364], %parallel_loop3A_360 {strides = array<i32>} : memref<1664x16xf32, #tpu.memory_space<vmem>>, vector<16xf32>,
        %parallel_loop3A_366 = arith.constant 6 : i32
        %parallel_loop3A_367 = vector.broadcast %parallel_loop3A_366 : i32 to vector<16xi32>
        %parallel_loop3A_368 = arith.addi %parallel_loop3A_306, %parallel_loop3A_367 : vector<16xi32>
        %parallel_loop3A_369 = tpu.vector_load_idx %arg7[%add3A_293, %iota3A, %parallel_loop3A_368] : memref<13x16x129xf32, #tpu.memory_space<vmem>>[vector<16xi32>, vector<16xi32>, vector<16xi32>], vector<16xf32>,
        %parallel_loop3A_370 = arith.constant 6 : i32
        %parallel_loop3A_371 = arith.addi %parallel_loop3A_311, %parallel_loop3A_370 : i32
        %parallel_loop3A_372 = arith.index_cast %parallel_loop3A_371 : i32 to index
        %parallel_loop3A_373 = arith.constant 0 : index
        %parallel_loop3A_374 = tpu.vector_load %arg9[%parallel_loop3A_372, %parallel_loop3A_373] {strides = array<i32>} : memref<1664x16xf32, #tpu.memory_space<vmem>>, vector<16xf32>,
        tpu.vector_store %arg9[%parallel_loop3A_372, %parallel_loop3A_373], %parallel_loop3A_369 {strides = array<i32>} : memref<1664x16xf32, #tpu.memory_space<vmem>>, vector<16xf32>,
        %parallel_loop3A_375 = arith.constant 7 : i32
        %parallel_loop3A_376 = vector.broadcast %parallel_loop3A_375 : i32 to vector<16xi32>
        %parallel_loop3A_377 = arith.addi %parallel_loop3A_306, %parallel_loop3A_376 : vector<16xi32>
        %parallel_loop3A_378 = tpu.vector_load_idx %arg7[%add3A_293, %iota3A, %parallel_loop3A_377] : memref<13x16x129xf32, #tpu.memory_space<vmem>>[vector<16xi32>, vector<16xi32>, vector<16xi32>], vector<16xf32>,
        %parallel_loop3A_379 = arith.constant 7 : i32
        %parallel_loop3A_380 = arith.addi %parallel_loop3A_311, %parallel_loop3A_379 : i32
        %parallel_loop3A_381 = arith.index_cast %parallel_loop3A_380 : i32 to index
        %parallel_loop3A_382 = arith.constant 0 : index
        %parallel_loop3A_383 = tpu.vector_load %arg9[%parallel_loop3A_381, %parallel_loop3A_382] {strides = array<i32>} : memref<1664x16xf32, #tpu.memory_space<vmem>>, vector<16xf32>,
        tpu.vector_store %arg9[%parallel_loop3A_381, %parallel_loop3A_382], %parallel_loop3A_378 {strides = array<i32>} : memref<1664x16xf32, #tpu.memory_space<vmem>>, vector<16xf32>,
        %parallel_loop3A_384 = arith.constant 8 : i32
        %parallel_loop3A_385 = vector.broadcast %parallel_loop3A_384 : i32 to vector<16xi32>
        %parallel_loop3A_386 = arith.addi %parallel_loop3A_306, %parallel_loop3A_385 : vector<16xi32>
        %parallel_loop3A_387 = tpu.vector_load_idx %arg7[%add3A_293, %iota3A, %parallel_loop3A_386] : memref<13x16x129xf32, #tpu.memory_space<vmem>>[vector<16xi32>, vector<16xi32>, vector<16xi32>], vector<16xf32>,
        %parallel_loop3A_388 = arith.constant 8 : i32
        %parallel_loop3A_389 = arith.addi %parallel_loop3A_311, %parallel_loop3A_388 : i32
        %parallel_loop3A_390 = arith.index_cast %parallel_loop3A_389 : i32 to index
        %parallel_loop3A_391 = arith.constant 0 : index
        %parallel_loop3A_392 = tpu.vector_load %arg9[%parallel_loop3A_390, %parallel_loop3A_391] {strides = array<i32>} : memref<1664x16xf32, #tpu.memory_space<vmem>>, vector<16xf32>,
        tpu.vector_store %arg9[%parallel_loop3A_390, %parallel_loop3A_391], %parallel_loop3A_387 {strides = array<i32>} : memref<1664x16xf32, #tpu.memory_space<vmem>>, vector<16xf32>,
        %parallel_loop3A_393 = arith.constant 9 : i32
        %parallel_loop3A_394 = vector.broadcast %parallel_loop3A_393 : i32 to vector<16xi32>
        %parallel_loop3A_395 = arith.addi %parallel_loop3A_306, %parallel_loop3A_394 : vector<16xi32>
        %parallel_loop3A_396 = tpu.vector_load_idx %arg7[%add3A_293, %iota3A, %parallel_loop3A_395] : memref<13x16x129xf32, #tpu.memory_space<vmem>>[vector<16xi32>, vector<16xi32>, vector<16xi32>], vector<16xf32>,
        %parallel_loop3A_397 = arith.constant 9 : i32
        %parallel_loop3A_398 = arith.addi %parallel_loop3A_311, %parallel_loop3A_397 : i32
        %parallel_loop3A_399 = arith.index_cast %parallel_loop3A_398 : i32 to index
        %parallel_loop3A_400 = arith.constant 0 : index
        %parallel_loop3A_401 = tpu.vector_load %arg9[%parallel_loop3A_399, %parallel_loop3A_400] {strides = array<i32>} : memref<1664x16xf32, #tpu.memory_space<vmem>>, vector<16xf32>,
        tpu.vector_store %arg9[%parallel_loop3A_399, %parallel_loop3A_400], %parallel_loop3A_396 {strides = array<i32>} : memref<1664x16xf32, #tpu.memory_space<vmem>>, vector<16xf32>,
        %parallel_loop3A_402 = arith.constant 10 : i32
        %parallel_loop3A_403 = vector.broadcast %parallel_loop3A_402 : i32 to vector<16xi32>
        %parallel_loop3A_404 = arith.addi %parallel_loop3A_306, %parallel_loop3A_403 : vector<16xi32>
        %parallel_loop3A_405 = tpu.vector_load_idx %arg7[%add3A_293, %iota3A, %parallel_loop3A_404] : memref<13x16x129xf32, #tpu.memory_space<vmem>>[vector<16xi32>, vector<16xi32>, vector<16xi32>], vector<16xf32>,
        %parallel_loop3A_406 = arith.constant 10 : i32
        %parallel_loop3A_407 = arith.addi %parallel_loop3A_311, %parallel_loop3A_406 : i32
        %parallel_loop3A_408 = arith.index_cast %parallel_loop3A_407 : i32 to index
        %parallel_loop3A_409 = arith.constant 0 : index
        %parallel_loop3A_410 = tpu.vector_load %arg9[%parallel_loop3A_408, %parallel_loop3A_409] {strides = array<i32>} : memref<1664x16xf32, #tpu.memory_space<vmem>>, vector<16xf32>,
        tpu.vector_store %arg9[%parallel_loop3A_408, %parallel_loop3A_409], %parallel_loop3A_405 {strides = array<i32>} : memref<1664x16xf32, #tpu.memory_space<vmem>>, vector<16xf32>,
        %parallel_loop3A_411 = arith.constant 11 : i32
        %parallel_loop3A_412 = vector.broadcast %parallel_loop3A_411 : i32 to vector<16xi32>
        %parallel_loop3A_413 = arith.addi %parallel_loop3A_306, %parallel_loop3A_412 : vector<16xi32>
        %parallel_loop3A_414 = tpu.vector_load_idx %arg7[%add3A_293, %iota3A, %parallel_loop3A_413] : memref<13x16x129xf32, #tpu.memory_space<vmem>>[vector<16xi32>, vector<16xi32>, vector<16xi32>], vector<16xf32>,
        %parallel_loop3A_415 = arith.constant 11 : i32
        %parallel_loop3A_416 = arith.addi %parallel_loop3A_311, %parallel_loop3A_415 : i32
        %parallel_loop3A_417 = arith.index_cast %parallel_loop3A_416 : i32 to index
        %parallel_loop3A_418 = arith.constant 0 : index
        %parallel_loop3A_419 = tpu.vector_load %arg9[%parallel_loop3A_417, %parallel_loop3A_418] {strides = array<i32>} : memref<1664x16xf32, #tpu.memory_space<vmem>>, vector<16xf32>,
        tpu.vector_store %arg9[%parallel_loop3A_417, %parallel_loop3A_418], %parallel_loop3A_414 {strides = array<i32>} : memref<1664x16xf32, #tpu.memory_space<vmem>>, vector<16xf32>,
        %parallel_loop3A_420 = arith.constant 12 : i32
        %parallel_loop3A_421 = vector.broadcast %parallel_loop3A_420 : i32 to vector<16xi32>
        %parallel_loop3A_422 = arith.addi %parallel_loop3A_306, %parallel_loop3A_421 : vector<16xi32>
        %parallel_loop3A_423 = tpu.vector_load_idx %arg7[%add3A_293, %iota3A, %parallel_loop3A_422] : memref<13x16x129xf32, #tpu.memory_space<vmem>>[vector<16xi32>, vector<16xi32>, vector<16xi32>], vector<16xf32>,
        %parallel_loop3A_424 = arith.constant 12 : i32
        %parallel_loop3A_425 = arith.addi %parallel_loop3A_311, %parallel_loop3A_424 : i32
        %parallel_loop3A_426 = arith.index_cast %parallel_loop3A_425 : i32 to index
        %parallel_loop3A_427 = arith.constant 0 : index
        %parallel_loop3A_428 = tpu.vector_load %arg9[%parallel_loop3A_426, %parallel_loop3A_427] {strides = array<i32>} : memref<1664x16xf32, #tpu.memory_space<vmem>>, vector<16xf32>,
        tpu.vector_store %arg9[%parallel_loop3A_426, %parallel_loop3A_427], %parallel_loop3A_423 {strides = array<i32>} : memref<1664x16xf32, #tpu.memory_space<vmem>>, vector<16xf32>,
        %parallel_loop3A_429 = arith.constant 13 : i32
        %parallel_loop3A_430 = vector.broadcast %parallel_loop3A_429 : i32 to vector<16xi32>
        %parallel_loop3A_431 = arith.addi %parallel_loop3A_306, %parallel_loop3A_430 : vector<16xi32>
        %parallel_loop3A_432 = tpu.vector_load_idx %arg7[%add3A_293, %iota3A, %parallel_loop3A_431] : memref<13x16x129xf32, #tpu.memory_space<vmem>>[vector<16xi32>, vector<16xi32>, vector<16xi32>], vector<16xf32>,
        %parallel_loop3A_433 = arith.constant 13 : i32
        %parallel_loop3A_434 = arith.addi %parallel_loop3A_311, %parallel_loop3A_433 : i32
        %parallel_loop3A_435 = arith.index_cast %parallel_loop3A_434 : i32 to index
        %parallel_loop3A_436 = arith.constant 0 : index
        %parallel_loop3A_437 = tpu.vector_load %arg9[%parallel_loop3A_435, %parallel_loop3A_436] {strides = array<i32>} : memref<1664x16xf32, #tpu.memory_space<vmem>>, vector<16xf32>,
        tpu.vector_store %arg9[%parallel_loop3A_435, %parallel_loop3A_436], %parallel_loop3A_432 {strides = array<i32>} : memref<1664x16xf32, #tpu.memory_space<vmem>>, vector<16xf32>,
        %parallel_loop3A_438 = arith.constant 14 : i32
        %parallel_loop3A_439 = vector.broadcast %parallel_loop3A_438 : i32 to vector<16xi32>
        %parallel_loop3A_440 = arith.addi %parallel_loop3A_306, %parallel_loop3A_439 : vector<16xi32>
        %parallel_loop3A_441 = tpu.vector_load_idx %arg7[%add3A_293, %iota3A, %parallel_loop3A_440] : memref<13x16x129xf32, #tpu.memory_space<vmem>>[vector<16xi32>, vector<16xi32>, vector<16xi32>], vector<16xf32>,
        %parallel_loop3A_442 = arith.constant 14 : i32
        %parallel_loop3A_443 = arith.addi %parallel_loop3A_311, %parallel_loop3A_442 : i32
        %parallel_loop3A_444 = arith.index_cast %parallel_loop3A_443 : i32 to index
        %parallel_loop3A_445 = arith.constant 0 : index
        %parallel_loop3A_446 = tpu.vector_load %arg9[%parallel_loop3A_444, %parallel_loop3A_445] {strides = array<i32>} : memref<1664x16xf32, #tpu.memory_space<vmem>>, vector<16xf32>,
        tpu.vector_store %arg9[%parallel_loop3A_444, %parallel_loop3A_445], %parallel_loop3A_441 {strides = array<i32>} : memref<1664x16xf32, #tpu.memory_space<vmem>>, vector<16xf32>,
        %parallel_loop3A_447 = arith.constant 15 : i32
        %parallel_loop3A_448 = vector.broadcast %parallel_loop3A_447 : i32 to vector<16xi32>
        %parallel_loop3A_449 = arith.addi %parallel_loop3A_306, %parallel_loop3A_448 : vector<16xi32>
        %parallel_loop3A_450 = tpu.vector_load_idx %arg7[%add3A_293, %iota3A, %parallel_loop3A_449] : memref<13x16x129xf32, #tpu.memory_space<vmem>>[vector<16xi32>, vector<16xi32>, vector<16xi32>], vector<16xf32>,
        %parallel_loop3A_451 = arith.constant 15 : i32
        %parallel_loop3A_452 = arith.addi %parallel_loop3A_311, %parallel_loop3A_451 : i32
        %parallel_loop3A_453 = arith.index_cast %parallel_loop3A_452 : i32 to index
        %parallel_loop3A_454 = arith.constant 0 : index
        %parallel_loop3A_455 = tpu.vector_load %arg9[%parallel_loop3A_453, %parallel_loop3A_454] {strides = array<i32>} : memref<1664x16xf32, #tpu.memory_space<vmem>>, vector<16xf32>,
        tpu.vector_store %arg9[%parallel_loop3A_453, %parallel_loop3A_454], %parallel_loop3A_450 {strides = array<i32>} : memref<1664x16xf32, #tpu.memory_space<vmem>>, vector<16xf32>,
      } {sc.loop_unroll_factor = 4 : i64, sc.parallel_access}
      %mul3A_296 = arith.constant 128 : i32
      %mul3A_297 = arith.muli %add3A_291, %mul3A_296 : i32
      %add3A_298 = arith.constant 3328 : i32
      %add3A_299 = arith.addi %add3A_298, %mul3A_297 : i32
      %mul3A_300 = arith.constant 128 : i32
      %mul3A_301 = arith.muli %add3A_291, %mul3A_300 : i32
      "tpu.region"() ({
        %run_scoped3A = tpu.sem_alloc : memref<!tpu.dma_semaphore, #tpu.memory_space<semaphore_mem>>
        %dma_start3A_302 = arith.constant 0 : i32
        %dma_start3A_303 = tpu.memref_slice %arg9[%mul3A_301, %dma_start3A_302] : memref<1664x16xf32, #tpu.memory_space<vmem>> -> memref<128x16xf32, #tpu.memory_space<vmem>>
        %dma_start3A_304 = tpu.memref_slice %arg6[%add3A_299] : memref<10496xi32, #tpu.memory_space<vmem>> -> memref<128xi32, #tpu.memory_space<vmem>>
        %dma_start3A_305 = arith.constant 0 : i32
        %dma_start3A_306 = arith.constant 0 : i32
        %dma_start3A_307 = tpu.memref_slice %arg11[%dma_start3A_305, %dma_start3A_306] : memref<10000x16xf32, #tpu.memory_space<vmem_shared>> -> memref<10000x16xf32, #tpu.memory_space<vmem_shared>>
        tpu.enqueue_indirect_dma source(%dma_start3A_303 : memref<128x16xf32, #tpu.memory_space<vmem>>) target(%dma_start3A_307 : memref<10000x16xf32, #tpu.memory_space<vmem_shared>>) offsets(%dma_start3A_304 : memref<128xi32, #tpu.memory_space<vmem>>) semaphore(%run_scoped3A : memref<!tpu.dma_semaphore, #tpu.memory_space<semaphore_mem>>) {add = true}
        %dma_wait3A_308 = arith.constant 0 : i32
        %dma_wait3A_309 = tpu.memref_slice %arg9[%mul3A_301, %dma_wait3A_308] : memref<1664x16xf32, #tpu.memory_space<vmem>> -> memref<128x16xf32, #tpu.memory_space<vmem>>
        %dma_wait3A_310 = tpu.memref_slice %arg6[%add3A_299] : memref<10496xi32, #tpu.memory_space<vmem>> -> memref<128xi32, #tpu.memory_space<vmem>>
        %dma_wait3A_311 = arith.constant 0 : i32
        %dma_wait3A_312 = arith.constant 0 : i32
        %dma_wait3A_313 = tpu.memref_slice %arg11[%dma_wait3A_311, %dma_wait3A_312] : memref<10000x16xf32, #tpu.memory_space<vmem_shared>> -> memref<10000x16xf32, #tpu.memory_space<vmem_shared>>
        tpu.wait_indirect_dma semaphore(%run_scoped3A : memref<!tpu.dma_semaphore, #tpu.memory_space<semaphore_mem>>) src(%dma_wait3A_309 : memref<128x16xf32, #tpu.memory_space<vmem>>) dst(%dma_wait3A_313 : memref<10000x16xf32, #tpu.memory_space<vmem_shared>>)
        tpu.yield
      }) : () -> ()
      "tpu.region"() ({
        %run_scoped3A = tpu.sem_alloc : memref<!tpu.dma_semaphore, #tpu.memory_space<semaphore_mem>>
        %dma_start3A_302 = tpu.memref_slice %arg6[%add3A_299] : memref<10496xi32, #tpu.memory_space<vmem>> -> memref<128xi32, #tpu.memory_space<vmem>>
        %dma_start3A_303 = arith.constant 0 : i32
        %dma_start3A_304 = arith.constant 0 : i32
        %dma_start3A_305 = tpu.memref_slice %arg12[%dma_start3A_303, %dma_start3A_304] : memref<10000x16xf32, #tpu.memory_space<vmem_shared>> -> memref<10000x16xf32, #tpu.memory_space<vmem_shared>>
        tpu.enqueue_indirect_dma source(%arg10 : memref<128x16xf32, #tpu.memory_space<vmem>>) target(%dma_start3A_305 : memref<10000x16xf32, #tpu.memory_space<vmem_shared>>) offsets(%dma_start3A_302 : memref<128xi32, #tpu.memory_space<vmem>>) semaphore(%run_scoped3A : memref<!tpu.dma_semaphore, #tpu.memory_space<semaphore_mem>>) {add = true}
        %dma_wait3A_306 = tpu.memref_slice %arg6[%add3A_299] : memref<10496xi32, #tpu.memory_space<vmem>> -> memref<128xi32, #tpu.memory_space<vmem>>
        %dma_wait3A_307 = arith.constant 0 : i32
        %dma_wait3A_308 = arith.constant 0 : i32
        %dma_wait3A_309 = tpu.memref_slice %arg12[%dma_wait3A_307, %dma_wait3A_308] : memref<10000x16xf32, #tpu.memory_space<vmem_shared>> -> memref<10000x16xf32, #tpu.memory_space<vmem_shared>>
        tpu.wait_indirect_dma semaphore(%run_scoped3A : memref<!tpu.dma_semaphore, #tpu.memory_space<semaphore_mem>>) src(%arg10 : memref<128x16xf32, #tpu.memory_space<vmem>>) dst(%dma_wait3A_309 : memref<10000x16xf32, #tpu.memory_space<vmem_shared>>)
        tpu.yield
      }) : () -> ()
    }
    %scan3A_172 = arith.constant 13 : i32
    %add3A_173 = arith.constant 52 : i32
    %add3A_174 = arith.addi %mul3A_2, %add3A_173 : i32
    %dma_start3A_175 = arith.constant 0 : i32
    %dma_start3A_176 = arith.constant 0 : i32
    %dma_start3A_177 = arith.constant 0 : i32
    %dma_start3A_178 = tpu.memref_slice %arg7[%dma_start3A_175, %dma_start3A_176, %dma_start3A_177] : memref<13x16x129xf32, #tpu.memory_space<vmem>> -> memref<13x16x128xf32, #tpu.memory_space<vmem>>
    %dma_start3A_179 = arith.constant 0 : i32
    %dma_start3A_180 = arith.constant 0 : i32
    %dma_start3A_181 = tpu.memref_slice %arg3[%add3A_174, %dma_start3A_179, %dma_start3A_180] : memref<2500x16x128xf32, #tpu.memory_space<hbm>> -> memref<13x16x128xf32, #tpu.memory_space<hbm>>
    %dma_start3A_182 = arith.constant 0 : i32
    %dma_start3A_183 = arith.constant 0 : i32
    %dma_start3A_184 = arith.constant 0 : i32
    %dma_start3A_185 = tpu.memref_slice %arg7[%dma_start3A_182, %dma_start3A_183, %dma_start3A_184] : memref<13x16x129xf32, #tpu.memory_space<vmem>> -> memref<13x16x128xf32, #tpu.memory_space<vmem>>
    %dma_start3A_186 = arith.constant 0 : i32
    %dma_start3A_187 = arith.constant 0 : i32
    %dma_start3A_188 = tpu.memref_slice %arg3[%add3A_174, %dma_start3A_186, %dma_start3A_187] : memref<2500x16x128xf32, #tpu.memory_space<hbm>> -> memref<13x16x128xf32, #tpu.memory_space<hbm>>
    tpu.enqueue_dma source(%dma_start3A_188 : memref<13x16x128xf32, #tpu.memory_space<hbm>>) target(%dma_start3A_185 : memref<13x16x128xf32, #tpu.memory_space<vmem>>) target_semaphore(%arg14 : memref<!tpu.dma_semaphore, #tpu.memory_space<semaphore_mem>>)
    %dma_wait3A_189 = arith.constant 0 : i32
    %dma_wait3A_190 = arith.constant 0 : i32
    %dma_wait3A_191 = arith.constant 0 : i32
    %dma_wait3A_192 = tpu.memref_slice %arg8[%dma_wait3A_189, %dma_wait3A_190, %dma_wait3A_191] : memref<13x16x129xf32, #tpu.memory_space<vmem>> -> memref<13x16x128xf32, #tpu.memory_space<vmem>>
    %dma_wait3A_193 = arith.constant 0 : i32
    %dma_wait3A_194 = arith.constant 0 : i32
    %dma_wait3A_195 = tpu.memref_slice %arg3[%add3A_136, %dma_wait3A_193, %dma_wait3A_194] : memref<2500x16x128xf32, #tpu.memory_space<hbm>> -> memref<13x16x128xf32, #tpu.memory_space<hbm>>
    %dma_wait3A_196 = arith.constant 0 : i32
    %dma_wait3A_197 = arith.constant 0 : i32
    %dma_wait3A_198 = arith.constant 0 : i32
    %dma_wait3A_199 = tpu.memref_slice %arg8[%dma_wait3A_196, %dma_wait3A_197, %dma_wait3A_198] : memref<13x16x129xf32, #tpu.memory_space<vmem>> -> memref<13x16x128xf32, #tpu.memory_space<vmem>>
    %dma_wait3A_200 = arith.constant 0 : i32
    %dma_wait3A_201 = arith.constant 0 : i32
    %dma_wait3A_202 = tpu.memref_slice %arg3[%add3A_136, %dma_wait3A_200, %dma_wait3A_201] : memref<2500x16x128xf32, #tpu.memory_space<hbm>> -> memref<13x16x128xf32, #tpu.memory_space<hbm>>
    tpu.wait_dma2 semaphore(%arg15 : memref<!tpu.dma_semaphore, #tpu.memory_space<semaphore_mem>>) src(%dma_wait3A_202 : memref<13x16x128xf32, #tpu.memory_space<hbm>>) dst(%dma_wait3A_199 : memref<13x16x128xf32, #tpu.memory_space<vmem>>)
    %mul3A_203 = arith.constant 0 : i32
    %mul3A_204 = vector.broadcast %mul3A_203 : i32 to vector<16xi32>
    %mul3A_205 = arith.muli %iota3A, %mul3A_204 : vector<16xi32>
    %scan3A_206 = arith.constant 0 : i32
    %scan3A_207 = arith.constant 13 : i32
    %scan3A_208 = arith.addi %scan3A_206, %scan3A_207 : i32
    %scan3A_209 = arith.constant 1 : i32
    scf.for %scan3A_287 = %scan3A_206 to %scan3A_208 step %scan3A_209  : i32 {
      %mul3A_288 = arith.constant 1 : i32
      %mul3A_289 = arith.muli %scan3A_287, %mul3A_288 : i32
      %add3A_290 = arith.constant 0 : i32
      %add3A_291 = arith.addi %add3A_290, %mul3A_289 : i32
      %add3A_292 = vector.broadcast %add3A_291 : i32 to vector<16xi32>
      %add3A_293 = arith.addi %mul3A_205, %add3A_292 : vector<16xi32>
      %parallel_loop3A = arith.constant 0 : i32
      %parallel_loop3A_294 = arith.constant 8 : i32
      %parallel_loop3A_295 = arith.constant 1 : i32
      scf.for %parallel_loop3A_302 = %parallel_loop3A to %parallel_loop3A_294 step %parallel_loop3A_295  : i32 {
        %parallel_loop3A_303 = arith.constant 16 : i32
        %parallel_loop3A_304 = arith.muli %parallel_loop3A_302, %parallel_loop3A_303 : i32
        %parallel_loop3A_305 = vector.broadcast %parallel_loop3A_304 : i32 to vector<16xi32>
        %parallel_loop3A_306 = arith.addi %mul3A_205, %parallel_loop3A_305 : vector<16xi32>
        %parallel_loop3A_307 = arith.constant 128 : i32
        %parallel_loop3A_308 = arith.muli %add3A_291, %parallel_loop3A_307 : i32
        %parallel_loop3A_309 = arith.constant 16 : i32
        %parallel_loop3A_310 = arith.muli %parallel_loop3A_302, %parallel_loop3A_309 : i32
        %parallel_loop3A_311 = arith.addi %parallel_loop3A_308, %parallel_loop3A_310 : i32
        %parallel_loop3A_312 = arith.constant 0 : i32
        %parallel_loop3A_313 = vector.broadcast %parallel_loop3A_312 : i32 to vector<16xi32>
        %parallel_loop3A_314 = arith.addi %parallel_loop3A_306, %parallel_loop3A_313 : vector<16xi32>
        %parallel_loop3A_315 = tpu.vector_load_idx %arg8[%add3A_293, %iota3A, %parallel_loop3A_314] : memref<13x16x129xf32, #tpu.memory_space<vmem>>[vector<16xi32>, vector<16xi32>, vector<16xi32>], vector<16xf32>,
        %parallel_loop3A_316 = arith.constant 0 : i32
        %parallel_loop3A_317 = arith.addi %parallel_loop3A_311, %parallel_loop3A_316 : i32
        %parallel_loop3A_318 = arith.index_cast %parallel_loop3A_317 : i32 to index
        %parallel_loop3A_319 = arith.constant 0 : index
        %parallel_loop3A_320 = tpu.vector_load %arg9[%parallel_loop3A_318, %parallel_loop3A_319] {strides = array<i32>} : memref<1664x16xf32, #tpu.memory_space<vmem>>, vector<16xf32>,
        tpu.vector_store %arg9[%parallel_loop3A_318, %parallel_loop3A_319], %parallel_loop3A_315 {strides = array<i32>} : memref<1664x16xf32, #tpu.memory_space<vmem>>, vector<16xf32>,
        %parallel_loop3A_321 = arith.constant 1 : i32
        %parallel_loop3A_322 = vector.broadcast %parallel_loop3A_321 : i32 to vector<16xi32>
        %parallel_loop3A_323 = arith.addi %parallel_loop3A_306, %parallel_loop3A_322 : vector<16xi32>
        %parallel_loop3A_324 = tpu.vector_load_idx %arg8[%add3A_293, %iota3A, %parallel_loop3A_323] : memref<13x16x129xf32, #tpu.memory_space<vmem>>[vector<16xi32>, vector<16xi32>, vector<16xi32>], vector<16xf32>,
        %parallel_loop3A_325 = arith.constant 1 : i32
        %parallel_loop3A_326 = arith.addi %parallel_loop3A_311, %parallel_loop3A_325 : i32
        %parallel_loop3A_327 = arith.index_cast %parallel_loop3A_326 : i32 to index
        %parallel_loop3A_328 = arith.constant 0 : index
        %parallel_loop3A_329 = tpu.vector_load %arg9[%parallel_loop3A_327, %parallel_loop3A_328] {strides = array<i32>} : memref<1664x16xf32, #tpu.memory_space<vmem>>, vector<16xf32>,
        tpu.vector_store %arg9[%parallel_loop3A_327, %parallel_loop3A_328], %parallel_loop3A_324 {strides = array<i32>} : memref<1664x16xf32, #tpu.memory_space<vmem>>, vector<16xf32>,
        %parallel_loop3A_330 = arith.constant 2 : i32
        %parallel_loop3A_331 = vector.broadcast %parallel_loop3A_330 : i32 to vector<16xi32>
        %parallel_loop3A_332 = arith.addi %parallel_loop3A_306, %parallel_loop3A_331 : vector<16xi32>
        %parallel_loop3A_333 = tpu.vector_load_idx %arg8[%add3A_293, %iota3A, %parallel_loop3A_332] : memref<13x16x129xf32, #tpu.memory_space<vmem>>[vector<16xi32>, vector<16xi32>, vector<16xi32>], vector<16xf32>,
        %parallel_loop3A_334 = arith.constant 2 : i32
        %parallel_loop3A_335 = arith.addi %parallel_loop3A_311, %parallel_loop3A_334 : i32
        %parallel_loop3A_336 = arith.index_cast %parallel_loop3A_335 : i32 to index
        %parallel_loop3A_337 = arith.constant 0 : index
        %parallel_loop3A_338 = tpu.vector_load %arg9[%parallel_loop3A_336, %parallel_loop3A_337] {strides = array<i32>} : memref<1664x16xf32, #tpu.memory_space<vmem>>, vector<16xf32>,
        tpu.vector_store %arg9[%parallel_loop3A_336, %parallel_loop3A_337], %parallel_loop3A_333 {strides = array<i32>} : memref<1664x16xf32, #tpu.memory_space<vmem>>, vector<16xf32>,
        %parallel_loop3A_339 = arith.constant 3 : i32
        %parallel_loop3A_340 = vector.broadcast %parallel_loop3A_339 : i32 to vector<16xi32>
        %parallel_loop3A_341 = arith.addi %parallel_loop3A_306, %parallel_loop3A_340 : vector<16xi32>
        %parallel_loop3A_342 = tpu.vector_load_idx %arg8[%add3A_293, %iota3A, %parallel_loop3A_341] : memref<13x16x129xf32, #tpu.memory_space<vmem>>[vector<16xi32>, vector<16xi32>, vector<16xi32>], vector<16xf32>,
        %parallel_loop3A_343 = arith.constant 3 : i32
        %parallel_loop3A_344 = arith.addi %parallel_loop3A_311, %parallel_loop3A_343 : i32
        %parallel_loop3A_345 = arith.index_cast %parallel_loop3A_344 : i32 to index
        %parallel_loop3A_346 = arith.constant 0 : index
        %parallel_loop3A_347 = tpu.vector_load %arg9[%parallel_loop3A_345, %parallel_loop3A_346] {strides = array<i32>} : memref<1664x16xf32, #tpu.memory_space<vmem>>, vector<16xf32>,
        tpu.vector_store %arg9[%parallel_loop3A_345, %parallel_loop3A_346], %parallel_loop3A_342 {strides = array<i32>} : memref<1664x16xf32, #tpu.memory_space<vmem>>, vector<16xf32>,
        %parallel_loop3A_348 = arith.constant 4 : i32
        %parallel_loop3A_349 = vector.broadcast %parallel_loop3A_348 : i32 to vector<16xi32>
        %parallel_loop3A_350 = arith.addi %parallel_loop3A_306, %parallel_loop3A_349 : vector<16xi32>
        %parallel_loop3A_351 = tpu.vector_load_idx %arg8[%add3A_293, %iota3A, %parallel_loop3A_350] : memref<13x16x129xf32, #tpu.memory_space<vmem>>[vector<16xi32>, vector<16xi32>, vector<16xi32>], vector<16xf32>,
        %parallel_loop3A_352 = arith.constant 4 : i32
        %parallel_loop3A_353 = arith.addi %parallel_loop3A_311, %parallel_loop3A_352 : i32
        %parallel_loop3A_354 = arith.index_cast %parallel_loop3A_353 : i32 to index
        %parallel_loop3A_355 = arith.constant 0 : index
        %parallel_loop3A_356 = tpu.vector_load %arg9[%parallel_loop3A_354, %parallel_loop3A_355] {strides = array<i32>} : memref<1664x16xf32, #tpu.memory_space<vmem>>, vector<16xf32>,
        tpu.vector_store %arg9[%parallel_loop3A_354, %parallel_loop3A_355], %parallel_loop3A_351 {strides = array<i32>} : memref<1664x16xf32, #tpu.memory_space<vmem>>, vector<16xf32>,
        %parallel_loop3A_357 = arith.constant 5 : i32
        %parallel_loop3A_358 = vector.broadcast %parallel_loop3A_357 : i32 to vector<16xi32>
        %parallel_loop3A_359 = arith.addi %parallel_loop3A_306, %parallel_loop3A_358 : vector<16xi32>
        %parallel_loop3A_360 = tpu.vector_load_idx %arg8[%add3A_293, %iota3A, %parallel_loop3A_359] : memref<13x16x129xf32, #tpu.memory_space<vmem>>[vector<16xi32>, vector<16xi32>, vector<16xi32>], vector<16xf32>,
        %parallel_loop3A_361 = arith.constant 5 : i32
        %parallel_loop3A_362 = arith.addi %parallel_loop3A_311, %parallel_loop3A_361 : i32
        %parallel_loop3A_363 = arith.index_cast %parallel_loop3A_362 : i32 to index
        %parallel_loop3A_364 = arith.constant 0 : index
        %parallel_loop3A_365 = tpu.vector_load %arg9[%parallel_loop3A_363, %parallel_loop3A_364] {strides = array<i32>} : memref<1664x16xf32, #tpu.memory_space<vmem>>, vector<16xf32>,
        tpu.vector_store %arg9[%parallel_loop3A_363, %parallel_loop3A_364], %parallel_loop3A_360 {strides = array<i32>} : memref<1664x16xf32, #tpu.memory_space<vmem>>, vector<16xf32>,
        %parallel_loop3A_366 = arith.constant 6 : i32
        %parallel_loop3A_367 = vector.broadcast %parallel_loop3A_366 : i32 to vector<16xi32>
        %parallel_loop3A_368 = arith.addi %parallel_loop3A_306, %parallel_loop3A_367 : vector<16xi32>
        %parallel_loop3A_369 = tpu.vector_load_idx %arg8[%add3A_293, %iota3A, %parallel_loop3A_368] : memref<13x16x129xf32, #tpu.memory_space<vmem>>[vector<16xi32>, vector<16xi32>, vector<16xi32>], vector<16xf32>,
        %parallel_loop3A_370 = arith.constant 6 : i32
        %parallel_loop3A_371 = arith.addi %parallel_loop3A_311, %parallel_loop3A_370 : i32
        %parallel_loop3A_372 = arith.index_cast %parallel_loop3A_371 : i32 to index
        %parallel_loop3A_373 = arith.constant 0 : index
        %parallel_loop3A_374 = tpu.vector_load %arg9[%parallel_loop3A_372, %parallel_loop3A_373] {strides = array<i32>} : memref<1664x16xf32, #tpu.memory_space<vmem>>, vector<16xf32>,
        tpu.vector_store %arg9[%parallel_loop3A_372, %parallel_loop3A_373], %parallel_loop3A_369 {strides = array<i32>} : memref<1664x16xf32, #tpu.memory_space<vmem>>, vector<16xf32>,
        %parallel_loop3A_375 = arith.constant 7 : i32
        %parallel_loop3A_376 = vector.broadcast %parallel_loop3A_375 : i32 to vector<16xi32>
        %parallel_loop3A_377 = arith.addi %parallel_loop3A_306, %parallel_loop3A_376 : vector<16xi32>
        %parallel_loop3A_378 = tpu.vector_load_idx %arg8[%add3A_293, %iota3A, %parallel_loop3A_377] : memref<13x16x129xf32, #tpu.memory_space<vmem>>[vector<16xi32>, vector<16xi32>, vector<16xi32>], vector<16xf32>,
        %parallel_loop3A_379 = arith.constant 7 : i32
        %parallel_loop3A_380 = arith.addi %parallel_loop3A_311, %parallel_loop3A_379 : i32
        %parallel_loop3A_381 = arith.index_cast %parallel_loop3A_380 : i32 to index
        %parallel_loop3A_382 = arith.constant 0 : index
        %parallel_loop3A_383 = tpu.vector_load %arg9[%parallel_loop3A_381, %parallel_loop3A_382] {strides = array<i32>} : memref<1664x16xf32, #tpu.memory_space<vmem>>, vector<16xf32>,
        tpu.vector_store %arg9[%parallel_loop3A_381, %parallel_loop3A_382], %parallel_loop3A_378 {strides = array<i32>} : memref<1664x16xf32, #tpu.memory_space<vmem>>, vector<16xf32>,
        %parallel_loop3A_384 = arith.constant 8 : i32
        %parallel_loop3A_385 = vector.broadcast %parallel_loop3A_384 : i32 to vector<16xi32>
        %parallel_loop3A_386 = arith.addi %parallel_loop3A_306, %parallel_loop3A_385 : vector<16xi32>
        %parallel_loop3A_387 = tpu.vector_load_idx %arg8[%add3A_293, %iota3A, %parallel_loop3A_386] : memref<13x16x129xf32, #tpu.memory_space<vmem>>[vector<16xi32>, vector<16xi32>, vector<16xi32>], vector<16xf32>,
        %parallel_loop3A_388 = arith.constant 8 : i32
        %parallel_loop3A_389 = arith.addi %parallel_loop3A_311, %parallel_loop3A_388 : i32
        %parallel_loop3A_390 = arith.index_cast %parallel_loop3A_389 : i32 to index
        %parallel_loop3A_391 = arith.constant 0 : index
        %parallel_loop3A_392 = tpu.vector_load %arg9[%parallel_loop3A_390, %parallel_loop3A_391] {strides = array<i32>} : memref<1664x16xf32, #tpu.memory_space<vmem>>, vector<16xf32>,
        tpu.vector_store %arg9[%parallel_loop3A_390, %parallel_loop3A_391], %parallel_loop3A_387 {strides = array<i32>} : memref<1664x16xf32, #tpu.memory_space<vmem>>, vector<16xf32>,
        %parallel_loop3A_393 = arith.constant 9 : i32
        %parallel_loop3A_394 = vector.broadcast %parallel_loop3A_393 : i32 to vector<16xi32>
        %parallel_loop3A_395 = arith.addi %parallel_loop3A_306, %parallel_loop3A_394 : vector<16xi32>
        %parallel_loop3A_396 = tpu.vector_load_idx %arg8[%add3A_293, %iota3A, %parallel_loop3A_395] : memref<13x16x129xf32, #tpu.memory_space<vmem>>[vector<16xi32>, vector<16xi32>, vector<16xi32>], vector<16xf32>,
        %parallel_loop3A_397 = arith.constant 9 : i32
        %parallel_loop3A_398 = arith.addi %parallel_loop3A_311, %parallel_loop3A_397 : i32
        %parallel_loop3A_399 = arith.index_cast %parallel_loop3A_398 : i32 to index
        %parallel_loop3A_400 = arith.constant 0 : index
        %parallel_loop3A_401 = tpu.vector_load %arg9[%parallel_loop3A_399, %parallel_loop3A_400] {strides = array<i32>} : memref<1664x16xf32, #tpu.memory_space<vmem>>, vector<16xf32>,
        tpu.vector_store %arg9[%parallel_loop3A_399, %parallel_loop3A_400], %parallel_loop3A_396 {strides = array<i32>} : memref<1664x16xf32, #tpu.memory_space<vmem>>, vector<16xf32>,
        %parallel_loop3A_402 = arith.constant 10 : i32
        %parallel_loop3A_403 = vector.broadcast %parallel_loop3A_402 : i32 to vector<16xi32>
        %parallel_loop3A_404 = arith.addi %parallel_loop3A_306, %parallel_loop3A_403 : vector<16xi32>
        %parallel_loop3A_405 = tpu.vector_load_idx %arg8[%add3A_293, %iota3A, %parallel_loop3A_404] : memref<13x16x129xf32, #tpu.memory_space<vmem>>[vector<16xi32>, vector<16xi32>, vector<16xi32>], vector<16xf32>,
        %parallel_loop3A_406 = arith.constant 10 : i32
        %parallel_loop3A_407 = arith.addi %parallel_loop3A_311, %parallel_loop3A_406 : i32
        %parallel_loop3A_408 = arith.index_cast %parallel_loop3A_407 : i32 to index
        %parallel_loop3A_409 = arith.constant 0 : index
        %parallel_loop3A_410 = tpu.vector_load %arg9[%parallel_loop3A_408, %parallel_loop3A_409] {strides = array<i32>} : memref<1664x16xf32, #tpu.memory_space<vmem>>, vector<16xf32>,
        tpu.vector_store %arg9[%parallel_loop3A_408, %parallel_loop3A_409], %parallel_loop3A_405 {strides = array<i32>} : memref<1664x16xf32, #tpu.memory_space<vmem>>, vector<16xf32>,
        %parallel_loop3A_411 = arith.constant 11 : i32
        %parallel_loop3A_412 = vector.broadcast %parallel_loop3A_411 : i32 to vector<16xi32>
        %parallel_loop3A_413 = arith.addi %parallel_loop3A_306, %parallel_loop3A_412 : vector<16xi32>
        %parallel_loop3A_414 = tpu.vector_load_idx %arg8[%add3A_293, %iota3A, %parallel_loop3A_413] : memref<13x16x129xf32, #tpu.memory_space<vmem>>[vector<16xi32>, vector<16xi32>, vector<16xi32>], vector<16xf32>,
        %parallel_loop3A_415 = arith.constant 11 : i32
        %parallel_loop3A_416 = arith.addi %parallel_loop3A_311, %parallel_loop3A_415 : i32
        %parallel_loop3A_417 = arith.index_cast %parallel_loop3A_416 : i32 to index
        %parallel_loop3A_418 = arith.constant 0 : index
        %parallel_loop3A_419 = tpu.vector_load %arg9[%parallel_loop3A_417, %parallel_loop3A_418] {strides = array<i32>} : memref<1664x16xf32, #tpu.memory_space<vmem>>, vector<16xf32>,
        tpu.vector_store %arg9[%parallel_loop3A_417, %parallel_loop3A_418], %parallel_loop3A_414 {strides = array<i32>} : memref<1664x16xf32, #tpu.memory_space<vmem>>, vector<16xf32>,
        %parallel_loop3A_420 = arith.constant 12 : i32
        %parallel_loop3A_421 = vector.broadcast %parallel_loop3A_420 : i32 to vector<16xi32>
        %parallel_loop3A_422 = arith.addi %parallel_loop3A_306, %parallel_loop3A_421 : vector<16xi32>
        %parallel_loop3A_423 = tpu.vector_load_idx %arg8[%add3A_293, %iota3A, %parallel_loop3A_422] : memref<13x16x129xf32, #tpu.memory_space<vmem>>[vector<16xi32>, vector<16xi32>, vector<16xi32>], vector<16xf32>,
        %parallel_loop3A_424 = arith.constant 12 : i32
        %parallel_loop3A_425 = arith.addi %parallel_loop3A_311, %parallel_loop3A_424 : i32
        %parallel_loop3A_426 = arith.index_cast %parallel_loop3A_425 : i32 to index
        %parallel_loop3A_427 = arith.constant 0 : index
        %parallel_loop3A_428 = tpu.vector_load %arg9[%parallel_loop3A_426, %parallel_loop3A_427] {strides = array<i32>} : memref<1664x16xf32, #tpu.memory_space<vmem>>, vector<16xf32>,
        tpu.vector_store %arg9[%parallel_loop3A_426, %parallel_loop3A_427], %parallel_loop3A_423 {strides = array<i32>} : memref<1664x16xf32, #tpu.memory_space<vmem>>, vector<16xf32>,
        %parallel_loop3A_429 = arith.constant 13 : i32
        %parallel_loop3A_430 = vector.broadcast %parallel_loop3A_429 : i32 to vector<16xi32>
        %parallel_loop3A_431 = arith.addi %parallel_loop3A_306, %parallel_loop3A_430 : vector<16xi32>
        %parallel_loop3A_432 = tpu.vector_load_idx %arg8[%add3A_293, %iota3A, %parallel_loop3A_431] : memref<13x16x129xf32, #tpu.memory_space<vmem>>[vector<16xi32>, vector<16xi32>, vector<16xi32>], vector<16xf32>,
        %parallel_loop3A_433 = arith.constant 13 : i32
        %parallel_loop3A_434 = arith.addi %parallel_loop3A_311, %parallel_loop3A_433 : i32
        %parallel_loop3A_435 = arith.index_cast %parallel_loop3A_434 : i32 to index
        %parallel_loop3A_436 = arith.constant 0 : index
        %parallel_loop3A_437 = tpu.vector_load %arg9[%parallel_loop3A_435, %parallel_loop3A_436] {strides = array<i32>} : memref<1664x16xf32, #tpu.memory_space<vmem>>, vector<16xf32>,
        tpu.vector_store %arg9[%parallel_loop3A_435, %parallel_loop3A_436], %parallel_loop3A_432 {strides = array<i32>} : memref<1664x16xf32, #tpu.memory_space<vmem>>, vector<16xf32>,
        %parallel_loop3A_438 = arith.constant 14 : i32
        %parallel_loop3A_439 = vector.broadcast %parallel_loop3A_438 : i32 to vector<16xi32>
        %parallel_loop3A_440 = arith.addi %parallel_loop3A_306, %parallel_loop3A_439 : vector<16xi32>
        %parallel_loop3A_441 = tpu.vector_load_idx %arg8[%add3A_293, %iota3A, %parallel_loop3A_440] : memref<13x16x129xf32, #tpu.memory_space<vmem>>[vector<16xi32>, vector<16xi32>, vector<16xi32>], vector<16xf32>,
        %parallel_loop3A_442 = arith.constant 14 : i32
        %parallel_loop3A_443 = arith.addi %parallel_loop3A_311, %parallel_loop3A_442 : i32
        %parallel_loop3A_444 = arith.index_cast %parallel_loop3A_443 : i32 to index
        %parallel_loop3A_445 = arith.constant 0 : index
        %parallel_loop3A_446 = tpu.vector_load %arg9[%parallel_loop3A_444, %parallel_loop3A_445] {strides = array<i32>} : memref<1664x16xf32, #tpu.memory_space<vmem>>, vector<16xf32>,
        tpu.vector_store %arg9[%parallel_loop3A_444, %parallel_loop3A_445], %parallel_loop3A_441 {strides = array<i32>} : memref<1664x16xf32, #tpu.memory_space<vmem>>, vector<16xf32>,
        %parallel_loop3A_447 = arith.constant 15 : i32
        %parallel_loop3A_448 = vector.broadcast %parallel_loop3A_447 : i32 to vector<16xi32>
        %parallel_loop3A_449 = arith.addi %parallel_loop3A_306, %parallel_loop3A_448 : vector<16xi32>
        %parallel_loop3A_450 = tpu.vector_load_idx %arg8[%add3A_293, %iota3A, %parallel_loop3A_449] : memref<13x16x129xf32, #tpu.memory_space<vmem>>[vector<16xi32>, vector<16xi32>, vector<16xi32>], vector<16xf32>,
        %parallel_loop3A_451 = arith.constant 15 : i32
        %parallel_loop3A_452 = arith.addi %parallel_loop3A_311, %parallel_loop3A_451 : i32
        %parallel_loop3A_453 = arith.index_cast %parallel_loop3A_452 : i32 to index
        %parallel_loop3A_454 = arith.constant 0 : index
        %parallel_loop3A_455 = tpu.vector_load %arg9[%parallel_loop3A_453, %parallel_loop3A_454] {strides = array<i32>} : memref<1664x16xf32, #tpu.memory_space<vmem>>, vector<16xf32>,
        tpu.vector_store %arg9[%parallel_loop3A_453, %parallel_loop3A_454], %parallel_loop3A_450 {strides = array<i32>} : memref<1664x16xf32, #tpu.memory_space<vmem>>, vector<16xf32>,
      } {sc.loop_unroll_factor = 4 : i64, sc.parallel_access}
      %mul3A_296 = arith.constant 128 : i32
      %mul3A_297 = arith.muli %add3A_291, %mul3A_296 : i32
      %add3A_298 = arith.constant 4992 : i32
      %add3A_299 = arith.addi %add3A_298, %mul3A_297 : i32
      %mul3A_300 = arith.constant 128 : i32
      %mul3A_301 = arith.muli %add3A_291, %mul3A_300 : i32
      "tpu.region"() ({
        %run_scoped3A = tpu.sem_alloc : memref<!tpu.dma_semaphore, #tpu.memory_space<semaphore_mem>>
        %dma_start3A_302 = arith.constant 0 : i32
        %dma_start3A_303 = tpu.memref_slice %arg9[%mul3A_301, %dma_start3A_302] : memref<1664x16xf32, #tpu.memory_space<vmem>> -> memref<128x16xf32, #tpu.memory_space<vmem>>
        %dma_start3A_304 = tpu.memref_slice %arg6[%add3A_299] : memref<10496xi32, #tpu.memory_space<vmem>> -> memref<128xi32, #tpu.memory_space<vmem>>
        %dma_start3A_305 = arith.constant 0 : i32
        %dma_start3A_306 = arith.constant 0 : i32
        %dma_start3A_307 = tpu.memref_slice %arg11[%dma_start3A_305, %dma_start3A_306] : memref<10000x16xf32, #tpu.memory_space<vmem_shared>> -> memref<10000x16xf32, #tpu.memory_space<vmem_shared>>
        tpu.enqueue_indirect_dma source(%dma_start3A_303 : memref<128x16xf32, #tpu.memory_space<vmem>>) target(%dma_start3A_307 : memref<10000x16xf32, #tpu.memory_space<vmem_shared>>) offsets(%dma_start3A_304 : memref<128xi32, #tpu.memory_space<vmem>>) semaphore(%run_scoped3A : memref<!tpu.dma_semaphore, #tpu.memory_space<semaphore_mem>>) {add = true}
        %dma_wait3A_308 = arith.constant 0 : i32
        %dma_wait3A_309 = tpu.memref_slice %arg9[%mul3A_301, %dma_wait3A_308] : memref<1664x16xf32, #tpu.memory_space<vmem>> -> memref<128x16xf32, #tpu.memory_space<vmem>>
        %dma_wait3A_310 = tpu.memref_slice %arg6[%add3A_299] : memref<10496xi32, #tpu.memory_space<vmem>> -> memref<128xi32, #tpu.memory_space<vmem>>
        %dma_wait3A_311 = arith.constant 0 : i32
        %dma_wait3A_312 = arith.constant 0 : i32
        %dma_wait3A_313 = tpu.memref_slice %arg11[%dma_wait3A_311, %dma_wait3A_312] : memref<10000x16xf32, #tpu.memory_space<vmem_shared>> -> memref<10000x16xf32, #tpu.memory_space<vmem_shared>>
        tpu.wait_indirect_dma semaphore(%run_scoped3A : memref<!tpu.dma_semaphore, #tpu.memory_space<semaphore_mem>>) src(%dma_wait3A_309 : memref<128x16xf32, #tpu.memory_space<vmem>>) dst(%dma_wait3A_313 : memref<10000x16xf32, #tpu.memory_space<vmem_shared>>)
        tpu.yield
      }) : () -> ()
      "tpu.region"() ({
        %run_scoped3A = tpu.sem_alloc : memref<!tpu.dma_semaphore, #tpu.memory_space<semaphore_mem>>
        %dma_start3A_302 = tpu.memref_slice %arg6[%add3A_299] : memref<10496xi32, #tpu.memory_space<vmem>> -> memref<128xi32, #tpu.memory_space<vmem>>
        %dma_start3A_303 = arith.constant 0 : i32
        %dma_start3A_304 = arith.constant 0 : i32
        %dma_start3A_305 = tpu.memref_slice %arg12[%dma_start3A_303, %dma_start3A_304] : memref<10000x16xf32, #tpu.memory_space<vmem_shared>> -> memref<10000x16xf32, #tpu.memory_space<vmem_shared>>
        tpu.enqueue_indirect_dma source(%arg10 : memref<128x16xf32, #tpu.memory_space<vmem>>) target(%dma_start3A_305 : memref<10000x16xf32, #tpu.memory_space<vmem_shared>>) offsets(%dma_start3A_302 : memref<128xi32, #tpu.memory_space<vmem>>) semaphore(%run_scoped3A : memref<!tpu.dma_semaphore, #tpu.memory_space<semaphore_mem>>) {add = true}
        %dma_wait3A_306 = tpu.memref_slice %arg6[%add3A_299] : memref<10496xi32, #tpu.memory_space<vmem>> -> memref<128xi32, #tpu.memory_space<vmem>>
        %dma_wait3A_307 = arith.constant 0 : i32
        %dma_wait3A_308 = arith.constant 0 : i32
        %dma_wait3A_309 = tpu.memref_slice %arg12[%dma_wait3A_307, %dma_wait3A_308] : memref<10000x16xf32, #tpu.memory_space<vmem_shared>> -> memref<10000x16xf32, #tpu.memory_space<vmem_shared>>
        tpu.wait_indirect_dma semaphore(%run_scoped3A : memref<!tpu.dma_semaphore, #tpu.memory_space<semaphore_mem>>) src(%arg10 : memref<128x16xf32, #tpu.memory_space<vmem>>) dst(%dma_wait3A_309 : memref<10000x16xf32, #tpu.memory_space<vmem_shared>>)
        tpu.yield
      }) : () -> ()
    }
    %scan3A_210 = arith.constant 13 : i32
    %add3A_211 = arith.constant 65 : i32
    %add3A_212 = arith.addi %mul3A_2, %add3A_211 : i32
    %dma_start3A_213 = arith.constant 0 : i32
    %dma_start3A_214 = arith.constant 0 : i32
    %dma_start3A_215 = arith.constant 0 : i32
    %dma_start3A_216 = tpu.memref_slice %arg8[%dma_start3A_213, %dma_start3A_214, %dma_start3A_215] : memref<13x16x129xf32, #tpu.memory_space<vmem>> -> memref<13x16x128xf32, #tpu.memory_space<vmem>>
    %dma_start3A_217 = arith.constant 0 : i32
    %dma_start3A_218 = arith.constant 0 : i32
    %dma_start3A_219 = tpu.memref_slice %arg3[%add3A_212, %dma_start3A_217, %dma_start3A_218] : memref<2500x16x128xf32, #tpu.memory_space<hbm>> -> memref<13x16x128xf32, #tpu.memory_space<hbm>>
    %dma_start3A_220 = arith.constant 0 : i32
    %dma_start3A_221 = arith.constant 0 : i32
    %dma_start3A_222 = arith.constant 0 : i32
    %dma_start3A_223 = tpu.memref_slice %arg8[%dma_start3A_220, %dma_start3A_221, %dma_start3A_222] : memref<13x16x129xf32, #tpu.memory_space<vmem>> -> memref<13x16x128xf32, #tpu.memory_space<vmem>>
    %dma_start3A_224 = arith.constant 0 : i32
    %dma_start3A_225 = arith.constant 0 : i32
    %dma_start3A_226 = tpu.memref_slice %arg3[%add3A_212, %dma_start3A_224, %dma_start3A_225] : memref<2500x16x128xf32, #tpu.memory_space<hbm>> -> memref<13x16x128xf32, #tpu.memory_space<hbm>>
    tpu.enqueue_dma source(%dma_start3A_226 : memref<13x16x128xf32, #tpu.memory_space<hbm>>) target(%dma_start3A_223 : memref<13x16x128xf32, #tpu.memory_space<vmem>>) target_semaphore(%arg15 : memref<!tpu.dma_semaphore, #tpu.memory_space<semaphore_mem>>)
    %dma_wait3A_227 = arith.constant 0 : i32
    %dma_wait3A_228 = arith.constant 0 : i32
    %dma_wait3A_229 = arith.constant 0 : i32
    %dma_wait3A_230 = tpu.memref_slice %arg7[%dma_wait3A_227, %dma_wait3A_228, %dma_wait3A_229] : memref<13x16x129xf32, #tpu.memory_space<vmem>> -> memref<13x16x128xf32, #tpu.memory_space<vmem>>
    %dma_wait3A_231 = arith.constant 0 : i32
    %dma_wait3A_232 = arith.constant 0 : i32
    %dma_wait3A_233 = tpu.memref_slice %arg3[%add3A_174, %dma_wait3A_231, %dma_wait3A_232] : memref<2500x16x128xf32, #tpu.memory_space<hbm>> -> memref<13x16x128xf32, #tpu.memory_space<hbm>>
    %dma_wait3A_234 = arith.constant 0 : i32
    %dma_wait3A_235 = arith.constant 0 : i32
    %dma_wait3A_236 = arith.constant 0 : i32
    %dma_wait3A_237 = tpu.memref_slice %arg7[%dma_wait3A_234, %dma_wait3A_235, %dma_wait3A_236] : memref<13x16x129xf32, #tpu.memory_space<vmem>> -> memref<13x16x128xf32, #tpu.memory_space<vmem>>
    %dma_wait3A_238 = arith.constant 0 : i32
    %dma_wait3A_239 = arith.constant 0 : i32
    %dma_wait3A_240 = tpu.memref_slice %arg3[%add3A_174, %dma_wait3A_238, %dma_wait3A_239] : memref<2500x16x128xf32, #tpu.memory_space<hbm>> -> memref<13x16x128xf32, #tpu.memory_space<hbm>>
    tpu.wait_dma2 semaphore(%arg14 : memref<!tpu.dma_semaphore, #tpu.memory_space<semaphore_mem>>) src(%dma_wait3A_240 : memref<13x16x128xf32, #tpu.memory_space<hbm>>) dst(%dma_wait3A_237 : memref<13x16x128xf32, #tpu.memory_space<vmem>>)
    %mul3A_241 = arith.constant 0 : i32
    %mul3A_242 = vector.broadcast %mul3A_241 : i32 to vector<16xi32>
    %mul3A_243 = arith.muli %iota3A, %mul3A_242 : vector<16xi32>
    %scan3A_244 = arith.constant 0 : i32
    %scan3A_245 = arith.constant 13 : i32
    %scan3A_246 = arith.addi %scan3A_244, %scan3A_245 : i32
    %scan3A_247 = arith.constant 1 : i32
    scf.for %scan3A_287 = %scan3A_244 to %scan3A_246 step %scan3A_247  : i32 {
      %mul3A_288 = arith.constant 1 : i32
      %mul3A_289 = arith.muli %scan3A_287, %mul3A_288 : i32
      %add3A_290 = arith.constant 0 : i32
      %add3A_291 = arith.addi %add3A_290, %mul3A_289 : i32
      %add3A_292 = vector.broadcast %add3A_291 : i32 to vector<16xi32>
      %add3A_293 = arith.addi %mul3A_243, %add3A_292 : vector<16xi32>
      %parallel_loop3A = arith.constant 0 : i32
      %parallel_loop3A_294 = arith.constant 8 : i32
      %parallel_loop3A_295 = arith.constant 1 : i32
      scf.for %parallel_loop3A_302 = %parallel_loop3A to %parallel_loop3A_294 step %parallel_loop3A_295  : i32 {
        %parallel_loop3A_303 = arith.constant 16 : i32
        %parallel_loop3A_304 = arith.muli %parallel_loop3A_302, %parallel_loop3A_303 : i32
        %parallel_loop3A_305 = vector.broadcast %parallel_loop3A_304 : i32 to vector<16xi32>
        %parallel_loop3A_306 = arith.addi %mul3A_243, %parallel_loop3A_305 : vector<16xi32>
        %parallel_loop3A_307 = arith.constant 128 : i32
        %parallel_loop3A_308 = arith.muli %add3A_291, %parallel_loop3A_307 : i32
        %parallel_loop3A_309 = arith.constant 16 : i32
        %parallel_loop3A_310 = arith.muli %parallel_loop3A_302, %parallel_loop3A_309 : i32
        %parallel_loop3A_311 = arith.addi %parallel_loop3A_308, %parallel_loop3A_310 : i32
        %parallel_loop3A_312 = arith.constant 0 : i32
        %parallel_loop3A_313 = vector.broadcast %parallel_loop3A_312 : i32 to vector<16xi32>
        %parallel_loop3A_314 = arith.addi %parallel_loop3A_306, %parallel_loop3A_313 : vector<16xi32>
        %parallel_loop3A_315 = tpu.vector_load_idx %arg7[%add3A_293, %iota3A, %parallel_loop3A_314] : memref<13x16x129xf32, #tpu.memory_space<vmem>>[vector<16xi32>, vector<16xi32>, vector<16xi32>], vector<16xf32>,
        %parallel_loop3A_316 = arith.constant 0 : i32
        %parallel_loop3A_317 = arith.addi %parallel_loop3A_311, %parallel_loop3A_316 : i32
        %parallel_loop3A_318 = arith.index_cast %parallel_loop3A_317 : i32 to index
        %parallel_loop3A_319 = arith.constant 0 : index
        %parallel_loop3A_320 = tpu.vector_load %arg9[%parallel_loop3A_318, %parallel_loop3A_319] {strides = array<i32>} : memref<1664x16xf32, #tpu.memory_space<vmem>>, vector<16xf32>,
        tpu.vector_store %arg9[%parallel_loop3A_318, %parallel_loop3A_319], %parallel_loop3A_315 {strides = array<i32>} : memref<1664x16xf32, #tpu.memory_space<vmem>>, vector<16xf32>,
        %parallel_loop3A_321 = arith.constant 1 : i32
        %parallel_loop3A_322 = vector.broadcast %parallel_loop3A_321 : i32 to vector<16xi32>
        %parallel_loop3A_323 = arith.addi %parallel_loop3A_306, %parallel_loop3A_322 : vector<16xi32>
        %parallel_loop3A_324 = tpu.vector_load_idx %arg7[%add3A_293, %iota3A, %parallel_loop3A_323] : memref<13x16x129xf32, #tpu.memory_space<vmem>>[vector<16xi32>, vector<16xi32>, vector<16xi32>], vector<16xf32>,
        %parallel_loop3A_325 = arith.constant 1 : i32
        %parallel_loop3A_326 = arith.addi %parallel_loop3A_311, %parallel_loop3A_325 : i32
        %parallel_loop3A_327 = arith.index_cast %parallel_loop3A_326 : i32 to index
        %parallel_loop3A_328 = arith.constant 0 : index
        %parallel_loop3A_329 = tpu.vector_load %arg9[%parallel_loop3A_327, %parallel_loop3A_328] {strides = array<i32>} : memref<1664x16xf32, #tpu.memory_space<vmem>>, vector<16xf32>,
        tpu.vector_store %arg9[%parallel_loop3A_327, %parallel_loop3A_328], %parallel_loop3A_324 {strides = array<i32>} : memref<1664x16xf32, #tpu.memory_space<vmem>>, vector<16xf32>,
        %parallel_loop3A_330 = arith.constant 2 : i32
        %parallel_loop3A_331 = vector.broadcast %parallel_loop3A_330 : i32 to vector<16xi32>
        %parallel_loop3A_332 = arith.addi %parallel_loop3A_306, %parallel_loop3A_331 : vector<16xi32>
        %parallel_loop3A_333 = tpu.vector_load_idx %arg7[%add3A_293, %iota3A, %parallel_loop3A_332] : memref<13x16x129xf32, #tpu.memory_space<vmem>>[vector<16xi32>, vector<16xi32>, vector<16xi32>], vector<16xf32>,
        %parallel_loop3A_334 = arith.constant 2 : i32
        %parallel_loop3A_335 = arith.addi %parallel_loop3A_311, %parallel_loop3A_334 : i32
        %parallel_loop3A_336 = arith.index_cast %parallel_loop3A_335 : i32 to index
        %parallel_loop3A_337 = arith.constant 0 : index
        %parallel_loop3A_338 = tpu.vector_load %arg9[%parallel_loop3A_336, %parallel_loop3A_337] {strides = array<i32>} : memref<1664x16xf32, #tpu.memory_space<vmem>>, vector<16xf32>,
        tpu.vector_store %arg9[%parallel_loop3A_336, %parallel_loop3A_337], %parallel_loop3A_333 {strides = array<i32>} : memref<1664x16xf32, #tpu.memory_space<vmem>>, vector<16xf32>,
        %parallel_loop3A_339 = arith.constant 3 : i32
        %parallel_loop3A_340 = vector.broadcast %parallel_loop3A_339 : i32 to vector<16xi32>
        %parallel_loop3A_341 = arith.addi %parallel_loop3A_306, %parallel_loop3A_340 : vector<16xi32>
        %parallel_loop3A_342 = tpu.vector_load_idx %arg7[%add3A_293, %iota3A, %parallel_loop3A_341] : memref<13x16x129xf32, #tpu.memory_space<vmem>>[vector<16xi32>, vector<16xi32>, vector<16xi32>], vector<16xf32>,
        %parallel_loop3A_343 = arith.constant 3 : i32
        %parallel_loop3A_344 = arith.addi %parallel_loop3A_311, %parallel_loop3A_343 : i32
        %parallel_loop3A_345 = arith.index_cast %parallel_loop3A_344 : i32 to index
        %parallel_loop3A_346 = arith.constant 0 : index
        %parallel_loop3A_347 = tpu.vector_load %arg9[%parallel_loop3A_345, %parallel_loop3A_346] {strides = array<i32>} : memref<1664x16xf32, #tpu.memory_space<vmem>>, vector<16xf32>,
        tpu.vector_store %arg9[%parallel_loop3A_345, %parallel_loop3A_346], %parallel_loop3A_342 {strides = array<i32>} : memref<1664x16xf32, #tpu.memory_space<vmem>>, vector<16xf32>,
        %parallel_loop3A_348 = arith.constant 4 : i32
        %parallel_loop3A_349 = vector.broadcast %parallel_loop3A_348 : i32 to vector<16xi32>
        %parallel_loop3A_350 = arith.addi %parallel_loop3A_306, %parallel_loop3A_349 : vector<16xi32>
        %parallel_loop3A_351 = tpu.vector_load_idx %arg7[%add3A_293, %iota3A, %parallel_loop3A_350] : memref<13x16x129xf32, #tpu.memory_space<vmem>>[vector<16xi32>, vector<16xi32>, vector<16xi32>], vector<16xf32>,
        %parallel_loop3A_352 = arith.constant 4 : i32
        %parallel_loop3A_353 = arith.addi %parallel_loop3A_311, %parallel_loop3A_352 : i32
        %parallel_loop3A_354 = arith.index_cast %parallel_loop3A_353 : i32 to index
        %parallel_loop3A_355 = arith.constant 0 : index
        %parallel_loop3A_356 = tpu.vector_load %arg9[%parallel_loop3A_354, %parallel_loop3A_355] {strides = array<i32>} : memref<1664x16xf32, #tpu.memory_space<vmem>>, vector<16xf32>,
        tpu.vector_store %arg9[%parallel_loop3A_354, %parallel_loop3A_355], %parallel_loop3A_351 {strides = array<i32>} : memref<1664x16xf32, #tpu.memory_space<vmem>>, vector<16xf32>,
        %parallel_loop3A_357 = arith.constant 5 : i32
        %parallel_loop3A_358 = vector.broadcast %parallel_loop3A_357 : i32 to vector<16xi32>
        %parallel_loop3A_359 = arith.addi %parallel_loop3A_306, %parallel_loop3A_358 : vector<16xi32>
        %parallel_loop3A_360 = tpu.vector_load_idx %arg7[%add3A_293, %iota3A, %parallel_loop3A_359] : memref<13x16x129xf32, #tpu.memory_space<vmem>>[vector<16xi32>, vector<16xi32>, vector<16xi32>], vector<16xf32>,
        %parallel_loop3A_361 = arith.constant 5 : i32
        %parallel_loop3A_362 = arith.addi %parallel_loop3A_311, %parallel_loop3A_361 : i32
        %parallel_loop3A_363 = arith.index_cast %parallel_loop3A_362 : i32 to index
        %parallel_loop3A_364 = arith.constant 0 : index
        %parallel_loop3A_365 = tpu.vector_load %arg9[%parallel_loop3A_363, %parallel_loop3A_364] {strides = array<i32>} : memref<1664x16xf32, #tpu.memory_space<vmem>>, vector<16xf32>,
        tpu.vector_store %arg9[%parallel_loop3A_363, %parallel_loop3A_364], %parallel_loop3A_360 {strides = array<i32>} : memref<1664x16xf32, #tpu.memory_space<vmem>>, vector<16xf32>,
        %parallel_loop3A_366 = arith.constant 6 : i32
        %parallel_loop3A_367 = vector.broadcast %parallel_loop3A_366 : i32 to vector<16xi32>
        %parallel_loop3A_368 = arith.addi %parallel_loop3A_306, %parallel_loop3A_367 : vector<16xi32>
        %parallel_loop3A_369 = tpu.vector_load_idx %arg7[%add3A_293, %iota3A, %parallel_loop3A_368] : memref<13x16x129xf32, #tpu.memory_space<vmem>>[vector<16xi32>, vector<16xi32>, vector<16xi32>], vector<16xf32>,
        %parallel_loop3A_370 = arith.constant 6 : i32
        %parallel_loop3A_371 = arith.addi %parallel_loop3A_311, %parallel_loop3A_370 : i32
        %parallel_loop3A_372 = arith.index_cast %parallel_loop3A_371 : i32 to index
        %parallel_loop3A_373 = arith.constant 0 : index
        %parallel_loop3A_374 = tpu.vector_load %arg9[%parallel_loop3A_372, %parallel_loop3A_373] {strides = array<i32>} : memref<1664x16xf32, #tpu.memory_space<vmem>>, vector<16xf32>,
        tpu.vector_store %arg9[%parallel_loop3A_372, %parallel_loop3A_373], %parallel_loop3A_369 {strides = array<i32>} : memref<1664x16xf32, #tpu.memory_space<vmem>>, vector<16xf32>,
        %parallel_loop3A_375 = arith.constant 7 : i32
        %parallel_loop3A_376 = vector.broadcast %parallel_loop3A_375 : i32 to vector<16xi32>
        %parallel_loop3A_377 = arith.addi %parallel_loop3A_306, %parallel_loop3A_376 : vector<16xi32>
        %parallel_loop3A_378 = tpu.vector_load_idx %arg7[%add3A_293, %iota3A, %parallel_loop3A_377] : memref<13x16x129xf32, #tpu.memory_space<vmem>>[vector<16xi32>, vector<16xi32>, vector<16xi32>], vector<16xf32>,
        %parallel_loop3A_379 = arith.constant 7 : i32
        %parallel_loop3A_380 = arith.addi %parallel_loop3A_311, %parallel_loop3A_379 : i32
        %parallel_loop3A_381 = arith.index_cast %parallel_loop3A_380 : i32 to index
        %parallel_loop3A_382 = arith.constant 0 : index
        %parallel_loop3A_383 = tpu.vector_load %arg9[%parallel_loop3A_381, %parallel_loop3A_382] {strides = array<i32>} : memref<1664x16xf32, #tpu.memory_space<vmem>>, vector<16xf32>,
        tpu.vector_store %arg9[%parallel_loop3A_381, %parallel_loop3A_382], %parallel_loop3A_378 {strides = array<i32>} : memref<1664x16xf32, #tpu.memory_space<vmem>>, vector<16xf32>,
        %parallel_loop3A_384 = arith.constant 8 : i32
        %parallel_loop3A_385 = vector.broadcast %parallel_loop3A_384 : i32 to vector<16xi32>
        %parallel_loop3A_386 = arith.addi %parallel_loop3A_306, %parallel_loop3A_385 : vector<16xi32>
        %parallel_loop3A_387 = tpu.vector_load_idx %arg7[%add3A_293, %iota3A, %parallel_loop3A_386] : memref<13x16x129xf32, #tpu.memory_space<vmem>>[vector<16xi32>, vector<16xi32>, vector<16xi32>], vector<16xf32>,
        %parallel_loop3A_388 = arith.constant 8 : i32
        %parallel_loop3A_389 = arith.addi %parallel_loop3A_311, %parallel_loop3A_388 : i32
        %parallel_loop3A_390 = arith.index_cast %parallel_loop3A_389 : i32 to index
        %parallel_loop3A_391 = arith.constant 0 : index
        %parallel_loop3A_392 = tpu.vector_load %arg9[%parallel_loop3A_390, %parallel_loop3A_391] {strides = array<i32>} : memref<1664x16xf32, #tpu.memory_space<vmem>>, vector<16xf32>,
        tpu.vector_store %arg9[%parallel_loop3A_390, %parallel_loop3A_391], %parallel_loop3A_387 {strides = array<i32>} : memref<1664x16xf32, #tpu.memory_space<vmem>>, vector<16xf32>,
        %parallel_loop3A_393 = arith.constant 9 : i32
        %parallel_loop3A_394 = vector.broadcast %parallel_loop3A_393 : i32 to vector<16xi32>
        %parallel_loop3A_395 = arith.addi %parallel_loop3A_306, %parallel_loop3A_394 : vector<16xi32>
        %parallel_loop3A_396 = tpu.vector_load_idx %arg7[%add3A_293, %iota3A, %parallel_loop3A_395] : memref<13x16x129xf32, #tpu.memory_space<vmem>>[vector<16xi32>, vector<16xi32>, vector<16xi32>], vector<16xf32>,
        %parallel_loop3A_397 = arith.constant 9 : i32
        %parallel_loop3A_398 = arith.addi %parallel_loop3A_311, %parallel_loop3A_397 : i32
        %parallel_loop3A_399 = arith.index_cast %parallel_loop3A_398 : i32 to index
        %parallel_loop3A_400 = arith.constant 0 : index
        %parallel_loop3A_401 = tpu.vector_load %arg9[%parallel_loop3A_399, %parallel_loop3A_400] {strides = array<i32>} : memref<1664x16xf32, #tpu.memory_space<vmem>>, vector<16xf32>,
        tpu.vector_store %arg9[%parallel_loop3A_399, %parallel_loop3A_400], %parallel_loop3A_396 {strides = array<i32>} : memref<1664x16xf32, #tpu.memory_space<vmem>>, vector<16xf32>,
        %parallel_loop3A_402 = arith.constant 10 : i32
        %parallel_loop3A_403 = vector.broadcast %parallel_loop3A_402 : i32 to vector<16xi32>
        %parallel_loop3A_404 = arith.addi %parallel_loop3A_306, %parallel_loop3A_403 : vector<16xi32>
        %parallel_loop3A_405 = tpu.vector_load_idx %arg7[%add3A_293, %iota3A, %parallel_loop3A_404] : memref<13x16x129xf32, #tpu.memory_space<vmem>>[vector<16xi32>, vector<16xi32>, vector<16xi32>], vector<16xf32>,
        %parallel_loop3A_406 = arith.constant 10 : i32
        %parallel_loop3A_407 = arith.addi %parallel_loop3A_311, %parallel_loop3A_406 : i32
        %parallel_loop3A_408 = arith.index_cast %parallel_loop3A_407 : i32 to index
        %parallel_loop3A_409 = arith.constant 0 : index
        %parallel_loop3A_410 = tpu.vector_load %arg9[%parallel_loop3A_408, %parallel_loop3A_409] {strides = array<i32>} : memref<1664x16xf32, #tpu.memory_space<vmem>>, vector<16xf32>,
        tpu.vector_store %arg9[%parallel_loop3A_408, %parallel_loop3A_409], %parallel_loop3A_405 {strides = array<i32>} : memref<1664x16xf32, #tpu.memory_space<vmem>>, vector<16xf32>,
        %parallel_loop3A_411 = arith.constant 11 : i32
        %parallel_loop3A_412 = vector.broadcast %parallel_loop3A_411 : i32 to vector<16xi32>
        %parallel_loop3A_413 = arith.addi %parallel_loop3A_306, %parallel_loop3A_412 : vector<16xi32>
        %parallel_loop3A_414 = tpu.vector_load_idx %arg7[%add3A_293, %iota3A, %parallel_loop3A_413] : memref<13x16x129xf32, #tpu.memory_space<vmem>>[vector<16xi32>, vector<16xi32>, vector<16xi32>], vector<16xf32>,
        %parallel_loop3A_415 = arith.constant 11 : i32
        %parallel_loop3A_416 = arith.addi %parallel_loop3A_311, %parallel_loop3A_415 : i32
        %parallel_loop3A_417 = arith.index_cast %parallel_loop3A_416 : i32 to index
        %parallel_loop3A_418 = arith.constant 0 : index
        %parallel_loop3A_419 = tpu.vector_load %arg9[%parallel_loop3A_417, %parallel_loop3A_418] {strides = array<i32>} : memref<1664x16xf32, #tpu.memory_space<vmem>>, vector<16xf32>,
        tpu.vector_store %arg9[%parallel_loop3A_417, %parallel_loop3A_418], %parallel_loop3A_414 {strides = array<i32>} : memref<1664x16xf32, #tpu.memory_space<vmem>>, vector<16xf32>,
        %parallel_loop3A_420 = arith.constant 12 : i32
        %parallel_loop3A_421 = vector.broadcast %parallel_loop3A_420 : i32 to vector<16xi32>
        %parallel_loop3A_422 = arith.addi %parallel_loop3A_306, %parallel_loop3A_421 : vector<16xi32>
        %parallel_loop3A_423 = tpu.vector_load_idx %arg7[%add3A_293, %iota3A, %parallel_loop3A_422] : memref<13x16x129xf32, #tpu.memory_space<vmem>>[vector<16xi32>, vector<16xi32>, vector<16xi32>], vector<16xf32>,
        %parallel_loop3A_424 = arith.constant 12 : i32
        %parallel_loop3A_425 = arith.addi %parallel_loop3A_311, %parallel_loop3A_424 : i32
        %parallel_loop3A_426 = arith.index_cast %parallel_loop3A_425 : i32 to index
        %parallel_loop3A_427 = arith.constant 0 : index
        %parallel_loop3A_428 = tpu.vector_load %arg9[%parallel_loop3A_426, %parallel_loop3A_427] {strides = array<i32>} : memref<1664x16xf32, #tpu.memory_space<vmem>>, vector<16xf32>,
        tpu.vector_store %arg9[%parallel_loop3A_426, %parallel_loop3A_427], %parallel_loop3A_423 {strides = array<i32>} : memref<1664x16xf32, #tpu.memory_space<vmem>>, vector<16xf32>,
        %parallel_loop3A_429 = arith.constant 13 : i32
        %parallel_loop3A_430 = vector.broadcast %parallel_loop3A_429 : i32 to vector<16xi32>
        %parallel_loop3A_431 = arith.addi %parallel_loop3A_306, %parallel_loop3A_430 : vector<16xi32>
        %parallel_loop3A_432 = tpu.vector_load_idx %arg7[%add3A_293, %iota3A, %parallel_loop3A_431] : memref<13x16x129xf32, #tpu.memory_space<vmem>>[vector<16xi32>, vector<16xi32>, vector<16xi32>], vector<16xf32>,
        %parallel_loop3A_433 = arith.constant 13 : i32
        %parallel_loop3A_434 = arith.addi %parallel_loop3A_311, %parallel_loop3A_433 : i32
        %parallel_loop3A_435 = arith.index_cast %parallel_loop3A_434 : i32 to index
        %parallel_loop3A_436 = arith.constant 0 : index
        %parallel_loop3A_437 = tpu.vector_load %arg9[%parallel_loop3A_435, %parallel_loop3A_436] {strides = array<i32>} : memref<1664x16xf32, #tpu.memory_space<vmem>>, vector<16xf32>,
        tpu.vector_store %arg9[%parallel_loop3A_435, %parallel_loop3A_436], %parallel_loop3A_432 {strides = array<i32>} : memref<1664x16xf32, #tpu.memory_space<vmem>>, vector<16xf32>,
        %parallel_loop3A_438 = arith.constant 14 : i32
        %parallel_loop3A_439 = vector.broadcast %parallel_loop3A_438 : i32 to vector<16xi32>
        %parallel_loop3A_440 = arith.addi %parallel_loop3A_306, %parallel_loop3A_439 : vector<16xi32>
        %parallel_loop3A_441 = tpu.vector_load_idx %arg7[%add3A_293, %iota3A, %parallel_loop3A_440] : memref<13x16x129xf32, #tpu.memory_space<vmem>>[vector<16xi32>, vector<16xi32>, vector<16xi32>], vector<16xf32>,
        %parallel_loop3A_442 = arith.constant 14 : i32
        %parallel_loop3A_443 = arith.addi %parallel_loop3A_311, %parallel_loop3A_442 : i32
        %parallel_loop3A_444 = arith.index_cast %parallel_loop3A_443 : i32 to index
        %parallel_loop3A_445 = arith.constant 0 : index
        %parallel_loop3A_446 = tpu.vector_load %arg9[%parallel_loop3A_444, %parallel_loop3A_445] {strides = array<i32>} : memref<1664x16xf32, #tpu.memory_space<vmem>>, vector<16xf32>,
        tpu.vector_store %arg9[%parallel_loop3A_444, %parallel_loop3A_445], %parallel_loop3A_441 {strides = array<i32>} : memref<1664x16xf32, #tpu.memory_space<vmem>>, vector<16xf32>,
        %parallel_loop3A_447 = arith.constant 15 : i32
        %parallel_loop3A_448 = vector.broadcast %parallel_loop3A_447 : i32 to vector<16xi32>
        %parallel_loop3A_449 = arith.addi %parallel_loop3A_306, %parallel_loop3A_448 : vector<16xi32>
        %parallel_loop3A_450 = tpu.vector_load_idx %arg7[%add3A_293, %iota3A, %parallel_loop3A_449] : memref<13x16x129xf32, #tpu.memory_space<vmem>>[vector<16xi32>, vector<16xi32>, vector<16xi32>], vector<16xf32>,
        %parallel_loop3A_451 = arith.constant 15 : i32
        %parallel_loop3A_452 = arith.addi %parallel_loop3A_311, %parallel_loop3A_451 : i32
        %parallel_loop3A_453 = arith.index_cast %parallel_loop3A_452 : i32 to index
        %parallel_loop3A_454 = arith.constant 0 : index
        %parallel_loop3A_455 = tpu.vector_load %arg9[%parallel_loop3A_453, %parallel_loop3A_454] {strides = array<i32>} : memref<1664x16xf32, #tpu.memory_space<vmem>>, vector<16xf32>,
        tpu.vector_store %arg9[%parallel_loop3A_453, %parallel_loop3A_454], %parallel_loop3A_450 {strides = array<i32>} : memref<1664x16xf32, #tpu.memory_space<vmem>>, vector<16xf32>,
      } {sc.loop_unroll_factor = 4 : i64, sc.parallel_access}
      %mul3A_296 = arith.constant 128 : i32
      %mul3A_297 = arith.muli %add3A_291, %mul3A_296 : i32
      %add3A_298 = arith.constant 6656 : i32
      %add3A_299 = arith.addi %add3A_298, %mul3A_297 : i32
      %mul3A_300 = arith.constant 128 : i32
      %mul3A_301 = arith.muli %add3A_291, %mul3A_300 : i32
      "tpu.region"() ({
        %run_scoped3A = tpu.sem_alloc : memref<!tpu.dma_semaphore, #tpu.memory_space<semaphore_mem>>
        %dma_start3A_302 = arith.constant 0 : i32
        %dma_start3A_303 = tpu.memref_slice %arg9[%mul3A_301, %dma_start3A_302] : memref<1664x16xf32, #tpu.memory_space<vmem>> -> memref<128x16xf32, #tpu.memory_space<vmem>>
        %dma_start3A_304 = tpu.memref_slice %arg6[%add3A_299] : memref<10496xi32, #tpu.memory_space<vmem>> -> memref<128xi32, #tpu.memory_space<vmem>>
        %dma_start3A_305 = arith.constant 0 : i32
        %dma_start3A_306 = arith.constant 0 : i32
        %dma_start3A_307 = tpu.memref_slice %arg11[%dma_start3A_305, %dma_start3A_306] : memref<10000x16xf32, #tpu.memory_space<vmem_shared>> -> memref<10000x16xf32, #tpu.memory_space<vmem_shared>>
        tpu.enqueue_indirect_dma source(%dma_start3A_303 : memref<128x16xf32, #tpu.memory_space<vmem>>) target(%dma_start3A_307 : memref<10000x16xf32, #tpu.memory_space<vmem_shared>>) offsets(%dma_start3A_304 : memref<128xi32, #tpu.memory_space<vmem>>) semaphore(%run_scoped3A : memref<!tpu.dma_semaphore, #tpu.memory_space<semaphore_mem>>) {add = true}
        %dma_wait3A_308 = arith.constant 0 : i32
        %dma_wait3A_309 = tpu.memref_slice %arg9[%mul3A_301, %dma_wait3A_308] : memref<1664x16xf32, #tpu.memory_space<vmem>> -> memref<128x16xf32, #tpu.memory_space<vmem>>
        %dma_wait3A_310 = tpu.memref_slice %arg6[%add3A_299] : memref<10496xi32, #tpu.memory_space<vmem>> -> memref<128xi32, #tpu.memory_space<vmem>>
        %dma_wait3A_311 = arith.constant 0 : i32
        %dma_wait3A_312 = arith.constant 0 : i32
        %dma_wait3A_313 = tpu.memref_slice %arg11[%dma_wait3A_311, %dma_wait3A_312] : memref<10000x16xf32, #tpu.memory_space<vmem_shared>> -> memref<10000x16xf32, #tpu.memory_space<vmem_shared>>
        tpu.wait_indirect_dma semaphore(%run_scoped3A : memref<!tpu.dma_semaphore, #tpu.memory_space<semaphore_mem>>) src(%dma_wait3A_309 : memref<128x16xf32, #tpu.memory_space<vmem>>) dst(%dma_wait3A_313 : memref<10000x16xf32, #tpu.memory_space<vmem_shared>>)
        tpu.yield
      }) : () -> ()
      "tpu.region"() ({
        %run_scoped3A = tpu.sem_alloc : memref<!tpu.dma_semaphore, #tpu.memory_space<semaphore_mem>>
        %dma_start3A_302 = tpu.memref_slice %arg6[%add3A_299] : memref<10496xi32, #tpu.memory_space<vmem>> -> memref<128xi32, #tpu.memory_space<vmem>>
        %dma_start3A_303 = arith.constant 0 : i32
        %dma_start3A_304 = arith.constant 0 : i32
        %dma_start3A_305 = tpu.memref_slice %arg12[%dma_start3A_303, %dma_start3A_304] : memref<10000x16xf32, #tpu.memory_space<vmem_shared>> -> memref<10000x16xf32, #tpu.memory_space<vmem_shared>>
        tpu.enqueue_indirect_dma source(%arg10 : memref<128x16xf32, #tpu.memory_space<vmem>>) target(%dma_start3A_305 : memref<10000x16xf32, #tpu.memory_space<vmem_shared>>) offsets(%dma_start3A_302 : memref<128xi32, #tpu.memory_space<vmem>>) semaphore(%run_scoped3A : memref<!tpu.dma_semaphore, #tpu.memory_space<semaphore_mem>>) {add = true}
        %dma_wait3A_306 = tpu.memref_slice %arg6[%add3A_299] : memref<10496xi32, #tpu.memory_space<vmem>> -> memref<128xi32, #tpu.memory_space<vmem>>
        %dma_wait3A_307 = arith.constant 0 : i32
        %dma_wait3A_308 = arith.constant 0 : i32
        %dma_wait3A_309 = tpu.memref_slice %arg12[%dma_wait3A_307, %dma_wait3A_308] : memref<10000x16xf32, #tpu.memory_space<vmem_shared>> -> memref<10000x16xf32, #tpu.memory_space<vmem_shared>>
        tpu.wait_indirect_dma semaphore(%run_scoped3A : memref<!tpu.dma_semaphore, #tpu.memory_space<semaphore_mem>>) src(%arg10 : memref<128x16xf32, #tpu.memory_space<vmem>>) dst(%dma_wait3A_309 : memref<10000x16xf32, #tpu.memory_space<vmem_shared>>)
        tpu.yield
      }) : () -> ()
    }
    %scan3A_248 = arith.constant 13 : i32
    %lt3A_249 = arith.constant 4 : i32
    %lt3A_250 = arith.cmpi slt, %add3A, %lt3A_249 : i32
    %convert_element_type3A_251 = arith.extui %lt3A_250 : i1 to i32
    %cond3A_252 = arith.constant 0 : i32
    %cond3A_253 = arith.cmpi ne, %convert_element_type3A_251, %cond3A_252 : i32
    scf.if %cond3A_253 {
      %add3A_287 = arith.constant 2496 : i32
      %add3A_288 = arith.addi %add3A_287, %add3A : i32
      %dma_start3A_289 = arith.constant 0 : i32
      %dma_start3A_290 = arith.constant 0 : i32
      %dma_start3A_291 = arith.constant 0 : i32
      %dma_start3A_292 = tpu.memref_slice %arg7[%dma_start3A_289, %dma_start3A_290, %dma_start3A_291] : memref<13x16x129xf32, #tpu.memory_space<vmem>> -> memref<1x16x128xf32, #tpu.memory_space<vmem>>
      %dma_start3A_293 = arith.constant 0 : i32
      %dma_start3A_294 = arith.constant 0 : i32
      %dma_start3A_295 = tpu.memref_slice %arg3[%add3A_288, %dma_start3A_293, %dma_start3A_294] : memref<2500x16x128xf32, #tpu.memory_space<hbm>> -> memref<1x16x128xf32, #tpu.memory_space<hbm>>
      %dma_start3A_296 = arith.constant 0 : i32
      %dma_start3A_297 = arith.constant 0 : i32
      %dma_start3A_298 = arith.constant 0 : i32
      %dma_start3A_299 = tpu.memref_slice %arg7[%dma_start3A_296, %dma_start3A_297, %dma_start3A_298] : memref<13x16x129xf32, #tpu.memory_space<vmem>> -> memref<1x16x128xf32, #tpu.memory_space<vmem>>
      %dma_start3A_300 = arith.constant 0 : i32
      %dma_start3A_301 = arith.constant 0 : i32
      %dma_start3A_302 = tpu.memref_slice %arg3[%add3A_288, %dma_start3A_300, %dma_start3A_301] : memref<2500x16x128xf32, #tpu.memory_space<hbm>> -> memref<1x16x128xf32, #tpu.memory_space<hbm>>
      tpu.enqueue_dma source(%dma_start3A_302 : memref<1x16x128xf32, #tpu.memory_space<hbm>>) target(%dma_start3A_299 : memref<1x16x128xf32, #tpu.memory_space<vmem>>) target_semaphore(%arg14 : memref<!tpu.dma_semaphore, #tpu.memory_space<semaphore_mem>>)
    } else {
    }
    %dma_wait3A_254 = arith.constant 0 : i32
    %dma_wait3A_255 = arith.constant 0 : i32
    %dma_wait3A_256 = arith.constant 0 : i32
    %dma_wait3A_257 = tpu.memref_slice %arg8[%dma_wait3A_254, %dma_wait3A_255, %dma_wait3A_256] : memref<13x16x129xf32, #tpu.memory_space<vmem>> -> memref<13x16x128xf32, #tpu.memory_space<vmem>>
    %dma_wait3A_258 = arith.constant 0 : i32
    %dma_wait3A_259 = arith.constant 0 : i32
    %dma_wait3A_260 = tpu.memref_slice %arg3[%add3A_212, %dma_wait3A_258, %dma_wait3A_259] : memref<2500x16x128xf32, #tpu.memory_space<hbm>> -> memref<13x16x128xf32, #tpu.memory_space<hbm>>
    %dma_wait3A_261 = arith.constant 0 : i32
    %dma_wait3A_262 = arith.constant 0 : i32
    %dma_wait3A_263 = arith.constant 0 : i32
    %dma_wait3A_264 = tpu.memref_slice %arg8[%dma_wait3A_261, %dma_wait3A_262, %dma_wait3A_263] : memref<13x16x129xf32, #tpu.memory_space<vmem>> -> memref<13x16x128xf32, #tpu.memory_space<vmem>>
    %dma_wait3A_265 = arith.constant 0 : i32
    %dma_wait3A_266 = arith.constant 0 : i32
    %dma_wait3A_267 = tpu.memref_slice %arg3[%add3A_212, %dma_wait3A_265, %dma_wait3A_266] : memref<2500x16x128xf32, #tpu.memory_space<hbm>> -> memref<13x16x128xf32, #tpu.memory_space<hbm>>
    tpu.wait_dma2 semaphore(%arg15 : memref<!tpu.dma_semaphore, #tpu.memory_space<semaphore_mem>>) src(%dma_wait3A_267 : memref<13x16x128xf32, #tpu.memory_space<hbm>>) dst(%dma_wait3A_264 : memref<13x16x128xf32, #tpu.memory_space<vmem>>)
    %mul3A_268 = arith.constant 0 : i32
    %mul3A_269 = vector.broadcast %mul3A_268 : i32 to vector<16xi32>
    %mul3A_270 = arith.muli %iota3A, %mul3A_269 : vector<16xi32>
    %scan3A_271 = arith.constant 0 : i32
    %scan3A_272 = arith.constant 13 : i32
    %scan3A_273 = arith.addi %scan3A_271, %scan3A_272 : i32
    %scan3A_274 = arith.constant 1 : i32
    scf.for %scan3A_287 = %scan3A_271 to %scan3A_273 step %scan3A_274  : i32 {
      %mul3A_288 = arith.constant 1 : i32
      %mul3A_289 = arith.muli %scan3A_287, %mul3A_288 : i32
      %add3A_290 = arith.constant 0 : i32
      %add3A_291 = arith.addi %add3A_290, %mul3A_289 : i32
      %add3A_292 = vector.broadcast %add3A_291 : i32 to vector<16xi32>
      %add3A_293 = arith.addi %mul3A_270, %add3A_292 : vector<16xi32>
      %parallel_loop3A = arith.constant 0 : i32
      %parallel_loop3A_294 = arith.constant 8 : i32
      %parallel_loop3A_295 = arith.constant 1 : i32
      scf.for %parallel_loop3A_302 = %parallel_loop3A to %parallel_loop3A_294 step %parallel_loop3A_295  : i32 {
        %parallel_loop3A_303 = arith.constant 16 : i32
        %parallel_loop3A_304 = arith.muli %parallel_loop3A_302, %parallel_loop3A_303 : i32
        %parallel_loop3A_305 = vector.broadcast %parallel_loop3A_304 : i32 to vector<16xi32>
        %parallel_loop3A_306 = arith.addi %mul3A_270, %parallel_loop3A_305 : vector<16xi32>
        %parallel_loop3A_307 = arith.constant 128 : i32
        %parallel_loop3A_308 = arith.muli %add3A_291, %parallel_loop3A_307 : i32
        %parallel_loop3A_309 = arith.constant 16 : i32
        %parallel_loop3A_310 = arith.muli %parallel_loop3A_302, %parallel_loop3A_309 : i32
        %parallel_loop3A_311 = arith.addi %parallel_loop3A_308, %parallel_loop3A_310 : i32
        %parallel_loop3A_312 = arith.constant 0 : i32
        %parallel_loop3A_313 = vector.broadcast %parallel_loop3A_312 : i32 to vector<16xi32>
        %parallel_loop3A_314 = arith.addi %parallel_loop3A_306, %parallel_loop3A_313 : vector<16xi32>
        %parallel_loop3A_315 = tpu.vector_load_idx %arg8[%add3A_293, %iota3A, %parallel_loop3A_314] : memref<13x16x129xf32, #tpu.memory_space<vmem>>[vector<16xi32>, vector<16xi32>, vector<16xi32>], vector<16xf32>,
        %parallel_loop3A_316 = arith.constant 0 : i32
        %parallel_loop3A_317 = arith.addi %parallel_loop3A_311, %parallel_loop3A_316 : i32
        %parallel_loop3A_318 = arith.index_cast %parallel_loop3A_317 : i32 to index
        %parallel_loop3A_319 = arith.constant 0 : index
        %parallel_loop3A_320 = tpu.vector_load %arg9[%parallel_loop3A_318, %parallel_loop3A_319] {strides = array<i32>} : memref<1664x16xf32, #tpu.memory_space<vmem>>, vector<16xf32>,
        tpu.vector_store %arg9[%parallel_loop3A_318, %parallel_loop3A_319], %parallel_loop3A_315 {strides = array<i32>} : memref<1664x16xf32, #tpu.memory_space<vmem>>, vector<16xf32>,
        %parallel_loop3A_321 = arith.constant 1 : i32
        %parallel_loop3A_322 = vector.broadcast %parallel_loop3A_321 : i32 to vector<16xi32>
        %parallel_loop3A_323 = arith.addi %parallel_loop3A_306, %parallel_loop3A_322 : vector<16xi32>
        %parallel_loop3A_324 = tpu.vector_load_idx %arg8[%add3A_293, %iota3A, %parallel_loop3A_323] : memref<13x16x129xf32, #tpu.memory_space<vmem>>[vector<16xi32>, vector<16xi32>, vector<16xi32>], vector<16xf32>,
        %parallel_loop3A_325 = arith.constant 1 : i32
        %parallel_loop3A_326 = arith.addi %parallel_loop3A_311, %parallel_loop3A_325 : i32
        %parallel_loop3A_327 = arith.index_cast %parallel_loop3A_326 : i32 to index
        %parallel_loop3A_328 = arith.constant 0 : index
        %parallel_loop3A_329 = tpu.vector_load %arg9[%parallel_loop3A_327, %parallel_loop3A_328] {strides = array<i32>} : memref<1664x16xf32, #tpu.memory_space<vmem>>, vector<16xf32>,
        tpu.vector_store %arg9[%parallel_loop3A_327, %parallel_loop3A_328], %parallel_loop3A_324 {strides = array<i32>} : memref<1664x16xf32, #tpu.memory_space<vmem>>, vector<16xf32>,
        %parallel_loop3A_330 = arith.constant 2 : i32
        %parallel_loop3A_331 = vector.broadcast %parallel_loop3A_330 : i32 to vector<16xi32>
        %parallel_loop3A_332 = arith.addi %parallel_loop3A_306, %parallel_loop3A_331 : vector<16xi32>
        %parallel_loop3A_333 = tpu.vector_load_idx %arg8[%add3A_293, %iota3A, %parallel_loop3A_332] : memref<13x16x129xf32, #tpu.memory_space<vmem>>[vector<16xi32>, vector<16xi32>, vector<16xi32>], vector<16xf32>,
        %parallel_loop3A_334 = arith.constant 2 : i32
        %parallel_loop3A_335 = arith.addi %parallel_loop3A_311, %parallel_loop3A_334 : i32
        %parallel_loop3A_336 = arith.index_cast %parallel_loop3A_335 : i32 to index
        %parallel_loop3A_337 = arith.constant 0 : index
        %parallel_loop3A_338 = tpu.vector_load %arg9[%parallel_loop3A_336, %parallel_loop3A_337] {strides = array<i32>} : memref<1664x16xf32, #tpu.memory_space<vmem>>, vector<16xf32>,
        tpu.vector_store %arg9[%parallel_loop3A_336, %parallel_loop3A_337], %parallel_loop3A_333 {strides = array<i32>} : memref<1664x16xf32, #tpu.memory_space<vmem>>, vector<16xf32>,
        %parallel_loop3A_339 = arith.constant 3 : i32
        %parallel_loop3A_340 = vector.broadcast %parallel_loop3A_339 : i32 to vector<16xi32>
        %parallel_loop3A_341 = arith.addi %parallel_loop3A_306, %parallel_loop3A_340 : vector<16xi32>
        %parallel_loop3A_342 = tpu.vector_load_idx %arg8[%add3A_293, %iota3A, %parallel_loop3A_341] : memref<13x16x129xf32, #tpu.memory_space<vmem>>[vector<16xi32>, vector<16xi32>, vector<16xi32>], vector<16xf32>,
        %parallel_loop3A_343 = arith.constant 3 : i32
        %parallel_loop3A_344 = arith.addi %parallel_loop3A_311, %parallel_loop3A_343 : i32
        %parallel_loop3A_345 = arith.index_cast %parallel_loop3A_344 : i32 to index
        %parallel_loop3A_346 = arith.constant 0 : index
        %parallel_loop3A_347 = tpu.vector_load %arg9[%parallel_loop3A_345, %parallel_loop3A_346] {strides = array<i32>} : memref<1664x16xf32, #tpu.memory_space<vmem>>, vector<16xf32>,
        tpu.vector_store %arg9[%parallel_loop3A_345, %parallel_loop3A_346], %parallel_loop3A_342 {strides = array<i32>} : memref<1664x16xf32, #tpu.memory_space<vmem>>, vector<16xf32>,
        %parallel_loop3A_348 = arith.constant 4 : i32
        %parallel_loop3A_349 = vector.broadcast %parallel_loop3A_348 : i32 to vector<16xi32>
        %parallel_loop3A_350 = arith.addi %parallel_loop3A_306, %parallel_loop3A_349 : vector<16xi32>
        %parallel_loop3A_351 = tpu.vector_load_idx %arg8[%add3A_293, %iota3A, %parallel_loop3A_350] : memref<13x16x129xf32, #tpu.memory_space<vmem>>[vector<16xi32>, vector<16xi32>, vector<16xi32>], vector<16xf32>,
        %parallel_loop3A_352 = arith.constant 4 : i32
        %parallel_loop3A_353 = arith.addi %parallel_loop3A_311, %parallel_loop3A_352 : i32
        %parallel_loop3A_354 = arith.index_cast %parallel_loop3A_353 : i32 to index
        %parallel_loop3A_355 = arith.constant 0 : index
        %parallel_loop3A_356 = tpu.vector_load %arg9[%parallel_loop3A_354, %parallel_loop3A_355] {strides = array<i32>} : memref<1664x16xf32, #tpu.memory_space<vmem>>, vector<16xf32>,
        tpu.vector_store %arg9[%parallel_loop3A_354, %parallel_loop3A_355], %parallel_loop3A_351 {strides = array<i32>} : memref<1664x16xf32, #tpu.memory_space<vmem>>, vector<16xf32>,
        %parallel_loop3A_357 = arith.constant 5 : i32
        %parallel_loop3A_358 = vector.broadcast %parallel_loop3A_357 : i32 to vector<16xi32>
        %parallel_loop3A_359 = arith.addi %parallel_loop3A_306, %parallel_loop3A_358 : vector<16xi32>
        %parallel_loop3A_360 = tpu.vector_load_idx %arg8[%add3A_293, %iota3A, %parallel_loop3A_359] : memref<13x16x129xf32, #tpu.memory_space<vmem>>[vector<16xi32>, vector<16xi32>, vector<16xi32>], vector<16xf32>,
        %parallel_loop3A_361 = arith.constant 5 : i32
        %parallel_loop3A_362 = arith.addi %parallel_loop3A_311, %parallel_loop3A_361 : i32
        %parallel_loop3A_363 = arith.index_cast %parallel_loop3A_362 : i32 to index
        %parallel_loop3A_364 = arith.constant 0 : index
        %parallel_loop3A_365 = tpu.vector_load %arg9[%parallel_loop3A_363, %parallel_loop3A_364] {strides = array<i32>} : memref<1664x16xf32, #tpu.memory_space<vmem>>, vector<16xf32>,
        tpu.vector_store %arg9[%parallel_loop3A_363, %parallel_loop3A_364], %parallel_loop3A_360 {strides = array<i32>} : memref<1664x16xf32, #tpu.memory_space<vmem>>, vector<16xf32>,
        %parallel_loop3A_366 = arith.constant 6 : i32
        %parallel_loop3A_367 = vector.broadcast %parallel_loop3A_366 : i32 to vector<16xi32>
        %parallel_loop3A_368 = arith.addi %parallel_loop3A_306, %parallel_loop3A_367 : vector<16xi32>
        %parallel_loop3A_369 = tpu.vector_load_idx %arg8[%add3A_293, %iota3A, %parallel_loop3A_368] : memref<13x16x129xf32, #tpu.memory_space<vmem>>[vector<16xi32>, vector<16xi32>, vector<16xi32>], vector<16xf32>,
        %parallel_loop3A_370 = arith.constant 6 : i32
        %parallel_loop3A_371 = arith.addi %parallel_loop3A_311, %parallel_loop3A_370 : i32
        %parallel_loop3A_372 = arith.index_cast %parallel_loop3A_371 : i32 to index
        %parallel_loop3A_373 = arith.constant 0 : index
        %parallel_loop3A_374 = tpu.vector_load %arg9[%parallel_loop3A_372, %parallel_loop3A_373] {strides = array<i32>} : memref<1664x16xf32, #tpu.memory_space<vmem>>, vector<16xf32>,
        tpu.vector_store %arg9[%parallel_loop3A_372, %parallel_loop3A_373], %parallel_loop3A_369 {strides = array<i32>} : memref<1664x16xf32, #tpu.memory_space<vmem>>, vector<16xf32>,
        %parallel_loop3A_375 = arith.constant 7 : i32
        %parallel_loop3A_376 = vector.broadcast %parallel_loop3A_375 : i32 to vector<16xi32>
        %parallel_loop3A_377 = arith.addi %parallel_loop3A_306, %parallel_loop3A_376 : vector<16xi32>
        %parallel_loop3A_378 = tpu.vector_load_idx %arg8[%add3A_293, %iota3A, %parallel_loop3A_377] : memref<13x16x129xf32, #tpu.memory_space<vmem>>[vector<16xi32>, vector<16xi32>, vector<16xi32>], vector<16xf32>,
        %parallel_loop3A_379 = arith.constant 7 : i32
        %parallel_loop3A_380 = arith.addi %parallel_loop3A_311, %parallel_loop3A_379 : i32
        %parallel_loop3A_381 = arith.index_cast %parallel_loop3A_380 : i32 to index
        %parallel_loop3A_382 = arith.constant 0 : index
        %parallel_loop3A_383 = tpu.vector_load %arg9[%parallel_loop3A_381, %parallel_loop3A_382] {strides = array<i32>} : memref<1664x16xf32, #tpu.memory_space<vmem>>, vector<16xf32>,
        tpu.vector_store %arg9[%parallel_loop3A_381, %parallel_loop3A_382], %parallel_loop3A_378 {strides = array<i32>} : memref<1664x16xf32, #tpu.memory_space<vmem>>, vector<16xf32>,
        %parallel_loop3A_384 = arith.constant 8 : i32
        %parallel_loop3A_385 = vector.broadcast %parallel_loop3A_384 : i32 to vector<16xi32>
        %parallel_loop3A_386 = arith.addi %parallel_loop3A_306, %parallel_loop3A_385 : vector<16xi32>
        %parallel_loop3A_387 = tpu.vector_load_idx %arg8[%add3A_293, %iota3A, %parallel_loop3A_386] : memref<13x16x129xf32, #tpu.memory_space<vmem>>[vector<16xi32>, vector<16xi32>, vector<16xi32>], vector<16xf32>,
        %parallel_loop3A_388 = arith.constant 8 : i32
        %parallel_loop3A_389 = arith.addi %parallel_loop3A_311, %parallel_loop3A_388 : i32
        %parallel_loop3A_390 = arith.index_cast %parallel_loop3A_389 : i32 to index
        %parallel_loop3A_391 = arith.constant 0 : index
        %parallel_loop3A_392 = tpu.vector_load %arg9[%parallel_loop3A_390, %parallel_loop3A_391] {strides = array<i32>} : memref<1664x16xf32, #tpu.memory_space<vmem>>, vector<16xf32>,
        tpu.vector_store %arg9[%parallel_loop3A_390, %parallel_loop3A_391], %parallel_loop3A_387 {strides = array<i32>} : memref<1664x16xf32, #tpu.memory_space<vmem>>, vector<16xf32>,
        %parallel_loop3A_393 = arith.constant 9 : i32
        %parallel_loop3A_394 = vector.broadcast %parallel_loop3A_393 : i32 to vector<16xi32>
        %parallel_loop3A_395 = arith.addi %parallel_loop3A_306, %parallel_loop3A_394 : vector<16xi32>
        %parallel_loop3A_396 = tpu.vector_load_idx %arg8[%add3A_293, %iota3A, %parallel_loop3A_395] : memref<13x16x129xf32, #tpu.memory_space<vmem>>[vector<16xi32>, vector<16xi32>, vector<16xi32>], vector<16xf32>,
        %parallel_loop3A_397 = arith.constant 9 : i32
        %parallel_loop3A_398 = arith.addi %parallel_loop3A_311, %parallel_loop3A_397 : i32
        %parallel_loop3A_399 = arith.index_cast %parallel_loop3A_398 : i32 to index
        %parallel_loop3A_400 = arith.constant 0 : index
        %parallel_loop3A_401 = tpu.vector_load %arg9[%parallel_loop3A_399, %parallel_loop3A_400] {strides = array<i32>} : memref<1664x16xf32, #tpu.memory_space<vmem>>, vector<16xf32>,
        tpu.vector_store %arg9[%parallel_loop3A_399, %parallel_loop3A_400], %parallel_loop3A_396 {strides = array<i32>} : memref<1664x16xf32, #tpu.memory_space<vmem>>, vector<16xf32>,
        %parallel_loop3A_402 = arith.constant 10 : i32
        %parallel_loop3A_403 = vector.broadcast %parallel_loop3A_402 : i32 to vector<16xi32>
        %parallel_loop3A_404 = arith.addi %parallel_loop3A_306, %parallel_loop3A_403 : vector<16xi32>
        %parallel_loop3A_405 = tpu.vector_load_idx %arg8[%add3A_293, %iota3A, %parallel_loop3A_404] : memref<13x16x129xf32, #tpu.memory_space<vmem>>[vector<16xi32>, vector<16xi32>, vector<16xi32>], vector<16xf32>,
        %parallel_loop3A_406 = arith.constant 10 : i32
        %parallel_loop3A_407 = arith.addi %parallel_loop3A_311, %parallel_loop3A_406 : i32
        %parallel_loop3A_408 = arith.index_cast %parallel_loop3A_407 : i32 to index
        %parallel_loop3A_409 = arith.constant 0 : index
        %parallel_loop3A_410 = tpu.vector_load %arg9[%parallel_loop3A_408, %parallel_loop3A_409] {strides = array<i32>} : memref<1664x16xf32, #tpu.memory_space<vmem>>, vector<16xf32>,
        tpu.vector_store %arg9[%parallel_loop3A_408, %parallel_loop3A_409], %parallel_loop3A_405 {strides = array<i32>} : memref<1664x16xf32, #tpu.memory_space<vmem>>, vector<16xf32>,
        %parallel_loop3A_411 = arith.constant 11 : i32
        %parallel_loop3A_412 = vector.broadcast %parallel_loop3A_411 : i32 to vector<16xi32>
        %parallel_loop3A_413 = arith.addi %parallel_loop3A_306, %parallel_loop3A_412 : vector<16xi32>
        %parallel_loop3A_414 = tpu.vector_load_idx %arg8[%add3A_293, %iota3A, %parallel_loop3A_413] : memref<13x16x129xf32, #tpu.memory_space<vmem>>[vector<16xi32>, vector<16xi32>, vector<16xi32>], vector<16xf32>,
        %parallel_loop3A_415 = arith.constant 11 : i32
        %parallel_loop3A_416 = arith.addi %parallel_loop3A_311, %parallel_loop3A_415 : i32
        %parallel_loop3A_417 = arith.index_cast %parallel_loop3A_416 : i32 to index
        %parallel_loop3A_418 = arith.constant 0 : index
        %parallel_loop3A_419 = tpu.vector_load %arg9[%parallel_loop3A_417, %parallel_loop3A_418] {strides = array<i32>} : memref<1664x16xf32, #tpu.memory_space<vmem>>, vector<16xf32>,
        tpu.vector_store %arg9[%parallel_loop3A_417, %parallel_loop3A_418], %parallel_loop3A_414 {strides = array<i32>} : memref<1664x16xf32, #tpu.memory_space<vmem>>, vector<16xf32>,
        %parallel_loop3A_420 = arith.constant 12 : i32
        %parallel_loop3A_421 = vector.broadcast %parallel_loop3A_420 : i32 to vector<16xi32>
        %parallel_loop3A_422 = arith.addi %parallel_loop3A_306, %parallel_loop3A_421 : vector<16xi32>
        %parallel_loop3A_423 = tpu.vector_load_idx %arg8[%add3A_293, %iota3A, %parallel_loop3A_422] : memref<13x16x129xf32, #tpu.memory_space<vmem>>[vector<16xi32>, vector<16xi32>, vector<16xi32>], vector<16xf32>,
        %parallel_loop3A_424 = arith.constant 12 : i32
        %parallel_loop3A_425 = arith.addi %parallel_loop3A_311, %parallel_loop3A_424 : i32
        %parallel_loop3A_426 = arith.index_cast %parallel_loop3A_425 : i32 to index
        %parallel_loop3A_427 = arith.constant 0 : index
        %parallel_loop3A_428 = tpu.vector_load %arg9[%parallel_loop3A_426, %parallel_loop3A_427] {strides = array<i32>} : memref<1664x16xf32, #tpu.memory_space<vmem>>, vector<16xf32>,
        tpu.vector_store %arg9[%parallel_loop3A_426, %parallel_loop3A_427], %parallel_loop3A_423 {strides = array<i32>} : memref<1664x16xf32, #tpu.memory_space<vmem>>, vector<16xf32>,
        %parallel_loop3A_429 = arith.constant 13 : i32
        %parallel_loop3A_430 = vector.broadcast %parallel_loop3A_429 : i32 to vector<16xi32>
        %parallel_loop3A_431 = arith.addi %parallel_loop3A_306, %parallel_loop3A_430 : vector<16xi32>
        %parallel_loop3A_432 = tpu.vector_load_idx %arg8[%add3A_293, %iota3A, %parallel_loop3A_431] : memref<13x16x129xf32, #tpu.memory_space<vmem>>[vector<16xi32>, vector<16xi32>, vector<16xi32>], vector<16xf32>,
        %parallel_loop3A_433 = arith.constant 13 : i32
        %parallel_loop3A_434 = arith.addi %parallel_loop3A_311, %parallel_loop3A_433 : i32
        %parallel_loop3A_435 = arith.index_cast %parallel_loop3A_434 : i32 to index
        %parallel_loop3A_436 = arith.constant 0 : index
        %parallel_loop3A_437 = tpu.vector_load %arg9[%parallel_loop3A_435, %parallel_loop3A_436] {strides = array<i32>} : memref<1664x16xf32, #tpu.memory_space<vmem>>, vector<16xf32>,
        tpu.vector_store %arg9[%parallel_loop3A_435, %parallel_loop3A_436], %parallel_loop3A_432 {strides = array<i32>} : memref<1664x16xf32, #tpu.memory_space<vmem>>, vector<16xf32>,
        %parallel_loop3A_438 = arith.constant 14 : i32
        %parallel_loop3A_439 = vector.broadcast %parallel_loop3A_438 : i32 to vector<16xi32>
        %parallel_loop3A_440 = arith.addi %parallel_loop3A_306, %parallel_loop3A_439 : vector<16xi32>
        %parallel_loop3A_441 = tpu.vector_load_idx %arg8[%add3A_293, %iota3A, %parallel_loop3A_440] : memref<13x16x129xf32, #tpu.memory_space<vmem>>[vector<16xi32>, vector<16xi32>, vector<16xi32>], vector<16xf32>,
        %parallel_loop3A_442 = arith.constant 14 : i32
        %parallel_loop3A_443 = arith.addi %parallel_loop3A_311, %parallel_loop3A_442 : i32
        %parallel_loop3A_444 = arith.index_cast %parallel_loop3A_443 : i32 to index
        %parallel_loop3A_445 = arith.constant 0 : index
        %parallel_loop3A_446 = tpu.vector_load %arg9[%parallel_loop3A_444, %parallel_loop3A_445] {strides = array<i32>} : memref<1664x16xf32, #tpu.memory_space<vmem>>, vector<16xf32>,
        tpu.vector_store %arg9[%parallel_loop3A_444, %parallel_loop3A_445], %parallel_loop3A_441 {strides = array<i32>} : memref<1664x16xf32, #tpu.memory_space<vmem>>, vector<16xf32>,
        %parallel_loop3A_447 = arith.constant 15 : i32
        %parallel_loop3A_448 = vector.broadcast %parallel_loop3A_447 : i32 to vector<16xi32>
        %parallel_loop3A_449 = arith.addi %parallel_loop3A_306, %parallel_loop3A_448 : vector<16xi32>
        %parallel_loop3A_450 = tpu.vector_load_idx %arg8[%add3A_293, %iota3A, %parallel_loop3A_449] : memref<13x16x129xf32, #tpu.memory_space<vmem>>[vector<16xi32>, vector<16xi32>, vector<16xi32>], vector<16xf32>,
        %parallel_loop3A_451 = arith.constant 15 : i32
        %parallel_loop3A_452 = arith.addi %parallel_loop3A_311, %parallel_loop3A_451 : i32
        %parallel_loop3A_453 = arith.index_cast %parallel_loop3A_452 : i32 to index
        %parallel_loop3A_454 = arith.constant 0 : index
        %parallel_loop3A_455 = tpu.vector_load %arg9[%parallel_loop3A_453, %parallel_loop3A_454] {strides = array<i32>} : memref<1664x16xf32, #tpu.memory_space<vmem>>, vector<16xf32>,
        tpu.vector_store %arg9[%parallel_loop3A_453, %parallel_loop3A_454], %parallel_loop3A_450 {strides = array<i32>} : memref<1664x16xf32, #tpu.memory_space<vmem>>, vector<16xf32>,
      } {sc.loop_unroll_factor = 4 : i64, sc.parallel_access}
      %mul3A_296 = arith.constant 128 : i32
      %mul3A_297 = arith.muli %add3A_291, %mul3A_296 : i32
      %add3A_298 = arith.constant 8320 : i32
      %add3A_299 = arith.addi %add3A_298, %mul3A_297 : i32
      %mul3A_300 = arith.constant 128 : i32
      %mul3A_301 = arith.muli %add3A_291, %mul3A_300 : i32
      "tpu.region"() ({
        %run_scoped3A = tpu.sem_alloc : memref<!tpu.dma_semaphore, #tpu.memory_space<semaphore_mem>>
        %dma_start3A_302 = arith.constant 0 : i32
        %dma_start3A_303 = tpu.memref_slice %arg9[%mul3A_301, %dma_start3A_302] : memref<1664x16xf32, #tpu.memory_space<vmem>> -> memref<128x16xf32, #tpu.memory_space<vmem>>
        %dma_start3A_304 = tpu.memref_slice %arg6[%add3A_299] : memref<10496xi32, #tpu.memory_space<vmem>> -> memref<128xi32, #tpu.memory_space<vmem>>
        %dma_start3A_305 = arith.constant 0 : i32
        %dma_start3A_306 = arith.constant 0 : i32
        %dma_start3A_307 = tpu.memref_slice %arg11[%dma_start3A_305, %dma_start3A_306] : memref<10000x16xf32, #tpu.memory_space<vmem_shared>> -> memref<10000x16xf32, #tpu.memory_space<vmem_shared>>
        tpu.enqueue_indirect_dma source(%dma_start3A_303 : memref<128x16xf32, #tpu.memory_space<vmem>>) target(%dma_start3A_307 : memref<10000x16xf32, #tpu.memory_space<vmem_shared>>) offsets(%dma_start3A_304 : memref<128xi32, #tpu.memory_space<vmem>>) semaphore(%run_scoped3A : memref<!tpu.dma_semaphore, #tpu.memory_space<semaphore_mem>>) {add = true}
        %dma_wait3A_308 = arith.constant 0 : i32
        %dma_wait3A_309 = tpu.memref_slice %arg9[%mul3A_301, %dma_wait3A_308] : memref<1664x16xf32, #tpu.memory_space<vmem>> -> memref<128x16xf32, #tpu.memory_space<vmem>>
        %dma_wait3A_310 = tpu.memref_slice %arg6[%add3A_299] : memref<10496xi32, #tpu.memory_space<vmem>> -> memref<128xi32, #tpu.memory_space<vmem>>
        %dma_wait3A_311 = arith.constant 0 : i32
        %dma_wait3A_312 = arith.constant 0 : i32
        %dma_wait3A_313 = tpu.memref_slice %arg11[%dma_wait3A_311, %dma_wait3A_312] : memref<10000x16xf32, #tpu.memory_space<vmem_shared>> -> memref<10000x16xf32, #tpu.memory_space<vmem_shared>>
        tpu.wait_indirect_dma semaphore(%run_scoped3A : memref<!tpu.dma_semaphore, #tpu.memory_space<semaphore_mem>>) src(%dma_wait3A_309 : memref<128x16xf32, #tpu.memory_space<vmem>>) dst(%dma_wait3A_313 : memref<10000x16xf32, #tpu.memory_space<vmem_shared>>)
        tpu.yield
      }) : () -> ()
      "tpu.region"() ({
        %run_scoped3A = tpu.sem_alloc : memref<!tpu.dma_semaphore, #tpu.memory_space<semaphore_mem>>
        %dma_start3A_302 = tpu.memref_slice %arg6[%add3A_299] : memref<10496xi32, #tpu.memory_space<vmem>> -> memref<128xi32, #tpu.memory_space<vmem>>
        %dma_start3A_303 = arith.constant 0 : i32
        %dma_start3A_304 = arith.constant 0 : i32
        %dma_start3A_305 = tpu.memref_slice %arg12[%dma_start3A_303, %dma_start3A_304] : memref<10000x16xf32, #tpu.memory_space<vmem_shared>> -> memref<10000x16xf32, #tpu.memory_space<vmem_shared>>
        tpu.enqueue_indirect_dma source(%arg10 : memref<128x16xf32, #tpu.memory_space<vmem>>) target(%dma_start3A_305 : memref<10000x16xf32, #tpu.memory_space<vmem_shared>>) offsets(%dma_start3A_302 : memref<128xi32, #tpu.memory_space<vmem>>) semaphore(%run_scoped3A : memref<!tpu.dma_semaphore, #tpu.memory_space<semaphore_mem>>) {add = true}
        %dma_wait3A_306 = tpu.memref_slice %arg6[%add3A_299] : memref<10496xi32, #tpu.memory_space<vmem>> -> memref<128xi32, #tpu.memory_space<vmem>>
        %dma_wait3A_307 = arith.constant 0 : i32
        %dma_wait3A_308 = arith.constant 0 : i32
        %dma_wait3A_309 = tpu.memref_slice %arg12[%dma_wait3A_307, %dma_wait3A_308] : memref<10000x16xf32, #tpu.memory_space<vmem_shared>> -> memref<10000x16xf32, #tpu.memory_space<vmem_shared>>
        tpu.wait_indirect_dma semaphore(%run_scoped3A : memref<!tpu.dma_semaphore, #tpu.memory_space<semaphore_mem>>) src(%arg10 : memref<128x16xf32, #tpu.memory_space<vmem>>) dst(%dma_wait3A_309 : memref<10000x16xf32, #tpu.memory_space<vmem_shared>>)
        tpu.yield
      }) : () -> ()
    }
    %scan3A_275 = arith.constant 13 : i32
    %lt3A_276 = arith.constant 4 : i32
    %lt3A_277 = arith.cmpi slt, %add3A, %lt3A_276 : i32
    %convert_element_type3A_278 = arith.extui %lt3A_277 : i1 to i32
    %cond3A_279 = arith.constant 0 : i32
    %cond3A_280 = arith.cmpi ne, %convert_element_type3A_278, %cond3A_279 : i32
    scf.if %cond3A_280 {
      %add3A_287 = arith.constant 2496 : i32
      %add3A_288 = arith.addi %add3A_287, %add3A : i32
      %dma_wait3A_289 = arith.constant 0 : i32
      %dma_wait3A_290 = arith.constant 0 : i32
      %dma_wait3A_291 = arith.constant 0 : i32
      %dma_wait3A_292 = tpu.memref_slice %arg7[%dma_wait3A_289, %dma_wait3A_290, %dma_wait3A_291] : memref<13x16x129xf32, #tpu.memory_space<vmem>> -> memref<1x16x128xf32, #tpu.memory_space<vmem>>
      %dma_wait3A_293 = arith.constant 0 : i32
      %dma_wait3A_294 = arith.constant 0 : i32
      %dma_wait3A_295 = tpu.memref_slice %arg3[%add3A_288, %dma_wait3A_293, %dma_wait3A_294] : memref<2500x16x128xf32, #tpu.memory_space<hbm>> -> memref<1x16x128xf32, #tpu.memory_space<hbm>>
      %dma_wait3A_296 = arith.constant 0 : i32
      %dma_wait3A_297 = arith.constant 0 : i32
      %dma_wait3A_298 = arith.constant 0 : i32
      %dma_wait3A_299 = tpu.memref_slice %arg7[%dma_wait3A_296, %dma_wait3A_297, %dma_wait3A_298] : memref<13x16x129xf32, #tpu.memory_space<vmem>> -> memref<1x16x128xf32, #tpu.memory_space<vmem>>
      %dma_wait3A_300 = arith.constant 0 : i32
      %dma_wait3A_301 = arith.constant 0 : i32
      %dma_wait3A_302 = tpu.memref_slice %arg3[%add3A_288, %dma_wait3A_300, %dma_wait3A_301] : memref<2500x16x128xf32, #tpu.memory_space<hbm>> -> memref<1x16x128xf32, #tpu.memory_space<hbm>>
      tpu.wait_dma2 semaphore(%arg14 : memref<!tpu.dma_semaphore, #tpu.memory_space<semaphore_mem>>) src(%dma_wait3A_302 : memref<1x16x128xf32, #tpu.memory_space<hbm>>) dst(%dma_wait3A_299 : memref<1x16x128xf32, #tpu.memory_space<vmem>>)
      %mul3A_303 = arith.constant 0 : i32
      %mul3A_304 = vector.broadcast %mul3A_303 : i32 to vector<16xi32>
      %mul3A_305 = arith.muli %iota3A, %mul3A_304 : vector<16xi32>
      %scan3A_306 = arith.constant 0 : i32
      %mul3A_307 = arith.constant 1 : i32
      %mul3A_308 = arith.muli %scan3A_306, %mul3A_307 : i32
      %add3A_309 = arith.constant 0 : i32
      %add3A_310 = arith.addi %add3A_309, %mul3A_308 : i32
      %add3A_311 = vector.broadcast %add3A_310 : i32 to vector<16xi32>
      %add3A_312 = arith.addi %mul3A_305, %add3A_311 : vector<16xi32>
      %parallel_loop3A = arith.constant 0 : i32
      %parallel_loop3A_313 = arith.constant 8 : i32
      %parallel_loop3A_314 = arith.constant 1 : i32
      scf.for %parallel_loop3A_322 = %parallel_loop3A to %parallel_loop3A_313 step %parallel_loop3A_314  : i32 {
        %parallel_loop3A_323 = arith.constant 16 : i32
        %parallel_loop3A_324 = arith.muli %parallel_loop3A_322, %parallel_loop3A_323 : i32
        %parallel_loop3A_325 = vector.broadcast %parallel_loop3A_324 : i32 to vector<16xi32>
        %parallel_loop3A_326 = arith.addi %mul3A_305, %parallel_loop3A_325 : vector<16xi32>
        %parallel_loop3A_327 = arith.constant 128 : i32
        %parallel_loop3A_328 = arith.muli %add3A_310, %parallel_loop3A_327 : i32
        %parallel_loop3A_329 = arith.constant 16 : i32
        %parallel_loop3A_330 = arith.muli %parallel_loop3A_322, %parallel_loop3A_329 : i32
        %parallel_loop3A_331 = arith.addi %parallel_loop3A_328, %parallel_loop3A_330 : i32
        %parallel_loop3A_332 = arith.constant 0 : i32
        %parallel_loop3A_333 = vector.broadcast %parallel_loop3A_332 : i32 to vector<16xi32>
        %parallel_loop3A_334 = arith.addi %parallel_loop3A_326, %parallel_loop3A_333 : vector<16xi32>
        %parallel_loop3A_335 = tpu.vector_load_idx %arg7[%add3A_312, %iota3A, %parallel_loop3A_334] : memref<13x16x129xf32, #tpu.memory_space<vmem>>[vector<16xi32>, vector<16xi32>, vector<16xi32>], vector<16xf32>,
        %parallel_loop3A_336 = arith.constant 0 : i32
        %parallel_loop3A_337 = arith.addi %parallel_loop3A_331, %parallel_loop3A_336 : i32
        %parallel_loop3A_338 = arith.index_cast %parallel_loop3A_337 : i32 to index
        %parallel_loop3A_339 = arith.constant 0 : index
        %parallel_loop3A_340 = tpu.vector_load %arg9[%parallel_loop3A_338, %parallel_loop3A_339] {strides = array<i32>} : memref<1664x16xf32, #tpu.memory_space<vmem>>, vector<16xf32>,
        tpu.vector_store %arg9[%parallel_loop3A_338, %parallel_loop3A_339], %parallel_loop3A_335 {strides = array<i32>} : memref<1664x16xf32, #tpu.memory_space<vmem>>, vector<16xf32>,
        %parallel_loop3A_341 = arith.constant 1 : i32
        %parallel_loop3A_342 = vector.broadcast %parallel_loop3A_341 : i32 to vector<16xi32>
        %parallel_loop3A_343 = arith.addi %parallel_loop3A_326, %parallel_loop3A_342 : vector<16xi32>
        %parallel_loop3A_344 = tpu.vector_load_idx %arg7[%add3A_312, %iota3A, %parallel_loop3A_343] : memref<13x16x129xf32, #tpu.memory_space<vmem>>[vector<16xi32>, vector<16xi32>, vector<16xi32>], vector<16xf32>,
        %parallel_loop3A_345 = arith.constant 1 : i32
        %parallel_loop3A_346 = arith.addi %parallel_loop3A_331, %parallel_loop3A_345 : i32
        %parallel_loop3A_347 = arith.index_cast %parallel_loop3A_346 : i32 to index
        %parallel_loop3A_348 = arith.constant 0 : index
        %parallel_loop3A_349 = tpu.vector_load %arg9[%parallel_loop3A_347, %parallel_loop3A_348] {strides = array<i32>} : memref<1664x16xf32, #tpu.memory_space<vmem>>, vector<16xf32>,
        tpu.vector_store %arg9[%parallel_loop3A_347, %parallel_loop3A_348], %parallel_loop3A_344 {strides = array<i32>} : memref<1664x16xf32, #tpu.memory_space<vmem>>, vector<16xf32>,
        %parallel_loop3A_350 = arith.constant 2 : i32
        %parallel_loop3A_351 = vector.broadcast %parallel_loop3A_350 : i32 to vector<16xi32>
        %parallel_loop3A_352 = arith.addi %parallel_loop3A_326, %parallel_loop3A_351 : vector<16xi32>
        %parallel_loop3A_353 = tpu.vector_load_idx %arg7[%add3A_312, %iota3A, %parallel_loop3A_352] : memref<13x16x129xf32, #tpu.memory_space<vmem>>[vector<16xi32>, vector<16xi32>, vector<16xi32>], vector<16xf32>,
        %parallel_loop3A_354 = arith.constant 2 : i32
        %parallel_loop3A_355 = arith.addi %parallel_loop3A_331, %parallel_loop3A_354 : i32
        %parallel_loop3A_356 = arith.index_cast %parallel_loop3A_355 : i32 to index
        %parallel_loop3A_357 = arith.constant 0 : index
        %parallel_loop3A_358 = tpu.vector_load %arg9[%parallel_loop3A_356, %parallel_loop3A_357] {strides = array<i32>} : memref<1664x16xf32, #tpu.memory_space<vmem>>, vector<16xf32>,
        tpu.vector_store %arg9[%parallel_loop3A_356, %parallel_loop3A_357], %parallel_loop3A_353 {strides = array<i32>} : memref<1664x16xf32, #tpu.memory_space<vmem>>, vector<16xf32>,
        %parallel_loop3A_359 = arith.constant 3 : i32
        %parallel_loop3A_360 = vector.broadcast %parallel_loop3A_359 : i32 to vector<16xi32>
        %parallel_loop3A_361 = arith.addi %parallel_loop3A_326, %parallel_loop3A_360 : vector<16xi32>
        %parallel_loop3A_362 = tpu.vector_load_idx %arg7[%add3A_312, %iota3A, %parallel_loop3A_361] : memref<13x16x129xf32, #tpu.memory_space<vmem>>[vector<16xi32>, vector<16xi32>, vector<16xi32>], vector<16xf32>,
        %parallel_loop3A_363 = arith.constant 3 : i32
        %parallel_loop3A_364 = arith.addi %parallel_loop3A_331, %parallel_loop3A_363 : i32
        %parallel_loop3A_365 = arith.index_cast %parallel_loop3A_364 : i32 to index
        %parallel_loop3A_366 = arith.constant 0 : index
        %parallel_loop3A_367 = tpu.vector_load %arg9[%parallel_loop3A_365, %parallel_loop3A_366] {strides = array<i32>} : memref<1664x16xf32, #tpu.memory_space<vmem>>, vector<16xf32>,
        tpu.vector_store %arg9[%parallel_loop3A_365, %parallel_loop3A_366], %parallel_loop3A_362 {strides = array<i32>} : memref<1664x16xf32, #tpu.memory_space<vmem>>, vector<16xf32>,
        %parallel_loop3A_368 = arith.constant 4 : i32
        %parallel_loop3A_369 = vector.broadcast %parallel_loop3A_368 : i32 to vector<16xi32>
        %parallel_loop3A_370 = arith.addi %parallel_loop3A_326, %parallel_loop3A_369 : vector<16xi32>
        %parallel_loop3A_371 = tpu.vector_load_idx %arg7[%add3A_312, %iota3A, %parallel_loop3A_370] : memref<13x16x129xf32, #tpu.memory_space<vmem>>[vector<16xi32>, vector<16xi32>, vector<16xi32>], vector<16xf32>,
        %parallel_loop3A_372 = arith.constant 4 : i32
        %parallel_loop3A_373 = arith.addi %parallel_loop3A_331, %parallel_loop3A_372 : i32
        %parallel_loop3A_374 = arith.index_cast %parallel_loop3A_373 : i32 to index
        %parallel_loop3A_375 = arith.constant 0 : index
        %parallel_loop3A_376 = tpu.vector_load %arg9[%parallel_loop3A_374, %parallel_loop3A_375] {strides = array<i32>} : memref<1664x16xf32, #tpu.memory_space<vmem>>, vector<16xf32>,
        tpu.vector_store %arg9[%parallel_loop3A_374, %parallel_loop3A_375], %parallel_loop3A_371 {strides = array<i32>} : memref<1664x16xf32, #tpu.memory_space<vmem>>, vector<16xf32>,
        %parallel_loop3A_377 = arith.constant 5 : i32
        %parallel_loop3A_378 = vector.broadcast %parallel_loop3A_377 : i32 to vector<16xi32>
        %parallel_loop3A_379 = arith.addi %parallel_loop3A_326, %parallel_loop3A_378 : vector<16xi32>
        %parallel_loop3A_380 = tpu.vector_load_idx %arg7[%add3A_312, %iota3A, %parallel_loop3A_379] : memref<13x16x129xf32, #tpu.memory_space<vmem>>[vector<16xi32>, vector<16xi32>, vector<16xi32>], vector<16xf32>,
        %parallel_loop3A_381 = arith.constant 5 : i32
        %parallel_loop3A_382 = arith.addi %parallel_loop3A_331, %parallel_loop3A_381 : i32
        %parallel_loop3A_383 = arith.index_cast %parallel_loop3A_382 : i32 to index
        %parallel_loop3A_384 = arith.constant 0 : index
        %parallel_loop3A_385 = tpu.vector_load %arg9[%parallel_loop3A_383, %parallel_loop3A_384] {strides = array<i32>} : memref<1664x16xf32, #tpu.memory_space<vmem>>, vector<16xf32>,
        tpu.vector_store %arg9[%parallel_loop3A_383, %parallel_loop3A_384], %parallel_loop3A_380 {strides = array<i32>} : memref<1664x16xf32, #tpu.memory_space<vmem>>, vector<16xf32>,
        %parallel_loop3A_386 = arith.constant 6 : i32
        %parallel_loop3A_387 = vector.broadcast %parallel_loop3A_386 : i32 to vector<16xi32>
        %parallel_loop3A_388 = arith.addi %parallel_loop3A_326, %parallel_loop3A_387 : vector<16xi32>
        %parallel_loop3A_389 = tpu.vector_load_idx %arg7[%add3A_312, %iota3A, %parallel_loop3A_388] : memref<13x16x129xf32, #tpu.memory_space<vmem>>[vector<16xi32>, vector<16xi32>, vector<16xi32>], vector<16xf32>,
        %parallel_loop3A_390 = arith.constant 6 : i32
        %parallel_loop3A_391 = arith.addi %parallel_loop3A_331, %parallel_loop3A_390 : i32
        %parallel_loop3A_392 = arith.index_cast %parallel_loop3A_391 : i32 to index
        %parallel_loop3A_393 = arith.constant 0 : index
        %parallel_loop3A_394 = tpu.vector_load %arg9[%parallel_loop3A_392, %parallel_loop3A_393] {strides = array<i32>} : memref<1664x16xf32, #tpu.memory_space<vmem>>, vector<16xf32>,
        tpu.vector_store %arg9[%parallel_loop3A_392, %parallel_loop3A_393], %parallel_loop3A_389 {strides = array<i32>} : memref<1664x16xf32, #tpu.memory_space<vmem>>, vector<16xf32>,
        %parallel_loop3A_395 = arith.constant 7 : i32
        %parallel_loop3A_396 = vector.broadcast %parallel_loop3A_395 : i32 to vector<16xi32>
        %parallel_loop3A_397 = arith.addi %parallel_loop3A_326, %parallel_loop3A_396 : vector<16xi32>
        %parallel_loop3A_398 = tpu.vector_load_idx %arg7[%add3A_312, %iota3A, %parallel_loop3A_397] : memref<13x16x129xf32, #tpu.memory_space<vmem>>[vector<16xi32>, vector<16xi32>, vector<16xi32>], vector<16xf32>,
        %parallel_loop3A_399 = arith.constant 7 : i32
        %parallel_loop3A_400 = arith.addi %parallel_loop3A_331, %parallel_loop3A_399 : i32
        %parallel_loop3A_401 = arith.index_cast %parallel_loop3A_400 : i32 to index
        %parallel_loop3A_402 = arith.constant 0 : index
        %parallel_loop3A_403 = tpu.vector_load %arg9[%parallel_loop3A_401, %parallel_loop3A_402] {strides = array<i32>} : memref<1664x16xf32, #tpu.memory_space<vmem>>, vector<16xf32>,
        tpu.vector_store %arg9[%parallel_loop3A_401, %parallel_loop3A_402], %parallel_loop3A_398 {strides = array<i32>} : memref<1664x16xf32, #tpu.memory_space<vmem>>, vector<16xf32>,
        %parallel_loop3A_404 = arith.constant 8 : i32
        %parallel_loop3A_405 = vector.broadcast %parallel_loop3A_404 : i32 to vector<16xi32>
        %parallel_loop3A_406 = arith.addi %parallel_loop3A_326, %parallel_loop3A_405 : vector<16xi32>
        %parallel_loop3A_407 = tpu.vector_load_idx %arg7[%add3A_312, %iota3A, %parallel_loop3A_406] : memref<13x16x129xf32, #tpu.memory_space<vmem>>[vector<16xi32>, vector<16xi32>, vector<16xi32>], vector<16xf32>,
        %parallel_loop3A_408 = arith.constant 8 : i32
        %parallel_loop3A_409 = arith.addi %parallel_loop3A_331, %parallel_loop3A_408 : i32
        %parallel_loop3A_410 = arith.index_cast %parallel_loop3A_409 : i32 to index
        %parallel_loop3A_411 = arith.constant 0 : index
        %parallel_loop3A_412 = tpu.vector_load %arg9[%parallel_loop3A_410, %parallel_loop3A_411] {strides = array<i32>} : memref<1664x16xf32, #tpu.memory_space<vmem>>, vector<16xf32>,
        tpu.vector_store %arg9[%parallel_loop3A_410, %parallel_loop3A_411], %parallel_loop3A_407 {strides = array<i32>} : memref<1664x16xf32, #tpu.memory_space<vmem>>, vector<16xf32>,
        %parallel_loop3A_413 = arith.constant 9 : i32
        %parallel_loop3A_414 = vector.broadcast %parallel_loop3A_413 : i32 to vector<16xi32>
        %parallel_loop3A_415 = arith.addi %parallel_loop3A_326, %parallel_loop3A_414 : vector<16xi32>
        %parallel_loop3A_416 = tpu.vector_load_idx %arg7[%add3A_312, %iota3A, %parallel_loop3A_415] : memref<13x16x129xf32, #tpu.memory_space<vmem>>[vector<16xi32>, vector<16xi32>, vector<16xi32>], vector<16xf32>,
        %parallel_loop3A_417 = arith.constant 9 : i32
        %parallel_loop3A_418 = arith.addi %parallel_loop3A_331, %parallel_loop3A_417 : i32
        %parallel_loop3A_419 = arith.index_cast %parallel_loop3A_418 : i32 to index
        %parallel_loop3A_420 = arith.constant 0 : index
        %parallel_loop3A_421 = tpu.vector_load %arg9[%parallel_loop3A_419, %parallel_loop3A_420] {strides = array<i32>} : memref<1664x16xf32, #tpu.memory_space<vmem>>, vector<16xf32>,
        tpu.vector_store %arg9[%parallel_loop3A_419, %parallel_loop3A_420], %parallel_loop3A_416 {strides = array<i32>} : memref<1664x16xf32, #tpu.memory_space<vmem>>, vector<16xf32>,
        %parallel_loop3A_422 = arith.constant 10 : i32
        %parallel_loop3A_423 = vector.broadcast %parallel_loop3A_422 : i32 to vector<16xi32>
        %parallel_loop3A_424 = arith.addi %parallel_loop3A_326, %parallel_loop3A_423 : vector<16xi32>
        %parallel_loop3A_425 = tpu.vector_load_idx %arg7[%add3A_312, %iota3A, %parallel_loop3A_424] : memref<13x16x129xf32, #tpu.memory_space<vmem>>[vector<16xi32>, vector<16xi32>, vector<16xi32>], vector<16xf32>,
        %parallel_loop3A_426 = arith.constant 10 : i32
        %parallel_loop3A_427 = arith.addi %parallel_loop3A_331, %parallel_loop3A_426 : i32
        %parallel_loop3A_428 = arith.index_cast %parallel_loop3A_427 : i32 to index
        %parallel_loop3A_429 = arith.constant 0 : index
        %parallel_loop3A_430 = tpu.vector_load %arg9[%parallel_loop3A_428, %parallel_loop3A_429] {strides = array<i32>} : memref<1664x16xf32, #tpu.memory_space<vmem>>, vector<16xf32>,
        tpu.vector_store %arg9[%parallel_loop3A_428, %parallel_loop3A_429], %parallel_loop3A_425 {strides = array<i32>} : memref<1664x16xf32, #tpu.memory_space<vmem>>, vector<16xf32>,
        %parallel_loop3A_431 = arith.constant 11 : i32
        %parallel_loop3A_432 = vector.broadcast %parallel_loop3A_431 : i32 to vector<16xi32>
        %parallel_loop3A_433 = arith.addi %parallel_loop3A_326, %parallel_loop3A_432 : vector<16xi32>
        %parallel_loop3A_434 = tpu.vector_load_idx %arg7[%add3A_312, %iota3A, %parallel_loop3A_433] : memref<13x16x129xf32, #tpu.memory_space<vmem>>[vector<16xi32>, vector<16xi32>, vector<16xi32>], vector<16xf32>,
        %parallel_loop3A_435 = arith.constant 11 : i32
        %parallel_loop3A_436 = arith.addi %parallel_loop3A_331, %parallel_loop3A_435 : i32
        %parallel_loop3A_437 = arith.index_cast %parallel_loop3A_436 : i32 to index
        %parallel_loop3A_438 = arith.constant 0 : index
        %parallel_loop3A_439 = tpu.vector_load %arg9[%parallel_loop3A_437, %parallel_loop3A_438] {strides = array<i32>} : memref<1664x16xf32, #tpu.memory_space<vmem>>, vector<16xf32>,
        tpu.vector_store %arg9[%parallel_loop3A_437, %parallel_loop3A_438], %parallel_loop3A_434 {strides = array<i32>} : memref<1664x16xf32, #tpu.memory_space<vmem>>, vector<16xf32>,
        %parallel_loop3A_440 = arith.constant 12 : i32
        %parallel_loop3A_441 = vector.broadcast %parallel_loop3A_440 : i32 to vector<16xi32>
        %parallel_loop3A_442 = arith.addi %parallel_loop3A_326, %parallel_loop3A_441 : vector<16xi32>
        %parallel_loop3A_443 = tpu.vector_load_idx %arg7[%add3A_312, %iota3A, %parallel_loop3A_442] : memref<13x16x129xf32, #tpu.memory_space<vmem>>[vector<16xi32>, vector<16xi32>, vector<16xi32>], vector<16xf32>,
        %parallel_loop3A_444 = arith.constant 12 : i32
        %parallel_loop3A_445 = arith.addi %parallel_loop3A_331, %parallel_loop3A_444 : i32
        %parallel_loop3A_446 = arith.index_cast %parallel_loop3A_445 : i32 to index
        %parallel_loop3A_447 = arith.constant 0 : index
        %parallel_loop3A_448 = tpu.vector_load %arg9[%parallel_loop3A_446, %parallel_loop3A_447] {strides = array<i32>} : memref<1664x16xf32, #tpu.memory_space<vmem>>, vector<16xf32>,
        tpu.vector_store %arg9[%parallel_loop3A_446, %parallel_loop3A_447], %parallel_loop3A_443 {strides = array<i32>} : memref<1664x16xf32, #tpu.memory_space<vmem>>, vector<16xf32>,
        %parallel_loop3A_449 = arith.constant 13 : i32
        %parallel_loop3A_450 = vector.broadcast %parallel_loop3A_449 : i32 to vector<16xi32>
        %parallel_loop3A_451 = arith.addi %parallel_loop3A_326, %parallel_loop3A_450 : vector<16xi32>
        %parallel_loop3A_452 = tpu.vector_load_idx %arg7[%add3A_312, %iota3A, %parallel_loop3A_451] : memref<13x16x129xf32, #tpu.memory_space<vmem>>[vector<16xi32>, vector<16xi32>, vector<16xi32>], vector<16xf32>,
        %parallel_loop3A_453 = arith.constant 13 : i32
        %parallel_loop3A_454 = arith.addi %parallel_loop3A_331, %parallel_loop3A_453 : i32
        %parallel_loop3A_455 = arith.index_cast %parallel_loop3A_454 : i32 to index
        %parallel_loop3A_456 = arith.constant 0 : index
        %parallel_loop3A_457 = tpu.vector_load %arg9[%parallel_loop3A_455, %parallel_loop3A_456] {strides = array<i32>} : memref<1664x16xf32, #tpu.memory_space<vmem>>, vector<16xf32>,
        tpu.vector_store %arg9[%parallel_loop3A_455, %parallel_loop3A_456], %parallel_loop3A_452 {strides = array<i32>} : memref<1664x16xf32, #tpu.memory_space<vmem>>, vector<16xf32>,
        %parallel_loop3A_458 = arith.constant 14 : i32
        %parallel_loop3A_459 = vector.broadcast %parallel_loop3A_458 : i32 to vector<16xi32>
        %parallel_loop3A_460 = arith.addi %parallel_loop3A_326, %parallel_loop3A_459 : vector<16xi32>
        %parallel_loop3A_461 = tpu.vector_load_idx %arg7[%add3A_312, %iota3A, %parallel_loop3A_460] : memref<13x16x129xf32, #tpu.memory_space<vmem>>[vector<16xi32>, vector<16xi32>, vector<16xi32>], vector<16xf32>,
        %parallel_loop3A_462 = arith.constant 14 : i32
        %parallel_loop3A_463 = arith.addi %parallel_loop3A_331, %parallel_loop3A_462 : i32
        %parallel_loop3A_464 = arith.index_cast %parallel_loop3A_463 : i32 to index
        %parallel_loop3A_465 = arith.constant 0 : index
        %parallel_loop3A_466 = tpu.vector_load %arg9[%parallel_loop3A_464, %parallel_loop3A_465] {strides = array<i32>} : memref<1664x16xf32, #tpu.memory_space<vmem>>, vector<16xf32>,
        tpu.vector_store %arg9[%parallel_loop3A_464, %parallel_loop3A_465], %parallel_loop3A_461 {strides = array<i32>} : memref<1664x16xf32, #tpu.memory_space<vmem>>, vector<16xf32>,
        %parallel_loop3A_467 = arith.constant 15 : i32
        %parallel_loop3A_468 = vector.broadcast %parallel_loop3A_467 : i32 to vector<16xi32>
        %parallel_loop3A_469 = arith.addi %parallel_loop3A_326, %parallel_loop3A_468 : vector<16xi32>
        %parallel_loop3A_470 = tpu.vector_load_idx %arg7[%add3A_312, %iota3A, %parallel_loop3A_469] : memref<13x16x129xf32, #tpu.memory_space<vmem>>[vector<16xi32>, vector<16xi32>, vector<16xi32>], vector<16xf32>,
        %parallel_loop3A_471 = arith.constant 15 : i32
        %parallel_loop3A_472 = arith.addi %parallel_loop3A_331, %parallel_loop3A_471 : i32
        %parallel_loop3A_473 = arith.index_cast %parallel_loop3A_472 : i32 to index
        %parallel_loop3A_474 = arith.constant 0 : index
        %parallel_loop3A_475 = tpu.vector_load %arg9[%parallel_loop3A_473, %parallel_loop3A_474] {strides = array<i32>} : memref<1664x16xf32, #tpu.memory_space<vmem>>, vector<16xf32>,
        tpu.vector_store %arg9[%parallel_loop3A_473, %parallel_loop3A_474], %parallel_loop3A_470 {strides = array<i32>} : memref<1664x16xf32, #tpu.memory_space<vmem>>, vector<16xf32>,
      } {sc.loop_unroll_factor = 4 : i64, sc.parallel_access}
      %mul3A_315 = arith.constant 128 : i32
      %mul3A_316 = arith.muli %add3A_310, %mul3A_315 : i32
      %add3A_317 = arith.constant 9984 : i32
      %add3A_318 = arith.addi %add3A_317, %mul3A_316 : i32
      %mul3A_319 = arith.constant 128 : i32
      %mul3A_320 = arith.muli %add3A_310, %mul3A_319 : i32
      "tpu.region"() ({
        %run_scoped3A = tpu.sem_alloc : memref<!tpu.dma_semaphore, #tpu.memory_space<semaphore_mem>>
        %dma_start3A_322 = arith.constant 0 : i32
        %dma_start3A_323 = tpu.memref_slice %arg9[%mul3A_320, %dma_start3A_322] : memref<1664x16xf32, #tpu.memory_space<vmem>> -> memref<128x16xf32, #tpu.memory_space<vmem>>
        %dma_start3A_324 = tpu.memref_slice %arg6[%add3A_318] : memref<10496xi32, #tpu.memory_space<vmem>> -> memref<128xi32, #tpu.memory_space<vmem>>
        %dma_start3A_325 = arith.constant 0 : i32
        %dma_start3A_326 = arith.constant 0 : i32
        %dma_start3A_327 = tpu.memref_slice %arg11[%dma_start3A_325, %dma_start3A_326] : memref<10000x16xf32, #tpu.memory_space<vmem_shared>> -> memref<10000x16xf32, #tpu.memory_space<vmem_shared>>
        tpu.enqueue_indirect_dma source(%dma_start3A_323 : memref<128x16xf32, #tpu.memory_space<vmem>>) target(%dma_start3A_327 : memref<10000x16xf32, #tpu.memory_space<vmem_shared>>) offsets(%dma_start3A_324 : memref<128xi32, #tpu.memory_space<vmem>>) semaphore(%run_scoped3A : memref<!tpu.dma_semaphore, #tpu.memory_space<semaphore_mem>>) {add = true}
        %dma_wait3A_328 = arith.constant 0 : i32
        %dma_wait3A_329 = tpu.memref_slice %arg9[%mul3A_320, %dma_wait3A_328] : memref<1664x16xf32, #tpu.memory_space<vmem>> -> memref<128x16xf32, #tpu.memory_space<vmem>>
        %dma_wait3A_330 = tpu.memref_slice %arg6[%add3A_318] : memref<10496xi32, #tpu.memory_space<vmem>> -> memref<128xi32, #tpu.memory_space<vmem>>
        %dma_wait3A_331 = arith.constant 0 : i32
        %dma_wait3A_332 = arith.constant 0 : i32
        %dma_wait3A_333 = tpu.memref_slice %arg11[%dma_wait3A_331, %dma_wait3A_332] : memref<10000x16xf32, #tpu.memory_space<vmem_shared>> -> memref<10000x16xf32, #tpu.memory_space<vmem_shared>>
        tpu.wait_indirect_dma semaphore(%run_scoped3A : memref<!tpu.dma_semaphore, #tpu.memory_space<semaphore_mem>>) src(%dma_wait3A_329 : memref<128x16xf32, #tpu.memory_space<vmem>>) dst(%dma_wait3A_333 : memref<10000x16xf32, #tpu.memory_space<vmem_shared>>)
        tpu.yield
      }) : () -> ()
      "tpu.region"() ({
        %run_scoped3A = tpu.sem_alloc : memref<!tpu.dma_semaphore, #tpu.memory_space<semaphore_mem>>
        %dma_start3A_322 = tpu.memref_slice %arg6[%add3A_318] : memref<10496xi32, #tpu.memory_space<vmem>> -> memref<128xi32, #tpu.memory_space<vmem>>
        %dma_start3A_323 = arith.constant 0 : i32
        %dma_start3A_324 = arith.constant 0 : i32
        %dma_start3A_325 = tpu.memref_slice %arg12[%dma_start3A_323, %dma_start3A_324] : memref<10000x16xf32, #tpu.memory_space<vmem_shared>> -> memref<10000x16xf32, #tpu.memory_space<vmem_shared>>
        tpu.enqueue_indirect_dma source(%arg10 : memref<128x16xf32, #tpu.memory_space<vmem>>) target(%dma_start3A_325 : memref<10000x16xf32, #tpu.memory_space<vmem_shared>>) offsets(%dma_start3A_322 : memref<128xi32, #tpu.memory_space<vmem>>) semaphore(%run_scoped3A : memref<!tpu.dma_semaphore, #tpu.memory_space<semaphore_mem>>) {add = true}
        %dma_wait3A_326 = tpu.memref_slice %arg6[%add3A_318] : memref<10496xi32, #tpu.memory_space<vmem>> -> memref<128xi32, #tpu.memory_space<vmem>>
        %dma_wait3A_327 = arith.constant 0 : i32
        %dma_wait3A_328 = arith.constant 0 : i32
        %dma_wait3A_329 = tpu.memref_slice %arg12[%dma_wait3A_327, %dma_wait3A_328] : memref<10000x16xf32, #tpu.memory_space<vmem_shared>> -> memref<10000x16xf32, #tpu.memory_space<vmem_shared>>
        tpu.wait_indirect_dma semaphore(%run_scoped3A : memref<!tpu.dma_semaphore, #tpu.memory_space<semaphore_mem>>) src(%arg10 : memref<128x16xf32, #tpu.memory_space<vmem>>) dst(%dma_wait3A_329 : memref<10000x16xf32, #tpu.memory_space<vmem_shared>>)
        tpu.yield
      }) : () -> ()
      %scan3A_321 = arith.constant 1 : i32
    } else {
    }
    %barrier3A_281 = arith.constant 0 : index
    tpu.barrier barrier_id(%barrier3A_281)
    "tpu.region"() ({
      %run_scoped3A = tpu.sem_alloc : memref<!tpu.dma_semaphore, #tpu.memory_space<semaphore_mem>>
      %dma_start3A_287 = arith.constant 0 : i32
      %dma_start3A_288 = tpu.memref_slice %arg4[%arg0, %mul3A_25, %dma_start3A_287] : memref<2x10000x16xf32, #tpu.memory_space<hbm>> -> memref<1x624x16xf32, #tpu.memory_space<hbm>>
      %dma_start3A_289 = tpu.memref_squeeze %dma_start3A_288 : memref<1x624x16xf32, #tpu.memory_space<hbm>> -> memref<624x16xf32, #tpu.memory_space<hbm>>
      %dma_start3A_290 = arith.constant 0 : i32
      %dma_start3A_291 = tpu.memref_slice %arg11[%mul3A_25, %dma_start3A_290] : memref<10000x16xf32, #tpu.memory_space<vmem_shared>> -> memref<624x16xf32, #tpu.memory_space<vmem_shared>>
      tpu.enqueue_dma source(%dma_start3A_291 : memref<624x16xf32, #tpu.memory_space<vmem_shared>>) target(%dma_start3A_289 : memref<624x16xf32, #tpu.memory_space<hbm>>) target_semaphore(%run_scoped3A : memref<!tpu.dma_semaphore, #tpu.memory_space<semaphore_mem>>)
      %dma_wait3A_292 = arith.constant 0 : i32
      %dma_wait3A_293 = tpu.memref_slice %arg4[%arg0, %mul3A_25, %dma_wait3A_292] : memref<2x10000x16xf32, #tpu.memory_space<hbm>> -> memref<1x624x16xf32, #tpu.memory_space<hbm>>
      %dma_wait3A_294 = tpu.memref_squeeze %dma_wait3A_293 : memref<1x624x16xf32, #tpu.memory_space<hbm>> -> memref<624x16xf32, #tpu.memory_space<hbm>>
      %dma_wait3A_295 = arith.constant 0 : i32
      %dma_wait3A_296 = tpu.memref_slice %arg11[%mul3A_25, %dma_wait3A_295] : memref<10000x16xf32, #tpu.memory_space<vmem_shared>> -> memref<624x16xf32, #tpu.memory_space<vmem_shared>>
      tpu.wait_dma2 semaphore(%run_scoped3A : memref<!tpu.dma_semaphore, #tpu.memory_space<semaphore_mem>>) src(%dma_wait3A_296 : memref<624x16xf32, #tpu.memory_space<vmem_shared>>) dst(%dma_wait3A_294 : memref<624x16xf32, #tpu.memory_space<hbm>>)
      tpu.yield
    }) : () -> ()
    "tpu.region"() ({
      %run_scoped3A = tpu.sem_alloc : memref<!tpu.dma_semaphore, #tpu.memory_space<semaphore_mem>>
      %dma_start3A_287 = arith.constant 0 : i32
      %dma_start3A_288 = tpu.memref_slice %arg5[%arg0, %mul3A_25, %dma_start3A_287] : memref<2x10000x16xf32, #tpu.memory_space<hbm>> -> memref<1x624x16xf32, #tpu.memory_space<hbm>>
      %dma_start3A_289 = tpu.memref_squeeze %dma_start3A_288 : memref<1x624x16xf32, #tpu.memory_space<hbm>> -> memref<624x16xf32, #tpu.memory_space<hbm>>
      %dma_start3A_290 = arith.constant 0 : i32
      %dma_start3A_291 = tpu.memref_slice %arg12[%mul3A_25, %dma_start3A_290] : memref<10000x16xf32, #tpu.memory_space<vmem_shared>> -> memref<624x16xf32, #tpu.memory_space<vmem_shared>>
      tpu.enqueue_dma source(%dma_start3A_291 : memref<624x16xf32, #tpu.memory_space<vmem_shared>>) target(%dma_start3A_289 : memref<624x16xf32, #tpu.memory_space<hbm>>) target_semaphore(%run_scoped3A : memref<!tpu.dma_semaphore, #tpu.memory_space<semaphore_mem>>)
      %dma_wait3A_292 = arith.constant 0 : i32
      %dma_wait3A_293 = tpu.memref_slice %arg5[%arg0, %mul3A_25, %dma_wait3A_292] : memref<2x10000x16xf32, #tpu.memory_space<hbm>> -> memref<1x624x16xf32, #tpu.memory_space<hbm>>
      %dma_wait3A_294 = tpu.memref_squeeze %dma_wait3A_293 : memref<1x624x16xf32, #tpu.memory_space<hbm>> -> memref<624x16xf32, #tpu.memory_space<hbm>>
      %dma_wait3A_295 = arith.constant 0 : i32
      %dma_wait3A_296 = tpu.memref_slice %arg12[%mul3A_25, %dma_wait3A_295] : memref<10000x16xf32, #tpu.memory_space<vmem_shared>> -> memref<624x16xf32, #tpu.memory_space<vmem_shared>>
      tpu.wait_dma2 semaphore(%run_scoped3A : memref<!tpu.dma_semaphore, #tpu.memory_space<semaphore_mem>>) src(%dma_wait3A_296 : memref<624x16xf32, #tpu.memory_space<vmem_shared>>) dst(%dma_wait3A_294 : memref<624x16xf32, #tpu.memory_space<hbm>>)
      tpu.yield
    }) : () -> ()
    %eq3A_282 = arith.constant 0 : i32
    %eq3A_283 = arith.cmpi eq, %arg1, %eq3A_282 : i32
    %convert_element_type3A_284 = arith.extui %eq3A_283 : i1 to i32
    %cond3A_285 = arith.constant 0 : i32
    %cond3A_286 = arith.cmpi ne, %convert_element_type3A_284, %cond3A_285 : i32
    scf.if %cond3A_286 {
      "tpu.region"() ({
        %run_scoped3A = tpu.sem_alloc : memref<!tpu.dma_semaphore, #tpu.memory_space<semaphore_mem>>
        %dma_start3A_287 = arith.constant 9984 : i32
        %dma_start3A_288 = arith.constant 0 : i32
        %dma_start3A_289 = tpu.memref_slice %arg4[%arg0, %dma_start3A_287, %dma_start3A_288] : memref<2x10000x16xf32, #tpu.memory_space<hbm>> -> memref<1x16x16xf32, #tpu.memory_space<hbm>>
        %dma_start3A_290 = tpu.memref_squeeze %dma_start3A_289 : memref<1x16x16xf32, #tpu.memory_space<hbm>> -> memref<16x16xf32, #tpu.memory_space<hbm>>
        %dma_start3A_291 = arith.constant 9984 : i32
        %dma_start3A_292 = arith.constant 0 : i32
        %dma_start3A_293 = tpu.memref_slice %arg11[%dma_start3A_291, %dma_start3A_292] : memref<10000x16xf32, #tpu.memory_space<vmem_shared>> -> memref<16x16xf32, #tpu.memory_space<vmem_shared>>
        tpu.enqueue_dma source(%dma_start3A_293 : memref<16x16xf32, #tpu.memory_space<vmem_shared>>) target(%dma_start3A_290 : memref<16x16xf32, #tpu.memory_space<hbm>>) target_semaphore(%run_scoped3A : memref<!tpu.dma_semaphore, #tpu.memory_space<semaphore_mem>>)
        %dma_wait3A_294 = arith.constant 9984 : i32
        %dma_wait3A_295 = arith.constant 0 : i32
        %dma_wait3A_296 = tpu.memref_slice %arg4[%arg0, %dma_wait3A_294, %dma_wait3A_295] : memref<2x10000x16xf32, #tpu.memory_space<hbm>> -> memref<1x16x16xf32, #tpu.memory_space<hbm>>
        %dma_wait3A_297 = tpu.memref_squeeze %dma_wait3A_296 : memref<1x16x16xf32, #tpu.memory_space<hbm>> -> memref<16x16xf32, #tpu.memory_space<hbm>>
        %dma_wait3A_298 = arith.constant 9984 : i32
        %dma_wait3A_299 = arith.constant 0 : i32
        %dma_wait3A_300 = tpu.memref_slice %arg11[%dma_wait3A_298, %dma_wait3A_299] : memref<10000x16xf32, #tpu.memory_space<vmem_shared>> -> memref<16x16xf32, #tpu.memory_space<vmem_shared>>
        tpu.wait_dma2 semaphore(%run_scoped3A : memref<!tpu.dma_semaphore, #tpu.memory_space<semaphore_mem>>) src(%dma_wait3A_300 : memref<16x16xf32, #tpu.memory_space<vmem_shared>>) dst(%dma_wait3A_297 : memref<16x16xf32, #tpu.memory_space<hbm>>)
        tpu.yield
      }) : () -> ()
      "tpu.region"() ({
        %run_scoped3A = tpu.sem_alloc : memref<!tpu.dma_semaphore, #tpu.memory_space<semaphore_mem>>
        %dma_start3A_287 = arith.constant 9984 : i32
        %dma_start3A_288 = arith.constant 0 : i32
        %dma_start3A_289 = tpu.memref_slice %arg5[%arg0, %dma_start3A_287, %dma_start3A_288] : memref<2x10000x16xf32, #tpu.memory_space<hbm>> -> memref<1x16x16xf32, #tpu.memory_space<hbm>>
        %dma_start3A_290 = tpu.memref_squeeze %dma_start3A_289 : memref<1x16x16xf32, #tpu.memory_space<hbm>> -> memref<16x16xf32, #tpu.memory_space<hbm>>
        %dma_start3A_291 = arith.constant 9984 : i32
        %dma_start3A_292 = arith.constant 0 : i32
        %dma_start3A_293 = tpu.memref_slice %arg12[%dma_start3A_291, %dma_start3A_292] : memref<10000x16xf32, #tpu.memory_space<vmem_shared>> -> memref<16x16xf32, #tpu.memory_space<vmem_shared>>
        tpu.enqueue_dma source(%dma_start3A_293 : memref<16x16xf32, #tpu.memory_space<vmem_shared>>) target(%dma_start3A_290 : memref<16x16xf32, #tpu.memory_space<hbm>>) target_semaphore(%run_scoped3A : memref<!tpu.dma_semaphore, #tpu.memory_space<semaphore_mem>>)
        %dma_wait3A_294 = arith.constant 9984 : i32
        %dma_wait3A_295 = arith.constant 0 : i32
        %dma_wait3A_296 = tpu.memref_slice %arg5[%arg0, %dma_wait3A_294, %dma_wait3A_295] : memref<2x10000x16xf32, #tpu.memory_space<hbm>> -> memref<1x16x16xf32, #tpu.memory_space<hbm>>
        %dma_wait3A_297 = tpu.memref_squeeze %dma_wait3A_296 : memref<1x16x16xf32, #tpu.memory_space<hbm>> -> memref<16x16xf32, #tpu.memory_space<hbm>>
        %dma_wait3A_298 = arith.constant 9984 : i32
        %dma_wait3A_299 = arith.constant 0 : i32
        %dma_wait3A_300 = tpu.memref_slice %arg12[%dma_wait3A_298, %dma_wait3A_299] : memref<10000x16xf32, #tpu.memory_space<vmem_shared>> -> memref<16x16xf32, #tpu.memory_space<vmem_shared>>
        tpu.wait_dma2 semaphore(%run_scoped3A : memref<!tpu.dma_semaphore, #tpu.memory_space<semaphore_mem>>) src(%dma_wait3A_300 : memref<16x16xf32, #tpu.memory_space<vmem_shared>>) dst(%dma_wait3A_297 : memref<16x16xf32, #tpu.memory_space<hbm>>)
        tpu.yield
      }) : () -> ()
    } else {
    }
    return
  }
}

module attributes {stable_mosaic.version = 14 : i64} {
  func.func @_tc_finish_body(%arg0: memref<10000x128xf32, #tpu.memory_space<vmem>>, %arg1: memref<128x1xf32, #tpu.memory_space<vmem>>, %arg2: memref<2x10000x16xf32, #tpu.memory_space<vmem>>, %arg3: memref<2x10000x16xf32, #tpu.memory_space<vmem>>, %arg4: memref<272x10000xf32, #tpu.memory_space<vmem>>) attributes {dimension_semantics = [], scalar_prefetch = 0 : i64, scratch_operands = 0 : i64, tpu.core_type = #tpu.core_type<tc>} {
    %get3A = arith.constant 0 : index
    %get3A_0 = arith.constant 0 : index
    %get3A_1 = arith.constant 0 : index
    %get3A_2 = vector.load %arg2[%get3A, %get3A_0, %get3A_1] : memref<2x10000x16xf32, #tpu.memory_space<vmem>>, vector<1x10000x16xf32>
    %get3A_3 = vector.shape_cast %get3A_2 : vector<1x10000x16xf32> to vector<10000x16xf32>
    %get3A_4 = arith.constant 1 : index
    %get3A_5 = arith.constant 0 : index
    %get3A_6 = arith.constant 0 : index
    %get3A_7 = vector.load %arg2[%get3A_4, %get3A_5, %get3A_6] : memref<2x10000x16xf32, #tpu.memory_space<vmem>>, vector<1x10000x16xf32>
    %get3A_8 = vector.shape_cast %get3A_7 : vector<1x10000x16xf32> to vector<10000x16xf32>
    %add3A = arith.addf %get3A_3, %get3A_8 : vector<10000x16xf32>
    %get3A_9 = arith.constant 0 : index
    %get3A_10 = arith.constant 0 : index
    %get3A_11 = arith.constant 0 : index
    %get3A_12 = vector.load %arg3[%get3A_9, %get3A_10, %get3A_11] : memref<2x10000x16xf32, #tpu.memory_space<vmem>>, vector<1x10000x16xf32>
    %get3A_13 = vector.shape_cast %get3A_12 : vector<1x10000x16xf32> to vector<10000x16xf32>
    %get3A_14 = arith.constant 1 : index
    %get3A_15 = arith.constant 0 : index
    %get3A_16 = arith.constant 0 : index
    %get3A_17 = vector.load %arg3[%get3A_14, %get3A_15, %get3A_16] : memref<2x10000x16xf32, #tpu.memory_space<vmem>>, vector<1x10000x16xf32>
    %get3A_18 = vector.shape_cast %get3A_17 : vector<1x10000x16xf32> to vector<10000x16xf32>
    %add3A_19 = arith.addf %get3A_13, %get3A_18 : vector<10000x16xf32>
    %max3A = arith.constant 1.000000e+00 : f32
    %max3A_20 = vector.broadcast %max3A : f32 to vector<10000x16xf32>
    %max3A_21 = arith.maximumf %add3A_19, %max3A_20 : vector<10000x16xf32>
    %div3A = arith.divf %add3A, %max3A_21 : vector<10000x16xf32>
    %transpose3A = tpu.transpose %div3A, [1, 0] : vector<10000x16xf32> -> vector<16x10000xf32>
    %get3A_22 = arith.constant 0 : index
    %get3A_23 = arith.constant 0 : index
    %get3A_24 = vector.load %arg0[%get3A_22, %get3A_23] : memref<10000x128xf32, #tpu.memory_space<vmem>>, vector<10000x128xf32>
    %transpose3A_25 = tpu.transpose %get3A_24, [1, 0] : vector<10000x128xf32> -> vector<128x10000xf32>
    %get3A_26 = arith.constant 0 : index
    %get3A_27 = arith.constant 0 : index
    %get3A_28 = vector.load %arg1[%get3A_26, %get3A_27] : memref<128x1xf32, #tpu.memory_space<vmem>>, vector<128x1xf32>
    %broadcast_in_dim3A = vector.shape_cast %get3A_28 : vector<128x1xf32> to vector<128x1xf32>
    %broadcast_in_dim3A_29 = vector.broadcast %broadcast_in_dim3A : vector<128x1xf32> to vector<128x10000xf32>
    %concatenate3A = tpu.concatenate %transpose3A, %transpose3A_25, %broadcast_in_dim3A_29 in 0 : vector<16x10000xf32>, vector<128x10000xf32>, vector<128x10000xf32> -> vector<272x10000xf32>
    %swap3A = arith.constant 0 : index
    %swap3A_30 = arith.constant 0 : index
    %swap3A_31 = vector.load %arg4[%swap3A, %swap3A_30] : memref<272x10000xf32, #tpu.memory_space<vmem>>, vector<272x10000xf32>
    tpu.vector_store %arg4[%swap3A, %swap3A_30], %concatenate3A {strides = array<i32>} : memref<272x10000xf32, #tpu.memory_space<vmem>>, vector<272x10000xf32>,
    return
  }
}

</mosaic_0001>

<sc_bundles>
// kernel: kernel.4.cloned.1.call-start
scs
__scs_entry_jumppad:
0x0: {  	(pc) =	sbr.rel $0x88, $3  }
0x1: {  	(tag) =	ssettag $0x0;
	lr =	simm.s32 $0x1  }
0x2: {  	[smem:$0x3F9D] =	sst lr;
	_ =	strace $0xD0000000  }
0x3: {  	_ = 	snop  }
0x4: {  	_ = 	snop  }
0x5: {  	_ = 	snop  }
0x6: {  	_ = 	snop  }
0x7: {  	_ = 	snop  }
__scs_overlays_trampoline_lowered:
0x8: {  	[smem:$0x3FAC] =	sst s0  }
0x9: {  	[smem:$0x3FAD] =	sst s1  }
0xa: {  	[smem:$0x3FAE] =	sst s2  }
0xb: {  	[smem:$0x3FAF] =	sst s3  }
0xc: {  	[smem:$0x3FB0] =	sst s4  }
0xd: {  	[smem:$0x3FB1] =	sst s5  }
0xe: {  	[smem:$0x3FB2] =	sst s6  }
0xf: {  	[smem:$0x3FB3] =	sst s7  }
0x10: {  	[smem:$0x3FB4] =	sst s8  }
0x11: {  	[smem:$0x3FB5] =	sst s9;
	s0 =	simm.s32 @!p0 $0x0  }
0x12: {  	s1 =	sld [smem:$0x3F9B];
	s0 =	simm.s32 @p0 $0x1  }
0x13: {  	[smem:$0x3FB6] =	sst s0;
	s0 =	simm.s32 @!p1 $0x0  }
0x14: {  	s2 =	sld [smem:$0x3F9A];
	s0 =	simm.s32 @p1 $0x1  }
0x15: {  	[smem:$0x3FB7] =	sst s0;
	s0 =	simm.s32 @!p2 $0x0  }
0x16: {  	s3 =	sld [smem:$0x3FDB];
	s0 =	simm.s32 @p2 $0x1  }
0x17: {  	s4 =	simm.s32 $0x1BF5;
	[smem:$0x3FB9] =	sst s0  }
0x18: {  	s0 =	sld [smem:$0x3F9C];
	_ =	swait.ge [sflag:s4], $0x0  }
0x19: {  	s7 =	sld [smem:$0x3F9D]  }
0x1a: {  	s8 =	sadd.s32 $0xFFFFE003, lr  }
0x1b: {  	s9 =	sadd.s32 $0xFFFFFEF7, lr;
	s5 =	simm.s32 $0xFFFFFFFF;
	p2 =	slt.u32 s8, $0xFFFFF086  }
0x1c: {  	p1 =	slt.u32 s9, $0xF7A;
	s5 =	simm.s32 @!p2 $0x0  }
0x1d: {  	s5 =	simm.s32 @p1 $0x1;
	p0 =	seq.s32 s7, s2  }
0x1e: {  	s7 =	smul.u32 @!p0 $0xF7A, s2;
	p2 =	seq.s32 @!p0 s5, $0x0  }
0x1f: {  	s9 =	smul.u32 $0xF7A, s1;
	s8 =	simm.s32 @!p0 $0x1BF5;
	p2 =	por !p2, p0  }
0x20: {  	[sflag:s8] =	ssyncset.s32 @!p0 $0xFFFFF086;
	s6 =	sadd.s32 @!p0 s3, s7;
	s7 =	simm.s32 @!p0 $0x108  }
0x21: {  	s3 =	sadd.s32 s3, s9;
	s6 =	sadd.s32 @!p0 $0x88, s6;
	s7 =	simm.s32 @p2 $0x1082  }
0x22: {  	[simem:s7], [sflag:s8] =	dma.local @!p0 [hbm:s6], $0xF7A  }
0x23: {  	s9 =	sor.u32 $0xD0000000, s2;
	s6 =	simm.s32 $0x108;
	_ =	swait.ge @!p0 [sflag:s8], $0x0  }
0x24: {  	s3 =	sadd.s32 $0x88, s3;
	s6 =	simm.s32 @!p1 $0x1082;
	[sflag:s4] =	ssyncset.s32 $0xFFFFF086  }
0x25: {  	[simem:s6], [sflag:s4] =	dma.local [hbm:s3], $0xF7A  }
0x26: {  	[smem:$0x3F9D] =	sst s1;
	(tag) =	ssettag s2;
	_ =	strace s9  }
0x27: {  	s1 =	sld [smem:$0x3FAD]  }
0x28: {  	s2 =	sld [smem:$0x3FAE]  }
0x29: {  	s4 =	sld [smem:$0x3FB0]  }
0x2a: {  	p0 =	seq.s32 s5, $0x0;
	s5 =	sld [smem:$0x3FB1]  }
0x2b: {  	s6 =	sld [smem:$0x3FB2]  }
0x2c: {  	s7 =	sld [smem:$0x3FB3]  }
0x2d: {  	s3 =	simm.s32 $0x108;
	s8 =	sld [smem:$0x3FB4]  }
0x2e: {  	s3 =	simm.s32 @!p0 $0x1082;
	s9 =	sld [smem:$0x3FB5]  }
0x2f: {  	lr =	sadd.s32 s0, s3;
	s0 =	sld [smem:$0x3FAC]  }
0x30: {  	s3 =	sld [smem:$0x3FAF]  }
0x31: {  	[smem:$0x3FB8] =	sst s10  }
0x32: {  	s10 =	sld [smem:$0x3FB6];
	_ =	sdelay $0x3  }
0x33: {  	p0 =	seq.s32 s10, $0x1;
	s10 =	sld [smem:$0x3FB8];
	_ =	sdelay $0x3  }
0x34: {  	[smem:$0x3FB8] =	sst s10  }
0x35: {  	s10 =	sld [smem:$0x3FB7];
	_ =	sdelay $0x3  }
0x36: {  	p1 =	seq.s32 s10, $0x1;
	s10 =	sld [smem:$0x3FB8];
	_ =	sdelay $0x3  }
0x37: {  	[smem:$0x3FB8] =	sst s10  }
0x38: {  	s10 =	sld [smem:$0x3FB9]  }
0x39: {  	_ = 	snop;
	(pc) =	sbr.ind lr, $3  }
0x3a: {  	_ = 	snop  }
0x3b: {  	_ = 	snop  }
0x3c: {  	p2 =	seq.s32 s10, $0x1;
	s10 =	sld [smem:$0x3FB8]  }
0x3d: {  	_ =	shalt  }
0x3e: {  	_ =	shalt  }
0x3f: {  	_ =	shalt  }
0x40: {  	_ =	shalt  }
0x41: {  	_ =	shalt  }
0x42: {  	_ =	shalt  }
0x43: {  	_ =	shalt  }
0x44: {  	_ =	shalt  }
0x45: {  	_ =	shalt  }
0x46: {  	_ =	shalt  }
0x47: {  	_ =	shalt  }
0x48: {  	_ =	shalt  }
0x49: {  	_ =	shalt  }
0x4a: {  	_ =	shalt  }
0x4b: {  	_ =	shalt  }
0x4c: {  	_ =	shalt  }
0x4d: {  	_ =	shalt  }
0x4e: {  	_ =	shalt  }
0x4f: {  	_ =	shalt  }
0x50: {  	_ =	shalt  }
0x51: {  	_ =	shalt  }
0x52: {  	_ =	shalt  }
0x53: {  	_ =	shalt  }
0x54: {  	_ =	shalt  }
0x55: {  	_ =	shalt  }
0x56: {  	_ =	shalt  }
0x57: {  	_ =	shalt  }
0x58: {  	_ =	shalt  }
0x59: {  	_ =	shalt  }
0x5a: {  	_ =	shalt  }
0x5b: {  	_ =	shalt  }
0x5c: {  	_ =	shalt  }
0x5d: {  	_ =	shalt  }
0x5e: {  	_ =	shalt  }
0x5f: {  	_ =	shalt  }
0x60: {  	_ =	shalt  }
0x61: {  	_ =	shalt  }
0x62: {  	_ =	shalt  }
0x63: {  	_ =	shalt  }
0x64: {  	_ =	shalt  }
0x65: {  	_ =	shalt  }
0x66: {  	_ =	shalt  }
0x67: {  	_ =	shalt  }
0x68: {  	_ =	shalt  }
0x69: {  	_ =	shalt  }
0x6a: {  	_ =	shalt  }
0x6b: {  	_ =	shalt  }
0x6c: {  	_ =	shalt  }
0x6d: {  	_ =	shalt  }
0x6e: {  	_ =	shalt  }
0x6f: {  	_ =	shalt  }
0x70: {  	_ =	shalt  }
0x71: {  	_ =	shalt  }
0x72: {  	_ =	shalt  }
0x73: {  	_ =	shalt  }
0x74: {  	_ =	shalt  }
0x75: {  	_ =	shalt  }
0x76: {  	_ =	shalt  }
0x77: {  	_ =	shalt  }
0x78: {  	_ =	shalt  }
0x79: {  	_ =	shalt  }
0x7a: {  	_ =	shalt  }
0x7b: {  	_ =	shalt  }
0x7c: {  	_ =	shalt  }
0x7d: {  	_ =	shalt  }
0x7e: {  	_ =	shalt  }
0x7f: {  	_ =	shalt  }
0x80: {  	_ =	shalt  }
0x81: {  	_ =	shalt  }
0x82: {  	_ =	shalt  }
0x83: {  	_ =	shalt  }
0x84: {  	_ =	shalt  }
0x85: {  	_ =	shalt  }
0x86: {  	_ =	shalt  }
0x87: {  	_ =	shalt  }
.Lfunc_end0:
.L_simem_size_0:
called_computation_lowered:
.L_overlay_start_0:
0x88: {  	s2 =	sld [smem:$0x3FD9]  }
0x89: {  	s3 =	sld [smem:$0x3FFE];
	_ =	sdelay $0x1  }
0x8a: {  	s1 =	srdreg.scid  }
0x8b: {  	s0 =	sand.u32 $0x1, s1  }
0x8c: {  	s17 =	sshll.u32 s0, $0xA;
	s2 =	sadd.s32 s3, s2  }
0x8d: {  	s2 =	sadd.s32 s2, s17  }
0x8e: {  	[smem:$0x3FC4] =	sst s2  }
0x8f: {  	_ = 	snop  }
0x90: {  	s2 =	sld [smem:$0x3FD0];
	(tm) =	ssettm $0x1  }
0x91: {  	s18 =	sld [smem:$0x3FFB];
	_ =	sdelay $0x3  }
0x92: {  	_ =	strace s18  }
0x93: {  	s3 =	sld [smem:$0x3FFC];
	_ =	sdelay $0x3  }
0x94: {  	_ =	strace s3  }
0x95: {  	s3 =	sld [smem:$0x3FFD];
	_ =	sdelay $0x3  }
0x96: {  	_ =	strace s3  }
0x97: {  	_ =	strace $0x8FFFFFFF  }
0x98: {  	s19 =	sld [smem:$0x3FDB];
	_ =	sdelay $0x1  }
0x99: {  	s4 =	simm.s32 $_scs_section_size  }
0x9a: {  	s5 =	simm.s32 $_size__tile_overlayer_lowered;
	s6 =	simm.s32 $_tile_overlayer_lowered  }
0x9b: {  	s22 =	simm.s32 $0x1BFF;
	s21 =	sshll.u32 s6, $0x1;
	s3 =	sadd.s32 s4, s19  }
0x9c: {  	s7 =	simm.s32 $0x0;
	s20 =	sshll.u32 s5, $0x1;
	s5 =	sadd.s32 s21, s3  }
0x9d: {  	[timem:s7], [sflag:s22] =	dma.local [hbm:s5], s20  }
0x9e: {  	_ =	swait.ge [sflag:s22], s20  }
0x9f: {  	s4 =	ssub.s32 $0x0, s20;
	[sflag:s22] =	ssyncset.done $0x0  }
0xa0: {  	[sflag:s22] =	ssyncadd.s32 s4;
	_ =	sdelay $0x1  }
0xa1: {  	s23 =	simm.s32 $0x1B8B  }
0xa2: {  	_ =	swait.ge [sflag:s23], $0x1  }
0xa3: {  	[sflag:s23] =	ssyncset.done $0x0  }
0xa4: {  	s25 =	simm.s32 $0x1B8E;
	s24 =	sld [smem:$0x3FFE];
	[sflag:s23] =	ssyncadd.s32 $0xFFFFFFFF  }
0xa5: {  	s26 =	simm.s32 $execute0_lowered;
	[smem:$0x3FD2] =	sst s25  }
0xa6: {  	s5 =	sshll.u32 s26, $0x1;
	_ =	strace $0x80000046;
	[dreg:$0x1] =	wrdreg $0xFFFFFFFF  }
0xa7: {  	s28 =	simm.s32 $_size_execute0_lowered;
	s3 =	sadd.s32 s3, s5;
	[dreg:$0x0] =	wrdreg $0x0  }
0xa8: {  	s5 =	sshll.u32 s28, $0x1;
	[dreg:$0x2] =	wrdreg s3  }
0xa9: {  	[dreg:$0x3] =	wrdreg s5  }
0xaa: {  	[dreg:$0x4] =	wrdreg $0xC0  }
0xab: {  	_ =	task [dreg:s7], $0x5FFFF  }
0xac: {  	[dreg:$0x1] =	wrdreg $0xFFFFFFFF  }
0xad: {  	[dreg:$0x0] =	wrdreg $0x60  }
0xae: {  	[dreg:$0x2] =	wrdreg s2  }
0xaf: {  	[dreg:$0x3] =	wrdreg s24  }
0xb0: {  	[dreg:$0x4] =	wrdreg $0x176000  }
0xb1: {  	[dreg:$0x5] =	wrdreg $0x19D100  }
0xb2: {  	[dreg:$0x6] =	wrdreg $0x9  }
0xb3: {  	_ =	task.clear_ibuf [dreg:s7], $0x7FFFF;
	_ =	strace $0x90000046  }
0xb4: {  	s29 =	simm.s32 $0x9;
	_ =	strace $0x80000048  }
0xb5: {  	_ =	swait.ge [sflag:s29], $0x1  }
0xb6: {  	[sflag:s29] =	ssyncadd.s32 $0xFFFFFFFF  }
0xb7: {  	_ =	strace $0x90000048  }
0xb8: {  	_ =	sfence  }
0xb9: {  	s30 =	sld [smem:$0x0];
	_ =	sdelay $0x2  }
0xba: {  	s31 =	sshll.u32 s1, $0xD;
	s1 =	sshrl.u32 s1, $0x2  }
0xbb: {  	s3 =	sand.u32 $0x4000, s31;
	s1 =	sadd.s32 s1, s30  }
0xbc: {  	s0 =	sor.u32 s3, s0;
	s1 =	sshll.u32 s1, $0x11  }
0xbd: {  	s0 =	sor.u32 s1, s0  }
0xbe: {  	s0 =	sadd.s32 $0x8F2B, s0  }
0xbf: {  	[sflag:s0] =	ssyncadd.remote.s32 $0x1  }
0xc0: {  	_ =	sfence.sel $0xFFFF  }
0xc1: {  	[dreg:$0x0] =	wrdreg $0xFFFFFFFF;
	(pc) =	sbr.abs _section_cstart, $3  }
0xc2: {  	[dreg:$0x1] =	wrdreg $0xFFFFFFFF  }
0xc3: {  	_ =	task.clear_ibuf [dreg:s7], $0x2FFFF;
	_ =	strace $0x9FFFFFFF  }
0xc4: {  	(tm) =	ssettm $0x7FFFFFFF  }
0xc5: {  	_ =	shalt  }
tec
execute0_lowered:
.L_overlay_start_1:
0x0: {  	(tag) =	ssettag $0x1  }
0x1: {  	s0 =	rddreg [dreg:$0x0]  }
0x2: {  	s4 =	rddreg [dreg:$0x1]  }
0x3: {  	s1 =	rddreg [dreg:$0x2]  }
0x4: {  	s2 =	rddreg [dreg:$0x3]  }
0x5: {  	s5 =	srdreg.scid;
	s3 =	simm.s32 $0x0;
	s22 =	stileid.u32  }
0x6: {  	s28 =	simm.s32 $0x2900;
	s29 =	simm.s32 $0x80;
	s30 =	simm.s32 $0x16E00  }
0x7: {  	s31 =	simm.s32 $0x3;
	s5 =	sand.u32 $0x1, s5;
	[smem:$0x7FF] =	sst s3  }
0x8: {  	s17 =	sadd.s32 $0x1400, s4;
	s18 =	sadd.s32 $0xA7600, s4;
	s4 =	sadd.s32 $0x9D800, s4  }
0x9: {  	s10 =	sshll.u32 s22, $0x4;
	s19 =	smul.u32 $0x2700, s22;
	s23 =	sshll.u32 s22, $0x8  }
0xa: {  	p0 =	sne.s32 s22, $0x0;
	s6 =	sshll.u32 s5, $0x4;
	_ =	strace $0x80000047  }
0xb: {  	s7 =	ssub.s32 $0x2, s5;
	s21 =	smul.u32 $0x27100, s5;
	s6 =	sor.u32 s22, s6  }
0xc: {  	s5 =	sadd.s32 s23, s17;
	s9 =	sshrl.u32 s7, $0x1;
	s8 =	smul.u32 $0x2700, s6  }
0xd: {  	s23 =	simm.s32 $0x10600;
	s13 =	smul.u32 $0x27000, s6;
	s20 =	ssub.s32 s7, s9  }
0xe: {  	s7 =	sadd.s32 s19, s1;
	s15 =	smul.u32 $0x4E00, s6;
	s9 =	sadd.s32 $0x27000, s1  }
0xf: {  	p1 =	sgt.u32 s6, $0x3;
	s26 =	smax.u32 s20, $0x1;
	s8 =	sshrl.u32 s8, $0x3  }
0x10: {  	s11 =	sadd.s32 s17, s15;
	[dreg:$0xb] =	wrdreg s26;
	s26 =	simm.s32 $0x2  }
0x11: {  	s8 =	sadd.s32 s0, s8;
	s0 =	sadd.s32 s10, s0;
	s10 =	sshrl.u32 s13, $0x3  }
0x12: {  	s14 =	sadd.s32 $0x9C40, s8;
	s0 =	sadd.s32 $0x13840, s0;
	s8 =	sadd.s32 s19, s2  }
0x13: {  	s16 =	sadd.s32 s17, s10;
	s10 =	sadd.s32 $0x27000, s2;
	[dreg:$0x5] =	wrdreg s14  }
0x14: {  	v0 =	vlaneseq.u32;
	s19 =	sadd.s32 s19, s21;
	s17 =	sadd.s32 $0x9C000, s5;
	[dreg:$0x6] =	wrdreg s0  }
0x15: {  	v0 =	vmul.u32 $0x88, v0;
	s12 =	sadd.s32 $0xD00, s16;
	s13 =	sadd.s32 $0x1A00, s16;
	s14 =	sadd.s32 $0x2700, s16  }
0x16: {  	v1 =	vimm.f32 $0.0e+00;
	v2 =	vimm.f32 $1.000000000e+00;
	s15 =	sadd.s32 $0x3400, s16;
	s16 =	sadd.s32 $0x4100, s16;
	s24 =	sshrl.u32 s19, $0x3  }
.Ltmp0:
0x17: {  	v3 =	vor.u32 $0x1, v0;
	v4 =	vor.u32 $0x2, v0;
	v5 =	vor.u32 $0x3, v0;
	s0 =	sshrl.u32 s21, $0x3;
	s19 =	sadd.s32 s18, s24;
	(pc) =	sbr.rel .LBB2_1-.Ltmp0, $4  }
0x18: {  	v6 =	vor.u32 $0x4, v0;
	v7 =	vor.u32 $0x5, v0;
	v8 =	vor.u32 $0x6, v0;
	s0 =	sadd.s32 $0x4E00, s0;
	s5 =	sadd.s32 s4, s24;
	[dreg:$0x7] =	wrdreg s19  }
0x19: {  	v9 =	vor.u32 $0x7, v0;
	v10 =	vadd.s32 $0x8, v0;
	v11 =	vadd.s32 $0x9, v0;
	s24 =	simm.s32 $0x4;
	[dreg:$0x8] =	wrdreg s5;
	s25 =	sadd.s32 s18, s0  }
0x1a: {  	v12 =	vadd.s32 $0xA, v0;
	v13 =	vadd.s32 $0xB, v0;
	v14 =	vadd.s32 $0xC, v0;
	s0 =	sadd.s32 s4, s0;
	s4 =	simm.s32 $0x0;
	[dreg:$0x9] =	wrdreg s25  }
0x1b: {  	v15 =	vadd.s32 $0xD, v0;
	v16 =	vadd.s32 $0xE, v0;
	v17 =	vadd.s32 $0xF, v0;
	[dreg:$0xa] =	wrdreg s0;
	s25 =	simm.s32 $0x1;
	s0 =	simm.s32 $0x9780  }
.LBB2_45:
0x1c: {  	s5 =	sshll.u32 s22, $0x6;
	[bflag:$0x0] =	sbarrier.arrive $0xFFFF  }
0x1d: {  	s6 =	sshrl.u32 s7, $0x3;
	s5 =	sor.u32 $0x1C04, s5;
	s18 =	rddreg [dreg:$0x7]  }
0x1e: {  	[hbm:s18], [sflag:s5] =	dma.local [spmem:s6], $0x4E0  }
0x1f: {  	_ =	swait.ge [sflag:s24], $0x4E0  }
0x20: {  	[sflag:s24] =	ssyncset.done $0x0  }
0x21: {  	s19 =	sshrl.u32 s8, $0x3;
	s20 =	rddreg [dreg:$0x8];
	[sflag:s24] =	ssyncadd.s32 $0xFFFFFB20  }
0x22: {  	[hbm:s20], [sflag:s5] =	dma.local [spmem:s19], $0x4E0  }
0x23: {  	_ =	swait.ge [sflag:s24], $0x4E0  }
0x24: {  	[sflag:s24] =	ssyncset.done $0x0  }
0x25: {  	s6 =	sshrl.u32 @!p0 s9, $0x3;
	s18 =	rddreg [dreg:$0x9];
	[sflag:s24] =	ssyncadd.s32 $0xFFFFFB20  }
0x26: {  	[hbm:s18], [sflag:s5] =	dma.local @!p0 [spmem:s6], $0x20  }
0x27: {  	s6 =	simm.s32 @!p0 $0x4  }
0x28: {  	_ =	swait.ge @!p0 [sflag:s6], $0x20  }
0x29: {  	[sflag:s6] =	ssyncset.done @!p0 $0x0  }
0x2a: {  	s18 =	sshrl.u32 @!p0 s10, $0x3;
	s19 =	rddreg [dreg:$0xa];
	[sflag:s6] =	ssyncadd.s32 @!p0 $0xFFFFFFE0  }
0x2b: {  	[hbm:s19], [sflag:s5] =	dma.local @!p0 [spmem:s18], $0x20  }
0x2c: {  	_ =	swait.ge @!p0 [sflag:s6], $0x20  }
0x2d: {  	s4 =	sadd.s32 $0x1, s4;
	s21 =	rddreg [dreg:$0xb]  }
0x2e: {  	p2 =	sne.s32 s4, s21  }
.Ltmp1:
0x2f: {  	_ = 	snop;
	(pc) =	sbr.rel @!p2 .LBB2_46-.Ltmp1, $3  }
0x30: {  	_ =	sdelay $0x1  }
0x31: {  	[sflag:s6] =	ssyncset.done @!p0 $0x0  }
0x32: {  	[sflag:s6] =	ssyncadd.s32 @!p0 $0xFFFFFFE0  }
.LBB2_1:
0x33: {  	s5 =	rddreg [dreg:$0x5]  }
0x34: {  	[tilespmem:s3], [sflag:$0x1] =	stream.linear.gather [hbm4b:s5+s3], $0x2700, $0x38;
	[tilespmem:$0x1C420] =	vst v63  }
0x35: {  	s6 =	simm.s32 @!p1 $0x2700;
	s18 =	rddreg [dreg:$0x6];
	s5 =	simm.s32 @!p1 $0x0  }
0x36: {  	[tilespmem:s6], [sflag:$0x1] =	stream.linear.gather @!p1 [hbm4b:s18+s5], $0x80, $0x38;
	[tilespmem:$0x1C420] =	vst v63  }
0x37: {  	s5 =	simm.s32 $0x0  }
.LBB2_2:
0x38: {  	p2 =	sne.s32 s5, $0x9BC0  }
.Ltmp2:
0x39: {  	_ = 	snop;
	(pc) =	sbr.rel @p2 .LBB2_2-.Ltmp2, $3  }
0x3a: {  	_ =	sdelay $0x1  }
0x3b: {  	s6 =	sshra.s32 s5, $0x2  }
0x3c: {  	s5 =	sadd.s32 $0x40, s5;
	[tilespmem:s6+$0x10600] =	vst v1  }
0x3d: {  	s5 =	simm.s32 $0x40;
	s6 =	simm.s32 $0x0  }
.LBB2_4:
0x3e: {  	p2 =	sne.s32 s5, $0x1FC0;
	[tilespmem:s6+$0x16E00] =	vst v2;
	s6 =	smov.u32 s5;
	s5 =	sadd.s32 $0x40, s5  }
.Ltmp3:
0x3f: {  	(pc) =	sbr.rel @p2 .LBB2_4-.Ltmp3, $2  }
0x40: {  	_ =	sdelay $0x2  }
0x41: {  	s6 =	sshra.s32 s6, $0x2  }
0x42: {  	[tilespmem:s6+$0x16E00] =	vst v2  }
0x43: {  	[spmem:s7] =	stream.linear.scatter [tilespmem:s23], [sflag:$0x4], $0x2700, $0x38;
	[tilespmem:$0x1C420] =	vst v63  }
0x44: {  	_ =	swait.ge [sflag:s24], $0x2700  }
0x45: {  	[sflag:s24] =	ssyncset.done $0x0  }
0x46: {  	[sflag:s24] =	ssyncadd.s32 $0xFFFFD900  }
0x47: {  	[spmem:s8] =	stream.linear.scatter [tilespmem:s23], [sflag:$0x4], $0x2700, $0x38;
	[tilespmem:$0x1C420] =	vst v63  }
0x48: {  	_ =	swait.ge [sflag:s24], $0x2700  }
0x49: {  	[sflag:s24] =	ssyncset.done $0x0  }
0x4a: {  	s5 =	simm.s32 @!p0 $0x10600;
	s6 =	simm.s32 @!p0 $0x4;
	[sflag:s24] =	ssyncadd.s32 $0xFFFFD900  }
0x4b: {  	[spmem:s9] =	stream.linear.scatter @!p0 [tilespmem:s5], [sflag:$0x4], $0x100, $0x38;
	[tilespmem:$0x1C420] =	vst v63  }
0x4c: {  	_ =	swait.ge @!p0 [sflag:s6], $0x100  }
0x4d: {  	[sflag:s6] =	ssyncset.done @!p0 $0x0  }
0x4e: {  	[sflag:s6] =	ssyncadd.s32 @!p0 $0xFFFFFF00  }
0x4f: {  	[spmem:s10] =	stream.linear.scatter @!p0 [tilespmem:s5], [sflag:$0x4], $0x100, $0x38;
	[tilespmem:$0x1C420] =	vst v63  }
0x50: {  	_ =	swait.ge @!p0 [sflag:s6], $0x100  }
0x51: {  	[sflag:s6] =	ssyncset.done @!p0 $0x0  }
0x52: {  	[sflag:s6] =	ssyncadd.s32 @!p0 $0xFFFFFF00  }
0x53: {  	_ =	swait.ge [sflag:s25], $0x2700  }
0x54: {  	[sflag:s25] =	ssyncset.done $0x0  }
0x55: {  	s5 =	simm.s32 @!p1 $0x1;
	[sflag:s25] =	ssyncadd.s32 $0xFFFFD900  }
0x56: {  	_ =	swait.ge @!p1 [sflag:s5], $0x80  }
0x57: {  	[sflag:s5] =	ssyncset.done @!p1 $0x0  }
0x58: {  	s19 =	sadd.s32 $0x0, s11;
	s18 =	simm.s32 $0x2988;
	[sflag:s5] =	ssyncadd.s32 @!p1 $0xFFFFFF80  }
0x59: {  	s6 =	simm.s32 $0x10;
	s5 =	simm.s32 $0x2900;
	[bflag:$0x0] =	sbarrier.arrive $0xFFFF  }
.LBB2_6:
0x5a: {  	[tilespmem:s5], [sflag:$0x2] =	stream.linear.gather [hbm4b:s19+s3], $0x80, $0x38;
	[tilespmem:$0x1C420] =	vst v63  }
0x5b: {  	s19 =	smov.u32 s6;
	s5 =	smov.u32 s18;
	p2 =	sne.s32 s6, $0xCF0  }
.Ltmp4:
0x5c: {  	s6 =	sadd.s32 $0x10, s6;
	(pc) =	sbr.rel @p2 .LBB2_6-.Ltmp4, $2  }
0x5d: {  	_ =	sdelay $0x2  }
0x5e: {  	s18 =	sadd.s32 $0x88, s18;
	s19 =	sadd.s32 s19, s11  }
0x5f: {  	[tilespmem:s5], [sflag:$0x2] =	stream.linear.gather [hbm4b:s19+s3], $0x80, $0x38;
	[tilespmem:$0x1C420] =	vst v63  }
0x60: {  	s5 =	simm.s32 $0x9780  }
0x61: {  	s6 =	simm.s32 $0x10;
	s19 =	sadd.s32 $0x0, s12;
	s18 =	simm.s32 $0x9808  }
.LBB2_8:
0x62: {  	[tilespmem:s5], [sflag:$0x3] =	stream.linear.gather [hbm4b:s19+s3], $0x80, $0x38;
	[tilespmem:$0x1C420] =	vst v63  }
0x63: {  	s19 =	smov.u32 s6;
	s5 =	smov.u32 s18;
	p2 =	sne.s32 s6, $0xCF0  }
.Ltmp5:
0x64: {  	s6 =	sadd.s32 $0x10, s6;
	(pc) =	sbr.rel @p2 .LBB2_8-.Ltmp5, $2  }
0x65: {  	_ =	sdelay $0x2  }
0x66: {  	s18 =	sadd.s32 $0x88, s18;
	s19 =	sadd.s32 s19, s12  }
0x67: {  	[tilespmem:s5], [sflag:$0x3] =	stream.linear.gather [hbm4b:s19+s3], $0x80, $0x38;
	[tilespmem:$0x1C420] =	vst v63  }
0x68: {  	_ =	swait.ge [sflag:s26], $0x6800  }
0x69: {  	[sflag:s26] =	ssyncset.done $0x0  }
0x6a: {  	s5 =	simm.s32 $0x0;
	[sflag:s26] =	ssyncadd.s32 $0xFFFF9800  }
.LBB2_10:
0x6b: {  	v18 =	vmov s5  }
0x6c: {  	v18 =	vmul.u32 $0x880, v18;
	_ =	sdelay $0x1  }
0x6d: {  	v18 =	vbroadcast v18, $0x0;
	_ =	sdelay $0x1  }
0x6e: {  	s6 =	sshll.u32 s5, $0x7;
	p2 =	por $0x1, $0x1;
	s18 =	simm.s32 $0x0;
	v18 =	vadd.s32 v0, v18  }
.LBB2_11:
0x6f: {  	v22 =	vadd.s32 s18, v18;
	s19 =	sor.u32 $0x10, s18  }
0x70: {  	s20 =	sor.u32 $0x20, s18;
	v19 =	vadd.s32 s19, v18  }
0x71: {  	s21 =	sor.u32 $0x30, s18;
	v20 =	vadd.s32 s20, v18  }
0x72: {  	v21 =	vadd.s32 s21, v18;
	_ =	sdelay $0x1  }
0x73: {  	v23 =	vld.idx.msk [tilespmem:v22+s28+$0x0], $0xffff  }
0x74: {  	v24 =	vor.u32 $0x1, v22;
	v25 =	vld.idx.msk [tilespmem:v19+s28+$0x0], $0xffff  }
0x75: {  	s18 =	sor.u32 s6, s18;
	v26 =	vor.u32 $0x1, v19;
	v27 =	vld.idx.msk [tilespmem:v20+s28+$0x0], $0xffff  }
0x76: {  	s18 =	sshll.u32 s18, $0x4;
	s19 =	sor.u32 s6, s19;
	v28 =	vor.u32 $0x1, v20;
	v29 =	vld.idx.msk [tilespmem:v21+s28+$0x0], $0xffff  }
0x77: {  	s20 =	sor.u32 s6, s20;
	s18 =	sand.u32 $0x3FFFFFF0, s18;
	s19 =	sshll.u32 s19, $0x4;
	v30 =	vor.u32 $0x1, v21  }
0x78: {  	s21 =	sor.u32 s6, s21;
	s20 =	sshll.u32 s20, $0x4;
	s19 =	sand.u32 $0x3FFFFFF0, s19;
	[tilespmem:s18+$0x10600] =	vst v23  }
0x79: {  	s21 =	sshll.u32 s21, $0x4;
	s20 =	sand.u32 $0x3FFFFFF0, s20;
	v23 =	vld.idx.msk [tilespmem:v24+s28+$0x0], $0xffff;
	[tilespmem:s19+$0x10600] =	vst v25  }
0x7a: {  	v40 =	vor.u32 $0x2, v22;
	s21 =	sand.u32 $0x3FFFFFF0, s21;
	[tilespmem:s20+$0x10600] =	vst v27;
	v25 =	vld.idx.msk [tilespmem:v26+s28+$0x0], $0xffff  }
0x7b: {  	v41 =	vor.u32 $0x2, v19;
	[tilespmem:s21+$0x10600] =	vst v29;
	v27 =	vld.idx.msk [tilespmem:v28+s28+$0x0], $0xffff  }
0x7c: {  	v42 =	vor.u32 $0x2, v20;
	v29 =	vld.idx.msk [tilespmem:v30+s28+$0x0], $0xffff  }
0x7d: {  	v43 =	vor.u32 $0x2, v21  }
0x7e: {  	[tilespmem:s18+$0x10610] =	vst v23  }
0x7f: {  	v23 =	vld.idx.msk [tilespmem:v40+s28+$0x0], $0xffff;
	[tilespmem:s19+$0x10610] =	vst v25  }
0x80: {  	v44 =	vor.u32 $0x3, v22;
	[tilespmem:s20+$0x10610] =	vst v27;
	v25 =	vld.idx.msk [tilespmem:v41+s28+$0x0], $0xffff  }
0x81: {  	v45 =	vor.u32 $0x3, v19;
	[tilespmem:s21+$0x10610] =	vst v29;
	v27 =	vld.idx.msk [tilespmem:v42+s28+$0x0], $0xffff  }
0x82: {  	v46 =	vor.u32 $0x3, v20;
	v29 =	vld.idx.msk [tilespmem:v43+s28+$0x0], $0xffff  }
0x83: {  	v47 =	vor.u32 $0x3, v21  }
0x84: {  	[tilespmem:s18+$0x10620] =	vst v23  }
0x85: {  	v23 =	vld.idx.msk [tilespmem:v44+s28+$0x0], $0xffff;
	[tilespmem:s19+$0x10620] =	vst v25  }
0x86: {  	v48 =	vor.u32 $0x4, v22;
	[tilespmem:s20+$0x10620] =	vst v27;
	v25 =	vld.idx.msk [tilespmem:v45+s28+$0x0], $0xffff  }
0x87: {  	v49 =	vor.u32 $0x4, v19;
	[tilespmem:s21+$0x10620] =	vst v29;
	v27 =	vld.idx.msk [tilespmem:v46+s28+$0x0], $0xffff  }
0x88: {  	v50 =	vor.u32 $0x4, v20;
	v29 =	vld.idx.msk [tilespmem:v47+s28+$0x0], $0xffff  }
0x89: {  	v51 =	vor.u32 $0x4, v21  }
0x8a: {  	[tilespmem:s18+$0x10630] =	vst v23  }
0x8b: {  	v23 =	vld.idx.msk [tilespmem:v48+s28+$0x0], $0xffff;
	[tilespmem:s19+$0x10630] =	vst v25  }
0x8c: {  	v52 =	vor.u32 $0x5, v22;
	[tilespmem:s20+$0x10630] =	vst v27;
	v25 =	vld.idx.msk [tilespmem:v49+s28+$0x0], $0xffff  }
0x8d: {  	v53 =	vor.u32 $0x5, v19;
	[tilespmem:s21+$0x10630] =	vst v29;
	v27 =	vld.idx.msk [tilespmem:v50+s28+$0x0], $0xffff  }
0x8e: {  	v54 =	vor.u32 $0x5, v20;
	v29 =	vld.idx.msk [tilespmem:v51+s28+$0x0], $0xffff  }
0x8f: {  	v55 =	vor.u32 $0x5, v21  }
0x90: {  	[tilespmem:s18+$0x10640] =	vst v23  }
0x91: {  	v23 =	vld.idx.msk [tilespmem:v52+s28+$0x0], $0xffff;
	[tilespmem:s19+$0x10640] =	vst v25  }
0x92: {  	v56 =	vor.u32 $0x6, v22;
	[tilespmem:s20+$0x10640] =	vst v27;
	v25 =	vld.idx.msk [tilespmem:v53+s28+$0x0], $0xffff  }
0x93: {  	v57 =	vor.u32 $0x6, v19;
	[tilespmem:s21+$0x10640] =	vst v29;
	v27 =	vld.idx.msk [tilespmem:v54+s28+$0x0], $0xffff  }
0x94: {  	v58 =	vor.u32 $0x6, v20;
	v29 =	vld.idx.msk [tilespmem:v55+s28+$0x0], $0xffff  }
0x95: {  	v59 =	vor.u32 $0x6, v21  }
0x96: {  	[tilespmem:s18+$0x10650] =	vst v23  }
0x97: {  	v23 =	vld.idx.msk [tilespmem:v56+s28+$0x0], $0xffff;
	[tilespmem:s19+$0x10650] =	vst v25  }
0x98: {  	v60 =	vor.u32 $0x7, v22;
	[tilespmem:s20+$0x10650] =	vst v27;
	v25 =	vld.idx.msk [tilespmem:v57+s28+$0x0], $0xffff  }
0x99: {  	v61 =	vor.u32 $0x7, v19;
	[tilespmem:s21+$0x10650] =	vst v29;
	v27 =	vld.idx.msk [tilespmem:v58+s28+$0x0], $0xffff  }
0x9a: {  	v62 =	vor.u32 $0x7, v20;
	v29 =	vld.idx.msk [tilespmem:v59+s28+$0x0], $0xffff  }
0x9b: {  	v63 =	vor.u32 $0x7, v21  }
0x9c: {  	[tilespmem:s18+$0x10660] =	vst v23  }
0x9d: {  	v23 =	vld.idx.msk [tilespmem:v60+s28+$0x0], $0xffff;
	[tilespmem:s19+$0x10660] =	vst v25  }
0x9e: {  	v33 =	vadd.s32 $0x8, v22;
	[tilespmem:s20+$0x10660] =	vst v27;
	v25 =	vld.idx.msk [tilespmem:v61+s28+$0x0], $0xffff  }
0x9f: {  	v34 =	vadd.s32 $0x8, v19;
	[tilespmem:s21+$0x10660] =	vst v29;
	v27 =	vld.idx.msk [tilespmem:v62+s28+$0x0], $0xffff  }
0xa0: {  	v35 =	vadd.s32 $0x8, v20;
	v29 =	vld.idx.msk [tilespmem:v63+s28+$0x0], $0xffff  }
0xa1: {  	v36 =	vadd.s32 $0x8, v21  }
0xa2: {  	[tilespmem:s18+$0x10670] =	vst v23  }
0xa3: {  	v23 =	vld.idx.msk [tilespmem:v33+s28+$0x0], $0xffff;
	[tilespmem:s19+$0x10670] =	vst v25  }
0xa4: {  	v37 =	vadd.s32 $0x9, v22;
	[tilespmem:s20+$0x10670] =	vst v27;
	v25 =	vld.idx.msk [tilespmem:v34+s28+$0x0], $0xffff  }
0xa5: {  	v38 =	vadd.s32 $0x9, v19;
	[tilespmem:s21+$0x10670] =	vst v29;
	v27 =	vld.idx.msk [tilespmem:v35+s28+$0x0], $0xffff  }
0xa6: {  	v39 =	vadd.s32 $0x9, v20;
	v29 =	vld.idx.msk [tilespmem:v36+s28+$0x0], $0xffff  }
0xa7: {  	v40 =	vadd.s32 $0x9, v21  }
0xa8: {  	[tilespmem:s18+$0x10680] =	vst v23  }
0xa9: {  	v23 =	vld.idx.msk [tilespmem:v37+s28+$0x0], $0xffff;
	[tilespmem:s19+$0x10680] =	vst v25  }
0xaa: {  	v41 =	vadd.s32 $0xA, v22;
	[tilespmem:s20+$0x10680] =	vst v27;
	v25 =	vld.idx.msk [tilespmem:v38+s28+$0x0], $0xffff  }
0xab: {  	v42 =	vadd.s32 $0xA, v19;
	[tilespmem:s21+$0x10680] =	vst v29;
	v27 =	vld.idx.msk [tilespmem:v39+s28+$0x0], $0xffff  }
0xac: {  	v43 =	vadd.s32 $0xA, v20;
	v29 =	vld.idx.msk [tilespmem:v40+s28+$0x0], $0xffff  }
0xad: {  	v44 =	vadd.s32 $0xA, v21  }
0xae: {  	[tilespmem:s18+$0x10690] =	vst v23  }
0xaf: {  	v23 =	vld.idx.msk [tilespmem:v41+s28+$0x0], $0xffff;
	[tilespmem:s19+$0x10690] =	vst v25  }
0xb0: {  	v45 =	vadd.s32 $0xB, v22;
	[tilespmem:s20+$0x10690] =	vst v27;
	v25 =	vld.idx.msk [tilespmem:v42+s28+$0x0], $0xffff  }
0xb1: {  	v46 =	vadd.s32 $0xB, v19;
	[tilespmem:s21+$0x10690] =	vst v29;
	v27 =	vld.idx.msk [tilespmem:v43+s28+$0x0], $0xffff  }
0xb2: {  	v47 =	vadd.s32 $0xB, v20;
	v29 =	vld.idx.msk [tilespmem:v44+s28+$0x0], $0xffff  }
0xb3: {  	v48 =	vadd.s32 $0xB, v21  }
0xb4: {  	[tilespmem:s18+$0x106A0] =	vst v23  }
0xb5: {  	v23 =	vld.idx.msk [tilespmem:v45+s28+$0x0], $0xffff;
	[tilespmem:s19+$0x106A0] =	vst v25  }
0xb6: {  	v49 =	vadd.s32 $0xC, v22;
	[tilespmem:s20+$0x106A0] =	vst v27;
	v25 =	vld.idx.msk [tilespmem:v46+s28+$0x0], $0xffff  }
0xb7: {  	v50 =	vadd.s32 $0xC, v19;
	[tilespmem:s21+$0x106A0] =	vst v29;
	v27 =	vld.idx.msk [tilespmem:v47+s28+$0x0], $0xffff  }
0xb8: {  	v51 =	vadd.s32 $0xC, v20;
	v29 =	vld.idx.msk [tilespmem:v48+s28+$0x0], $0xffff  }
0xb9: {  	v52 =	vadd.s32 $0xC, v21  }
0xba: {  	[tilespmem:s18+$0x106B0] =	vst v23  }
0xbb: {  	v23 =	vld.idx.msk [tilespmem:v49+s28+$0x0], $0xffff;
	[tilespmem:s19+$0x106B0] =	vst v25  }
0xbc: {  	v53 =	vadd.s32 $0xD, v22;
	[tilespmem:s20+$0x106B0] =	vst v27;
	v25 =	vld.idx.msk [tilespmem:v50+s28+$0x0], $0xffff  }
0xbd: {  	v54 =	vadd.s32 $0xD, v19;
	[tilespmem:s21+$0x106B0] =	vst v29;
	v27 =	vld.idx.msk [tilespmem:v51+s28+$0x0], $0xffff  }
0xbe: {  	v55 =	vadd.s32 $0xD, v20;
	v29 =	vld.idx.msk [tilespmem:v52+s28+$0x0], $0xffff  }
0xbf: {  	v56 =	vadd.s32 $0xD, v21  }
0xc0: {  	[tilespmem:s18+$0x106C0] =	vst v23  }
0xc1: {  	v23 =	vld.idx.msk [tilespmem:v53+s28+$0x0], $0xffff;
	[tilespmem:s19+$0x106C0] =	vst v25  }
0xc2: {  	v57 =	vadd.s32 $0xE, v22;
	[tilespmem:s20+$0x106C0] =	vst v27;
	v25 =	vld.idx.msk [tilespmem:v54+s28+$0x0], $0xffff  }
0xc3: {  	v58 =	vadd.s32 $0xE, v19;
	[tilespmem:s21+$0x106C0] =	vst v29;
	v27 =	vld.idx.msk [tilespmem:v55+s28+$0x0], $0xffff  }
0xc4: {  	v59 =	vadd.s32 $0xE, v20;
	v29 =	vld.idx.msk [tilespmem:v56+s28+$0x0], $0xffff  }
0xc5: {  	v60 =	vadd.s32 $0xE, v21  }
0xc6: {  	[tilespmem:s18+$0x106D0] =	vst v23  }
0xc7: {  	[tilespmem:s19+$0x106D0] =	vst v25;
	v23 =	vld.idx.msk [tilespmem:v57+s28+$0x0], $0xffff  }
0xc8: {  	v22 =	vadd.s32 $0xF, v22;
	[tilespmem:s20+$0x106D0] =	vst v27;
	v61 =	vld.idx.msk [tilespmem:v58+s28+$0x0], $0xffff  }
0xc9: {  	v19 =	vadd.s32 $0xF, v19;
	[tilespmem:s21+$0x106D0] =	vst v29;
	v62 =	vld.idx.msk [tilespmem:v59+s28+$0x0], $0xffff  }
0xca: {  	v20 =	vadd.s32 $0xF, v20;
	v63 =	vld.idx.msk [tilespmem:v60+s28+$0x0], $0xffff  }
0xcb: {  	v21 =	vadd.s32 $0xF, v21  }
0xcc: {  	[tilespmem:s18+$0x106E0] =	vst v23  }
0xcd: {  	[tilespmem:s19+$0x106E0] =	vst v61;
	v22 =	vld.idx.msk [tilespmem:v22+s28+$0x0], $0xffff  }
0xce: {  	[tilespmem:s20+$0x106E0] =	vst v62;
	v19 =	vld.idx.msk [tilespmem:v19+s28+$0x0], $0xffff  }
0xcf: {  	[tilespmem:s21+$0x106E0] =	vst v63;
	v20 =	vld.idx.msk [tilespmem:v20+s28+$0x0], $0xffff  }
0xd0: {  	p3 =	por p2, p2;
	v21 =	vld.idx.msk [tilespmem:v21+s28+$0x0], $0xffff  }
.Ltmp6:
0xd1: {  	_ = 	snop;
	(pc) =	sbr.rel @p3 .LBB2_11-.Ltmp6, $4  }
0xd2: {  	[tilespmem:s18+$0x106F0] =	vst v22  }
0xd3: {  	[tilespmem:s19+$0x106F0] =	vst v19  }
0xd4: {  	[tilespmem:s20+$0x106F0] =	vst v20  }
0xd5: {  	p2 =	por $0x0, $0x0;
	s18 =	simm.s32 $0x40;
	[tilespmem:s21+$0x106F0] =	vst v21  }
0xd6: {  	s18 =	sshll.u32 s5, $0xB  }
0xd7: {  	s18 =	sand.u32 $0x3FFFF800, s18  }
0xd8: {  	s6 =	sand.u32 $0x3FFFFF80, s6;
	s18 =	sadd.s32 $0x10600, s18  }
0xd9: {  	[spmem:s1] =	stream.indirect.scatter.add.f32 [tilespmem:s18], [sflag:$0x4], $0x10, s6, s29, $0xb8;
	[tilespmem:$0x1C420] =	vst v63  }
0xda: {  	s5 =	sadd.s32 $0x1, s5;
	_ =	swait.ge [sflag:s24], $0x800  }
0xdb: {  	p2 =	sne.s32 s5, $0xD;
	[sflag:s24] =	ssyncset.done $0x0  }
.Ltmp7:
0xdc: {  	[sflag:s24] =	ssyncadd.s32 $0xFFFFF800;
	(pc) =	sbr.rel @p2 .LBB2_10-.Ltmp7, $4  }
0xdd: {  	[spmem:s2] =	stream.indirect.scatter.add.f32 [tilespmem:s30], [sflag:$0x4], $0x10, s6, s29, $0xb8;
	[tilespmem:$0x1C420] =	vst v63  }
0xde: {  	_ =	swait.ge [sflag:s24], $0x800  }
0xdf: {  	[sflag:s24] =	ssyncset.done $0x0  }
0xe0: {  	[sflag:s24] =	ssyncadd.s32 $0xFFFFF800  }
0xe1: {  	s5 =	simm.s32 $0x2900  }
0xe2: {  	s6 =	simm.s32 $0x10;
	s19 =	sadd.s32 $0x0, s13;
	s18 =	simm.s32 $0x2988  }
.LBB2_14:
0xe3: {  	[tilespmem:s5], [sflag:$0x2] =	stream.linear.gather [hbm4b:s19+s3], $0x80, $0x38;
	[tilespmem:$0x1C420] =	vst v63  }
0xe4: {  	s19 =	smov.u32 s6;
	s5 =	smov.u32 s18;
	p2 =	sne.s32 s6, $0xCF0  }
.Ltmp8:
0xe5: {  	s6 =	sadd.s32 $0x10, s6;
	(pc) =	sbr.rel @p2 .LBB2_14-.Ltmp8, $2  }
0xe6: {  	_ =	sdelay $0x2  }
0xe7: {  	s18 =	sadd.s32 $0x88, s18;
	s19 =	sadd.s32 s19, s13  }
0xe8: {  	[tilespmem:s5], [sflag:$0x2] =	stream.linear.gather [hbm4b:s19+s3], $0x80, $0x38;
	[tilespmem:$0x1C420] =	vst v63  }
0xe9: {  	_ =	swait.ge [sflag:s31], $0x6800  }
0xea: {  	[sflag:s31] =	ssyncset.done $0x0  }
0xeb: {  	s5 =	simm.s32 $0x0;
	[sflag:s31] =	ssyncadd.s32 $0xFFFF9800  }
.LBB2_16:
0xec: {  	v18 =	vmov s5  }
0xed: {  	v18 =	vmul.u32 $0x880, v18;
	_ =	sdelay $0x1  }
0xee: {  	v18 =	vbroadcast v18, $0x0;
	_ =	sdelay $0x1  }
0xef: {  	s6 =	sshll.u32 s5, $0x7;
	p2 =	por $0x1, $0x1;
	s18 =	simm.s32 $0x0;
	v18 =	vadd.s32 v0, v18  }
.LBB2_17:
0xf0: {  	v22 =	vadd.s32 s18, v18;
	s19 =	sor.u32 $0x10, s18  }
0xf1: {  	s20 =	sor.u32 $0x20, s18;
	v19 =	vadd.s32 s19, v18  }
0xf2: {  	s21 =	sor.u32 $0x30, s18;
	v20 =	vadd.s32 s20, v18  }
0xf3: {  	v21 =	vadd.s32 s21, v18;
	_ =	sdelay $0x1  }
0xf4: {  	v23 =	vld.idx.msk [tilespmem:v22+s0+$0x0], $0xffff  }
0xf5: {  	v24 =	vor.u32 $0x1, v22;
	v25 =	vld.idx.msk [tilespmem:v19+s0+$0x0], $0xffff  }
0xf6: {  	s18 =	sor.u32 s6, s18;
	v26 =	vor.u32 $0x1, v19;
	v27 =	vld.idx.msk [tilespmem:v20+s0+$0x0], $0xffff  }
0xf7: {  	s18 =	sshll.u32 s18, $0x4;
	s19 =	sor.u32 s6, s19;
	v28 =	vor.u32 $0x1, v20;
	v29 =	vld.idx.msk [tilespmem:v21+s0+$0x0], $0xffff  }
0xf8: {  	s20 =	sor.u32 s6, s20;
	s18 =	sand.u32 $0x3FFFFFF0, s18;
	s19 =	sshll.u32 s19, $0x4;
	v30 =	vor.u32 $0x1, v21  }
0xf9: {  	s21 =	sor.u32 s6, s21;
	s20 =	sshll.u32 s20, $0x4;
	s19 =	sand.u32 $0x3FFFFFF0, s19;
	[tilespmem:s18+$0x10600] =	vst v23  }
0xfa: {  	s21 =	sshll.u32 s21, $0x4;
	s20 =	sand.u32 $0x3FFFFFF0, s20;
	v23 =	vld.idx.msk [tilespmem:v24+s0+$0x0], $0xffff;
	[tilespmem:s19+$0x10600] =	vst v25  }
0xfb: {  	v40 =	vor.u32 $0x2, v22;
	s21 =	sand.u32 $0x3FFFFFF0, s21;
	[tilespmem:s20+$0x10600] =	vst v27;
	v25 =	vld.idx.msk [tilespmem:v26+s0+$0x0], $0xffff  }
0xfc: {  	v41 =	vor.u32 $0x2, v19;
	[tilespmem:s21+$0x10600] =	vst v29;
	v27 =	vld.idx.msk [tilespmem:v28+s0+$0x0], $0xffff  }
0xfd: {  	v42 =	vor.u32 $0x2, v20;
	v29 =	vld.idx.msk [tilespmem:v30+s0+$0x0], $0xffff  }
0xfe: {  	v43 =	vor.u32 $0x2, v21  }
0xff: {  	[tilespmem:s18+$0x10610] =	vst v23  }
0x100: {  	v23 =	vld.idx.msk [tilespmem:v40+s0+$0x0], $0xffff;
	[tilespmem:s19+$0x10610] =	vst v25  }
0x101: {  	v44 =	vor.u32 $0x3, v22;
	[tilespmem:s20+$0x10610] =	vst v27;
	v25 =	vld.idx.msk [tilespmem:v41+s0+$0x0], $0xffff  }
0x102: {  	v45 =	vor.u32 $0x3, v19;
	[tilespmem:s21+$0x10610] =	vst v29;
	v27 =	vld.idx.msk [tilespmem:v42+s0+$0x0], $0xffff  }
0x103: {  	v46 =	vor.u32 $0x3, v20;
	v29 =	vld.idx.msk [tilespmem:v43+s0+$0x0], $0xffff  }
0x104: {  	v47 =	vor.u32 $0x3, v21  }
0x105: {  	[tilespmem:s18+$0x10620] =	vst v23  }
0x106: {  	v23 =	vld.idx.msk [tilespmem:v44+s0+$0x0], $0xffff;
	[tilespmem:s19+$0x10620] =	vst v25  }
0x107: {  	v48 =	vor.u32 $0x4, v22;
	[tilespmem:s20+$0x10620] =	vst v27;
	v25 =	vld.idx.msk [tilespmem:v45+s0+$0x0], $0xffff  }
0x108: {  	v49 =	vor.u32 $0x4, v19;
	[tilespmem:s21+$0x10620] =	vst v29;
	v27 =	vld.idx.msk [tilespmem:v46+s0+$0x0], $0xffff  }
0x109: {  	v50 =	vor.u32 $0x4, v20;
	v29 =	vld.idx.msk [tilespmem:v47+s0+$0x0], $0xffff  }
0x10a: {  	v51 =	vor.u32 $0x4, v21  }
0x10b: {  	[tilespmem:s18+$0x10630] =	vst v23  }
0x10c: {  	v23 =	vld.idx.msk [tilespmem:v48+s0+$0x0], $0xffff;
	[tilespmem:s19+$0x10630] =	vst v25  }
0x10d: {  	v52 =	vor.u32 $0x5, v22;
	[tilespmem:s20+$0x10630] =	vst v27;
	v25 =	vld.idx.msk [tilespmem:v49+s0+$0x0], $0xffff  }
0x10e: {  	v53 =	vor.u32 $0x5, v19;
	[tilespmem:s21+$0x10630] =	vst v29;
	v27 =	vld.idx.msk [tilespmem:v50+s0+$0x0], $0xffff  }
0x10f: {  	v54 =	vor.u32 $0x5, v20;
	v29 =	vld.idx.msk [tilespmem:v51+s0+$0x0], $0xffff  }
0x110: {  	v55 =	vor.u32 $0x5, v21  }
0x111: {  	[tilespmem:s18+$0x10640] =	vst v23  }
0x112: {  	v23 =	vld.idx.msk [tilespmem:v52+s0+$0x0], $0xffff;
	[tilespmem:s19+$0x10640] =	vst v25  }
0x113: {  	v56 =	vor.u32 $0x6, v22;
	[tilespmem:s20+$0x10640] =	vst v27;
	v25 =	vld.idx.msk [tilespmem:v53+s0+$0x0], $0xffff  }
0x114: {  	v57 =	vor.u32 $0x6, v19;
	[tilespmem:s21+$0x10640] =	vst v29;
	v27 =	vld.idx.msk [tilespmem:v54+s0+$0x0], $0xffff  }
0x115: {  	v58 =	vor.u32 $0x6, v20;
	v29 =	vld.idx.msk [tilespmem:v55+s0+$0x0], $0xffff  }
0x116: {  	v59 =	vor.u32 $0x6, v21  }
0x117: {  	[tilespmem:s18+$0x10650] =	vst v23  }
0x118: {  	v23 =	vld.idx.msk [tilespmem:v56+s0+$0x0], $0xffff;
	[tilespmem:s19+$0x10650] =	vst v25  }
0x119: {  	v60 =	vor.u32 $0x7, v22;
	[tilespmem:s20+$0x10650] =	vst v27;
	v25 =	vld.idx.msk [tilespmem:v57+s0+$0x0], $0xffff  }
0x11a: {  	v61 =	vor.u32 $0x7, v19;
	[tilespmem:s21+$0x10650] =	vst v29;
	v27 =	vld.idx.msk [tilespmem:v58+s0+$0x0], $0xffff  }
0x11b: {  	v62 =	vor.u32 $0x7, v20;
	v29 =	vld.idx.msk [tilespmem:v59+s0+$0x0], $0xffff  }
0x11c: {  	v63 =	vor.u32 $0x7, v21  }
0x11d: {  	[tilespmem:s18+$0x10660] =	vst v23  }
0x11e: {  	v23 =	vld.idx.msk [tilespmem:v60+s0+$0x0], $0xffff;
	[tilespmem:s19+$0x10660] =	vst v25  }
0x11f: {  	v33 =	vadd.s32 $0x8, v22;
	[tilespmem:s20+$0x10660] =	vst v27;
	v25 =	vld.idx.msk [tilespmem:v61+s0+$0x0], $0xffff  }
0x120: {  	v34 =	vadd.s32 $0x8, v19;
	[tilespmem:s21+$0x10660] =	vst v29;
	v27 =	vld.idx.msk [tilespmem:v62+s0+$0x0], $0xffff  }
0x121: {  	v35 =	vadd.s32 $0x8, v20;
	v29 =	vld.idx.msk [tilespmem:v63+s0+$0x0], $0xffff  }
0x122: {  	v36 =	vadd.s32 $0x8, v21  }
0x123: {  	[tilespmem:s18+$0x10670] =	vst v23  }
0x124: {  	v23 =	vld.idx.msk [tilespmem:v33+s0+$0x0], $0xffff;
	[tilespmem:s19+$0x10670] =	vst v25  }
0x125: {  	v37 =	vadd.s32 $0x9, v22;
	[tilespmem:s20+$0x10670] =	vst v27;
	v25 =	vld.idx.msk [tilespmem:v34+s0+$0x0], $0xffff  }
0x126: {  	v38 =	vadd.s32 $0x9, v19;
	[tilespmem:s21+$0x10670] =	vst v29;
	v27 =	vld.idx.msk [tilespmem:v35+s0+$0x0], $0xffff  }
0x127: {  	v39 =	vadd.s32 $0x9, v20;
	v29 =	vld.idx.msk [tilespmem:v36+s0+$0x0], $0xffff  }
0x128: {  	v40 =	vadd.s32 $0x9, v21  }
0x129: {  	[tilespmem:s18+$0x10680] =	vst v23  }
0x12a: {  	v23 =	vld.idx.msk [tilespmem:v37+s0+$0x0], $0xffff;
	[tilespmem:s19+$0x10680] =	vst v25  }
0x12b: {  	v41 =	vadd.s32 $0xA, v22;
	[tilespmem:s20+$0x10680] =	vst v27;
	v25 =	vld.idx.msk [tilespmem:v38+s0+$0x0], $0xffff  }
0x12c: {  	v42 =	vadd.s32 $0xA, v19;
	[tilespmem:s21+$0x10680] =	vst v29;
	v27 =	vld.idx.msk [tilespmem:v39+s0+$0x0], $0xffff  }
0x12d: {  	v43 =	vadd.s32 $0xA, v20;
	v29 =	vld.idx.msk [tilespmem:v40+s0+$0x0], $0xffff  }
0x12e: {  	v44 =	vadd.s32 $0xA, v21  }
0x12f: {  	[tilespmem:s18+$0x10690] =	vst v23  }
0x130: {  	v23 =	vld.idx.msk [tilespmem:v41+s0+$0x0], $0xffff;
	[tilespmem:s19+$0x10690] =	vst v25  }
0x131: {  	v45 =	vadd.s32 $0xB, v22;
	[tilespmem:s20+$0x10690] =	vst v27;
	v25 =	vld.idx.msk [tilespmem:v42+s0+$0x0], $0xffff  }
0x132: {  	v46 =	vadd.s32 $0xB, v19;
	[tilespmem:s21+$0x10690] =	vst v29;
	v27 =	vld.idx.msk [tilespmem:v43+s0+$0x0], $0xffff  }
0x133: {  	v47 =	vadd.s32 $0xB, v20;
	v29 =	vld.idx.msk [tilespmem:v44+s0+$0x0], $0xffff  }
0x134: {  	v48 =	vadd.s32 $0xB, v21  }
0x135: {  	[tilespmem:s18+$0x106A0] =	vst v23  }
0x136: {  	v23 =	vld.idx.msk [tilespmem:v45+s0+$0x0], $0xffff;
	[tilespmem:s19+$0x106A0] =	vst v25  }
0x137: {  	v49 =	vadd.s32 $0xC, v22;
	[tilespmem:s20+$0x106A0] =	vst v27;
	v25 =	vld.idx.msk [tilespmem:v46+s0+$0x0], $0xffff  }
0x138: {  	v50 =	vadd.s32 $0xC, v19;
	[tilespmem:s21+$0x106A0] =	vst v29;
	v27 =	vld.idx.msk [tilespmem:v47+s0+$0x0], $0xffff  }
0x139: {  	v51 =	vadd.s32 $0xC, v20;
	v29 =	vld.idx.msk [tilespmem:v48+s0+$0x0], $0xffff  }
0x13a: {  	v52 =	vadd.s32 $0xC, v21  }
0x13b: {  	[tilespmem:s18+$0x106B0] =	vst v23  }
0x13c: {  	v23 =	vld.idx.msk [tilespmem:v49+s0+$0x0], $0xffff;
	[tilespmem:s19+$0x106B0] =	vst v25  }
0x13d: {  	v53 =	vadd.s32 $0xD, v22;
	[tilespmem:s20+$0x106B0] =	vst v27;
	v25 =	vld.idx.msk [tilespmem:v50+s0+$0x0], $0xffff  }
0x13e: {  	v54 =	vadd.s32 $0xD, v19;
	[tilespmem:s21+$0x106B0] =	vst v29;
	v27 =	vld.idx.msk [tilespmem:v51+s0+$0x0], $0xffff  }
0x13f: {  	v55 =	vadd.s32 $0xD, v20;
	v29 =	vld.idx.msk [tilespmem:v52+s0+$0x0], $0xffff  }
0x140: {  	v56 =	vadd.s32 $0xD, v21  }
0x141: {  	[tilespmem:s18+$0x106C0] =	vst v23  }
0x142: {  	v23 =	vld.idx.msk [tilespmem:v53+s0+$0x0], $0xffff;
	[tilespmem:s19+$0x106C0] =	vst v25  }
0x143: {  	v57 =	vadd.s32 $0xE, v22;
	[tilespmem:s20+$0x106C0] =	vst v27;
	v25 =	vld.idx.msk [tilespmem:v54+s0+$0x0], $0xffff  }
0x144: {  	v58 =	vadd.s32 $0xE, v19;
	[tilespmem:s21+$0x106C0] =	vst v29;
	v27 =	vld.idx.msk [tilespmem:v55+s0+$0x0], $0xffff  }
0x145: {  	v59 =	vadd.s32 $0xE, v20;
	v29 =	vld.idx.msk [tilespmem:v56+s0+$0x0], $0xffff  }
0x146: {  	v60 =	vadd.s32 $0xE, v21  }
0x147: {  	[tilespmem:s18+$0x106D0] =	vst v23  }
0x148: {  	[tilespmem:s19+$0x106D0] =	vst v25;
	v23 =	vld.idx.msk [tilespmem:v57+s0+$0x0], $0xffff  }
0x149: {  	v22 =	vadd.s32 $0xF, v22;
	[tilespmem:s20+$0x106D0] =	vst v27;
	v61 =	vld.idx.msk [tilespmem:v58+s0+$0x0], $0xffff  }
0x14a: {  	v19 =	vadd.s32 $0xF, v19;
	[tilespmem:s21+$0x106D0] =	vst v29;
	v62 =	vld.idx.msk [tilespmem:v59+s0+$0x0], $0xffff  }
0x14b: {  	v20 =	vadd.s32 $0xF, v20;
	v63 =	vld.idx.msk [tilespmem:v60+s0+$0x0], $0xffff  }
0x14c: {  	v21 =	vadd.s32 $0xF, v21  }
0x14d: {  	[tilespmem:s18+$0x106E0] =	vst v23  }
0x14e: {  	[tilespmem:s19+$0x106E0] =	vst v61;
	v22 =	vld.idx.msk [tilespmem:v22+s0+$0x0], $0xffff  }
0x14f: {  	[tilespmem:s20+$0x106E0] =	vst v62;
	v19 =	vld.idx.msk [tilespmem:v19+s0+$0x0], $0xffff  }
0x150: {  	[tilespmem:s21+$0x106E0] =	vst v63;
	v20 =	vld.idx.msk [tilespmem:v20+s0+$0x0], $0xffff  }
0x151: {  	p3 =	por p2, p2;
	v21 =	vld.idx.msk [tilespmem:v21+s0+$0x0], $0xffff  }
.Ltmp9:
0x152: {  	_ = 	snop;
	(pc) =	sbr.rel @p3 .LBB2_17-.Ltmp9, $4  }
0x153: {  	[tilespmem:s18+$0x106F0] =	vst v22  }
0x154: {  	[tilespmem:s19+$0x106F0] =	vst v19  }
0x155: {  	[tilespmem:s20+$0x106F0] =	vst v20  }
0x156: {  	p2 =	por $0x0, $0x0;
	s18 =	simm.s32 $0x40;
	[tilespmem:s21+$0x106F0] =	vst v21  }
0x157: {  	s18 =	sshll.u32 s5, $0xB  }
0x158: {  	s6 =	sand.u32 $0x3FFFFF80, s6;
	s18 =	sand.u32 $0x3FFFF800, s18  }
0x159: {  	s6 =	sadd.s32 $0x680, s6;
	s18 =	sadd.s32 $0x10600, s18  }
0x15a: {  	[spmem:s1] =	stream.indirect.scatter.add.f32 [tilespmem:s18], [sflag:$0x4], $0x10, s6, s29, $0xb8;
	[tilespmem:$0x1C420] =	vst v63  }
0x15b: {  	s5 =	sadd.s32 $0x1, s5;
	_ =	swait.ge [sflag:s24], $0x800  }
0x15c: {  	p2 =	sne.s32 s5, $0xD;
	[sflag:s24] =	ssyncset.done $0x0  }
.Ltmp10:
0x15d: {  	[sflag:s24] =	ssyncadd.s32 $0xFFFFF800;
	(pc) =	sbr.rel @p2 .LBB2_16-.Ltmp10, $4  }
0x15e: {  	[spmem:s2] =	stream.indirect.scatter.add.f32 [tilespmem:s30], [sflag:$0x4], $0x10, s6, s29, $0xb8;
	[tilespmem:$0x1C420] =	vst v63  }
0x15f: {  	_ =	swait.ge [sflag:s24], $0x800  }
0x160: {  	[sflag:s24] =	ssyncset.done $0x0  }
0x161: {  	[sflag:s24] =	ssyncadd.s32 $0xFFFFF800  }
0x162: {  	s5 =	simm.s32 $0x9780  }
0x163: {  	s6 =	simm.s32 $0x10;
	s19 =	sadd.s32 $0x0, s14;
	s18 =	simm.s32 $0x9808  }
.LBB2_20:
0x164: {  	[tilespmem:s5], [sflag:$0x3] =	stream.linear.gather [hbm4b:s19+s3], $0x80, $0x38;
	[tilespmem:$0x1C420] =	vst v63  }
0x165: {  	s19 =	smov.u32 s6;
	s5 =	smov.u32 s18;
	p2 =	sne.s32 s6, $0xCF0  }
.Ltmp11:
0x166: {  	s6 =	sadd.s32 $0x10, s6;
	(pc) =	sbr.rel @p2 .LBB2_20-.Ltmp11, $2  }
0x167: {  	_ =	sdelay $0x2  }
0x168: {  	s18 =	sadd.s32 $0x88, s18;
	s19 =	sadd.s32 s19, s14  }
0x169: {  	[tilespmem:s5], [sflag:$0x3] =	stream.linear.gather [hbm4b:s19+s3], $0x80, $0x38;
	[tilespmem:$0x1C420] =	vst v63  }
0x16a: {  	_ =	swait.ge [sflag:s26], $0x6800  }
0x16b: {  	[sflag:s26] =	ssyncset.done $0x0  }
0x16c: {  	s5 =	simm.s32 $0x0;
	[sflag:s26] =	ssyncadd.s32 $0xFFFF9800  }
.LBB2_22:
0x16d: {  	v18 =	vmov s5  }
0x16e: {  	v18 =	vmul.u32 $0x880, v18;
	_ =	sdelay $0x1  }
0x16f: {  	v18 =	vbroadcast v18, $0x0;
	_ =	sdelay $0x1  }
0x170: {  	s6 =	sshll.u32 s5, $0x7;
	p2 =	por $0x1, $0x1;
	s18 =	simm.s32 $0x0;
	v18 =	vadd.s32 v0, v18  }
.LBB2_23:
0x171: {  	v22 =	vadd.s32 s18, v18;
	s19 =	sor.u32 $0x10, s18  }
0x172: {  	s20 =	sor.u32 $0x20, s18;
	v19 =	vadd.s32 s19, v18  }
0x173: {  	s21 =	sor.u32 $0x30, s18;
	v20 =	vadd.s32 s20, v18  }
0x174: {  	v21 =	vadd.s32 s21, v18;
	_ =	sdelay $0x1  }
0x175: {  	v23 =	vld.idx.msk [tilespmem:v22+s28+$0x0], $0xffff  }
0x176: {  	v24 =	vor.u32 $0x1, v22;
	v25 =	vld.idx.msk [tilespmem:v19+s28+$0x0], $0xffff  }
0x177: {  	s18 =	sor.u32 s6, s18;
	v26 =	vor.u32 $0x1, v19;
	v27 =	vld.idx.msk [tilespmem:v20+s28+$0x0], $0xffff  }
0x178: {  	s18 =	sshll.u32 s18, $0x4;
	s19 =	sor.u32 s6, s19;
	v28 =	vor.u32 $0x1, v20;
	v29 =	vld.idx.msk [tilespmem:v21+s28+$0x0], $0xffff  }
0x179: {  	s20 =	sor.u32 s6, s20;
	s18 =	sand.u32 $0x3FFFFFF0, s18;
	s19 =	sshll.u32 s19, $0x4;
	v30 =	vor.u32 $0x1, v21  }
0x17a: {  	s21 =	sor.u32 s6, s21;
	s20 =	sshll.u32 s20, $0x4;
	s19 =	sand.u32 $0x3FFFFFF0, s19;
	[tilespmem:s18+$0x10600] =	vst v23  }
0x17b: {  	s21 =	sshll.u32 s21, $0x4;
	s20 =	sand.u32 $0x3FFFFFF0, s20;
	v23 =	vld.idx.msk [tilespmem:v24+s28+$0x0], $0xffff;
	[tilespmem:s19+$0x10600] =	vst v25  }
0x17c: {  	v40 =	vor.u32 $0x2, v22;
	s21 =	sand.u32 $0x3FFFFFF0, s21;
	[tilespmem:s20+$0x10600] =	vst v27;
	v25 =	vld.idx.msk [tilespmem:v26+s28+$0x0], $0xffff  }
0x17d: {  	v41 =	vor.u32 $0x2, v19;
	[tilespmem:s21+$0x10600] =	vst v29;
	v27 =	vld.idx.msk [tilespmem:v28+s28+$0x0], $0xffff  }
0x17e: {  	v42 =	vor.u32 $0x2, v20;
	v29 =	vld.idx.msk [tilespmem:v30+s28+$0x0], $0xffff  }
0x17f: {  	v43 =	vor.u32 $0x2, v21  }
0x180: {  	[tilespmem:s18+$0x10610] =	vst v23  }
0x181: {  	v23 =	vld.idx.msk [tilespmem:v40+s28+$0x0], $0xffff;
	[tilespmem:s19+$0x10610] =	vst v25  }
0x182: {  	v44 =	vor.u32 $0x3, v22;
	[tilespmem:s20+$0x10610] =	vst v27;
	v25 =	vld.idx.msk [tilespmem:v41+s28+$0x0], $0xffff  }
0x183: {  	v45 =	vor.u32 $0x3, v19;
	[tilespmem:s21+$0x10610] =	vst v29;
	v27 =	vld.idx.msk [tilespmem:v42+s28+$0x0], $0xffff  }
0x184: {  	v46 =	vor.u32 $0x3, v20;
	v29 =	vld.idx.msk [tilespmem:v43+s28+$0x0], $0xffff  }
0x185: {  	v47 =	vor.u32 $0x3, v21  }
0x186: {  	[tilespmem:s18+$0x10620] =	vst v23  }
0x187: {  	v23 =	vld.idx.msk [tilespmem:v44+s28+$0x0], $0xffff;
	[tilespmem:s19+$0x10620] =	vst v25  }
0x188: {  	v48 =	vor.u32 $0x4, v22;
	[tilespmem:s20+$0x10620] =	vst v27;
	v25 =	vld.idx.msk [tilespmem:v45+s28+$0x0], $0xffff  }
0x189: {  	v49 =	vor.u32 $0x4, v19;
	[tilespmem:s21+$0x10620] =	vst v29;
	v27 =	vld.idx.msk [tilespmem:v46+s28+$0x0], $0xffff  }
0x18a: {  	v50 =	vor.u32 $0x4, v20;
	v29 =	vld.idx.msk [tilespmem:v47+s28+$0x0], $0xffff  }
0x18b: {  	v51 =	vor.u32 $0x4, v21  }
0x18c: {  	[tilespmem:s18+$0x10630] =	vst v23  }
0x18d: {  	v23 =	vld.idx.msk [tilespmem:v48+s28+$0x0], $0xffff;
	[tilespmem:s19+$0x10630] =	vst v25  }
0x18e: {  	v52 =	vor.u32 $0x5, v22;
	[tilespmem:s20+$0x10630] =	vst v27;
	v25 =	vld.idx.msk [tilespmem:v49+s28+$0x0], $0xffff  }
0x18f: {  	v53 =	vor.u32 $0x5, v19;
	[tilespmem:s21+$0x10630] =	vst v29;
	v27 =	vld.idx.msk [tilespmem:v50+s28+$0x0], $0xffff  }
0x190: {  	v54 =	vor.u32 $0x5, v20;
	v29 =	vld.idx.msk [tilespmem:v51+s28+$0x0], $0xffff  }
0x191: {  	v55 =	vor.u32 $0x5, v21  }
0x192: {  	[tilespmem:s18+$0x10640] =	vst v23  }
0x193: {  	v23 =	vld.idx.msk [tilespmem:v52+s28+$0x0], $0xffff;
	[tilespmem:s19+$0x10640] =	vst v25  }
0x194: {  	v56 =	vor.u32 $0x6, v22;
	[tilespmem:s20+$0x10640] =	vst v27;
	v25 =	vld.idx.msk [tilespmem:v53+s28+$0x0], $0xffff  }
0x195: {  	v57 =	vor.u32 $0x6, v19;
	[tilespmem:s21+$0x10640] =	vst v29;
	v27 =	vld.idx.msk [tilespmem:v54+s28+$0x0], $0xffff  }
0x196: {  	v58 =	vor.u32 $0x6, v20;
	v29 =	vld.idx.msk [tilespmem:v55+s28+$0x0], $0xffff  }
0x197: {  	v59 =	vor.u32 $0x6, v21  }
0x198: {  	[tilespmem:s18+$0x10650] =	vst v23  }
0x199: {  	v23 =	vld.idx.msk [tilespmem:v56+s28+$0x0], $0xffff;
	[tilespmem:s19+$0x10650] =	vst v25  }
0x19a: {  	v60 =	vor.u32 $0x7, v22;
	[tilespmem:s20+$0x10650] =	vst v27;
	v25 =	vld.idx.msk [tilespmem:v57+s28+$0x0], $0xffff  }
0x19b: {  	v61 =	vor.u32 $0x7, v19;
	[tilespmem:s21+$0x10650] =	vst v29;
	v27 =	vld.idx.msk [tilespmem:v58+s28+$0x0], $0xffff  }
0x19c: {  	v62 =	vor.u32 $0x7, v20;
	v29 =	vld.idx.msk [tilespmem:v59+s28+$0x0], $0xffff  }
0x19d: {  	v63 =	vor.u32 $0x7, v21  }
0x19e: {  	[tilespmem:s18+$0x10660] =	vst v23  }
0x19f: {  	v23 =	vld.idx.msk [tilespmem:v60+s28+$0x0], $0xffff;
	[tilespmem:s19+$0x10660] =	vst v25  }
0x1a0: {  	v33 =	vadd.s32 $0x8, v22;
	[tilespmem:s20+$0x10660] =	vst v27;
	v25 =	vld.idx.msk [tilespmem:v61+s28+$0x0], $0xffff  }
0x1a1: {  	v34 =	vadd.s32 $0x8, v19;
	[tilespmem:s21+$0x10660] =	vst v29;
	v27 =	vld.idx.msk [tilespmem:v62+s28+$0x0], $0xffff  }
0x1a2: {  	v35 =	vadd.s32 $0x8, v20;
	v29 =	vld.idx.msk [tilespmem:v63+s28+$0x0], $0xffff  }
0x1a3: {  	v36 =	vadd.s32 $0x8, v21  }
0x1a4: {  	[tilespmem:s18+$0x10670] =	vst v23  }
0x1a5: {  	v23 =	vld.idx.msk [tilespmem:v33+s28+$0x0], $0xffff;
	[tilespmem:s19+$0x10670] =	vst v25  }
0x1a6: {  	v37 =	vadd.s32 $0x9, v22;
	[tilespmem:s20+$0x10670] =	vst v27;
	v25 =	vld.idx.msk [tilespmem:v34+s28+$0x0], $0xffff  }
0x1a7: {  	v38 =	vadd.s32 $0x9, v19;
	[tilespmem:s21+$0x10670] =	vst v29;
	v27 =	vld.idx.msk [tilespmem:v35+s28+$0x0], $0xffff  }
0x1a8: {  	v39 =	vadd.s32 $0x9, v20;
	v29 =	vld.idx.msk [tilespmem:v36+s28+$0x0], $0xffff  }
0x1a9: {  	v40 =	vadd.s32 $0x9, v21  }
0x1aa: {  	[tilespmem:s18+$0x10680] =	vst v23  }
0x1ab: {  	v23 =	vld.idx.msk [tilespmem:v37+s28+$0x0], $0xffff;
	[tilespmem:s19+$0x10680] =	vst v25  }
0x1ac: {  	v41 =	vadd.s32 $0xA, v22;
	[tilespmem:s20+$0x10680] =	vst v27;
	v25 =	vld.idx.msk [tilespmem:v38+s28+$0x0], $0xffff  }
0x1ad: {  	v42 =	vadd.s32 $0xA, v19;
	[tilespmem:s21+$0x10680] =	vst v29;
	v27 =	vld.idx.msk [tilespmem:v39+s28+$0x0], $0xffff  }
0x1ae: {  	v43 =	vadd.s32 $0xA, v20;
	v29 =	vld.idx.msk [tilespmem:v40+s28+$0x0], $0xffff  }
0x1af: {  	v44 =	vadd.s32 $0xA, v21  }
0x1b0: {  	[tilespmem:s18+$0x10690] =	vst v23  }
0x1b1: {  	v23 =	vld.idx.msk [tilespmem:v41+s28+$0x0], $0xffff;
	[tilespmem:s19+$0x10690] =	vst v25  }
0x1b2: {  	v45 =	vadd.s32 $0xB, v22;
	[tilespmem:s20+$0x10690] =	vst v27;
	v25 =	vld.idx.msk [tilespmem:v42+s28+$0x0], $0xffff  }
0x1b3: {  	v46 =	vadd.s32 $0xB, v19;
	[tilespmem:s21+$0x10690] =	vst v29;
	v27 =	vld.idx.msk [tilespmem:v43+s28+$0x0], $0xffff  }
0x1b4: {  	v47 =	vadd.s32 $0xB, v20;
	v29 =	vld.idx.msk [tilespmem:v44+s28+$0x0], $0xffff  }
0x1b5: {  	v48 =	vadd.s32 $0xB, v21  }
0x1b6: {  	[tilespmem:s18+$0x106A0] =	vst v23  }
0x1b7: {  	v23 =	vld.idx.msk [tilespmem:v45+s28+$0x0], $0xffff;
	[tilespmem:s19+$0x106A0] =	vst v25  }
0x1b8: {  	v49 =	vadd.s32 $0xC, v22;
	[tilespmem:s20+$0x106A0] =	vst v27;
	v25 =	vld.idx.msk [tilespmem:v46+s28+$0x0], $0xffff  }
0x1b9: {  	v50 =	vadd.s32 $0xC, v19;
	[tilespmem:s21+$0x106A0] =	vst v29;
	v27 =	vld.idx.msk [tilespmem:v47+s28+$0x0], $0xffff  }
0x1ba: {  	v51 =	vadd.s32 $0xC, v20;
	v29 =	vld.idx.msk [tilespmem:v48+s28+$0x0], $0xffff  }
0x1bb: {  	v52 =	vadd.s32 $0xC, v21  }
0x1bc: {  	[tilespmem:s18+$0x106B0] =	vst v23  }
0x1bd: {  	v23 =	vld.idx.msk [tilespmem:v49+s28+$0x0], $0xffff;
	[tilespmem:s19+$0x106B0] =	vst v25  }
0x1be: {  	v53 =	vadd.s32 $0xD, v22;
	[tilespmem:s20+$0x106B0] =	vst v27;
	v25 =	vld.idx.msk [tilespmem:v50+s28+$0x0], $0xffff  }
0x1bf: {  	v54 =	vadd.s32 $0xD, v19;
	[tilespmem:s21+$0x106B0] =	vst v29;
	v27 =	vld.idx.msk [tilespmem:v51+s28+$0x0], $0xffff  }
0x1c0: {  	v55 =	vadd.s32 $0xD, v20;
	v29 =	vld.idx.msk [tilespmem:v52+s28+$0x0], $0xffff  }
0x1c1: {  	v56 =	vadd.s32 $0xD, v21  }
0x1c2: {  	[tilespmem:s18+$0x106C0] =	vst v23  }
0x1c3: {  	v23 =	vld.idx.msk [tilespmem:v53+s28+$0x0], $0xffff;
	[tilespmem:s19+$0x106C0] =	vst v25  }
0x1c4: {  	v57 =	vadd.s32 $0xE, v22;
	[tilespmem:s20+$0x106C0] =	vst v27;
	v25 =	vld.idx.msk [tilespmem:v54+s28+$0x0], $0xffff  }
0x1c5: {  	v58 =	vadd.s32 $0xE, v19;
	[tilespmem:s21+$0x106C0] =	vst v29;
	v27 =	vld.idx.msk [tilespmem:v55+s28+$0x0], $0xffff  }
0x1c6: {  	v59 =	vadd.s32 $0xE, v20;
	v29 =	vld.idx.msk [tilespmem:v56+s28+$0x0], $0xffff  }
0x1c7: {  	v60 =	vadd.s32 $0xE, v21  }
0x1c8: {  	[tilespmem:s18+$0x106D0] =	vst v23  }
0x1c9: {  	[tilespmem:s19+$0x106D0] =	vst v25;
	v23 =	vld.idx.msk [tilespmem:v57+s28+$0x0], $0xffff  }
0x1ca: {  	v22 =	vadd.s32 $0xF, v22;
	[tilespmem:s20+$0x106D0] =	vst v27;
	v61 =	vld.idx.msk [tilespmem:v58+s28+$0x0], $0xffff  }
0x1cb: {  	v19 =	vadd.s32 $0xF, v19;
	[tilespmem:s21+$0x106D0] =	vst v29;
	v62 =	vld.idx.msk [tilespmem:v59+s28+$0x0], $0xffff  }
0x1cc: {  	v20 =	vadd.s32 $0xF, v20;
	v63 =	vld.idx.msk [tilespmem:v60+s28+$0x0], $0xffff  }
0x1cd: {  	v21 =	vadd.s32 $0xF, v21  }
0x1ce: {  	[tilespmem:s18+$0x106E0] =	vst v23  }
0x1cf: {  	[tilespmem:s19+$0x106E0] =	vst v61;
	v22 =	vld.idx.msk [tilespmem:v22+s28+$0x0], $0xffff  }
0x1d0: {  	[tilespmem:s20+$0x106E0] =	vst v62;
	v19 =	vld.idx.msk [tilespmem:v19+s28+$0x0], $0xffff  }
0x1d1: {  	[tilespmem:s21+$0x106E0] =	vst v63;
	v20 =	vld.idx.msk [tilespmem:v20+s28+$0x0], $0xffff  }
0x1d2: {  	p3 =	por p2, p2;
	v21 =	vld.idx.msk [tilespmem:v21+s28+$0x0], $0xffff  }
.Ltmp12:
0x1d3: {  	_ = 	snop;
	(pc) =	sbr.rel @p3 .LBB2_23-.Ltmp12, $4  }
0x1d4: {  	[tilespmem:s18+$0x106F0] =	vst v22  }
0x1d5: {  	[tilespmem:s19+$0x106F0] =	vst v19  }
0x1d6: {  	[tilespmem:s20+$0x106F0] =	vst v20  }
0x1d7: {  	p2 =	por $0x0, $0x0;
	s18 =	simm.s32 $0x40;
	[tilespmem:s21+$0x106F0] =	vst v21  }
0x1d8: {  	s18 =	sshll.u32 s5, $0xB  }
0x1d9: {  	s6 =	sand.u32 $0x3FFFFF80, s6;
	s18 =	sand.u32 $0x3FFFF800, s18  }
0x1da: {  	s6 =	sadd.s32 $0xD00, s6;
	s18 =	sadd.s32 $0x10600, s18  }
0x1db: {  	[spmem:s1] =	stream.indirect.scatter.add.f32 [tilespmem:s18], [sflag:$0x4], $0x10, s6, s29, $0xb8;
	[tilespmem:$0x1C420] =	vst v63  }
0x1dc: {  	s5 =	sadd.s32 $0x1, s5;
	_ =	swait.ge [sflag:s24], $0x800  }
0x1dd: {  	p2 =	sne.s32 s5, $0xD;
	[sflag:s24] =	ssyncset.done $0x0  }
.Ltmp13:
0x1de: {  	[sflag:s24] =	ssyncadd.s32 $0xFFFFF800;
	(pc) =	sbr.rel @p2 .LBB2_22-.Ltmp13, $4  }
0x1df: {  	[spmem:s2] =	stream.indirect.scatter.add.f32 [tilespmem:s30], [sflag:$0x4], $0x10, s6, s29, $0xb8;
	[tilespmem:$0x1C420] =	vst v63  }
0x1e0: {  	_ =	swait.ge [sflag:s24], $0x800  }
0x1e1: {  	[sflag:s24] =	ssyncset.done $0x0  }
0x1e2: {  	[sflag:s24] =	ssyncadd.s32 $0xFFFFF800  }
0x1e3: {  	s5 =	simm.s32 $0x2900  }
0x1e4: {  	s6 =	simm.s32 $0x10;
	s19 =	sadd.s32 $0x0, s15;
	s18 =	simm.s32 $0x2988  }
.LBB2_26:
0x1e5: {  	[tilespmem:s5], [sflag:$0x2] =	stream.linear.gather [hbm4b:s19+s3], $0x80, $0x38;
	[tilespmem:$0x1C420] =	vst v63  }
0x1e6: {  	s19 =	smov.u32 s6;
	s5 =	smov.u32 s18;
	p2 =	sne.s32 s6, $0xCF0  }
.Ltmp14:
0x1e7: {  	s6 =	sadd.s32 $0x10, s6;
	(pc) =	sbr.rel @p2 .LBB2_26-.Ltmp14, $2  }
0x1e8: {  	_ =	sdelay $0x2  }
0x1e9: {  	s18 =	sadd.s32 $0x88, s18;
	s19 =	sadd.s32 s19, s15  }
0x1ea: {  	[tilespmem:s5], [sflag:$0x2] =	stream.linear.gather [hbm4b:s19+s3], $0x80, $0x38;
	[tilespmem:$0x1C420] =	vst v63  }
0x1eb: {  	_ =	swait.ge [sflag:s31], $0x6800  }
0x1ec: {  	[sflag:s31] =	ssyncset.done $0x0  }
0x1ed: {  	s5 =	simm.s32 $0x0;
	[sflag:s31] =	ssyncadd.s32 $0xFFFF9800  }
.LBB2_28:
0x1ee: {  	v18 =	vmov s5  }
0x1ef: {  	v18 =	vmul.u32 $0x880, v18;
	_ =	sdelay $0x1  }
0x1f0: {  	v18 =	vbroadcast v18, $0x0;
	_ =	sdelay $0x1  }
0x1f1: {  	s6 =	sshll.u32 s5, $0x7;
	p2 =	por $0x1, $0x1;
	s18 =	simm.s32 $0x0;
	v18 =	vadd.s32 v0, v18  }
.LBB2_29:
0x1f2: {  	v22 =	vadd.s32 s18, v18;
	s19 =	sor.u32 $0x10, s18  }
0x1f3: {  	s20 =	sor.u32 $0x20, s18;
	v19 =	vadd.s32 s19, v18  }
0x1f4: {  	s21 =	sor.u32 $0x30, s18;
	v20 =	vadd.s32 s20, v18  }
0x1f5: {  	v21 =	vadd.s32 s21, v18;
	_ =	sdelay $0x1  }
0x1f6: {  	v23 =	vld.idx.msk [tilespmem:v22+s0+$0x0], $0xffff  }
0x1f7: {  	v24 =	vor.u32 $0x1, v22;
	v25 =	vld.idx.msk [tilespmem:v19+s0+$0x0], $0xffff  }
0x1f8: {  	s18 =	sor.u32 s6, s18;
	v26 =	vor.u32 $0x1, v19;
	v27 =	vld.idx.msk [tilespmem:v20+s0+$0x0], $0xffff  }
0x1f9: {  	s18 =	sshll.u32 s18, $0x4;
	s19 =	sor.u32 s6, s19;
	v28 =	vor.u32 $0x1, v20;
	v29 =	vld.idx.msk [tilespmem:v21+s0+$0x0], $0xffff  }
0x1fa: {  	s20 =	sor.u32 s6, s20;
	s18 =	sand.u32 $0x3FFFFFF0, s18;
	s19 =	sshll.u32 s19, $0x4;
	v30 =	vor.u32 $0x1, v21  }
0x1fb: {  	s21 =	sor.u32 s6, s21;
	s20 =	sshll.u32 s20, $0x4;
	s19 =	sand.u32 $0x3FFFFFF0, s19;
	[tilespmem:s18+$0x10600] =	vst v23  }
0x1fc: {  	s21 =	sshll.u32 s21, $0x4;
	s20 =	sand.u32 $0x3FFFFFF0, s20;
	v23 =	vld.idx.msk [tilespmem:v24+s0+$0x0], $0xffff;
	[tilespmem:s19+$0x10600] =	vst v25  }
0x1fd: {  	v40 =	vor.u32 $0x2, v22;
	s21 =	sand.u32 $0x3FFFFFF0, s21;
	[tilespmem:s20+$0x10600] =	vst v27;
	v25 =	vld.idx.msk [tilespmem:v26+s0+$0x0], $0xffff  }
0x1fe: {  	v41 =	vor.u32 $0x2, v19;
	[tilespmem:s21+$0x10600] =	vst v29;
	v27 =	vld.idx.msk [tilespmem:v28+s0+$0x0], $0xffff  }
0x1ff: {  	v42 =	vor.u32 $0x2, v20;
	v29 =	vld.idx.msk [tilespmem:v30+s0+$0x0], $0xffff  }
0x200: {  	v43 =	vor.u32 $0x2, v21  }
0x201: {  	[tilespmem:s18+$0x10610] =	vst v23  }
0x202: {  	v23 =	vld.idx.msk [tilespmem:v40+s0+$0x0], $0xffff;
	[tilespmem:s19+$0x10610] =	vst v25  }
0x203: {  	v44 =	vor.u32 $0x3, v22;
	[tilespmem:s20+$0x10610] =	vst v27;
	v25 =	vld.idx.msk [tilespmem:v41+s0+$0x0], $0xffff  }
0x204: {  	v45 =	vor.u32 $0x3, v19;
	[tilespmem:s21+$0x10610] =	vst v29;
	v27 =	vld.idx.msk [tilespmem:v42+s0+$0x0], $0xffff  }
0x205: {  	v46 =	vor.u32 $0x3, v20;
	v29 =	vld.idx.msk [tilespmem:v43+s0+$0x0], $0xffff  }
0x206: {  	v47 =	vor.u32 $0x3, v21  }
0x207: {  	[tilespmem:s18+$0x10620] =	vst v23  }
0x208: {  	v23 =	vld.idx.msk [tilespmem:v44+s0+$0x0], $0xffff;
	[tilespmem:s19+$0x10620] =	vst v25  }
0x209: {  	v48 =	vor.u32 $0x4, v22;
	[tilespmem:s20+$0x10620] =	vst v27;
	v25 =	vld.idx.msk [tilespmem:v45+s0+$0x0], $0xffff  }
0x20a: {  	v49 =	vor.u32 $0x4, v19;
	[tilespmem:s21+$0x10620] =	vst v29;
	v27 =	vld.idx.msk [tilespmem:v46+s0+$0x0], $0xffff  }
0x20b: {  	v50 =	vor.u32 $0x4, v20;
	v29 =	vld.idx.msk [tilespmem:v47+s0+$0x0], $0xffff  }
0x20c: {  	v51 =	vor.u32 $0x4, v21  }
0x20d: {  	[tilespmem:s18+$0x10630] =	vst v23  }
0x20e: {  	v23 =	vld.idx.msk [tilespmem:v48+s0+$0x0], $0xffff;
	[tilespmem:s19+$0x10630] =	vst v25  }
0x20f: {  	v52 =	vor.u32 $0x5, v22;
	[tilespmem:s20+$0x10630] =	vst v27;
	v25 =	vld.idx.msk [tilespmem:v49+s0+$0x0], $0xffff  }
0x210: {  	v53 =	vor.u32 $0x5, v19;
	[tilespmem:s21+$0x10630] =	vst v29;
	v27 =	vld.idx.msk [tilespmem:v50+s0+$0x0], $0xffff  }
0x211: {  	v54 =	vor.u32 $0x5, v20;
	v29 =	vld.idx.msk [tilespmem:v51+s0+$0x0], $0xffff  }
0x212: {  	v55 =	vor.u32 $0x5, v21  }
0x213: {  	[tilespmem:s18+$0x10640] =	vst v23  }
0x214: {  	v23 =	vld.idx.msk [tilespmem:v52+s0+$0x0], $0xffff;
	[tilespmem:s19+$0x10640] =	vst v25  }
0x215: {  	v56 =	vor.u32 $0x6, v22;
	[tilespmem:s20+$0x10640] =	vst v27;
	v25 =	vld.idx.msk [tilespmem:v53+s0+$0x0], $0xffff  }
0x216: {  	v57 =	vor.u32 $0x6, v19;
	[tilespmem:s21+$0x10640] =	vst v29;
	v27 =	vld.idx.msk [tilespmem:v54+s0+$0x0], $0xffff  }
0x217: {  	v58 =	vor.u32 $0x6, v20;
	v29 =	vld.idx.msk [tilespmem:v55+s0+$0x0], $0xffff  }
0x218: {  	v59 =	vor.u32 $0x6, v21  }
0x219: {  	[tilespmem:s18+$0x10650] =	vst v23  }
0x21a: {  	v23 =	vld.idx.msk [tilespmem:v56+s0+$0x0], $0xffff;
	[tilespmem:s19+$0x10650] =	vst v25  }
0x21b: {  	v60 =	vor.u32 $0x7, v22;
	[tilespmem:s20+$0x10650] =	vst v27;
	v25 =	vld.idx.msk [tilespmem:v57+s0+$0x0], $0xffff  }
0x21c: {  	v61 =	vor.u32 $0x7, v19;
	[tilespmem:s21+$0x10650] =	vst v29;
	v27 =	vld.idx.msk [tilespmem:v58+s0+$0x0], $0xffff  }
0x21d: {  	v62 =	vor.u32 $0x7, v20;
	v29 =	vld.idx.msk [tilespmem:v59+s0+$0x0], $0xffff  }
0x21e: {  	v63 =	vor.u32 $0x7, v21  }
0x21f: {  	[tilespmem:s18+$0x10660] =	vst v23  }
0x220: {  	v23 =	vld.idx.msk [tilespmem:v60+s0+$0x0], $0xffff;
	[tilespmem:s19+$0x10660] =	vst v25  }
0x221: {  	v33 =	vadd.s32 $0x8, v22;
	[tilespmem:s20+$0x10660] =	vst v27;
	v25 =	vld.idx.msk [tilespmem:v61+s0+$0x0], $0xffff  }
0x222: {  	v34 =	vadd.s32 $0x8, v19;
	[tilespmem:s21+$0x10660] =	vst v29;
	v27 =	vld.idx.msk [tilespmem:v62+s0+$0x0], $0xffff  }
0x223: {  	v35 =	vadd.s32 $0x8, v20;
	v29 =	vld.idx.msk [tilespmem:v63+s0+$0x0], $0xffff  }
0x224: {  	v36 =	vadd.s32 $0x8, v21  }
0x225: {  	[tilespmem:s18+$0x10670] =	vst v23  }
0x226: {  	v23 =	vld.idx.msk [tilespmem:v33+s0+$0x0], $0xffff;
	[tilespmem:s19+$0x10670] =	vst v25  }
0x227: {  	v37 =	vadd.s32 $0x9, v22;
	[tilespmem:s20+$0x10670] =	vst v27;
	v25 =	vld.idx.msk [tilespmem:v34+s0+$0x0], $0xffff  }
0x228: {  	v38 =	vadd.s32 $0x9, v19;
	[tilespmem:s21+$0x10670] =	vst v29;
	v27 =	vld.idx.msk [tilespmem:v35+s0+$0x0], $0xffff  }
0x229: {  	v39 =	vadd.s32 $0x9, v20;
	v29 =	vld.idx.msk [tilespmem:v36+s0+$0x0], $0xffff  }
0x22a: {  	v40 =	vadd.s32 $0x9, v21  }
0x22b: {  	[tilespmem:s18+$0x10680] =	vst v23  }
0x22c: {  	v23 =	vld.idx.msk [tilespmem:v37+s0+$0x0], $0xffff;
	[tilespmem:s19+$0x10680] =	vst v25  }
0x22d: {  	v41 =	vadd.s32 $0xA, v22;
	[tilespmem:s20+$0x10680] =	vst v27;
	v25 =	vld.idx.msk [tilespmem:v38+s0+$0x0], $0xffff  }
0x22e: {  	v42 =	vadd.s32 $0xA, v19;
	[tilespmem:s21+$0x10680] =	vst v29;
	v27 =	vld.idx.msk [tilespmem:v39+s0+$0x0], $0xffff  }
0x22f: {  	v43 =	vadd.s32 $0xA, v20;
	v29 =	vld.idx.msk [tilespmem:v40+s0+$0x0], $0xffff  }
0x230: {  	v44 =	vadd.s32 $0xA, v21  }
0x231: {  	[tilespmem:s18+$0x10690] =	vst v23  }
0x232: {  	v23 =	vld.idx.msk [tilespmem:v41+s0+$0x0], $0xffff;
	[tilespmem:s19+$0x10690] =	vst v25  }
0x233: {  	v45 =	vadd.s32 $0xB, v22;
	[tilespmem:s20+$0x10690] =	vst v27;
	v25 =	vld.idx.msk [tilespmem:v42+s0+$0x0], $0xffff  }
0x234: {  	v46 =	vadd.s32 $0xB, v19;
	[tilespmem:s21+$0x10690] =	vst v29;
	v27 =	vld.idx.msk [tilespmem:v43+s0+$0x0], $0xffff  }
0x235: {  	v47 =	vadd.s32 $0xB, v20;
	v29 =	vld.idx.msk [tilespmem:v44+s0+$0x0], $0xffff  }
0x236: {  	v48 =	vadd.s32 $0xB, v21  }
0x237: {  	[tilespmem:s18+$0x106A0] =	vst v23  }
0x238: {  	v23 =	vld.idx.msk [tilespmem:v45+s0+$0x0], $0xffff;
	[tilespmem:s19+$0x106A0] =	vst v25  }
0x239: {  	v49 =	vadd.s32 $0xC, v22;
	[tilespmem:s20+$0x106A0] =	vst v27;
	v25 =	vld.idx.msk [tilespmem:v46+s0+$0x0], $0xffff  }
0x23a: {  	v50 =	vadd.s32 $0xC, v19;
	[tilespmem:s21+$0x106A0] =	vst v29;
	v27 =	vld.idx.msk [tilespmem:v47+s0+$0x0], $0xffff  }
0x23b: {  	v51 =	vadd.s32 $0xC, v20;
	v29 =	vld.idx.msk [tilespmem:v48+s0+$0x0], $0xffff  }
0x23c: {  	v52 =	vadd.s32 $0xC, v21  }
0x23d: {  	[tilespmem:s18+$0x106B0] =	vst v23  }
0x23e: {  	v23 =	vld.idx.msk [tilespmem:v49+s0+$0x0], $0xffff;
	[tilespmem:s19+$0x106B0] =	vst v25  }
0x23f: {  	v53 =	vadd.s32 $0xD, v22;
	[tilespmem:s20+$0x106B0] =	vst v27;
	v25 =	vld.idx.msk [tilespmem:v50+s0+$0x0], $0xffff  }
0x240: {  	v54 =	vadd.s32 $0xD, v19;
	[tilespmem:s21+$0x106B0] =	vst v29;
	v27 =	vld.idx.msk [tilespmem:v51+s0+$0x0], $0xffff  }
0x241: {  	v55 =	vadd.s32 $0xD, v20;
	v29 =	vld.idx.msk [tilespmem:v52+s0+$0x0], $0xffff  }
0x242: {  	v56 =	vadd.s32 $0xD, v21  }
0x243: {  	[tilespmem:s18+$0x106C0] =	vst v23  }
0x244: {  	v23 =	vld.idx.msk [tilespmem:v53+s0+$0x0], $0xffff;
	[tilespmem:s19+$0x106C0] =	vst v25  }
0x245: {  	v57 =	vadd.s32 $0xE, v22;
	[tilespmem:s20+$0x106C0] =	vst v27;
	v25 =	vld.idx.msk [tilespmem:v54+s0+$0x0], $0xffff  }
0x246: {  	v58 =	vadd.s32 $0xE, v19;
	[tilespmem:s21+$0x106C0] =	vst v29;
	v27 =	vld.idx.msk [tilespmem:v55+s0+$0x0], $0xffff  }
0x247: {  	v59 =	vadd.s32 $0xE, v20;
	v29 =	vld.idx.msk [tilespmem:v56+s0+$0x0], $0xffff  }
0x248: {  	v60 =	vadd.s32 $0xE, v21  }
0x249: {  	[tilespmem:s18+$0x106D0] =	vst v23  }
0x24a: {  	[tilespmem:s19+$0x106D0] =	vst v25;
	v23 =	vld.idx.msk [tilespmem:v57+s0+$0x0], $0xffff  }
0x24b: {  	v22 =	vadd.s32 $0xF, v22;
	[tilespmem:s20+$0x106D0] =	vst v27;
	v61 =	vld.idx.msk [tilespmem:v58+s0+$0x0], $0xffff  }
0x24c: {  	v19 =	vadd.s32 $0xF, v19;
	[tilespmem:s21+$0x106D0] =	vst v29;
	v62 =	vld.idx.msk [tilespmem:v59+s0+$0x0], $0xffff  }
0x24d: {  	v20 =	vadd.s32 $0xF, v20;
	v63 =	vld.idx.msk [tilespmem:v60+s0+$0x0], $0xffff  }
0x24e: {  	v21 =	vadd.s32 $0xF, v21  }
0x24f: {  	[tilespmem:s18+$0x106E0] =	vst v23  }
0x250: {  	[tilespmem:s19+$0x106E0] =	vst v61;
	v22 =	vld.idx.msk [tilespmem:v22+s0+$0x0], $0xffff  }
0x251: {  	[tilespmem:s20+$0x106E0] =	vst v62;
	v19 =	vld.idx.msk [tilespmem:v19+s0+$0x0], $0xffff  }
0x252: {  	[tilespmem:s21+$0x106E0] =	vst v63;
	v20 =	vld.idx.msk [tilespmem:v20+s0+$0x0], $0xffff  }
0x253: {  	p3 =	por p2, p2;
	v21 =	vld.idx.msk [tilespmem:v21+s0+$0x0], $0xffff  }
.Ltmp15:
0x254: {  	_ = 	snop;
	(pc) =	sbr.rel @p3 .LBB2_29-.Ltmp15, $4  }
0x255: {  	[tilespmem:s18+$0x106F0] =	vst v22  }
0x256: {  	[tilespmem:s19+$0x106F0] =	vst v19  }
0x257: {  	[tilespmem:s20+$0x106F0] =	vst v20  }
0x258: {  	p2 =	por $0x0, $0x0;
	s18 =	simm.s32 $0x40;
	[tilespmem:s21+$0x106F0] =	vst v21  }
0x259: {  	s18 =	sshll.u32 s5, $0xB  }
0x25a: {  	s6 =	sand.u32 $0x3FFFFF80, s6;
	s18 =	sand.u32 $0x3FFFF800, s18  }
0x25b: {  	s6 =	sadd.s32 $0x1380, s6;
	s18 =	sadd.s32 $0x10600, s18  }
0x25c: {  	[spmem:s1] =	stream.indirect.scatter.add.f32 [tilespmem:s18], [sflag:$0x4], $0x10, s6, s29, $0xb8;
	[tilespmem:$0x1C420] =	vst v63  }
0x25d: {  	s5 =	sadd.s32 $0x1, s5;
	_ =	swait.ge [sflag:s24], $0x800  }
0x25e: {  	p2 =	sne.s32 s5, $0xD;
	[sflag:s24] =	ssyncset.done $0x0  }
.Ltmp16:
0x25f: {  	[sflag:s24] =	ssyncadd.s32 $0xFFFFF800;
	(pc) =	sbr.rel @p2 .LBB2_28-.Ltmp16, $4  }
0x260: {  	[spmem:s2] =	stream.indirect.scatter.add.f32 [tilespmem:s30], [sflag:$0x4], $0x10, s6, s29, $0xb8;
	[tilespmem:$0x1C420] =	vst v63  }
0x261: {  	_ =	swait.ge [sflag:s24], $0x800  }
0x262: {  	[sflag:s24] =	ssyncset.done $0x0  }
0x263: {  	[sflag:s24] =	ssyncadd.s32 $0xFFFFF800  }
0x264: {  	s5 =	simm.s32 $0x9780  }
0x265: {  	s6 =	simm.s32 $0x10;
	s19 =	sadd.s32 $0x0, s16;
	s18 =	simm.s32 $0x9808  }
.LBB2_32:
0x266: {  	[tilespmem:s5], [sflag:$0x3] =	stream.linear.gather [hbm4b:s19+s3], $0x80, $0x38;
	[tilespmem:$0x1C420] =	vst v63  }
0x267: {  	s19 =	smov.u32 s6;
	s5 =	smov.u32 s18;
	p2 =	sne.s32 s6, $0xCF0  }
.Ltmp17:
0x268: {  	s6 =	sadd.s32 $0x10, s6;
	(pc) =	sbr.rel @p2 .LBB2_32-.Ltmp17, $2  }
0x269: {  	_ =	sdelay $0x2  }
0x26a: {  	s18 =	sadd.s32 $0x88, s18;
	s19 =	sadd.s32 s19, s16  }
0x26b: {  	[tilespmem:s5], [sflag:$0x3] =	stream.linear.gather [hbm4b:s19+s3], $0x80, $0x38;
	[tilespmem:$0x1C420] =	vst v63  }
0x26c: {  	_ =	swait.ge [sflag:s26], $0x6800  }
0x26d: {  	[sflag:s26] =	ssyncset.done $0x0  }
0x26e: {  	s5 =	simm.s32 $0x0;
	[sflag:s26] =	ssyncadd.s32 $0xFFFF9800  }
.LBB2_34:
0x26f: {  	v18 =	vmov s5  }
0x270: {  	v18 =	vmul.u32 $0x880, v18;
	_ =	sdelay $0x1  }
0x271: {  	v18 =	vbroadcast v18, $0x0;
	_ =	sdelay $0x1  }
0x272: {  	s6 =	sshll.u32 s5, $0x7;
	p2 =	por $0x1, $0x1;
	s18 =	simm.s32 $0x0;
	v18 =	vadd.s32 v0, v18  }
.LBB2_35:
0x273: {  	v22 =	vadd.s32 s18, v18;
	s19 =	sor.u32 $0x10, s18  }
0x274: {  	s20 =	sor.u32 $0x20, s18;
	v19 =	vadd.s32 s19, v18  }
0x275: {  	s21 =	sor.u32 $0x30, s18;
	v20 =	vadd.s32 s20, v18  }
0x276: {  	v21 =	vadd.s32 s21, v18;
	_ =	sdelay $0x1  }
0x277: {  	v23 =	vld.idx.msk [tilespmem:v22+s28+$0x0], $0xffff  }
0x278: {  	v24 =	vor.u32 $0x1, v22;
	v25 =	vld.idx.msk [tilespmem:v19+s28+$0x0], $0xffff  }
0x279: {  	s18 =	sor.u32 s6, s18;
	v26 =	vor.u32 $0x1, v19;
	v27 =	vld.idx.msk [tilespmem:v20+s28+$0x0], $0xffff  }
0x27a: {  	s18 =	sshll.u32 s18, $0x4;
	s19 =	sor.u32 s6, s19;
	v28 =	vor.u32 $0x1, v20;
	v29 =	vld.idx.msk [tilespmem:v21+s28+$0x0], $0xffff  }
0x27b: {  	s20 =	sor.u32 s6, s20;
	s18 =	sand.u32 $0x3FFFFFF0, s18;
	s19 =	sshll.u32 s19, $0x4;
	v30 =	vor.u32 $0x1, v21  }
0x27c: {  	s21 =	sor.u32 s6, s21;
	s20 =	sshll.u32 s20, $0x4;
	s19 =	sand.u32 $0x3FFFFFF0, s19;
	[tilespmem:s18+$0x10600] =	vst v23  }
0x27d: {  	s21 =	sshll.u32 s21, $0x4;
	s20 =	sand.u32 $0x3FFFFFF0, s20;
	v23 =	vld.idx.msk [tilespmem:v24+s28+$0x0], $0xffff;
	[tilespmem:s19+$0x10600] =	vst v25  }
0x27e: {  	v40 =	vor.u32 $0x2, v22;
	s21 =	sand.u32 $0x3FFFFFF0, s21;
	[tilespmem:s20+$0x10600] =	vst v27;
	v25 =	vld.idx.msk [tilespmem:v26+s28+$0x0], $0xffff  }
0x27f: {  	v41 =	vor.u32 $0x2, v19;
	[tilespmem:s21+$0x10600] =	vst v29;
	v27 =	vld.idx.msk [tilespmem:v28+s28+$0x0], $0xffff  }
0x280: {  	v42 =	vor.u32 $0x2, v20;
	v29 =	vld.idx.msk [tilespmem:v30+s28+$0x0], $0xffff  }
0x281: {  	v43 =	vor.u32 $0x2, v21  }
0x282: {  	[tilespmem:s18+$0x10610] =	vst v23  }
0x283: {  	v23 =	vld.idx.msk [tilespmem:v40+s28+$0x0], $0xffff;
	[tilespmem:s19+$0x10610] =	vst v25  }
0x284: {  	v44 =	vor.u32 $0x3, v22;
	[tilespmem:s20+$0x10610] =	vst v27;
	v25 =	vld.idx.msk [tilespmem:v41+s28+$0x0], $0xffff  }
0x285: {  	v45 =	vor.u32 $0x3, v19;
	[tilespmem:s21+$0x10610] =	vst v29;
	v27 =	vld.idx.msk [tilespmem:v42+s28+$0x0], $0xffff  }
0x286: {  	v46 =	vor.u32 $0x3, v20;
	v29 =	vld.idx.msk [tilespmem:v43+s28+$0x0], $0xffff  }
0x287: {  	v47 =	vor.u32 $0x3, v21  }
0x288: {  	[tilespmem:s18+$0x10620] =	vst v23  }
0x289: {  	v23 =	vld.idx.msk [tilespmem:v44+s28+$0x0], $0xffff;
	[tilespmem:s19+$0x10620] =	vst v25  }
0x28a: {  	v48 =	vor.u32 $0x4, v22;
	[tilespmem:s20+$0x10620] =	vst v27;
	v25 =	vld.idx.msk [tilespmem:v45+s28+$0x0], $0xffff  }
0x28b: {  	v49 =	vor.u32 $0x4, v19;
	[tilespmem:s21+$0x10620] =	vst v29;
	v27 =	vld.idx.msk [tilespmem:v46+s28+$0x0], $0xffff  }
0x28c: {  	v50 =	vor.u32 $0x4, v20;
	v29 =	vld.idx.msk [tilespmem:v47+s28+$0x0], $0xffff  }
0x28d: {  	v51 =	vor.u32 $0x4, v21  }
0x28e: {  	[tilespmem:s18+$0x10630] =	vst v23  }
0x28f: {  	v23 =	vld.idx.msk [tilespmem:v48+s28+$0x0], $0xffff;
	[tilespmem:s19+$0x10630] =	vst v25  }
0x290: {  	v52 =	vor.u32 $0x5, v22;
	[tilespmem:s20+$0x10630] =	vst v27;
	v25 =	vld.idx.msk [tilespmem:v49+s28+$0x0], $0xffff  }
0x291: {  	v53 =	vor.u32 $0x5, v19;
	[tilespmem:s21+$0x10630] =	vst v29;
	v27 =	vld.idx.msk [tilespmem:v50+s28+$0x0], $0xffff  }
0x292: {  	v54 =	vor.u32 $0x5, v20;
	v29 =	vld.idx.msk [tilespmem:v51+s28+$0x0], $0xffff  }
0x293: {  	v55 =	vor.u32 $0x5, v21  }
0x294: {  	[tilespmem:s18+$0x10640] =	vst v23  }
0x295: {  	v23 =	vld.idx.msk [tilespmem:v52+s28+$0x0], $0xffff;
	[tilespmem:s19+$0x10640] =	vst v25  }
0x296: {  	v56 =	vor.u32 $0x6, v22;
	[tilespmem:s20+$0x10640] =	vst v27;
	v25 =	vld.idx.msk [tilespmem:v53+s28+$0x0], $0xffff  }
0x297: {  	v57 =	vor.u32 $0x6, v19;
	[tilespmem:s21+$0x10640] =	vst v29;
	v27 =	vld.idx.msk [tilespmem:v54+s28+$0x0], $0xffff  }
0x298: {  	v58 =	vor.u32 $0x6, v20;
	v29 =	vld.idx.msk [tilespmem:v55+s28+$0x0], $0xffff  }
0x299: {  	v59 =	vor.u32 $0x6, v21  }
0x29a: {  	[tilespmem:s18+$0x10650] =	vst v23  }
0x29b: {  	v23 =	vld.idx.msk [tilespmem:v56+s28+$0x0], $0xffff;
	[tilespmem:s19+$0x10650] =	vst v25  }
0x29c: {  	v60 =	vor.u32 $0x7, v22;
	[tilespmem:s20+$0x10650] =	vst v27;
	v25 =	vld.idx.msk [tilespmem:v57+s28+$0x0], $0xffff  }
0x29d: {  	v61 =	vor.u32 $0x7, v19;
	[tilespmem:s21+$0x10650] =	vst v29;
	v27 =	vld.idx.msk [tilespmem:v58+s28+$0x0], $0xffff  }
0x29e: {  	v62 =	vor.u32 $0x7, v20;
	v29 =	vld.idx.msk [tilespmem:v59+s28+$0x0], $0xffff  }
0x29f: {  	v63 =	vor.u32 $0x7, v21  }
0x2a0: {  	[tilespmem:s18+$0x10660] =	vst v23  }
0x2a1: {  	v23 =	vld.idx.msk [tilespmem:v60+s28+$0x0], $0xffff;
	[tilespmem:s19+$0x10660] =	vst v25  }
0x2a2: {  	v33 =	vadd.s32 $0x8, v22;
	[tilespmem:s20+$0x10660] =	vst v27;
	v25 =	vld.idx.msk [tilespmem:v61+s28+$0x0], $0xffff  }
0x2a3: {  	v34 =	vadd.s32 $0x8, v19;
	[tilespmem:s21+$0x10660] =	vst v29;
	v27 =	vld.idx.msk [tilespmem:v62+s28+$0x0], $0xffff  }
0x2a4: {  	v35 =	vadd.s32 $0x8, v20;
	v29 =	vld.idx.msk [tilespmem:v63+s28+$0x0], $0xffff  }
0x2a5: {  	v36 =	vadd.s32 $0x8, v21  }
0x2a6: {  	[tilespmem:s18+$0x10670] =	vst v23  }
0x2a7: {  	v23 =	vld.idx.msk [tilespmem:v33+s28+$0x0], $0xffff;
	[tilespmem:s19+$0x10670] =	vst v25  }
0x2a8: {  	v37 =	vadd.s32 $0x9, v22;
	[tilespmem:s20+$0x10670] =	vst v27;
	v25 =	vld.idx.msk [tilespmem:v34+s28+$0x0], $0xffff  }
0x2a9: {  	v38 =	vadd.s32 $0x9, v19;
	[tilespmem:s21+$0x10670] =	vst v29;
	v27 =	vld.idx.msk [tilespmem:v35+s28+$0x0], $0xffff  }
0x2aa: {  	v39 =	vadd.s32 $0x9, v20;
	v29 =	vld.idx.msk [tilespmem:v36+s28+$0x0], $0xffff  }
0x2ab: {  	v40 =	vadd.s32 $0x9, v21  }
0x2ac: {  	[tilespmem:s18+$0x10680] =	vst v23  }
0x2ad: {  	v23 =	vld.idx.msk [tilespmem:v37+s28+$0x0], $0xffff;
	[tilespmem:s19+$0x10680] =	vst v25  }
0x2ae: {  	v41 =	vadd.s32 $0xA, v22;
	[tilespmem:s20+$0x10680] =	vst v27;
	v25 =	vld.idx.msk [tilespmem:v38+s28+$0x0], $0xffff  }
0x2af: {  	v42 =	vadd.s32 $0xA, v19;
	[tilespmem:s21+$0x10680] =	vst v29;
	v27 =	vld.idx.msk [tilespmem:v39+s28+$0x0], $0xffff  }
0x2b0: {  	v43 =	vadd.s32 $0xA, v20;
	v29 =	vld.idx.msk [tilespmem:v40+s28+$0x0], $0xffff  }
0x2b1: {  	v44 =	vadd.s32 $0xA, v21  }
0x2b2: {  	[tilespmem:s18+$0x10690] =	vst v23  }
0x2b3: {  	v23 =	vld.idx.msk [tilespmem:v41+s28+$0x0], $0xffff;
	[tilespmem:s19+$0x10690] =	vst v25  }
0x2b4: {  	v45 =	vadd.s32 $0xB, v22;
	[tilespmem:s20+$0x10690] =	vst v27;
	v25 =	vld.idx.msk [tilespmem:v42+s28+$0x0], $0xffff  }
0x2b5: {  	v46 =	vadd.s32 $0xB, v19;
	[tilespmem:s21+$0x10690] =	vst v29;
	v27 =	vld.idx.msk [tilespmem:v43+s28+$0x0], $0xffff  }
0x2b6: {  	v47 =	vadd.s32 $0xB, v20;
	v29 =	vld.idx.msk [tilespmem:v44+s28+$0x0], $0xffff  }
0x2b7: {  	v48 =	vadd.s32 $0xB, v21  }
0x2b8: {  	[tilespmem:s18+$0x106A0] =	vst v23  }
0x2b9: {  	v23 =	vld.idx.msk [tilespmem:v45+s28+$0x0], $0xffff;
	[tilespmem:s19+$0x106A0] =	vst v25  }
0x2ba: {  	v49 =	vadd.s32 $0xC, v22;
	[tilespmem:s20+$0x106A0] =	vst v27;
	v25 =	vld.idx.msk [tilespmem:v46+s28+$0x0], $0xffff  }
0x2bb: {  	v50 =	vadd.s32 $0xC, v19;
	[tilespmem:s21+$0x106A0] =	vst v29;
	v27 =	vld.idx.msk [tilespmem:v47+s28+$0x0], $0xffff  }
0x2bc: {  	v51 =	vadd.s32 $0xC, v20;
	v29 =	vld.idx.msk [tilespmem:v48+s28+$0x0], $0xffff  }
0x2bd: {  	v52 =	vadd.s32 $0xC, v21  }
0x2be: {  	[tilespmem:s18+$0x106B0] =	vst v23  }
0x2bf: {  	v23 =	vld.idx.msk [tilespmem:v49+s28+$0x0], $0xffff;
	[tilespmem:s19+$0x106B0] =	vst v25  }
0x2c0: {  	v53 =	vadd.s32 $0xD, v22;
	[tilespmem:s20+$0x106B0] =	vst v27;
	v25 =	vld.idx.msk [tilespmem:v50+s28+$0x0], $0xffff  }
0x2c1: {  	v54 =	vadd.s32 $0xD, v19;
	[tilespmem:s21+$0x106B0] =	vst v29;
	v27 =	vld.idx.msk [tilespmem:v51+s28+$0x0], $0xffff  }
0x2c2: {  	v55 =	vadd.s32 $0xD, v20;
	v29 =	vld.idx.msk [tilespmem:v52+s28+$0x0], $0xffff  }
0x2c3: {  	v56 =	vadd.s32 $0xD, v21  }
0x2c4: {  	[tilespmem:s18+$0x106C0] =	vst v23  }
0x2c5: {  	v23 =	vld.idx.msk [tilespmem:v53+s28+$0x0], $0xffff;
	[tilespmem:s19+$0x106C0] =	vst v25  }
0x2c6: {  	v57 =	vadd.s32 $0xE, v22;
	[tilespmem:s20+$0x106C0] =	vst v27;
	v25 =	vld.idx.msk [tilespmem:v54+s28+$0x0], $0xffff  }
0x2c7: {  	v58 =	vadd.s32 $0xE, v19;
	[tilespmem:s21+$0x106C0] =	vst v29;
	v27 =	vld.idx.msk [tilespmem:v55+s28+$0x0], $0xffff  }
0x2c8: {  	v59 =	vadd.s32 $0xE, v20;
	v29 =	vld.idx.msk [tilespmem:v56+s28+$0x0], $0xffff  }
0x2c9: {  	v60 =	vadd.s32 $0xE, v21  }
0x2ca: {  	[tilespmem:s18+$0x106D0] =	vst v23  }
0x2cb: {  	[tilespmem:s19+$0x106D0] =	vst v25;
	v23 =	vld.idx.msk [tilespmem:v57+s28+$0x0], $0xffff  }
0x2cc: {  	v22 =	vadd.s32 $0xF, v22;
	[tilespmem:s20+$0x106D0] =	vst v27;
	v61 =	vld.idx.msk [tilespmem:v58+s28+$0x0], $0xffff  }
0x2cd: {  	v19 =	vadd.s32 $0xF, v19;
	[tilespmem:s21+$0x106D0] =	vst v29;
	v62 =	vld.idx.msk [tilespmem:v59+s28+$0x0], $0xffff  }
0x2ce: {  	v20 =	vadd.s32 $0xF, v20;
	v63 =	vld.idx.msk [tilespmem:v60+s28+$0x0], $0xffff  }
0x2cf: {  	v21 =	vadd.s32 $0xF, v21  }
0x2d0: {  	[tilespmem:s18+$0x106E0] =	vst v23  }
0x2d1: {  	[tilespmem:s19+$0x106E0] =	vst v61;
	v22 =	vld.idx.msk [tilespmem:v22+s28+$0x0], $0xffff  }
0x2d2: {  	[tilespmem:s20+$0x106E0] =	vst v62;
	v19 =	vld.idx.msk [tilespmem:v19+s28+$0x0], $0xffff  }
0x2d3: {  	[tilespmem:s21+$0x106E0] =	vst v63;
	v20 =	vld.idx.msk [tilespmem:v20+s28+$0x0], $0xffff  }
0x2d4: {  	p3 =	por p2, p2;
	v21 =	vld.idx.msk [tilespmem:v21+s28+$0x0], $0xffff  }
.Ltmp18:
0x2d5: {  	_ = 	snop;
	(pc) =	sbr.rel @p3 .LBB2_35-.Ltmp18, $4  }
0x2d6: {  	[tilespmem:s18+$0x106F0] =	vst v22  }
0x2d7: {  	[tilespmem:s19+$0x106F0] =	vst v19  }
0x2d8: {  	[tilespmem:s20+$0x106F0] =	vst v20  }
0x2d9: {  	p2 =	por $0x0, $0x0;
	s18 =	simm.s32 $0x40;
	[tilespmem:s21+$0x106F0] =	vst v21  }
0x2da: {  	s18 =	sshll.u32 s5, $0xB  }
0x2db: {  	s6 =	sand.u32 $0x3FFFFF80, s6;
	s18 =	sand.u32 $0x3FFFF800, s18  }
0x2dc: {  	s6 =	sadd.s32 $0x1A00, s6;
	s18 =	sadd.s32 $0x10600, s18  }
0x2dd: {  	[spmem:s1] =	stream.indirect.scatter.add.f32 [tilespmem:s18], [sflag:$0x4], $0x10, s6, s29, $0xb8;
	[tilespmem:$0x1C420] =	vst v63  }
0x2de: {  	s5 =	sadd.s32 $0x1, s5;
	_ =	swait.ge [sflag:s24], $0x800  }
0x2df: {  	p2 =	sne.s32 s5, $0xD;
	[sflag:s24] =	ssyncset.done $0x0  }
.Ltmp19:
0x2e0: {  	[sflag:s24] =	ssyncadd.s32 $0xFFFFF800;
	(pc) =	sbr.rel @p2 .LBB2_34-.Ltmp19, $4  }
0x2e1: {  	[spmem:s2] =	stream.indirect.scatter.add.f32 [tilespmem:s30], [sflag:$0x4], $0x10, s6, s29, $0xb8;
	[tilespmem:$0x1C420] =	vst v63  }
0x2e2: {  	_ =	swait.ge [sflag:s24], $0x800  }
0x2e3: {  	[sflag:s24] =	ssyncset.done $0x0  }
0x2e4: {  	[sflag:s24] =	ssyncadd.s32 $0xFFFFF800  }
0x2e5: {  	s5 =	simm.s32 @!p1 $0x0;
	s6 =	simm.s32 @!p1 $0x2900  }
0x2e6: {  	[tilespmem:s6], [sflag:$0x2] =	stream.linear.gather @!p1 [hbm4b:s17+s5], $0x80, $0x38;
	[tilespmem:$0x1C420] =	vst v63  }
0x2e7: {  	s18 =	simm.s32 @!p1 $0x2988;
	s6 =	sadd.s32 @!p1 $0x10, s17  }
0x2e8: {  	[tilespmem:s18], [sflag:$0x2] =	stream.linear.gather @!p1 [hbm4b:s6+s5], $0x80, $0x38;
	[tilespmem:$0x1C420] =	vst v63  }
0x2e9: {  	s6 =	sadd.s32 @!p1 $0x20, s17;
	s18 =	simm.s32 @!p1 $0x2A10  }
0x2ea: {  	[tilespmem:s18], [sflag:$0x2] =	stream.linear.gather @!p1 [hbm4b:s6+s5], $0x80, $0x38;
	[tilespmem:$0x1C420] =	vst v63  }
0x2eb: {  	s6 =	sadd.s32 @!p1 $0x30, s17;
	s18 =	simm.s32 @!p1 $0x2A98  }
0x2ec: {  	[tilespmem:s18], [sflag:$0x2] =	stream.linear.gather @!p1 [hbm4b:s6+s5], $0x80, $0x38;
	[tilespmem:$0x1C420] =	vst v63  }
0x2ed: {  	s6 =	sadd.s32 @!p1 $0x40, s17;
	s18 =	simm.s32 @!p1 $0x2B20  }
0x2ee: {  	[tilespmem:s18], [sflag:$0x2] =	stream.linear.gather @!p1 [hbm4b:s6+s5], $0x80, $0x38;
	[tilespmem:$0x1C420] =	vst v63  }
0x2ef: {  	s6 =	sadd.s32 @!p1 $0x50, s17;
	s18 =	simm.s32 @!p1 $0x2BA8  }
0x2f0: {  	[tilespmem:s18], [sflag:$0x2] =	stream.linear.gather @!p1 [hbm4b:s6+s5], $0x80, $0x38;
	[tilespmem:$0x1C420] =	vst v63  }
0x2f1: {  	s6 =	sadd.s32 @!p1 $0x60, s17;
	s18 =	simm.s32 @!p1 $0x2C30  }
0x2f2: {  	[tilespmem:s18], [sflag:$0x2] =	stream.linear.gather @!p1 [hbm4b:s6+s5], $0x80, $0x38;
	[tilespmem:$0x1C420] =	vst v63  }
0x2f3: {  	s6 =	sadd.s32 @!p1 $0x70, s17;
	s18 =	simm.s32 @!p1 $0x2CB8  }
0x2f4: {  	[tilespmem:s18], [sflag:$0x2] =	stream.linear.gather @!p1 [hbm4b:s6+s5], $0x80, $0x38;
	[tilespmem:$0x1C420] =	vst v63  }
0x2f5: {  	s6 =	sadd.s32 @!p1 $0x80, s17;
	s18 =	simm.s32 @!p1 $0x2D40  }
0x2f6: {  	[tilespmem:s18], [sflag:$0x2] =	stream.linear.gather @!p1 [hbm4b:s6+s5], $0x80, $0x38;
	[tilespmem:$0x1C420] =	vst v63  }
0x2f7: {  	s6 =	sadd.s32 @!p1 $0x90, s17;
	s18 =	simm.s32 @!p1 $0x2DC8  }
0x2f8: {  	[tilespmem:s18], [sflag:$0x2] =	stream.linear.gather @!p1 [hbm4b:s6+s5], $0x80, $0x38;
	[tilespmem:$0x1C420] =	vst v63  }
0x2f9: {  	s6 =	sadd.s32 @!p1 $0xA0, s17;
	s18 =	simm.s32 @!p1 $0x2E50  }
0x2fa: {  	[tilespmem:s18], [sflag:$0x2] =	stream.linear.gather @!p1 [hbm4b:s6+s5], $0x80, $0x38;
	[tilespmem:$0x1C420] =	vst v63  }
0x2fb: {  	s6 =	sadd.s32 @!p1 $0xB0, s17;
	s18 =	simm.s32 @!p1 $0x2ED8  }
0x2fc: {  	[tilespmem:s18], [sflag:$0x2] =	stream.linear.gather @!p1 [hbm4b:s6+s5], $0x80, $0x38;
	[tilespmem:$0x1C420] =	vst v63  }
0x2fd: {  	s6 =	sadd.s32 @!p1 $0xC0, s17;
	s18 =	simm.s32 @!p1 $0x2F60  }
0x2fe: {  	[tilespmem:s18], [sflag:$0x2] =	stream.linear.gather @!p1 [hbm4b:s6+s5], $0x80, $0x38;
	[tilespmem:$0x1C420] =	vst v63  }
0x2ff: {  	s6 =	sadd.s32 @!p1 $0xD0, s17;
	s18 =	simm.s32 @!p1 $0x2FE8  }
0x300: {  	[tilespmem:s18], [sflag:$0x2] =	stream.linear.gather @!p1 [hbm4b:s6+s5], $0x80, $0x38;
	[tilespmem:$0x1C420] =	vst v63  }
0x301: {  	s6 =	sadd.s32 @!p1 $0xE0, s17;
	s18 =	simm.s32 @!p1 $0x3070  }
0x302: {  	[tilespmem:s18], [sflag:$0x2] =	stream.linear.gather @!p1 [hbm4b:s6+s5], $0x80, $0x38;
	[tilespmem:$0x1C420] =	vst v63  }
0x303: {  	s6 =	sadd.s32 @!p1 $0xF0, s17;
	s18 =	simm.s32 @!p1 $0x30F8  }
0x304: {  	[tilespmem:s18], [sflag:$0x2] =	stream.linear.gather @!p1 [hbm4b:s6+s5], $0x80, $0x38;
	[tilespmem:$0x1C420] =	vst v63  }
0x305: {  	_ =	swait.ge [sflag:s31], $0x6800  }
0x306: {  	[sflag:s31] =	ssyncset.done $0x0  }
0x307: {  	s5 =	simm.s32 $0x0;
	[sflag:s31] =	ssyncadd.s32 $0xFFFF9800  }
.LBB2_38:
0x308: {  	v18 =	vmov s5  }
0x309: {  	v18 =	vmul.u32 $0x880, v18;
	_ =	sdelay $0x1  }
0x30a: {  	v18 =	vbroadcast v18, $0x0;
	_ =	sdelay $0x1  }
0x30b: {  	s6 =	sshll.u32 s5, $0x7;
	p2 =	por $0x1, $0x1;
	s18 =	simm.s32 $0x0;
	v18 =	vadd.s32 v0, v18  }
.LBB2_39:
0x30c: {  	v22 =	vadd.s32 s18, v18;
	s19 =	sor.u32 $0x10, s18  }
0x30d: {  	s20 =	sor.u32 $0x20, s18;
	v19 =	vadd.s32 s19, v18  }
0x30e: {  	s21 =	sor.u32 $0x30, s18;
	v20 =	vadd.s32 s20, v18  }
0x30f: {  	v21 =	vadd.s32 s21, v18;
	_ =	sdelay $0x1  }
0x310: {  	v23 =	vld.idx.msk [tilespmem:v22+s0+$0x0], $0xffff  }
0x311: {  	v24 =	vor.u32 $0x1, v22;
	v25 =	vld.idx.msk [tilespmem:v19+s0+$0x0], $0xffff  }
0x312: {  	s18 =	sor.u32 s6, s18;
	v26 =	vor.u32 $0x1, v19;
	v27 =	vld.idx.msk [tilespmem:v20+s0+$0x0], $0xffff  }
0x313: {  	s18 =	sshll.u32 s18, $0x4;
	s19 =	sor.u32 s6, s19;
	v28 =	vor.u32 $0x1, v20;
	v29 =	vld.idx.msk [tilespmem:v21+s0+$0x0], $0xffff  }
0x314: {  	s20 =	sor.u32 s6, s20;
	s18 =	sand.u32 $0x3FFFFFF0, s18;
	s19 =	sshll.u32 s19, $0x4;
	v30 =	vor.u32 $0x1, v21  }
0x315: {  	s21 =	sor.u32 s6, s21;
	s20 =	sshll.u32 s20, $0x4;
	s19 =	sand.u32 $0x3FFFFFF0, s19;
	[tilespmem:s18+$0x10600] =	vst v23  }
0x316: {  	s21 =	sshll.u32 s21, $0x4;
	s20 =	sand.u32 $0x3FFFFFF0, s20;
	v23 =	vld.idx.msk [tilespmem:v24+s0+$0x0], $0xffff;
	[tilespmem:s19+$0x10600] =	vst v25  }
0x317: {  	v40 =	vor.u32 $0x2, v22;
	s21 =	sand.u32 $0x3FFFFFF0, s21;
	[tilespmem:s20+$0x10600] =	vst v27;
	v25 =	vld.idx.msk [tilespmem:v26+s0+$0x0], $0xffff  }
0x318: {  	v41 =	vor.u32 $0x2, v19;
	[tilespmem:s21+$0x10600] =	vst v29;
	v27 =	vld.idx.msk [tilespmem:v28+s0+$0x0], $0xffff  }
0x319: {  	v42 =	vor.u32 $0x2, v20;
	v29 =	vld.idx.msk [tilespmem:v30+s0+$0x0], $0xffff  }
0x31a: {  	v43 =	vor.u32 $0x2, v21  }
0x31b: {  	[tilespmem:s18+$0x10610] =	vst v23  }
0x31c: {  	v23 =	vld.idx.msk [tilespmem:v40+s0+$0x0], $0xffff;
	[tilespmem:s19+$0x10610] =	vst v25  }
0x31d: {  	v44 =	vor.u32 $0x3, v22;
	[tilespmem:s20+$0x10610] =	vst v27;
	v25 =	vld.idx.msk [tilespmem:v41+s0+$0x0], $0xffff  }
0x31e: {  	v45 =	vor.u32 $0x3, v19;
	[tilespmem:s21+$0x10610] =	vst v29;
	v27 =	vld.idx.msk [tilespmem:v42+s0+$0x0], $0xffff  }
0x31f: {  	v46 =	vor.u32 $0x3, v20;
	v29 =	vld.idx.msk [tilespmem:v43+s0+$0x0], $0xffff  }
0x320: {  	v47 =	vor.u32 $0x3, v21  }
0x321: {  	[tilespmem:s18+$0x10620] =	vst v23  }
0x322: {  	v23 =	vld.idx.msk [tilespmem:v44+s0+$0x0], $0xffff;
	[tilespmem:s19+$0x10620] =	vst v25  }
0x323: {  	v48 =	vor.u32 $0x4, v22;
	[tilespmem:s20+$0x10620] =	vst v27;
	v25 =	vld.idx.msk [tilespmem:v45+s0+$0x0], $0xffff  }
0x324: {  	v49 =	vor.u32 $0x4, v19;
	[tilespmem:s21+$0x10620] =	vst v29;
	v27 =	vld.idx.msk [tilespmem:v46+s0+$0x0], $0xffff  }
0x325: {  	v50 =	vor.u32 $0x4, v20;
	v29 =	vld.idx.msk [tilespmem:v47+s0+$0x0], $0xffff  }
0x326: {  	v51 =	vor.u32 $0x4, v21  }
0x327: {  	[tilespmem:s18+$0x10630] =	vst v23  }
0x328: {  	v23 =	vld.idx.msk [tilespmem:v48+s0+$0x0], $0xffff;
	[tilespmem:s19+$0x10630] =	vst v25  }
0x329: {  	v52 =	vor.u32 $0x5, v22;
	[tilespmem:s20+$0x10630] =	vst v27;
	v25 =	vld.idx.msk [tilespmem:v49+s0+$0x0], $0xffff  }
0x32a: {  	v53 =	vor.u32 $0x5, v19;
	[tilespmem:s21+$0x10630] =	vst v29;
	v27 =	vld.idx.msk [tilespmem:v50+s0+$0x0], $0xffff  }
0x32b: {  	v54 =	vor.u32 $0x5, v20;
	v29 =	vld.idx.msk [tilespmem:v51+s0+$0x0], $0xffff  }
0x32c: {  	v55 =	vor.u32 $0x5, v21  }
0x32d: {  	[tilespmem:s18+$0x10640] =	vst v23  }
0x32e: {  	v23 =	vld.idx.msk [tilespmem:v52+s0+$0x0], $0xffff;
	[tilespmem:s19+$0x10640] =	vst v25  }
0x32f: {  	v56 =	vor.u32 $0x6, v22;
	[tilespmem:s20+$0x10640] =	vst v27;
	v25 =	vld.idx.msk [tilespmem:v53+s0+$0x0], $0xffff  }
0x330: {  	v57 =	vor.u32 $0x6, v19;
	[tilespmem:s21+$0x10640] =	vst v29;
	v27 =	vld.idx.msk [tilespmem:v54+s0+$0x0], $0xffff  }
0x331: {  	v58 =	vor.u32 $0x6, v20;
	v29 =	vld.idx.msk [tilespmem:v55+s0+$0x0], $0xffff  }
0x332: {  	v59 =	vor.u32 $0x6, v21  }
0x333: {  	[tilespmem:s18+$0x10650] =	vst v23  }
0x334: {  	v23 =	vld.idx.msk [tilespmem:v56+s0+$0x0], $0xffff;
	[tilespmem:s19+$0x10650] =	vst v25  }
0x335: {  	v60 =	vor.u32 $0x7, v22;
	[tilespmem:s20+$0x10650] =	vst v27;
	v25 =	vld.idx.msk [tilespmem:v57+s0+$0x0], $0xffff  }
0x336: {  	v61 =	vor.u32 $0x7, v19;
	[tilespmem:s21+$0x10650] =	vst v29;
	v27 =	vld.idx.msk [tilespmem:v58+s0+$0x0], $0xffff  }
0x337: {  	v62 =	vor.u32 $0x7, v20;
	v29 =	vld.idx.msk [tilespmem:v59+s0+$0x0], $0xffff  }
0x338: {  	v63 =	vor.u32 $0x7, v21  }
0x339: {  	[tilespmem:s18+$0x10660] =	vst v23  }
0x33a: {  	v23 =	vld.idx.msk [tilespmem:v60+s0+$0x0], $0xffff;
	[tilespmem:s19+$0x10660] =	vst v25  }
0x33b: {  	v33 =	vadd.s32 $0x8, v22;
	[tilespmem:s20+$0x10660] =	vst v27;
	v25 =	vld.idx.msk [tilespmem:v61+s0+$0x0], $0xffff  }
0x33c: {  	v34 =	vadd.s32 $0x8, v19;
	[tilespmem:s21+$0x10660] =	vst v29;
	v27 =	vld.idx.msk [tilespmem:v62+s0+$0x0], $0xffff  }
0x33d: {  	v35 =	vadd.s32 $0x8, v20;
	v29 =	vld.idx.msk [tilespmem:v63+s0+$0x0], $0xffff  }
0x33e: {  	v36 =	vadd.s32 $0x8, v21  }
0x33f: {  	[tilespmem:s18+$0x10670] =	vst v23  }
0x340: {  	v23 =	vld.idx.msk [tilespmem:v33+s0+$0x0], $0xffff;
	[tilespmem:s19+$0x10670] =	vst v25  }
0x341: {  	v37 =	vadd.s32 $0x9, v22;
	[tilespmem:s20+$0x10670] =	vst v27;
	v25 =	vld.idx.msk [tilespmem:v34+s0+$0x0], $0xffff  }
0x342: {  	v38 =	vadd.s32 $0x9, v19;
	[tilespmem:s21+$0x10670] =	vst v29;
	v27 =	vld.idx.msk [tilespmem:v35+s0+$0x0], $0xffff  }
0x343: {  	v39 =	vadd.s32 $0x9, v20;
	v29 =	vld.idx.msk [tilespmem:v36+s0+$0x0], $0xffff  }
0x344: {  	v40 =	vadd.s32 $0x9, v21  }
0x345: {  	[tilespmem:s18+$0x10680] =	vst v23  }
0x346: {  	v23 =	vld.idx.msk [tilespmem:v37+s0+$0x0], $0xffff;
	[tilespmem:s19+$0x10680] =	vst v25  }
0x347: {  	v41 =	vadd.s32 $0xA, v22;
	[tilespmem:s20+$0x10680] =	vst v27;
	v25 =	vld.idx.msk [tilespmem:v38+s0+$0x0], $0xffff  }
0x348: {  	v42 =	vadd.s32 $0xA, v19;
	[tilespmem:s21+$0x10680] =	vst v29;
	v27 =	vld.idx.msk [tilespmem:v39+s0+$0x0], $0xffff  }
0x349: {  	v43 =	vadd.s32 $0xA, v20;
	v29 =	vld.idx.msk [tilespmem:v40+s0+$0x0], $0xffff  }
0x34a: {  	v44 =	vadd.s32 $0xA, v21  }
0x34b: {  	[tilespmem:s18+$0x10690] =	vst v23  }
0x34c: {  	v23 =	vld.idx.msk [tilespmem:v41+s0+$0x0], $0xffff;
	[tilespmem:s19+$0x10690] =	vst v25  }
0x34d: {  	v45 =	vadd.s32 $0xB, v22;
	[tilespmem:s20+$0x10690] =	vst v27;
	v25 =	vld.idx.msk [tilespmem:v42+s0+$0x0], $0xffff  }
0x34e: {  	v46 =	vadd.s32 $0xB, v19;
	[tilespmem:s21+$0x10690] =	vst v29;
	v27 =	vld.idx.msk [tilespmem:v43+s0+$0x0], $0xffff  }
0x34f: {  	v47 =	vadd.s32 $0xB, v20;
	v29 =	vld.idx.msk [tilespmem:v44+s0+$0x0], $0xffff  }
0x350: {  	v48 =	vadd.s32 $0xB, v21  }
0x351: {  	[tilespmem:s18+$0x106A0] =	vst v23  }
0x352: {  	v23 =	vld.idx.msk [tilespmem:v45+s0+$0x0], $0xffff;
	[tilespmem:s19+$0x106A0] =	vst v25  }
0x353: {  	v49 =	vadd.s32 $0xC, v22;
	[tilespmem:s20+$0x106A0] =	vst v27;
	v25 =	vld.idx.msk [tilespmem:v46+s0+$0x0], $0xffff  }
0x354: {  	v50 =	vadd.s32 $0xC, v19;
	[tilespmem:s21+$0x106A0] =	vst v29;
	v27 =	vld.idx.msk [tilespmem:v47+s0+$0x0], $0xffff  }
0x355: {  	v51 =	vadd.s32 $0xC, v20;
	v29 =	vld.idx.msk [tilespmem:v48+s0+$0x0], $0xffff  }
0x356: {  	v52 =	vadd.s32 $0xC, v21  }
0x357: {  	[tilespmem:s18+$0x106B0] =	vst v23  }
0x358: {  	v23 =	vld.idx.msk [tilespmem:v49+s0+$0x0], $0xffff;
	[tilespmem:s19+$0x106B0] =	vst v25  }
0x359: {  	v53 =	vadd.s32 $0xD, v22;
	[tilespmem:s20+$0x106B0] =	vst v27;
	v25 =	vld.idx.msk [tilespmem:v50+s0+$0x0], $0xffff  }
0x35a: {  	v54 =	vadd.s32 $0xD, v19;
	[tilespmem:s21+$0x106B0] =	vst v29;
	v27 =	vld.idx.msk [tilespmem:v51+s0+$0x0], $0xffff  }
0x35b: {  	v55 =	vadd.s32 $0xD, v20;
	v29 =	vld.idx.msk [tilespmem:v52+s0+$0x0], $0xffff  }
0x35c: {  	v56 =	vadd.s32 $0xD, v21  }
0x35d: {  	[tilespmem:s18+$0x106C0] =	vst v23  }
0x35e: {  	v23 =	vld.idx.msk [tilespmem:v53+s0+$0x0], $0xffff;
	[tilespmem:s19+$0x106C0] =	vst v25  }
0x35f: {  	v57 =	vadd.s32 $0xE, v22;
	[tilespmem:s20+$0x106C0] =	vst v27;
	v25 =	vld.idx.msk [tilespmem:v54+s0+$0x0], $0xffff  }
0x360: {  	v58 =	vadd.s32 $0xE, v19;
	[tilespmem:s21+$0x106C0] =	vst v29;
	v27 =	vld.idx.msk [tilespmem:v55+s0+$0x0], $0xffff  }
0x361: {  	v59 =	vadd.s32 $0xE, v20;
	v29 =	vld.idx.msk [tilespmem:v56+s0+$0x0], $0xffff  }
0x362: {  	v60 =	vadd.s32 $0xE, v21  }
0x363: {  	[tilespmem:s18+$0x106D0] =	vst v23  }
0x364: {  	[tilespmem:s19+$0x106D0] =	vst v25;
	v23 =	vld.idx.msk [tilespmem:v57+s0+$0x0], $0xffff  }
0x365: {  	v22 =	vadd.s32 $0xF, v22;
	[tilespmem:s20+$0x106D0] =	vst v27;
	v61 =	vld.idx.msk [tilespmem:v58+s0+$0x0], $0xffff  }
0x366: {  	v19 =	vadd.s32 $0xF, v19;
	[tilespmem:s21+$0x106D0] =	vst v29;
	v62 =	vld.idx.msk [tilespmem:v59+s0+$0x0], $0xffff  }
0x367: {  	v20 =	vadd.s32 $0xF, v20;
	v63 =	vld.idx.msk [tilespmem:v60+s0+$0x0], $0xffff  }
0x368: {  	v21 =	vadd.s32 $0xF, v21  }
0x369: {  	[tilespmem:s18+$0x106E0] =	vst v23  }
0x36a: {  	[tilespmem:s19+$0x106E0] =	vst v61;
	v22 =	vld.idx.msk [tilespmem:v22+s0+$0x0], $0xffff  }
0x36b: {  	[tilespmem:s20+$0x106E0] =	vst v62;
	v19 =	vld.idx.msk [tilespmem:v19+s0+$0x0], $0xffff  }
0x36c: {  	[tilespmem:s21+$0x106E0] =	vst v63;
	v20 =	vld.idx.msk [tilespmem:v20+s0+$0x0], $0xffff  }
0x36d: {  	p3 =	por p2, p2;
	v21 =	vld.idx.msk [tilespmem:v21+s0+$0x0], $0xffff  }
.Ltmp20:
0x36e: {  	_ = 	snop;
	(pc) =	sbr.rel @p3 .LBB2_39-.Ltmp20, $4  }
0x36f: {  	[tilespmem:s18+$0x106F0] =	vst v22  }
0x370: {  	[tilespmem:s19+$0x106F0] =	vst v19  }
0x371: {  	[tilespmem:s20+$0x106F0] =	vst v20  }
0x372: {  	p2 =	por $0x0, $0x0;
	s18 =	simm.s32 $0x40;
	[tilespmem:s21+$0x106F0] =	vst v21  }
0x373: {  	s18 =	sshll.u32 s5, $0xB  }
0x374: {  	s6 =	sand.u32 $0x3FFFFF80, s6;
	s18 =	sand.u32 $0x3FFFF800, s18  }
0x375: {  	s6 =	sadd.s32 $0x2080, s6;
	s18 =	sadd.s32 $0x10600, s18  }
0x376: {  	[spmem:s1] =	stream.indirect.scatter.add.f32 [tilespmem:s18], [sflag:$0x4], $0x10, s6, s29, $0xb8;
	[tilespmem:$0x1C420] =	vst v63  }
0x377: {  	s5 =	sadd.s32 $0x1, s5;
	_ =	swait.ge [sflag:s24], $0x800  }
0x378: {  	p2 =	sne.s32 s5, $0xD;
	[sflag:s24] =	ssyncset.done $0x0  }
.Ltmp21:
0x379: {  	[sflag:s24] =	ssyncadd.s32 $0xFFFFF800;
	(pc) =	sbr.rel @p2 .LBB2_38-.Ltmp21, $4  }
0x37a: {  	[spmem:s2] =	stream.indirect.scatter.add.f32 [tilespmem:s30], [sflag:$0x4], $0x10, s6, s29, $0xb8;
	[tilespmem:$0x1C420] =	vst v63  }
0x37b: {  	_ =	swait.ge [sflag:s24], $0x800  }
0x37c: {  	[sflag:s24] =	ssyncset.done $0x0  }
0x37d: {  	[sflag:s24] =	ssyncadd.s32 $0xFFFFF800  }
.Ltmp22:
0x37e: {  	(pc) =	sbr.rel @p1 .LBB2_45-.Ltmp22, $1  }
0x37f: {  	_ =	sdelay $0x3  }
0x380: {  	_ =	swait.ge [sflag:s26], $0x800  }
0x381: {  	[sflag:s26] =	ssyncset.done $0x0  }
0x382: {  	s5 =	simm.s32 $0x0;
	p2 =	por $0x1, $0x1;
	[sflag:s26] =	ssyncadd.s32 $0xFFFFF800  }
.LBB2_43:
0x383: {  	s20 =	sshll.u32 s5, $0x4  }
0x384: {  	v18 =	vadd.s32 s20, v0;
	s19 =	sor.u32 $0x10, s20  }
0x385: {  	s6 =	sor.u32 $0x20, s20;
	v19 =	vadd.s32 s19, v0  }
0x386: {  	s18 =	sor.u32 $0x30, s20;
	v20 =	vadd.s32 s6, v0  }
0x387: {  	v21 =	vadd.s32 s18, v0;
	_ =	sdelay $0x1  }
0x388: {  	v18 =	vld.idx.msk [tilespmem:v18+s28+$0x0], $0xffff  }
0x389: {  	v22 =	vadd.s32 s20, v3;
	v19 =	vld.idx.msk [tilespmem:v19+s28+$0x0], $0xffff  }
0x38a: {  	v23 =	vadd.s32 s19, v3;
	v20 =	vld.idx.msk [tilespmem:v20+s28+$0x0], $0xffff  }
0x38b: {  	s21 =	sshll.u32 s5, $0x8;
	v24 =	vadd.s32 s6, v3;
	v21 =	vld.idx.msk [tilespmem:v21+s28+$0x0], $0xffff  }
0x38c: {  	s5 =	sand.u32 $0x3FFFFF00, s21;
	s21 =	sshll.u32 s19, $0x4;
	v25 =	vadd.s32 s18, v3  }
0x38d: {  	s22 =	sshll.u32 s6, $0x4;
	s21 =	sand.u32 $0x3FFFFF00, s21;
	[tilespmem:s5+$0x10600] =	vst v18  }
0x38e: {  	v18 =	vld.idx.msk [tilespmem:v22+s28+$0x0], $0xffff;
	[tilespmem:s21+$0x10600] =	vst v19;
	s21 =	sand.u32 $0x3FFFFF00, s22;
	s22 =	sshll.u32 s18, $0x4  }
0x38f: {  	v19 =	vadd.s32 s20, v4;
	[tilespmem:s21+$0x10600] =	vst v20;
	v53 =	vld.idx.msk [tilespmem:v23+s28+$0x0], $0xffff;
	s22 =	sand.u32 $0x3FFFFF00, s22  }
0x390: {  	v54 =	vadd.s32 s19, v4;
	[tilespmem:s22+$0x10600] =	vst v21;
	v55 =	vld.idx.msk [tilespmem:v24+s28+$0x0], $0xffff  }
0x391: {  	v56 =	vadd.s32 s6, v4;
	v57 =	vld.idx.msk [tilespmem:v25+s28+$0x0], $0xffff  }
0x392: {  	v58 =	vadd.s32 s18, v4  }
0x393: {  	[tilespmem:s5+$0x10610] =	vst v18  }
0x394: {  	v18 =	vld.idx.msk [tilespmem:v19+s28+$0x0], $0xffff;
	[tilespmem:s5+$0x10710] =	vst v53  }
0x395: {  	v19 =	vadd.s32 s20, v5;
	v20 =	vld.idx.msk [tilespmem:v54+s28+$0x0], $0xffff;
	[tilespmem:s5+$0x10810] =	vst v55  }
0x396: {  	v59 =	vadd.s32 s19, v5;
	v22 =	vld.idx.msk [tilespmem:v56+s28+$0x0], $0xffff;
	[tilespmem:s5+$0x10910] =	vst v57  }
0x397: {  	v60 =	vadd.s32 s6, v5;
	v24 =	vld.idx.msk [tilespmem:v58+s28+$0x0], $0xffff  }
0x398: {  	v61 =	vadd.s32 s18, v5  }
0x399: {  	[tilespmem:s5+$0x10620] =	vst v18  }
0x39a: {  	v18 =	vld.idx.msk [tilespmem:v19+s28+$0x0], $0xffff;
	[tilespmem:s5+$0x10720] =	vst v20  }
0x39b: {  	v19 =	vadd.s32 s20, v6;
	v20 =	vld.idx.msk [tilespmem:v59+s28+$0x0], $0xffff;
	[tilespmem:s5+$0x10820] =	vst v22  }
0x39c: {  	v62 =	vadd.s32 s19, v6;
	v22 =	vld.idx.msk [tilespmem:v60+s28+$0x0], $0xffff;
	[tilespmem:s5+$0x10920] =	vst v24  }
0x39d: {  	v63 =	vadd.s32 s6, v6;
	v24 =	vld.idx.msk [tilespmem:v61+s28+$0x0], $0xffff  }
0x39e: {  	v28 =	vadd.s32 s18, v6  }
0x39f: {  	[tilespmem:s5+$0x10630] =	vst v18  }
0x3a0: {  	v18 =	vld.idx.msk [tilespmem:v19+s28+$0x0], $0xffff;
	[tilespmem:s5+$0x10730] =	vst v20  }
0x3a1: {  	v19 =	vadd.s32 s20, v7;
	v20 =	vld.idx.msk [tilespmem:v62+s28+$0x0], $0xffff;
	[tilespmem:s5+$0x10830] =	vst v22  }
0x3a2: {  	v29 =	vadd.s32 s19, v7;
	v22 =	vld.idx.msk [tilespmem:v63+s28+$0x0], $0xffff;
	[tilespmem:s5+$0x10930] =	vst v24  }
0x3a3: {  	v30 =	vadd.s32 s6, v7;
	v24 =	vld.idx.msk [tilespmem:v28+s28+$0x0], $0xffff  }
0x3a4: {  	v31 =	vadd.s32 s18, v7  }
0x3a5: {  	[tilespmem:s5+$0x10640] =	vst v18  }
0x3a6: {  	v18 =	vld.idx.msk [tilespmem:v19+s28+$0x0], $0xffff;
	[tilespmem:s5+$0x10740] =	vst v20  }
0x3a7: {  	v19 =	vadd.s32 s20, v8;
	v20 =	vld.idx.msk [tilespmem:v29+s28+$0x0], $0xffff;
	[tilespmem:s5+$0x10840] =	vst v22  }
0x3a8: {  	v32 =	vadd.s32 s19, v8;
	v22 =	vld.idx.msk [tilespmem:v30+s28+$0x0], $0xffff;
	[tilespmem:s5+$0x10940] =	vst v24  }
0x3a9: {  	v33 =	vadd.s32 s6, v8;
	v24 =	vld.idx.msk [tilespmem:v31+s28+$0x0], $0xffff  }
0x3aa: {  	v34 =	vadd.s32 s18, v8  }
0x3ab: {  	[tilespmem:s5+$0x10650] =	vst v18  }
0x3ac: {  	v18 =	vld.idx.msk [tilespmem:v19+s28+$0x0], $0xffff;
	[tilespmem:s5+$0x10750] =	vst v20  }
0x3ad: {  	v19 =	vadd.s32 s20, v9;
	v20 =	vld.idx.msk [tilespmem:v32+s28+$0x0], $0xffff;
	[tilespmem:s5+$0x10850] =	vst v22  }
0x3ae: {  	v35 =	vadd.s32 s19, v9;
	v22 =	vld.idx.msk [tilespmem:v33+s28+$0x0], $0xffff;
	[tilespmem:s5+$0x10950] =	vst v24  }
0x3af: {  	v36 =	vadd.s32 s6, v9;
	v24 =	vld.idx.msk [tilespmem:v34+s28+$0x0], $0xffff  }
0x3b0: {  	v37 =	vadd.s32 s18, v9  }
0x3b1: {  	[tilespmem:s5+$0x10660] =	vst v18  }
0x3b2: {  	v18 =	vld.idx.msk [tilespmem:v19+s28+$0x0], $0xffff;
	[tilespmem:s5+$0x10760] =	vst v20  }
0x3b3: {  	v19 =	vadd.s32 s20, v10;
	v20 =	vld.idx.msk [tilespmem:v35+s28+$0x0], $0xffff;
	[tilespmem:s5+$0x10860] =	vst v22  }
0x3b4: {  	v38 =	vadd.s32 s19, v10;
	v22 =	vld.idx.msk [tilespmem:v36+s28+$0x0], $0xffff;
	[tilespmem:s5+$0x10960] =	vst v24  }
0x3b5: {  	v39 =	vadd.s32 s6, v10;
	v24 =	vld.idx.msk [tilespmem:v37+s28+$0x0], $0xffff  }
0x3b6: {  	v40 =	vadd.s32 s18, v10  }
0x3b7: {  	[tilespmem:s5+$0x10670] =	vst v18  }
0x3b8: {  	v18 =	vld.idx.msk [tilespmem:v19+s28+$0x0], $0xffff;
	[tilespmem:s5+$0x10770] =	vst v20  }
0x3b9: {  	v19 =	vadd.s32 s20, v11;
	v20 =	vld.idx.msk [tilespmem:v38+s28+$0x0], $0xffff;
	[tilespmem:s5+$0x10870] =	vst v22  }
0x3ba: {  	v41 =	vadd.s32 s19, v11;
	v22 =	vld.idx.msk [tilespmem:v39+s28+$0x0], $0xffff;
	[tilespmem:s5+$0x10970] =	vst v24  }
0x3bb: {  	v42 =	vadd.s32 s6, v11;
	v24 =	vld.idx.msk [tilespmem:v40+s28+$0x0], $0xffff  }
0x3bc: {  	v43 =	vadd.s32 s18, v11  }
0x3bd: {  	[tilespmem:s5+$0x10680] =	vst v18  }
0x3be: {  	v18 =	vld.idx.msk [tilespmem:v19+s28+$0x0], $0xffff;
	[tilespmem:s5+$0x10780] =	vst v20  }
0x3bf: {  	v19 =	vadd.s32 s20, v12;
	v20 =	vld.idx.msk [tilespmem:v41+s28+$0x0], $0xffff;
	[tilespmem:s5+$0x10880] =	vst v22  }
0x3c0: {  	v44 =	vadd.s32 s19, v12;
	v22 =	vld.idx.msk [tilespmem:v42+s28+$0x0], $0xffff;
	[tilespmem:s5+$0x10980] =	vst v24  }
0x3c1: {  	v45 =	vadd.s32 s6, v12;
	v24 =	vld.idx.msk [tilespmem:v43+s28+$0x0], $0xffff  }
0x3c2: {  	v46 =	vadd.s32 s18, v12  }
0x3c3: {  	[tilespmem:s5+$0x10690] =	vst v18  }
0x3c4: {  	v18 =	vld.idx.msk [tilespmem:v19+s28+$0x0], $0xffff;
	[tilespmem:s5+$0x10790] =	vst v20  }
0x3c5: {  	v19 =	vadd.s32 s20, v13;
	v20 =	vld.idx.msk [tilespmem:v44+s28+$0x0], $0xffff;
	[tilespmem:s5+$0x10890] =	vst v22  }
0x3c6: {  	v47 =	vadd.s32 s19, v13;
	v22 =	vld.idx.msk [tilespmem:v45+s28+$0x0], $0xffff;
	[tilespmem:s5+$0x10990] =	vst v24  }
0x3c7: {  	v48 =	vadd.s32 s6, v13;
	v24 =	vld.idx.msk [tilespmem:v46+s28+$0x0], $0xffff  }
0x3c8: {  	v49 =	vadd.s32 s18, v13  }
0x3c9: {  	[tilespmem:s5+$0x106A0] =	vst v18  }
0x3ca: {  	v18 =	vld.idx.msk [tilespmem:v19+s28+$0x0], $0xffff;
	[tilespmem:s5+$0x107A0] =	vst v20  }
0x3cb: {  	v19 =	vadd.s32 s20, v14;
	v20 =	vld.idx.msk [tilespmem:v47+s28+$0x0], $0xffff;
	[tilespmem:s5+$0x108A0] =	vst v22  }
0x3cc: {  	v50 =	vadd.s32 s19, v14;
	v22 =	vld.idx.msk [tilespmem:v48+s28+$0x0], $0xffff;
	[tilespmem:s5+$0x109A0] =	vst v24  }
0x3cd: {  	v51 =	vadd.s32 s6, v14;
	v24 =	vld.idx.msk [tilespmem:v49+s28+$0x0], $0xffff  }
0x3ce: {  	v52 =	vadd.s32 s18, v14  }
0x3cf: {  	[tilespmem:s5+$0x106B0] =	vst v18  }
0x3d0: {  	v18 =	vld.idx.msk [tilespmem:v19+s28+$0x0], $0xffff;
	[tilespmem:s5+$0x107B0] =	vst v20  }
0x3d1: {  	v19 =	vadd.s32 s20, v15;
	v20 =	vld.idx.msk [tilespmem:v50+s28+$0x0], $0xffff;
	[tilespmem:s5+$0x108B0] =	vst v22  }
0x3d2: {  	v53 =	vadd.s32 s19, v15;
	v22 =	vld.idx.msk [tilespmem:v51+s28+$0x0], $0xffff;
	[tilespmem:s5+$0x109B0] =	vst v24  }
0x3d3: {  	v54 =	vadd.s32 s6, v15;
	v24 =	vld.idx.msk [tilespmem:v52+s28+$0x0], $0xffff  }
0x3d4: {  	v55 =	vadd.s32 s18, v15  }
0x3d5: {  	[tilespmem:s5+$0x106C0] =	vst v18  }
0x3d6: {  	v18 =	vld.idx.msk [tilespmem:v19+s28+$0x0], $0xffff;
	[tilespmem:s5+$0x107C0] =	vst v20  }
0x3d7: {  	v19 =	vadd.s32 s20, v16;
	v20 =	vld.idx.msk [tilespmem:v53+s28+$0x0], $0xffff;
	[tilespmem:s5+$0x108C0] =	vst v22  }
0x3d8: {  	v56 =	vadd.s32 s19, v16;
	v22 =	vld.idx.msk [tilespmem:v54+s28+$0x0], $0xffff;
	[tilespmem:s5+$0x109C0] =	vst v24  }
0x3d9: {  	v57 =	vadd.s32 s6, v16;
	v24 =	vld.idx.msk [tilespmem:v55+s28+$0x0], $0xffff  }
0x3da: {  	v58 =	vadd.s32 s18, v16  }
0x3db: {  	[tilespmem:s5+$0x106D0] =	vst v18  }
0x3dc: {  	v18 =	vld.idx.msk [tilespmem:v19+s28+$0x0], $0xffff;
	[tilespmem:s5+$0x107D0] =	vst v20  }
0x3dd: {  	v19 =	vadd.s32 s20, v17;
	v20 =	vld.idx.msk [tilespmem:v56+s28+$0x0], $0xffff;
	[tilespmem:s5+$0x108D0] =	vst v22  }
0x3de: {  	v59 =	vadd.s32 s19, v17;
	v22 =	vld.idx.msk [tilespmem:v57+s28+$0x0], $0xffff;
	[tilespmem:s5+$0x109D0] =	vst v24  }
0x3df: {  	v60 =	vadd.s32 s6, v17;
	v24 =	vld.idx.msk [tilespmem:v58+s28+$0x0], $0xffff  }
0x3e0: {  	v61 =	vadd.s32 s18, v17  }
0x3e1: {  	[tilespmem:s5+$0x106E0] =	vst v18  }
0x3e2: {  	[tilespmem:s5+$0x107E0] =	vst v20;
	v18 =	vld.idx.msk [tilespmem:v19+s28+$0x0], $0xffff  }
0x3e3: {  	[tilespmem:s5+$0x108E0] =	vst v22;
	v19 =	vld.idx.msk [tilespmem:v59+s28+$0x0], $0xffff  }
0x3e4: {  	[tilespmem:s5+$0x109E0] =	vst v24;
	v62 =	vld.idx.msk [tilespmem:v60+s28+$0x0], $0xffff  }
0x3e5: {  	p3 =	por p2, p2;
	v63 =	vld.idx.msk [tilespmem:v61+s28+$0x0], $0xffff  }
.Ltmp23:
0x3e6: {  	_ = 	snop;
	(pc) =	sbr.rel @p3 .LBB2_43-.Ltmp23, $4  }
0x3e7: {  	[tilespmem:s5+$0x106F0] =	vst v18  }
0x3e8: {  	[tilespmem:s5+$0x107F0] =	vst v19  }
0x3e9: {  	[tilespmem:s5+$0x108F0] =	vst v62  }
0x3ea: {  	p2 =	por $0x0, $0x0;
	[tilespmem:s5+$0x109F0] =	vst v63;
	s5 =	simm.s32 $0x4  }
0x3eb: {  	s5 =	simm.s32 $0x2700  }
0x3ec: {  	[spmem:s1] =	stream.indirect.scatter.add.f32 [tilespmem:s23], [sflag:$0x4], $0x10, s5, s29, $0xb8;
	[tilespmem:$0x1C420] =	vst v63  }
0x3ed: {  	_ =	swait.ge [sflag:s24], $0x800  }
0x3ee: {  	[sflag:s24] =	ssyncset.done $0x0  }
.Ltmp24:
0x3ef: {  	[sflag:s24] =	ssyncadd.s32 $0xFFFFF800;
	(pc) =	sbr.rel .LBB2_45-.Ltmp24, $4  }
0x3f0: {  	[spmem:s2] =	stream.indirect.scatter.add.f32 [tilespmem:s30], [sflag:$0x4], $0x10, s5, s29, $0xb8;
	[tilespmem:$0x1C420] =	vst v63  }
0x3f1: {  	_ =	swait.ge [sflag:s24], $0x800  }
0x3f2: {  	[sflag:s24] =	ssyncset.done $0x0  }
0x3f3: {  	s22 =	stileid.u32;
	[sflag:s24] =	ssyncadd.s32 $0xFFFFF800  }
.LBB2_46:
0x3f4: {  	_ =	sfence.sel $0x180000  }
0x3f5: {  	[bflag:$0x0] =	sbarrier.arrive $0xFFFF  }
0x3f6: {  	_ =	strace $0x90000047  }
0x3f7: {  	[bflag:$0x2] =	sbarrier.arrive $0xFFFF  }
0x3f8: {  	s0 =	rddreg [dreg:$0x4]  }
0x3f9: {  	s0 =	sadd.s32 @!p0 $0x100000, s0  }
0x3fa: {  	[sflag:s0] =	ssyncadd.tile.s32 @!p0 $0x1;
	_ =	shalt  }
.Lfunc_end2:
_tile_overlayer_lowered:
.L_overlay_start_2:
0x3fb: {  	(tag) =	ssettag $0x2  }
0x3fc: {  	s0 =	rddreg [dreg:$0x0];
	s2 =	stileid.u32  }
0x3fd: {  	s1 =	rddreg [dreg:$0x1];
	p0 =	sne.s32 s2, $0x0  }
0x3fe: {  	s3 =	rddreg [dreg:$0x2];
	[bflag:$0x3] =	sbarrier.arrive $0xFFFF;
	s2 =	simm.s32 @!p0 $0x1C04  }
0x3ff: {  	[timem:s3], [sflag:s2] =	dma.local @!p0 [hbm:s0], s1  }
0x400: {  	s0 =	simm.s32 @!p0 $0x4  }
0x401: {  	_ =	swait.ge @!p0 [sflag:s0], s1  }
0x402: {  	s1 =	ssub.s32 @!p0 $0x0, s1;
	[sflag:s0] =	ssyncset.done @!p0 $0x0  }
0x403: {  	[sflag:s0] =	ssyncadd.s32 @!p0 s1  }
0x404: {  	[bflag:$0x3] =	sbarrier.arrive $0xFFFF  }
0x405: {  	_ =	shalt  }

</sc_bundles>
